<compile_context>
chip_gen: v7x
topology: tpu7x:2x2x1
jax: 0.10.2.dev20260603
libtpu: 0.0.44.dev20260713+nightly
codegen_flags: <defaults>
</compile_context>

<pallas_src>
import functools

import jax
import jax.numpy as jnp
from jax import lax
from jax.experimental import pallas as pl
from jax.experimental.pallas import tpu as pltpu
from jax.experimental.pallas import tpu_sc as plsc

B, T = 64, 128
D = 256
TS_LEN = 16
BT = B * T
R = BT * TS_LEN
VOCAB = 1024

DISC_BASE = 1024
SPECIAL_BASE = 2048
EMB_ROWS = 2064
DW = D // 2

NC, NS = 2, 16
NW = NC * NS
ROWS_PER_W = R // NW
CHUNK = 64
NCH = ROWS_PER_W // CHUNK
BS = 8
NB = B - BS
VT = 1024


def _prep_body(co_ref, do_ref, ca_ref, sp_ref, pobs_ref, pact_ref, pts_ref,
               pos_ref, pos2_ref, idx_ref):
    def tok(x):
        u = (jnp.tanh(x) + 1.0) * 0.5
        return jnp.clip(jnp.floor(u * VOCAB).astype(jnp.int32), 0, VOCAB - 1)

    tco = tok(co_ref[...])
    tca = tok(ca_ref[...])
    dd = do_ref[...] + DISC_BASE
    sp = jnp.full((BT, 1), SPECIAL_BASE, jnp.int32)
    idx_ref[...] = jnp.concatenate([tco, dd, sp, tca], axis=1)

    pos_slot = jnp.concatenate([pobs_ref[...], pact_ref[...]], axis=0)
    pos_comb = pts_ref[...][:, None, :] + pos_slot[None, :, :]
    pos_ref[...] = pos_comb.reshape(T * TS_LEN, D)
    is_sp = lax.broadcasted_iota(jnp.int32, (TS_LEN, 1), 0) == 12
    pos_slot2 = pos_slot + jnp.where(is_sp, sp_ref[0:1, :], 0.0)
    pos2 = pts_ref[...][:, None, :] + pos_slot2[None, :, :]
    pos2_ref[...] = pos2.reshape(T * TS_LEN, D)


_prep = pl.pallas_call(
    _prep_body,
    out_shape=(
        jax.ShapeDtypeStruct((T * TS_LEN, D), jnp.float32),
        jax.ShapeDtypeStruct((T * TS_LEN, D), jnp.float32),
        jax.ShapeDtypeStruct((BT, TS_LEN), jnp.int32),
    ),
)


def _tcg_body(idx_ref, tbl_ref, pos_ref, out_ref):
    t = idx_ref[...]
    acc = pos_ref[...]
    for vt in range(2048 // VT):
        vio = lax.broadcasted_iota(jnp.int32, (T * TS_LEN, VT), 1) + vt * VT
        oh = jnp.where(vio == t, 1.0, 0.0).astype(jnp.bfloat16)
        acc = acc + jax.lax.dot_general(
            oh, tbl_ref[pl.ds(vt * VT, VT), :],
            (((1,), (0,)), ((), ())),
            preferred_element_type=jnp.float32)
    out_ref[...] = acc


_tcg = pl.pallas_call(
    _tcg_body,
    grid=(NB,),
    in_specs=[
        pl.BlockSpec((T * TS_LEN, 1), lambda i: (i, 0)),
        pl.BlockSpec((2048, D), lambda i: (0, 0)),
        pl.BlockSpec((T * TS_LEN, D), lambda i: (0, 0)),
    ],
    out_specs=pl.BlockSpec((T * TS_LEN, D), lambda i: (i, 0)),
    out_shape=jax.ShapeDtypeStruct((NB * T * TS_LEN, D), jnp.float32),
    compiler_params=pltpu.CompilerParams(dimension_semantics=("parallel",)),
)


def _sc_body(emb_hbm, idx_hbm, pos_hbm, out_hbm, idxbuf, posbuf,
             gbuf0, gbuf1, gbuf2, gbuf3, obuf0, obuf1,
             gsem0, gsem1, gsem2, gsem3, ssem0, ssem1):
    w = lax.axis_index("s") * NC + lax.axis_index("c")

    pltpu.sync_copy(pos_hbm.at[pl.ds(w * CHUNK, CHUNK)], posbuf)
    pltpu.sync_copy(idx_hbm.at[pl.ds(0, BS), w], idxbuf)

    gbufs = (gbuf0, gbuf1, gbuf2, gbuf3)
    gsems = (gsem0, gsem1, gsem2, gsem3)
    obufs = (obuf0, obuf1)
    ssems = (ssem0, ssem1)
    HIMASK = jnp.int32(-65536)

    def out_off(j):
        return pl.multiple_of((w + 32 * j) * CHUNK, CHUNK)

    def gather(j, p):
        pltpu.async_copy(emb_hbm.at[idxbuf.at[j]], gbufs[p], gsems[p])

    def wait_gather(p):
        pltpu.make_async_copy(emb_hbm.at[pl.ds(0, CHUNK)], gbufs[p],
                              gsems[p]).wait()

    def scatter(j, o):
        pltpu.async_copy(obufs[o], out_hbm.at[pl.ds(out_off(j), CHUNK)],
                         ssems[o])

    def wait_scatter(o):
        pltpu.make_async_copy(obufs[o], out_hbm.at[pl.ds(0, CHUNK)],
                              ssems[o]).wait()

    def unpack_add(p, o):
        g = gbufs[p]
        ob = obufs[o]

        def row(gi, carry):
            for l in range(DW // 16):
                wvec = g[gi, pl.ds(l * 16, 16)]
                lo = plsc.bitcast(wvec << 16, jnp.float32)
                hi = plsc.bitcast(wvec & HIMASK, jnp.float32)
                sl = pl.ds(l * 32, 16)
                sh = pl.ds(l * 32 + 16, 16)
                ob[gi, sl] = lo + posbuf[gi, sl]
                ob[gi, sh] = hi + posbuf[gi, sh]
            return carry

        lax.fori_loop(0, CHUNK, row, 0, unroll=2)

    gather(0, 0)
    gather(1, 1)
    gather(2, 2)
    gather(3, 3)
    wait_gather(0)
    unpack_add(0, 0)
    scatter(0, 0)
    gather(4, 0)
    wait_gather(1)
    unpack_add(1, 1)
    scatter(1, 1)

    def body(j, carry):
        jn = jnp.minimum(j + 3, BS - 1)

        def step(p, f):
            gather(jn, f)
            o = p % 2
            wait_scatter(o)
            wait_gather(p)
            unpack_add(p, o)
            scatter(j, o)

        for p in range(4):
            @pl.when(j % 4 == p)
            def _(p=p):
                step(p, (p + 3) % 4)

        return carry

    lax.fori_loop(2, BS, body, 0)

    wait_scatter(0)
    wait_scatter(1)
    wait_gather(0)
    wait_gather(1)
    wait_gather(2)


@functools.lru_cache(maxsize=1)
def _sc_gather():
    return functools.partial(
        pl.kernel,
        out_type=jax.ShapeDtypeStruct((BS * 2048, D), jnp.float32),
        mesh=plsc.VectorSubcoreMesh(core_axis_name="c", subcore_axis_name="s",
                                    num_cores=NC, num_subcores=NS),
        compiler_params=pltpu.CompilerParams(needs_layout_passes=False),
        scratch_types=[
            pltpu.VMEM((BS, CHUNK), jnp.int32),
            pltpu.VMEM((CHUNK, D), jnp.float32),
            pltpu.VMEM((CHUNK, DW), jnp.int32),
            pltpu.VMEM((CHUNK, DW), jnp.int32),
            pltpu.VMEM((CHUNK, DW), jnp.int32),
            pltpu.VMEM((CHUNK, DW), jnp.int32),
            pltpu.VMEM((CHUNK, D), jnp.float32),
            pltpu.VMEM((CHUNK, D), jnp.float32),
        ] + [pltpu.SemaphoreType.DMA] * 6,
    )(_sc_body)


def kernel(continuous_obs, discrete_obs, continuous_act, cont_table, disc_table,
           special_table, pos_obs_table, pos_act_table, pos_ts_table):
    co2 = continuous_obs.reshape(BT, 8)
    do2 = discrete_obs.reshape(BT, 4)
    ca2 = continuous_act.reshape(BT, 3)
    pos, pos2, idx = _prep(co2, do2, ca2, special_table, pos_obs_table,
                           pos_act_table, pos_ts_table)

    emb = jnp.concatenate([cont_table, disc_table, special_table], axis=0)
    embp = emb.astype(jnp.bfloat16).reshape(EMB_ROWS, DW // 16, 2, 16)
    embp = embp.transpose(0, 1, 3, 2)
    emb_pk = lax.bitcast_convert_type(embp, jnp.int32).reshape(EMB_ROWS, DW)

    sc_out = _sc_gather()(emb_pk, idx[:BS * T].reshape(BS, 32, CHUNK), pos)
    tc_out = _tcg(idx[BS * T:].reshape(NB * T * TS_LEN, 1),
                  emb[:2048].astype(jnp.bfloat16), pos2)
    out = jnp.concatenate([sc_out.reshape(BS, T * TS_LEN, D),
                           tc_out.reshape(NB, T * TS_LEN, D)], axis=0)
    return out.reshape(B, T * TS_LEN, D)

# --- scband reference (transcript-rebuilt; emitter-appended) ---
"""Pipeline reference for scband-episode-builder-90804198572133 (READ-ONLY COPY).

The authoritative reference and input builder live on the scoring server;
editing this copy changes nothing except your own understanding.
"""

import jax, jax.numpy as jnp
import numpy as np

B, T = 64, 128
N_CONT_OBS, N_DISC_OBS, N_SPECIAL, N_CONT_ACT = 8, 4, 1, 3
D = 256
VOCAB_CONT, VOCAB_DISC, VOCAB_SPECIAL = 1024, 1024, 16
OBS_LEN = N_CONT_OBS + N_DISC_OBS + N_SPECIAL
ACT_LEN = N_CONT_ACT
TS_LEN = OBS_LEN + ACT_LEN


def _tokenize_continuous(x):
    # mu-law-style squash then uniform binning into VOCAB_CONT bins
    u = (jnp.tanh(x) + 1.0) * 0.5
    return jnp.clip(jnp.floor(u * VOCAB_CONT).astype(jnp.int32), 0, VOCAB_CONT - 1)


def setup_inputs(seed: int = 0) -> dict:
    key = jax.random.key(seed)
    ks = jax.random.split(key, 9)
    return {
        "continuous_obs": jax.random.normal(ks[0], (B, T, N_CONT_OBS), jnp.float32),
        "discrete_obs": jax.random.randint(ks[1], (B, T, N_DISC_OBS), 0, VOCAB_DISC, dtype=jnp.int32),
        "continuous_act": jax.random.normal(ks[2], (B, T, N_CONT_ACT), jnp.float32),
        "cont_table": jax.random.normal(ks[3], (VOCAB_CONT, D), jnp.float32) * 0.02,
        "disc_table": jax.random.normal(ks[4], (VOCAB_DISC, D), jnp.float32) * 0.02,
        "special_table": jax.random.normal(ks[5], (VOCAB_SPECIAL, D), jnp.float32) * 0.02,
        "pos_obs_table": jax.random.normal(ks[6], (OBS_LEN, D), jnp.float32) * 0.02,
        "pos_act_table": jax.random.normal(ks[7], (ACT_LEN, D), jnp.float32) * 0.02,
        "pos_ts_table": jax.random.normal(ks[8], (T, D), jnp.float32) * 0.02,
    }


def reference(continuous_obs, discrete_obs, continuous_act, cont_table, disc_table,
              special_table, pos_obs_table, pos_act_table, pos_ts_table):
    # _tokenize: continuous modalities are discretized; discrete tokens pass through;
    # special tokens are constants expanded to the batch shape.
    tok_co = _tokenize_continuous(continuous_obs)          # [B,T,8]
    tok_ca = _tokenize_continuous(continuous_act)          # [B,T,3]
    sp_tok = jnp.zeros((B, T, N_SPECIAL), jnp.int32)       # special token id 0

    # _embed: embedding gathers per token type (SparseCore-friendly jnp.take)
    emb_co = jnp.take(cont_table, tok_co, axis=0)          # [B,T,8,D]
    emb_do = jnp.take(disc_table, discrete_obs, axis=0)    # [B,T,4,D]
    emb_sp = jnp.take(special_table, sp_tok, axis=0)       # [B,T,1,D]
    emb_ca = jnp.take(cont_table, tok_ca, axis=0)          # [B,T,3,D]

    # _position_encode: observations positional table indexed by within-timestep index
    obs = jnp.concatenate([emb_co, emb_do, emb_sp], axis=2)  # [B,T,13,D]
    obs = obs + pos_obs_table[None, None, :, :]
    # actions positional table (arange over num action tokens)
    act = emb_ca + pos_act_table[None, None, :, :]
    # timestep positional table broadcast 't d -> t 1 d'
    ts = jnp.concatenate([obs, act], axis=2)                 # [B,T,16,D]
    ts = ts + pos_ts_table[None, :, None, :]

    # packed_embeddings: pack 'b t * d' then rearrange 'b t s d -> b (t s) d'
    packed = ts.reshape(B, T * TS_LEN, D)
    return packed

if __name__ == "__main__":
    import jax
    _d = setup_inputs()
    print(jax.jit(kernel)(*tuple(_d.values())))

</pallas_src>

<mosaic_0001>
#map = affine_map<(d0, d1) -> (0, 0)>
#map1 = affine_map<(d0, d1) -> (0, 0, 0)>
module attributes {stable_mosaic.version = 14 : i64} {
  func.func @_sc_body(%arg0: i32, %arg1: i32, %arg2: memref<2064x128xi32, #tpu.memory_space<hbm>>, %arg3: memref<8x32x64xi32, #tpu.memory_space<hbm>>, %arg4: memref<2048x256xf32, #tpu.memory_space<hbm>>, %arg5: memref<16384x256xf32, #tpu.memory_space<hbm>>, %arg6: memref<8x64xi32, #tpu.memory_space<vmem>>, %arg7: memref<64x256xf32, #tpu.memory_space<vmem>>, %arg8: memref<64x128xi32, #tpu.memory_space<vmem>>, %arg9: memref<64x128xi32, #tpu.memory_space<vmem>>, %arg10: memref<64x128xi32, #tpu.memory_space<vmem>>, %arg11: memref<64x128xi32, #tpu.memory_space<vmem>>, %arg12: memref<64x256xf32, #tpu.memory_space<vmem>>, %arg13: memref<64x256xf32, #tpu.memory_space<vmem>>, %arg14: memref<!tpu.dma_semaphore, #tpu.memory_space<semaphore_mem>>, %arg15: memref<!tpu.dma_semaphore, #tpu.memory_space<semaphore_mem>>, %arg16: memref<!tpu.dma_semaphore, #tpu.memory_space<semaphore_mem>>, %arg17: memref<!tpu.dma_semaphore, #tpu.memory_space<semaphore_mem>>, %arg18: memref<!tpu.dma_semaphore, #tpu.memory_space<semaphore_mem>>, %arg19: memref<!tpu.dma_semaphore, #tpu.memory_space<semaphore_mem>>) attributes {dimension_semantics = [#tpu.dimension_semantics<core_parallel>, #tpu.dimension_semantics<subcore_parallel>], iteration_bounds = array<i64: 2, 16>, scalar_prefetch = 0 : i64, scratch_operands = 14 : i64, tpu.core_type = #tpu.core_type<sc_vector_subcore>, window_params = [{transform_indices = #map}, {transform_indices = #map1}, {transform_indices = #map}, {transform_indices = #map}]} {
    %mul3A = arith.constant 2 : i32
    %mul3A_0 = arith.muli %arg1, %mul3A : i32
    %add3A = arith.addi %mul3A_0, %arg0 : i32
    %mul3A_1 = arith.constant 64 : i32
    %mul3A_2 = arith.muli %add3A, %mul3A_1 : i32
    "tpu.region"() ({
      %run_scoped3A = tpu.sem_alloc : memref<!tpu.dma_semaphore, #tpu.memory_space<semaphore_mem>>
      %dma_start3A_115 = arith.constant 0 : i32
      %dma_start3A_116 = tpu.memref_slice %arg4[%mul3A_2, %dma_start3A_115] : memref<2048x256xf32, #tpu.memory_space<hbm>> -> memref<64x256xf32, #tpu.memory_space<hbm>>
      %dma_start3A_117 = arith.constant 0 : i32
      %dma_start3A_118 = tpu.memref_slice %arg4[%mul3A_2, %dma_start3A_117] : memref<2048x256xf32, #tpu.memory_space<hbm>> -> memref<64x256xf32, #tpu.memory_space<hbm>>
      tpu.enqueue_dma source(%dma_start3A_118 : memref<64x256xf32, #tpu.memory_space<hbm>>) target(%arg7 : memref<64x256xf32, #tpu.memory_space<vmem>>) target_semaphore(%run_scoped3A : memref<!tpu.dma_semaphore, #tpu.memory_space<semaphore_mem>>)
      %dma_wait3A_119 = arith.constant 0 : i32
      %dma_wait3A_120 = tpu.memref_slice %arg4[%mul3A_2, %dma_wait3A_119] : memref<2048x256xf32, #tpu.memory_space<hbm>> -> memref<64x256xf32, #tpu.memory_space<hbm>>
      %dma_wait3A_121 = arith.constant 0 : i32
      %dma_wait3A_122 = tpu.memref_slice %arg4[%mul3A_2, %dma_wait3A_121] : memref<2048x256xf32, #tpu.memory_space<hbm>> -> memref<64x256xf32, #tpu.memory_space<hbm>>
      tpu.wait_dma2 semaphore(%run_scoped3A : memref<!tpu.dma_semaphore, #tpu.memory_space<semaphore_mem>>) src(%dma_wait3A_122 : memref<64x256xf32, #tpu.memory_space<hbm>>) dst(%arg7 : memref<64x256xf32, #tpu.memory_space<vmem>>)
      tpu.yield
    }) : () -> ()
    "tpu.region"() ({
      %run_scoped3A = tpu.sem_alloc : memref<!tpu.dma_semaphore, #tpu.memory_space<semaphore_mem>>
      %dma_start3A_115 = arith.constant 0 : i32
      %dma_start3A_116 = arith.constant 0 : i32
      %dma_start3A_117 = tpu.memref_slice %arg3[%dma_start3A_115, %add3A, %dma_start3A_116] : memref<8x32x64xi32, #tpu.memory_space<hbm>> -> memref<8x1x64xi32, #tpu.memory_space<hbm>>
      %dma_start3A_118 = tpu.memref_squeeze %dma_start3A_117 : memref<8x1x64xi32, #tpu.memory_space<hbm>> -> memref<8x64xi32, #tpu.memory_space<hbm>>
      %dma_start3A_119 = arith.constant 0 : i32
      %dma_start3A_120 = arith.constant 0 : i32
      %dma_start3A_121 = tpu.memref_slice %arg3[%dma_start3A_119, %add3A, %dma_start3A_120] : memref<8x32x64xi32, #tpu.memory_space<hbm>> -> memref<8x1x64xi32, #tpu.memory_space<hbm>>
      %dma_start3A_122 = tpu.memref_squeeze %dma_start3A_121 : memref<8x1x64xi32, #tpu.memory_space<hbm>> -> memref<8x64xi32, #tpu.memory_space<hbm>>
      tpu.enqueue_dma source(%dma_start3A_122 : memref<8x64xi32, #tpu.memory_space<hbm>>) target(%arg6 : memref<8x64xi32, #tpu.memory_space<vmem>>) target_semaphore(%run_scoped3A : memref<!tpu.dma_semaphore, #tpu.memory_space<semaphore_mem>>)
      %dma_wait3A_123 = arith.constant 0 : i32
      %dma_wait3A_124 = arith.constant 0 : i32
      %dma_wait3A_125 = tpu.memref_slice %arg3[%dma_wait3A_123, %add3A, %dma_wait3A_124] : memref<8x32x64xi32, #tpu.memory_space<hbm>> -> memref<8x1x64xi32, #tpu.memory_space<hbm>>
      %dma_wait3A_126 = tpu.memref_squeeze %dma_wait3A_125 : memref<8x1x64xi32, #tpu.memory_space<hbm>> -> memref<8x64xi32, #tpu.memory_space<hbm>>
      %dma_wait3A_127 = arith.constant 0 : i32
      %dma_wait3A_128 = arith.constant 0 : i32
      %dma_wait3A_129 = tpu.memref_slice %arg3[%dma_wait3A_127, %add3A, %dma_wait3A_128] : memref<8x32x64xi32, #tpu.memory_space<hbm>> -> memref<8x1x64xi32, #tpu.memory_space<hbm>>
      %dma_wait3A_130 = tpu.memref_squeeze %dma_wait3A_129 : memref<8x1x64xi32, #tpu.memory_space<hbm>> -> memref<8x64xi32, #tpu.memory_space<hbm>>
      tpu.wait_dma2 semaphore(%run_scoped3A : memref<!tpu.dma_semaphore, #tpu.memory_space<semaphore_mem>>) src(%dma_wait3A_130 : memref<8x64xi32, #tpu.memory_space<hbm>>) dst(%arg6 : memref<8x64xi32, #tpu.memory_space<vmem>>)
      tpu.yield
    }) : () -> ()
    %dma_start3A = arith.constant 0 : i32
    %dma_start3A_3 = arith.constant 0 : i32
    %dma_start3A_4 = tpu.memref_slice %arg6[%dma_start3A, %dma_start3A_3] : memref<8x64xi32, #tpu.memory_space<vmem>> -> memref<1x64xi32, #tpu.memory_space<vmem>>
    %dma_start3A_5 = tpu.memref_squeeze %dma_start3A_4 : memref<1x64xi32, #tpu.memory_space<vmem>> -> memref<64xi32, #tpu.memory_space<vmem>>
    %dma_start3A_6 = arith.constant 0 : i32
    %dma_start3A_7 = arith.constant 0 : i32
    %dma_start3A_8 = tpu.memref_slice %arg2[%dma_start3A_6, %dma_start3A_7] : memref<2064x128xi32, #tpu.memory_space<hbm>> -> memref<2064x128xi32, #tpu.memory_space<hbm>>
    tpu.enqueue_indirect_dma source(%dma_start3A_8 : memref<2064x128xi32, #tpu.memory_space<hbm>>) target(%arg8 : memref<64x128xi32, #tpu.memory_space<vmem>>) offsets(%dma_start3A_5 : memref<64xi32, #tpu.memory_space<vmem>>) semaphore(%arg14 : memref<!tpu.dma_semaphore, #tpu.memory_space<semaphore_mem>>)
    %dma_start3A_9 = arith.constant 1 : i32
    %dma_start3A_10 = arith.constant 0 : i32
    %dma_start3A_11 = tpu.memref_slice %arg6[%dma_start3A_9, %dma_start3A_10] : memref<8x64xi32, #tpu.memory_space<vmem>> -> memref<1x64xi32, #tpu.memory_space<vmem>>
    %dma_start3A_12 = tpu.memref_squeeze %dma_start3A_11 : memref<1x64xi32, #tpu.memory_space<vmem>> -> memref<64xi32, #tpu.memory_space<vmem>>
    %dma_start3A_13 = arith.constant 0 : i32
    %dma_start3A_14 = arith.constant 0 : i32
    %dma_start3A_15 = tpu.memref_slice %arg2[%dma_start3A_13, %dma_start3A_14] : memref<2064x128xi32, #tpu.memory_space<hbm>> -> memref<2064x128xi32, #tpu.memory_space<hbm>>
    tpu.enqueue_indirect_dma source(%dma_start3A_15 : memref<2064x128xi32, #tpu.memory_space<hbm>>) target(%arg9 : memref<64x128xi32, #tpu.memory_space<vmem>>) offsets(%dma_start3A_12 : memref<64xi32, #tpu.memory_space<vmem>>) semaphore(%arg15 : memref<!tpu.dma_semaphore, #tpu.memory_space<semaphore_mem>>)
    %dma_start3A_16 = arith.constant 2 : i32
    %dma_start3A_17 = arith.constant 0 : i32
    %dma_start3A_18 = tpu.memref_slice %arg6[%dma_start3A_16, %dma_start3A_17] : memref<8x64xi32, #tpu.memory_space<vmem>> -> memref<1x64xi32, #tpu.memory_space<vmem>>
    %dma_start3A_19 = tpu.memref_squeeze %dma_start3A_18 : memref<1x64xi32, #tpu.memory_space<vmem>> -> memref<64xi32, #tpu.memory_space<vmem>>
    %dma_start3A_20 = arith.constant 0 : i32
    %dma_start3A_21 = arith.constant 0 : i32
    %dma_start3A_22 = tpu.memref_slice %arg2[%dma_start3A_20, %dma_start3A_21] : memref<2064x128xi32, #tpu.memory_space<hbm>> -> memref<2064x128xi32, #tpu.memory_space<hbm>>
    tpu.enqueue_indirect_dma source(%dma_start3A_22 : memref<2064x128xi32, #tpu.memory_space<hbm>>) target(%arg10 : memref<64x128xi32, #tpu.memory_space<vmem>>) offsets(%dma_start3A_19 : memref<64xi32, #tpu.memory_space<vmem>>) semaphore(%arg16 : memref<!tpu.dma_semaphore, #tpu.memory_space<semaphore_mem>>)
    %dma_start3A_23 = arith.constant 3 : i32
    %dma_start3A_24 = arith.constant 0 : i32
    %dma_start3A_25 = tpu.memref_slice %arg6[%dma_start3A_23, %dma_start3A_24] : memref<8x64xi32, #tpu.memory_space<vmem>> -> memref<1x64xi32, #tpu.memory_space<vmem>>
    %dma_start3A_26 = tpu.memref_squeeze %dma_start3A_25 : memref<1x64xi32, #tpu.memory_space<vmem>> -> memref<64xi32, #tpu.memory_space<vmem>>
    %dma_start3A_27 = arith.constant 0 : i32
    %dma_start3A_28 = arith.constant 0 : i32
    %dma_start3A_29 = tpu.memref_slice %arg2[%dma_start3A_27, %dma_start3A_28] : memref<2064x128xi32, #tpu.memory_space<hbm>> -> memref<2064x128xi32, #tpu.memory_space<hbm>>
    tpu.enqueue_indirect_dma source(%dma_start3A_29 : memref<2064x128xi32, #tpu.memory_space<hbm>>) target(%arg11 : memref<64x128xi32, #tpu.memory_space<vmem>>) offsets(%dma_start3A_26 : memref<64xi32, #tpu.memory_space<vmem>>) semaphore(%arg17 : memref<!tpu.dma_semaphore, #tpu.memory_space<semaphore_mem>>)
    %dma_wait3A = arith.constant 0 : i32
    %dma_wait3A_30 = arith.constant 0 : i32
    %dma_wait3A_31 = tpu.memref_slice %arg2[%dma_wait3A, %dma_wait3A_30] : memref<2064x128xi32, #tpu.memory_space<hbm>> -> memref<64x128xi32, #tpu.memory_space<hbm>>
    %dma_wait3A_32 = arith.constant 0 : i32
    %dma_wait3A_33 = arith.constant 0 : i32
    %dma_wait3A_34 = tpu.memref_slice %arg2[%dma_wait3A_32, %dma_wait3A_33] : memref<2064x128xi32, #tpu.memory_space<hbm>> -> memref<64x128xi32, #tpu.memory_space<hbm>>
    tpu.wait_dma2 semaphore(%arg14 : memref<!tpu.dma_semaphore, #tpu.memory_space<semaphore_mem>>) src(%dma_wait3A_34 : memref<64x128xi32, #tpu.memory_space<hbm>>) dst(%arg8 : memref<64x128xi32, #tpu.memory_space<vmem>>)
    %scan3A = arith.constant 0 : i32
    %scan3A_35 = arith.constant -65536 : i32
    %scan3A_36 = arith.constant 0 : i32
    %scan3A_37 = arith.constant 64 : i32
    %scan3A_38 = arith.addi %scan3A_36, %scan3A_37 : i32
    %scan3A_39 = arith.constant 2 : i32
    scf.for %scan3A_115 = %scan3A_36 to %scan3A_38 step %scan3A_39  : i32 {
      %get3A = arith.index_cast %scan3A_115 : i32 to index
      %get3A_116 = arith.constant 0 : index
      %get3A_117 = tpu.vector_load %arg8[%get3A, %get3A_116] {strides = array<i32>} : memref<64x128xi32, #tpu.memory_space<vmem>>, vector<16xi32>,
      %shift_left3A = arith.constant 16 : i32
      %shift_left3A_118 = vector.broadcast %shift_left3A : i32 to vector<16xi32>
      %shift_left3A_119 = arith.shli %get3A_117, %shift_left3A_118 : vector<16xi32>
      %bitcast3A = vector.bitcast %shift_left3A_119 : vector<16xi32> to vector<16xf32>
      %and3A = vector.broadcast %scan3A_35 : i32 to vector<16xi32>
      %and3A_120 = arith.andi %get3A_117, %and3A : vector<16xi32>
      %bitcast3A_121 = vector.bitcast %and3A_120 : vector<16xi32> to vector<16xf32>
      %get3A_122 = arith.index_cast %scan3A_115 : i32 to index
      %get3A_123 = arith.constant 0 : index
      %get3A_124 = tpu.vector_load %arg7[%get3A_122, %get3A_123] {strides = array<i32>} : memref<64x256xf32, #tpu.memory_space<vmem>>, vector<16xf32>,
      %add3A_125 = arith.addf %bitcast3A, %get3A_124 : vector<16xf32>
      %swap3A = arith.index_cast %scan3A_115 : i32 to index
      %swap3A_126 = arith.constant 0 : index
      %swap3A_127 = tpu.vector_load %arg12[%swap3A, %swap3A_126] {strides = array<i32>} : memref<64x256xf32, #tpu.memory_space<vmem>>, vector<16xf32>,
      tpu.vector_store %arg12[%swap3A, %swap3A_126], %add3A_125 {strides = array<i32>} : memref<64x256xf32, #tpu.memory_space<vmem>>, vector<16xf32>,
      %get3A_128 = arith.index_cast %scan3A_115 : i32 to index
      %get3A_129 = arith.constant 16 : index
      %get3A_130 = tpu.vector_load %arg7[%get3A_128, %get3A_129] {strides = array<i32>} : memref<64x256xf32, #tpu.memory_space<vmem>>, vector<16xf32>,
      %add3A_131 = arith.addf %bitcast3A_121, %get3A_130 : vector<16xf32>
      %swap3A_132 = arith.index_cast %scan3A_115 : i32 to index
      %swap3A_133 = arith.constant 16 : index
      %swap3A_134 = tpu.vector_load %arg12[%swap3A_132, %swap3A_133] {strides = array<i32>} : memref<64x256xf32, #tpu.memory_space<vmem>>, vector<16xf32>,
      tpu.vector_store %arg12[%swap3A_132, %swap3A_133], %add3A_131 {strides = array<i32>} : memref<64x256xf32, #tpu.memory_space<vmem>>, vector<16xf32>,
      %get3A_135 = arith.index_cast %scan3A_115 : i32 to index
      %get3A_136 = arith.constant 16 : index
      %get3A_137 = tpu.vector_load %arg8[%get3A_135, %get3A_136] {strides = array<i32>} : memref<64x128xi32, #tpu.memory_space<vmem>>, vector<16xi32>,
      %shift_left3A_138 = arith.constant 16 : i32
      %shift_left3A_139 = vector.broadcast %shift_left3A_138 : i32 to vector<16xi32>
      %shift_left3A_140 = arith.shli %get3A_137, %shift_left3A_139 : vector<16xi32>
      %bitcast3A_141 = vector.bitcast %shift_left3A_140 : vector<16xi32> to vector<16xf32>
      %and3A_142 = vector.broadcast %scan3A_35 : i32 to vector<16xi32>
      %and3A_143 = arith.andi %get3A_137, %and3A_142 : vector<16xi32>
      %bitcast3A_144 = vector.bitcast %and3A_143 : vector<16xi32> to vector<16xf32>
      %get3A_145 = arith.index_cast %scan3A_115 : i32 to index
      %get3A_146 = arith.constant 32 : index
      %get3A_147 = tpu.vector_load %arg7[%get3A_145, %get3A_146] {strides = array<i32>} : memref<64x256xf32, #tpu.memory_space<vmem>>, vector<16xf32>,
      %add3A_148 = arith.addf %bitcast3A_141, %get3A_147 : vector<16xf32>
      %swap3A_149 = arith.index_cast %scan3A_115 : i32 to index
      %swap3A_150 = arith.constant 32 : index
      %swap3A_151 = tpu.vector_load %arg12[%swap3A_149, %swap3A_150] {strides = array<i32>} : memref<64x256xf32, #tpu.memory_space<vmem>>, vector<16xf32>,
      tpu.vector_store %arg12[%swap3A_149, %swap3A_150], %add3A_148 {strides = array<i32>} : memref<64x256xf32, #tpu.memory_space<vmem>>, vector<16xf32>,
      %get3A_152 = arith.index_cast %scan3A_115 : i32 to index
      %get3A_153 = arith.constant 48 : index
      %get3A_154 = tpu.vector_load %arg7[%get3A_152, %get3A_153] {strides = array<i32>} : memref<64x256xf32, #tpu.memory_space<vmem>>, vector<16xf32>,
      %add3A_155 = arith.addf %bitcast3A_144, %get3A_154 : vector<16xf32>
      %swap3A_156 = arith.index_cast %scan3A_115 : i32 to index
      %swap3A_157 = arith.constant 48 : index
      %swap3A_158 = tpu.vector_load %arg12[%swap3A_156, %swap3A_157] {strides = array<i32>} : memref<64x256xf32, #tpu.memory_space<vmem>>, vector<16xf32>,
      tpu.vector_store %arg12[%swap3A_156, %swap3A_157], %add3A_155 {strides = array<i32>} : memref<64x256xf32, #tpu.memory_space<vmem>>, vector<16xf32>,
      %get3A_159 = arith.index_cast %scan3A_115 : i32 to index
      %get3A_160 = arith.constant 32 : index
      %get3A_161 = tpu.vector_load %arg8[%get3A_159, %get3A_160] {strides = array<i32>} : memref<64x128xi32, #tpu.memory_space<vmem>>, vector<16xi32>,
      %shift_left3A_162 = arith.constant 16 : i32
      %shift_left3A_163 = vector.broadcast %shift_left3A_162 : i32 to vector<16xi32>
      %shift_left3A_164 = arith.shli %get3A_161, %shift_left3A_163 : vector<16xi32>
      %bitcast3A_165 = vector.bitcast %shift_left3A_164 : vector<16xi32> to vector<16xf32>
      %and3A_166 = vector.broadcast %scan3A_35 : i32 to vector<16xi32>
      %and3A_167 = arith.andi %get3A_161, %and3A_166 : vector<16xi32>
      %bitcast3A_168 = vector.bitcast %and3A_167 : vector<16xi32> to vector<16xf32>
      %get3A_169 = arith.index_cast %scan3A_115 : i32 to index
      %get3A_170 = arith.constant 64 : index
      %get3A_171 = tpu.vector_load %arg7[%get3A_169, %get3A_170] {strides = array<i32>} : memref<64x256xf32, #tpu.memory_space<vmem>>, vector<16xf32>,
      %add3A_172 = arith.addf %bitcast3A_165, %get3A_171 : vector<16xf32>
      %swap3A_173 = arith.index_cast %scan3A_115 : i32 to index
      %swap3A_174 = arith.constant 64 : index
      %swap3A_175 = tpu.vector_load %arg12[%swap3A_173, %swap3A_174] {strides = array<i32>} : memref<64x256xf32, #tpu.memory_space<vmem>>, vector<16xf32>,
      tpu.vector_store %arg12[%swap3A_173, %swap3A_174], %add3A_172 {strides = array<i32>} : memref<64x256xf32, #tpu.memory_space<vmem>>, vector<16xf32>,
      %get3A_176 = arith.index_cast %scan3A_115 : i32 to index
      %get3A_177 = arith.constant 80 : index
      %get3A_178 = tpu.vector_load %arg7[%get3A_176, %get3A_177] {strides = array<i32>} : memref<64x256xf32, #tpu.memory_space<vmem>>, vector<16xf32>,
      %add3A_179 = arith.addf %bitcast3A_168, %get3A_178 : vector<16xf32>
      %swap3A_180 = arith.index_cast %scan3A_115 : i32 to index
      %swap3A_181 = arith.constant 80 : index
      %swap3A_182 = tpu.vector_load %arg12[%swap3A_180, %swap3A_181] {strides = array<i32>} : memref<64x256xf32, #tpu.memory_space<vmem>>, vector<16xf32>,
      tpu.vector_store %arg12[%swap3A_180, %swap3A_181], %add3A_179 {strides = array<i32>} : memref<64x256xf32, #tpu.memory_space<vmem>>, vector<16xf32>,
      %get3A_183 = arith.index_cast %scan3A_115 : i32 to index
      %get3A_184 = arith.constant 48 : index
      %get3A_185 = tpu.vector_load %arg8[%get3A_183, %get3A_184] {strides = array<i32>} : memref<64x128xi32, #tpu.memory_space<vmem>>, vector<16xi32>,
      %shift_left3A_186 = arith.constant 16 : i32
      %shift_left3A_187 = vector.broadcast %shift_left3A_186 : i32 to vector<16xi32>
      %shift_left3A_188 = arith.shli %get3A_185, %shift_left3A_187 : vector<16xi32>
      %bitcast3A_189 = vector.bitcast %shift_left3A_188 : vector<16xi32> to vector<16xf32>
      %and3A_190 = vector.broadcast %scan3A_35 : i32 to vector<16xi32>
      %and3A_191 = arith.andi %get3A_185, %and3A_190 : vector<16xi32>
      %bitcast3A_192 = vector.bitcast %and3A_191 : vector<16xi32> to vector<16xf32>
      %get3A_193 = arith.index_cast %scan3A_115 : i32 to index
      %get3A_194 = arith.constant 96 : index
      %get3A_195 = tpu.vector_load %arg7[%get3A_193, %get3A_194] {strides = array<i32>} : memref<64x256xf32, #tpu.memory_space<vmem>>, vector<16xf32>,
      %add3A_196 = arith.addf %bitcast3A_189, %get3A_195 : vector<16xf32>
      %swap3A_197 = arith.index_cast %scan3A_115 : i32 to index
      %swap3A_198 = arith.constant 96 : index
      %swap3A_199 = tpu.vector_load %arg12[%swap3A_197, %swap3A_198] {strides = array<i32>} : memref<64x256xf32, #tpu.memory_space<vmem>>, vector<16xf32>,
      tpu.vector_store %arg12[%swap3A_197, %swap3A_198], %add3A_196 {strides = array<i32>} : memref<64x256xf32, #tpu.memory_space<vmem>>, vector<16xf32>,
      %get3A_200 = arith.index_cast %scan3A_115 : i32 to index
      %get3A_201 = arith.constant 112 : index
      %get3A_202 = tpu.vector_load %arg7[%get3A_200, %get3A_201] {strides = array<i32>} : memref<64x256xf32, #tpu.memory_space<vmem>>, vector<16xf32>,
      %add3A_203 = arith.addf %bitcast3A_192, %get3A_202 : vector<16xf32>
      %swap3A_204 = arith.index_cast %scan3A_115 : i32 to index
      %swap3A_205 = arith.constant 112 : index
      %swap3A_206 = tpu.vector_load %arg12[%swap3A_204, %swap3A_205] {strides = array<i32>} : memref<64x256xf32, #tpu.memory_space<vmem>>, vector<16xf32>,
      tpu.vector_store %arg12[%swap3A_204, %swap3A_205], %add3A_203 {strides = array<i32>} : memref<64x256xf32, #tpu.memory_space<vmem>>, vector<16xf32>,
      %get3A_207 = arith.index_cast %scan3A_115 : i32 to index
      %get3A_208 = arith.constant 64 : index
      %get3A_209 = tpu.vector_load %arg8[%get3A_207, %get3A_208] {strides = array<i32>} : memref<64x128xi32, #tpu.memory_space<vmem>>, vector<16xi32>,
      %shift_left3A_210 = arith.constant 16 : i32
      %shift_left3A_211 = vector.broadcast %shift_left3A_210 : i32 to vector<16xi32>
      %shift_left3A_212 = arith.shli %get3A_209, %shift_left3A_211 : vector<16xi32>
      %bitcast3A_213 = vector.bitcast %shift_left3A_212 : vector<16xi32> to vector<16xf32>
      %and3A_214 = vector.broadcast %scan3A_35 : i32 to vector<16xi32>
      %and3A_215 = arith.andi %get3A_209, %and3A_214 : vector<16xi32>
      %bitcast3A_216 = vector.bitcast %and3A_215 : vector<16xi32> to vector<16xf32>
      %get3A_217 = arith.index_cast %scan3A_115 : i32 to index
      %get3A_218 = arith.constant 128 : index
      %get3A_219 = tpu.vector_load %arg7[%get3A_217, %get3A_218] {strides = array<i32>} : memref<64x256xf32, #tpu.memory_space<vmem>>, vector<16xf32>,
      %add3A_220 = arith.addf %bitcast3A_213, %get3A_219 : vector<16xf32>
      %swap3A_221 = arith.index_cast %scan3A_115 : i32 to index
      %swap3A_222 = arith.constant 128 : index
      %swap3A_223 = tpu.vector_load %arg12[%swap3A_221, %swap3A_222] {strides = array<i32>} : memref<64x256xf32, #tpu.memory_space<vmem>>, vector<16xf32>,
      tpu.vector_store %arg12[%swap3A_221, %swap3A_222], %add3A_220 {strides = array<i32>} : memref<64x256xf32, #tpu.memory_space<vmem>>, vector<16xf32>,
      %get3A_224 = arith.index_cast %scan3A_115 : i32 to index
      %get3A_225 = arith.constant 144 : index
      %get3A_226 = tpu.vector_load %arg7[%get3A_224, %get3A_225] {strides = array<i32>} : memref<64x256xf32, #tpu.memory_space<vmem>>, vector<16xf32>,
      %add3A_227 = arith.addf %bitcast3A_216, %get3A_226 : vector<16xf32>
      %swap3A_228 = arith.index_cast %scan3A_115 : i32 to index
      %swap3A_229 = arith.constant 144 : index
      %swap3A_230 = tpu.vector_load %arg12[%swap3A_228, %swap3A_229] {strides = array<i32>} : memref<64x256xf32, #tpu.memory_space<vmem>>, vector<16xf32>,
      tpu.vector_store %arg12[%swap3A_228, %swap3A_229], %add3A_227 {strides = array<i32>} : memref<64x256xf32, #tpu.memory_space<vmem>>, vector<16xf32>,
      %get3A_231 = arith.index_cast %scan3A_115 : i32 to index
      %get3A_232 = arith.constant 80 : index
      %get3A_233 = tpu.vector_load %arg8[%get3A_231, %get3A_232] {strides = array<i32>} : memref<64x128xi32, #tpu.memory_space<vmem>>, vector<16xi32>,
      %shift_left3A_234 = arith.constant 16 : i32
      %shift_left3A_235 = vector.broadcast %shift_left3A_234 : i32 to vector<16xi32>
      %shift_left3A_236 = arith.shli %get3A_233, %shift_left3A_235 : vector<16xi32>
      %bitcast3A_237 = vector.bitcast %shift_left3A_236 : vector<16xi32> to vector<16xf32>
      %and3A_238 = vector.broadcast %scan3A_35 : i32 to vector<16xi32>
      %and3A_239 = arith.andi %get3A_233, %and3A_238 : vector<16xi32>
      %bitcast3A_240 = vector.bitcast %and3A_239 : vector<16xi32> to vector<16xf32>
      %get3A_241 = arith.index_cast %scan3A_115 : i32 to index
      %get3A_242 = arith.constant 160 : index
      %get3A_243 = tpu.vector_load %arg7[%get3A_241, %get3A_242] {strides = array<i32>} : memref<64x256xf32, #tpu.memory_space<vmem>>, vector<16xf32>,
      %add3A_244 = arith.addf %bitcast3A_237, %get3A_243 : vector<16xf32>
      %swap3A_245 = arith.index_cast %scan3A_115 : i32 to index
      %swap3A_246 = arith.constant 160 : index
      %swap3A_247 = tpu.vector_load %arg12[%swap3A_245, %swap3A_246] {strides = array<i32>} : memref<64x256xf32, #tpu.memory_space<vmem>>, vector<16xf32>,
      tpu.vector_store %arg12[%swap3A_245, %swap3A_246], %add3A_244 {strides = array<i32>} : memref<64x256xf32, #tpu.memory_space<vmem>>, vector<16xf32>,
      %get3A_248 = arith.index_cast %scan3A_115 : i32 to index
      %get3A_249 = arith.constant 176 : index
      %get3A_250 = tpu.vector_load %arg7[%get3A_248, %get3A_249] {strides = array<i32>} : memref<64x256xf32, #tpu.memory_space<vmem>>, vector<16xf32>,
      %add3A_251 = arith.addf %bitcast3A_240, %get3A_250 : vector<16xf32>
      %swap3A_252 = arith.index_cast %scan3A_115 : i32 to index
      %swap3A_253 = arith.constant 176 : index
      %swap3A_254 = tpu.vector_load %arg12[%swap3A_252, %swap3A_253] {strides = array<i32>} : memref<64x256xf32, #tpu.memory_space<vmem>>, vector<16xf32>,
      tpu.vector_store %arg12[%swap3A_252, %swap3A_253], %add3A_251 {strides = array<i32>} : memref<64x256xf32, #tpu.memory_space<vmem>>, vector<16xf32>,
      %get3A_255 = arith.index_cast %scan3A_115 : i32 to index
      %get3A_256 = arith.constant 96 : index
      %get3A_257 = tpu.vector_load %arg8[%get3A_255, %get3A_256] {strides = array<i32>} : memref<64x128xi32, #tpu.memory_space<vmem>>, vector<16xi32>,
      %shift_left3A_258 = arith.constant 16 : i32
      %shift_left3A_259 = vector.broadcast %shift_left3A_258 : i32 to vector<16xi32>
      %shift_left3A_260 = arith.shli %get3A_257, %shift_left3A_259 : vector<16xi32>
      %bitcast3A_261 = vector.bitcast %shift_left3A_260 : vector<16xi32> to vector<16xf32>
      %and3A_262 = vector.broadcast %scan3A_35 : i32 to vector<16xi32>
      %and3A_263 = arith.andi %get3A_257, %and3A_262 : vector<16xi32>
      %bitcast3A_264 = vector.bitcast %and3A_263 : vector<16xi32> to vector<16xf32>
      %get3A_265 = arith.index_cast %scan3A_115 : i32 to index
      %get3A_266 = arith.constant 192 : index
      %get3A_267 = tpu.vector_load %arg7[%get3A_265, %get3A_266] {strides = array<i32>} : memref<64x256xf32, #tpu.memory_space<vmem>>, vector<16xf32>,
      %add3A_268 = arith.addf %bitcast3A_261, %get3A_267 : vector<16xf32>
      %swap3A_269 = arith.index_cast %scan3A_115 : i32 to index
      %swap3A_270 = arith.constant 192 : index
      %swap3A_271 = tpu.vector_load %arg12[%swap3A_269, %swap3A_270] {strides = array<i32>} : memref<64x256xf32, #tpu.memory_space<vmem>>, vector<16xf32>,
      tpu.vector_store %arg12[%swap3A_269, %swap3A_270], %add3A_268 {strides = array<i32>} : memref<64x256xf32, #tpu.memory_space<vmem>>, vector<16xf32>,
      %get3A_272 = arith.index_cast %scan3A_115 : i32 to index
      %get3A_273 = arith.constant 208 : index
      %get3A_274 = tpu.vector_load %arg7[%get3A_272, %get3A_273] {strides = array<i32>} : memref<64x256xf32, #tpu.memory_space<vmem>>, vector<16xf32>,
      %add3A_275 = arith.addf %bitcast3A_264, %get3A_274 : vector<16xf32>
      %swap3A_276 = arith.index_cast %scan3A_115 : i32 to index
      %swap3A_277 = arith.constant 208 : index
      %swap3A_278 = tpu.vector_load %arg12[%swap3A_276, %swap3A_277] {strides = array<i32>} : memref<64x256xf32, #tpu.memory_space<vmem>>, vector<16xf32>,
      tpu.vector_store %arg12[%swap3A_276, %swap3A_277], %add3A_275 {strides = array<i32>} : memref<64x256xf32, #tpu.memory_space<vmem>>, vector<16xf32>,
      %get3A_279 = arith.index_cast %scan3A_115 : i32 to index
      %get3A_280 = arith.constant 112 : index
      %get3A_281 = tpu.vector_load %arg8[%get3A_279, %get3A_280] {strides = array<i32>} : memref<64x128xi32, #tpu.memory_space<vmem>>, vector<16xi32>,
      %shift_left3A_282 = arith.constant 16 : i32
      %shift_left3A_283 = vector.broadcast %shift_left3A_282 : i32 to vector<16xi32>
      %shift_left3A_284 = arith.shli %get3A_281, %shift_left3A_283 : vector<16xi32>
      %bitcast3A_285 = vector.bitcast %shift_left3A_284 : vector<16xi32> to vector<16xf32>
      %and3A_286 = vector.broadcast %scan3A_35 : i32 to vector<16xi32>
      %and3A_287 = arith.andi %get3A_281, %and3A_286 : vector<16xi32>
      %bitcast3A_288 = vector.bitcast %and3A_287 : vector<16xi32> to vector<16xf32>
      %get3A_289 = arith.index_cast %scan3A_115 : i32 to index
      %get3A_290 = arith.constant 224 : index
      %get3A_291 = tpu.vector_load %arg7[%get3A_289, %get3A_290] {strides = array<i32>} : memref<64x256xf32, #tpu.memory_space<vmem>>, vector<16xf32>,
      %add3A_292 = arith.addf %bitcast3A_285, %get3A_291 : vector<16xf32>
      %swap3A_293 = arith.index_cast %scan3A_115 : i32 to index
      %swap3A_294 = arith.constant 224 : index
      %swap3A_295 = tpu.vector_load %arg12[%swap3A_293, %swap3A_294] {strides = array<i32>} : memref<64x256xf32, #tpu.memory_space<vmem>>, vector<16xf32>,
      tpu.vector_store %arg12[%swap3A_293, %swap3A_294], %add3A_292 {strides = array<i32>} : memref<64x256xf32, #tpu.memory_space<vmem>>, vector<16xf32>,
      %get3A_296 = arith.index_cast %scan3A_115 : i32 to index
      %get3A_297 = arith.constant 240 : index
      %get3A_298 = tpu.vector_load %arg7[%get3A_296, %get3A_297] {strides = array<i32>} : memref<64x256xf32, #tpu.memory_space<vmem>>, vector<16xf32>,
      %add3A_299 = arith.addf %bitcast3A_288, %get3A_298 : vector<16xf32>
      %swap3A_300 = arith.index_cast %scan3A_115 : i32 to index
      %swap3A_301 = arith.constant 240 : index
      %swap3A_302 = tpu.vector_load %arg12[%swap3A_300, %swap3A_301] {strides = array<i32>} : memref<64x256xf32, #tpu.memory_space<vmem>>, vector<16xf32>,
      tpu.vector_store %arg12[%swap3A_300, %swap3A_301], %add3A_299 {strides = array<i32>} : memref<64x256xf32, #tpu.memory_space<vmem>>, vector<16xf32>,
      %scan3A_303 = arith.constant 1 : i32
      %scan3A_304 = arith.addi %scan3A_115, %scan3A_303 : i32
      %get3A_305 = arith.index_cast %scan3A_304 : i32 to index
      %get3A_306 = arith.constant 0 : index
      %get3A_307 = tpu.vector_load %arg8[%get3A_305, %get3A_306] {strides = array<i32>} : memref<64x128xi32, #tpu.memory_space<vmem>>, vector<16xi32>,
      %shift_left3A_308 = arith.constant 16 : i32
      %shift_left3A_309 = vector.broadcast %shift_left3A_308 : i32 to vector<16xi32>
      %shift_left3A_310 = arith.shli %get3A_307, %shift_left3A_309 : vector<16xi32>
      %bitcast3A_311 = vector.bitcast %shift_left3A_310 : vector<16xi32> to vector<16xf32>
      %and3A_312 = vector.broadcast %scan3A_35 : i32 to vector<16xi32>
      %and3A_313 = arith.andi %get3A_307, %and3A_312 : vector<16xi32>
      %bitcast3A_314 = vector.bitcast %and3A_313 : vector<16xi32> to vector<16xf32>
      %get3A_315 = arith.index_cast %scan3A_304 : i32 to index
      %get3A_316 = arith.constant 0 : index
      %get3A_317 = tpu.vector_load %arg7[%get3A_315, %get3A_316] {strides = array<i32>} : memref<64x256xf32, #tpu.memory_space<vmem>>, vector<16xf32>,
      %add3A_318 = arith.addf %bitcast3A_311, %get3A_317 : vector<16xf32>
      %swap3A_319 = arith.index_cast %scan3A_304 : i32 to index
      %swap3A_320 = arith.constant 0 : index
      %swap3A_321 = tpu.vector_load %arg12[%swap3A_319, %swap3A_320] {strides = array<i32>} : memref<64x256xf32, #tpu.memory_space<vmem>>, vector<16xf32>,
      tpu.vector_store %arg12[%swap3A_319, %swap3A_320], %add3A_318 {strides = array<i32>} : memref<64x256xf32, #tpu.memory_space<vmem>>, vector<16xf32>,
      %get3A_322 = arith.index_cast %scan3A_304 : i32 to index
      %get3A_323 = arith.constant 16 : index
      %get3A_324 = tpu.vector_load %arg7[%get3A_322, %get3A_323] {strides = array<i32>} : memref<64x256xf32, #tpu.memory_space<vmem>>, vector<16xf32>,
      %add3A_325 = arith.addf %bitcast3A_314, %get3A_324 : vector<16xf32>
      %swap3A_326 = arith.index_cast %scan3A_304 : i32 to index
      %swap3A_327 = arith.constant 16 : index
      %swap3A_328 = tpu.vector_load %arg12[%swap3A_326, %swap3A_327] {strides = array<i32>} : memref<64x256xf32, #tpu.memory_space<vmem>>, vector<16xf32>,
      tpu.vector_store %arg12[%swap3A_326, %swap3A_327], %add3A_325 {strides = array<i32>} : memref<64x256xf32, #tpu.memory_space<vmem>>, vector<16xf32>,
      %get3A_329 = arith.index_cast %scan3A_304 : i32 to index
      %get3A_330 = arith.constant 16 : index
      %get3A_331 = tpu.vector_load %arg8[%get3A_329, %get3A_330] {strides = array<i32>} : memref<64x128xi32, #tpu.memory_space<vmem>>, vector<16xi32>,
      %shift_left3A_332 = arith.constant 16 : i32
      %shift_left3A_333 = vector.broadcast %shift_left3A_332 : i32 to vector<16xi32>
      %shift_left3A_334 = arith.shli %get3A_331, %shift_left3A_333 : vector<16xi32>
      %bitcast3A_335 = vector.bitcast %shift_left3A_334 : vector<16xi32> to vector<16xf32>
      %and3A_336 = vector.broadcast %scan3A_35 : i32 to vector<16xi32>
      %and3A_337 = arith.andi %get3A_331, %and3A_336 : vector<16xi32>
      %bitcast3A_338 = vector.bitcast %and3A_337 : vector<16xi32> to vector<16xf32>
      %get3A_339 = arith.index_cast %scan3A_304 : i32 to index
      %get3A_340 = arith.constant 32 : index
      %get3A_341 = tpu.vector_load %arg7[%get3A_339, %get3A_340] {strides = array<i32>} : memref<64x256xf32, #tpu.memory_space<vmem>>, vector<16xf32>,
      %add3A_342 = arith.addf %bitcast3A_335, %get3A_341 : vector<16xf32>
      %swap3A_343 = arith.index_cast %scan3A_304 : i32 to index
      %swap3A_344 = arith.constant 32 : index
      %swap3A_345 = tpu.vector_load %arg12[%swap3A_343, %swap3A_344] {strides = array<i32>} : memref<64x256xf32, #tpu.memory_space<vmem>>, vector<16xf32>,
      tpu.vector_store %arg12[%swap3A_343, %swap3A_344], %add3A_342 {strides = array<i32>} : memref<64x256xf32, #tpu.memory_space<vmem>>, vector<16xf32>,
      %get3A_346 = arith.index_cast %scan3A_304 : i32 to index
      %get3A_347 = arith.constant 48 : index
      %get3A_348 = tpu.vector_load %arg7[%get3A_346, %get3A_347] {strides = array<i32>} : memref<64x256xf32, #tpu.memory_space<vmem>>, vector<16xf32>,
      %add3A_349 = arith.addf %bitcast3A_338, %get3A_348 : vector<16xf32>
      %swap3A_350 = arith.index_cast %scan3A_304 : i32 to index
      %swap3A_351 = arith.constant 48 : index
      %swap3A_352 = tpu.vector_load %arg12[%swap3A_350, %swap3A_351] {strides = array<i32>} : memref<64x256xf32, #tpu.memory_space<vmem>>, vector<16xf32>,
      tpu.vector_store %arg12[%swap3A_350, %swap3A_351], %add3A_349 {strides = array<i32>} : memref<64x256xf32, #tpu.memory_space<vmem>>, vector<16xf32>,
      %get3A_353 = arith.index_cast %scan3A_304 : i32 to index
      %get3A_354 = arith.constant 32 : index
      %get3A_355 = tpu.vector_load %arg8[%get3A_353, %get3A_354] {strides = array<i32>} : memref<64x128xi32, #tpu.memory_space<vmem>>, vector<16xi32>,
      %shift_left3A_356 = arith.constant 16 : i32
      %shift_left3A_357 = vector.broadcast %shift_left3A_356 : i32 to vector<16xi32>
      %shift_left3A_358 = arith.shli %get3A_355, %shift_left3A_357 : vector<16xi32>
      %bitcast3A_359 = vector.bitcast %shift_left3A_358 : vector<16xi32> to vector<16xf32>
      %and3A_360 = vector.broadcast %scan3A_35 : i32 to vector<16xi32>
      %and3A_361 = arith.andi %get3A_355, %and3A_360 : vector<16xi32>
      %bitcast3A_362 = vector.bitcast %and3A_361 : vector<16xi32> to vector<16xf32>
      %get3A_363 = arith.index_cast %scan3A_304 : i32 to index
      %get3A_364 = arith.constant 64 : index
      %get3A_365 = tpu.vector_load %arg7[%get3A_363, %get3A_364] {strides = array<i32>} : memref<64x256xf32, #tpu.memory_space<vmem>>, vector<16xf32>,
      %add3A_366 = arith.addf %bitcast3A_359, %get3A_365 : vector<16xf32>
      %swap3A_367 = arith.index_cast %scan3A_304 : i32 to index
      %swap3A_368 = arith.constant 64 : index
      %swap3A_369 = tpu.vector_load %arg12[%swap3A_367, %swap3A_368] {strides = array<i32>} : memref<64x256xf32, #tpu.memory_space<vmem>>, vector<16xf32>,
      tpu.vector_store %arg12[%swap3A_367, %swap3A_368], %add3A_366 {strides = array<i32>} : memref<64x256xf32, #tpu.memory_space<vmem>>, vector<16xf32>,
      %get3A_370 = arith.index_cast %scan3A_304 : i32 to index
      %get3A_371 = arith.constant 80 : index
      %get3A_372 = tpu.vector_load %arg7[%get3A_370, %get3A_371] {strides = array<i32>} : memref<64x256xf32, #tpu.memory_space<vmem>>, vector<16xf32>,
      %add3A_373 = arith.addf %bitcast3A_362, %get3A_372 : vector<16xf32>
      %swap3A_374 = arith.index_cast %scan3A_304 : i32 to index
      %swap3A_375 = arith.constant 80 : index
      %swap3A_376 = tpu.vector_load %arg12[%swap3A_374, %swap3A_375] {strides = array<i32>} : memref<64x256xf32, #tpu.memory_space<vmem>>, vector<16xf32>,
      tpu.vector_store %arg12[%swap3A_374, %swap3A_375], %add3A_373 {strides = array<i32>} : memref<64x256xf32, #tpu.memory_space<vmem>>, vector<16xf32>,
      %get3A_377 = arith.index_cast %scan3A_304 : i32 to index
      %get3A_378 = arith.constant 48 : index
      %get3A_379 = tpu.vector_load %arg8[%get3A_377, %get3A_378] {strides = array<i32>} : memref<64x128xi32, #tpu.memory_space<vmem>>, vector<16xi32>,
      %shift_left3A_380 = arith.constant 16 : i32
      %shift_left3A_381 = vector.broadcast %shift_left3A_380 : i32 to vector<16xi32>
      %shift_left3A_382 = arith.shli %get3A_379, %shift_left3A_381 : vector<16xi32>
      %bitcast3A_383 = vector.bitcast %shift_left3A_382 : vector<16xi32> to vector<16xf32>
      %and3A_384 = vector.broadcast %scan3A_35 : i32 to vector<16xi32>
      %and3A_385 = arith.andi %get3A_379, %and3A_384 : vector<16xi32>
      %bitcast3A_386 = vector.bitcast %and3A_385 : vector<16xi32> to vector<16xf32>
      %get3A_387 = arith.index_cast %scan3A_304 : i32 to index
      %get3A_388 = arith.constant 96 : index
      %get3A_389 = tpu.vector_load %arg7[%get3A_387, %get3A_388] {strides = array<i32>} : memref<64x256xf32, #tpu.memory_space<vmem>>, vector<16xf32>,
      %add3A_390 = arith.addf %bitcast3A_383, %get3A_389 : vector<16xf32>
      %swap3A_391 = arith.index_cast %scan3A_304 : i32 to index
      %swap3A_392 = arith.constant 96 : index
      %swap3A_393 = tpu.vector_load %arg12[%swap3A_391, %swap3A_392] {strides = array<i32>} : memref<64x256xf32, #tpu.memory_space<vmem>>, vector<16xf32>,
      tpu.vector_store %arg12[%swap3A_391, %swap3A_392], %add3A_390 {strides = array<i32>} : memref<64x256xf32, #tpu.memory_space<vmem>>, vector<16xf32>,
      %get3A_394 = arith.index_cast %scan3A_304 : i32 to index
      %get3A_395 = arith.constant 112 : index
      %get3A_396 = tpu.vector_load %arg7[%get3A_394, %get3A_395] {strides = array<i32>} : memref<64x256xf32, #tpu.memory_space<vmem>>, vector<16xf32>,
      %add3A_397 = arith.addf %bitcast3A_386, %get3A_396 : vector<16xf32>
      %swap3A_398 = arith.index_cast %scan3A_304 : i32 to index
      %swap3A_399 = arith.constant 112 : index
      %swap3A_400 = tpu.vector_load %arg12[%swap3A_398, %swap3A_399] {strides = array<i32>} : memref<64x256xf32, #tpu.memory_space<vmem>>, vector<16xf32>,
      tpu.vector_store %arg12[%swap3A_398, %swap3A_399], %add3A_397 {strides = array<i32>} : memref<64x256xf32, #tpu.memory_space<vmem>>, vector<16xf32>,
      %get3A_401 = arith.index_cast %scan3A_304 : i32 to index
      %get3A_402 = arith.constant 64 : index
      %get3A_403 = tpu.vector_load %arg8[%get3A_401, %get3A_402] {strides = array<i32>} : memref<64x128xi32, #tpu.memory_space<vmem>>, vector<16xi32>,
      %shift_left3A_404 = arith.constant 16 : i32
      %shift_left3A_405 = vector.broadcast %shift_left3A_404 : i32 to vector<16xi32>
      %shift_left3A_406 = arith.shli %get3A_403, %shift_left3A_405 : vector<16xi32>
      %bitcast3A_407 = vector.bitcast %shift_left3A_406 : vector<16xi32> to vector<16xf32>
      %and3A_408 = vector.broadcast %scan3A_35 : i32 to vector<16xi32>
      %and3A_409 = arith.andi %get3A_403, %and3A_408 : vector<16xi32>
      %bitcast3A_410 = vector.bitcast %and3A_409 : vector<16xi32> to vector<16xf32>
      %get3A_411 = arith.index_cast %scan3A_304 : i32 to index
      %get3A_412 = arith.constant 128 : index
      %get3A_413 = tpu.vector_load %arg7[%get3A_411, %get3A_412] {strides = array<i32>} : memref<64x256xf32, #tpu.memory_space<vmem>>, vector<16xf32>,
      %add3A_414 = arith.addf %bitcast3A_407, %get3A_413 : vector<16xf32>
      %swap3A_415 = arith.index_cast %scan3A_304 : i32 to index
      %swap3A_416 = arith.constant 128 : index
      %swap3A_417 = tpu.vector_load %arg12[%swap3A_415, %swap3A_416] {strides = array<i32>} : memref<64x256xf32, #tpu.memory_space<vmem>>, vector<16xf32>,
      tpu.vector_store %arg12[%swap3A_415, %swap3A_416], %add3A_414 {strides = array<i32>} : memref<64x256xf32, #tpu.memory_space<vmem>>, vector<16xf32>,
      %get3A_418 = arith.index_cast %scan3A_304 : i32 to index
      %get3A_419 = arith.constant 144 : index
      %get3A_420 = tpu.vector_load %arg7[%get3A_418, %get3A_419] {strides = array<i32>} : memref<64x256xf32, #tpu.memory_space<vmem>>, vector<16xf32>,
      %add3A_421 = arith.addf %bitcast3A_410, %get3A_420 : vector<16xf32>
      %swap3A_422 = arith.index_cast %scan3A_304 : i32 to index
      %swap3A_423 = arith.constant 144 : index
      %swap3A_424 = tpu.vector_load %arg12[%swap3A_422, %swap3A_423] {strides = array<i32>} : memref<64x256xf32, #tpu.memory_space<vmem>>, vector<16xf32>,
      tpu.vector_store %arg12[%swap3A_422, %swap3A_423], %add3A_421 {strides = array<i32>} : memref<64x256xf32, #tpu.memory_space<vmem>>, vector<16xf32>,
      %get3A_425 = arith.index_cast %scan3A_304 : i32 to index
      %get3A_426 = arith.constant 80 : index
      %get3A_427 = tpu.vector_load %arg8[%get3A_425, %get3A_426] {strides = array<i32>} : memref<64x128xi32, #tpu.memory_space<vmem>>, vector<16xi32>,
      %shift_left3A_428 = arith.constant 16 : i32
      %shift_left3A_429 = vector.broadcast %shift_left3A_428 : i32 to vector<16xi32>
      %shift_left3A_430 = arith.shli %get3A_427, %shift_left3A_429 : vector<16xi32>
      %bitcast3A_431 = vector.bitcast %shift_left3A_430 : vector<16xi32> to vector<16xf32>
      %and3A_432 = vector.broadcast %scan3A_35 : i32 to vector<16xi32>
      %and3A_433 = arith.andi %get3A_427, %and3A_432 : vector<16xi32>
      %bitcast3A_434 = vector.bitcast %and3A_433 : vector<16xi32> to vector<16xf32>
      %get3A_435 = arith.index_cast %scan3A_304 : i32 to index
      %get3A_436 = arith.constant 160 : index
      %get3A_437 = tpu.vector_load %arg7[%get3A_435, %get3A_436] {strides = array<i32>} : memref<64x256xf32, #tpu.memory_space<vmem>>, vector<16xf32>,
      %add3A_438 = arith.addf %bitcast3A_431, %get3A_437 : vector<16xf32>
      %swap3A_439 = arith.index_cast %scan3A_304 : i32 to index
      %swap3A_440 = arith.constant 160 : index
      %swap3A_441 = tpu.vector_load %arg12[%swap3A_439, %swap3A_440] {strides = array<i32>} : memref<64x256xf32, #tpu.memory_space<vmem>>, vector<16xf32>,
      tpu.vector_store %arg12[%swap3A_439, %swap3A_440], %add3A_438 {strides = array<i32>} : memref<64x256xf32, #tpu.memory_space<vmem>>, vector<16xf32>,
      %get3A_442 = arith.index_cast %scan3A_304 : i32 to index
      %get3A_443 = arith.constant 176 : index
      %get3A_444 = tpu.vector_load %arg7[%get3A_442, %get3A_443] {strides = array<i32>} : memref<64x256xf32, #tpu.memory_space<vmem>>, vector<16xf32>,
      %add3A_445 = arith.addf %bitcast3A_434, %get3A_444 : vector<16xf32>
      %swap3A_446 = arith.index_cast %scan3A_304 : i32 to index
      %swap3A_447 = arith.constant 176 : index
      %swap3A_448 = tpu.vector_load %arg12[%swap3A_446, %swap3A_447] {strides = array<i32>} : memref<64x256xf32, #tpu.memory_space<vmem>>, vector<16xf32>,
      tpu.vector_store %arg12[%swap3A_446, %swap3A_447], %add3A_445 {strides = array<i32>} : memref<64x256xf32, #tpu.memory_space<vmem>>, vector<16xf32>,
      %get3A_449 = arith.index_cast %scan3A_304 : i32 to index
      %get3A_450 = arith.constant 96 : index
      %get3A_451 = tpu.vector_load %arg8[%get3A_449, %get3A_450] {strides = array<i32>} : memref<64x128xi32, #tpu.memory_space<vmem>>, vector<16xi32>,
      %shift_left3A_452 = arith.constant 16 : i32
      %shift_left3A_453 = vector.broadcast %shift_left3A_452 : i32 to vector<16xi32>
      %shift_left3A_454 = arith.shli %get3A_451, %shift_left3A_453 : vector<16xi32>
      %bitcast3A_455 = vector.bitcast %shift_left3A_454 : vector<16xi32> to vector<16xf32>
      %and3A_456 = vector.broadcast %scan3A_35 : i32 to vector<16xi32>
      %and3A_457 = arith.andi %get3A_451, %and3A_456 : vector<16xi32>
      %bitcast3A_458 = vector.bitcast %and3A_457 : vector<16xi32> to vector<16xf32>
      %get3A_459 = arith.index_cast %scan3A_304 : i32 to index
      %get3A_460 = arith.constant 192 : index
      %get3A_461 = tpu.vector_load %arg7[%get3A_459, %get3A_460] {strides = array<i32>} : memref<64x256xf32, #tpu.memory_space<vmem>>, vector<16xf32>,
      %add3A_462 = arith.addf %bitcast3A_455, %get3A_461 : vector<16xf32>
      %swap3A_463 = arith.index_cast %scan3A_304 : i32 to index
      %swap3A_464 = arith.constant 192 : index
      %swap3A_465 = tpu.vector_load %arg12[%swap3A_463, %swap3A_464] {strides = array<i32>} : memref<64x256xf32, #tpu.memory_space<vmem>>, vector<16xf32>,
      tpu.vector_store %arg12[%swap3A_463, %swap3A_464], %add3A_462 {strides = array<i32>} : memref<64x256xf32, #tpu.memory_space<vmem>>, vector<16xf32>,
      %get3A_466 = arith.index_cast %scan3A_304 : i32 to index
      %get3A_467 = arith.constant 208 : index
      %get3A_468 = tpu.vector_load %arg7[%get3A_466, %get3A_467] {strides = array<i32>} : memref<64x256xf32, #tpu.memory_space<vmem>>, vector<16xf32>,
      %add3A_469 = arith.addf %bitcast3A_458, %get3A_468 : vector<16xf32>
      %swap3A_470 = arith.index_cast %scan3A_304 : i32 to index
      %swap3A_471 = arith.constant 208 : index
      %swap3A_472 = tpu.vector_load %arg12[%swap3A_470, %swap3A_471] {strides = array<i32>} : memref<64x256xf32, #tpu.memory_space<vmem>>, vector<16xf32>,
      tpu.vector_store %arg12[%swap3A_470, %swap3A_471], %add3A_469 {strides = array<i32>} : memref<64x256xf32, #tpu.memory_space<vmem>>, vector<16xf32>,
      %get3A_473 = arith.index_cast %scan3A_304 : i32 to index
      %get3A_474 = arith.constant 112 : index
      %get3A_475 = tpu.vector_load %arg8[%get3A_473, %get3A_474] {strides = array<i32>} : memref<64x128xi32, #tpu.memory_space<vmem>>, vector<16xi32>,
      %shift_left3A_476 = arith.constant 16 : i32
      %shift_left3A_477 = vector.broadcast %shift_left3A_476 : i32 to vector<16xi32>
      %shift_left3A_478 = arith.shli %get3A_475, %shift_left3A_477 : vector<16xi32>
      %bitcast3A_479 = vector.bitcast %shift_left3A_478 : vector<16xi32> to vector<16xf32>
      %and3A_480 = vector.broadcast %scan3A_35 : i32 to vector<16xi32>
      %and3A_481 = arith.andi %get3A_475, %and3A_480 : vector<16xi32>
      %bitcast3A_482 = vector.bitcast %and3A_481 : vector<16xi32> to vector<16xf32>
      %get3A_483 = arith.index_cast %scan3A_304 : i32 to index
      %get3A_484 = arith.constant 224 : index
      %get3A_485 = tpu.vector_load %arg7[%get3A_483, %get3A_484] {strides = array<i32>} : memref<64x256xf32, #tpu.memory_space<vmem>>, vector<16xf32>,
      %add3A_486 = arith.addf %bitcast3A_479, %get3A_485 : vector<16xf32>
      %swap3A_487 = arith.index_cast %scan3A_304 : i32 to index
      %swap3A_488 = arith.constant 224 : index
      %swap3A_489 = tpu.vector_load %arg12[%swap3A_487, %swap3A_488] {strides = array<i32>} : memref<64x256xf32, #tpu.memory_space<vmem>>, vector<16xf32>,
      tpu.vector_store %arg12[%swap3A_487, %swap3A_488], %add3A_486 {strides = array<i32>} : memref<64x256xf32, #tpu.memory_space<vmem>>, vector<16xf32>,
      %get3A_490 = arith.index_cast %scan3A_304 : i32 to index
      %get3A_491 = arith.constant 240 : index
      %get3A_492 = tpu.vector_load %arg7[%get3A_490, %get3A_491] {strides = array<i32>} : memref<64x256xf32, #tpu.memory_space<vmem>>, vector<16xf32>,
      %add3A_493 = arith.addf %bitcast3A_482, %get3A_492 : vector<16xf32>
      %swap3A_494 = arith.index_cast %scan3A_304 : i32 to index
      %swap3A_495 = arith.constant 240 : index
      %swap3A_496 = tpu.vector_load %arg12[%swap3A_494, %swap3A_495] {strides = array<i32>} : memref<64x256xf32, #tpu.memory_space<vmem>>, vector<16xf32>,
      tpu.vector_store %arg12[%swap3A_494, %swap3A_495], %add3A_493 {strides = array<i32>} : memref<64x256xf32, #tpu.memory_space<vmem>>, vector<16xf32>,
    }
    %scan3A_40 = arith.constant 64 : i32
    %add3A_41 = arith.constant 0 : i32
    %add3A_42 = arith.addi %add3A, %add3A_41 : i32
    %mul3A_43 = arith.constant 64 : i32
    %mul3A_44 = arith.muli %add3A_42, %mul3A_43 : i32
    %multiple_of3A = tpu.assume_multiple %mul3A_44, 64 : i32
    %dma_start3A_45 = arith.constant 0 : i32
    %dma_start3A_46 = tpu.memref_slice %arg5[%multiple_of3A, %dma_start3A_45] : memref<16384x256xf32, #tpu.memory_space<hbm>> -> memref<64x256xf32, #tpu.memory_space<hbm>>
    %dma_start3A_47 = arith.constant 0 : i32
    %dma_start3A_48 = tpu.memref_slice %arg5[%multiple_of3A, %dma_start3A_47] : memref<16384x256xf32, #tpu.memory_space<hbm>> -> memref<64x256xf32, #tpu.memory_space<hbm>>
    tpu.enqueue_dma source(%arg12 : memref<64x256xf32, #tpu.memory_space<vmem>>) target(%dma_start3A_48 : memref<64x256xf32, #tpu.memory_space<hbm>>) target_semaphore(%arg18 : memref<!tpu.dma_semaphore, #tpu.memory_space<semaphore_mem>>)
    %dma_start3A_49 = arith.constant 4 : i32
    %dma_start3A_50 = arith.constant 0 : i32
    %dma_start3A_51 = tpu.memref_slice %arg6[%dma_start3A_49, %dma_start3A_50] : memref<8x64xi32, #tpu.memory_space<vmem>> -> memref<1x64xi32, #tpu.memory_space<vmem>>
    %dma_start3A_52 = tpu.memref_squeeze %dma_start3A_51 : memref<1x64xi32, #tpu.memory_space<vmem>> -> memref<64xi32, #tpu.memory_space<vmem>>
    %dma_start3A_53 = arith.constant 0 : i32
    %dma_start3A_54 = arith.constant 0 : i32
    %dma_start3A_55 = tpu.memref_slice %arg2[%dma_start3A_53, %dma_start3A_54] : memref<2064x128xi32, #tpu.memory_space<hbm>> -> memref<2064x128xi32, #tpu.memory_space<hbm>>
    tpu.enqueue_indirect_dma source(%dma_start3A_55 : memref<2064x128xi32, #tpu.memory_space<hbm>>) target(%arg8 : memref<64x128xi32, #tpu.memory_space<vmem>>) offsets(%dma_start3A_52 : memref<64xi32, #tpu.memory_space<vmem>>) semaphore(%arg14 : memref<!tpu.dma_semaphore, #tpu.memory_space<semaphore_mem>>)
    %dma_wait3A_56 = arith.constant 0 : i32
    %dma_wait3A_57 = arith.constant 0 : i32
    %dma_wait3A_58 = tpu.memref_slice %arg2[%dma_wait3A_56, %dma_wait3A_57] : memref<2064x128xi32, #tpu.memory_space<hbm>> -> memref<64x128xi32, #tpu.memory_space<hbm>>
    %dma_wait3A_59 = arith.constant 0 : i32
    %dma_wait3A_60 = arith.constant 0 : i32
    %dma_wait3A_61 = tpu.memref_slice %arg2[%dma_wait3A_59, %dma_wait3A_60] : memref<2064x128xi32, #tpu.memory_space<hbm>> -> memref<64x128xi32, #tpu.memory_space<hbm>>
    tpu.wait_dma2 semaphore(%arg15 : memref<!tpu.dma_semaphore, #tpu.memory_space<semaphore_mem>>) src(%dma_wait3A_61 : memref<64x128xi32, #tpu.memory_space<hbm>>) dst(%arg9 : memref<64x128xi32, #tpu.memory_space<vmem>>)
    %scan3A_62 = arith.constant 0 : i32
    %scan3A_63 = arith.constant -65536 : i32
    %scan3A_64 = arith.constant 0 : i32
    %scan3A_65 = arith.constant 64 : i32
    %scan3A_66 = arith.addi %scan3A_64, %scan3A_65 : i32
    %scan3A_67 = arith.constant 2 : i32
    scf.for %scan3A_115 = %scan3A_64 to %scan3A_66 step %scan3A_67  : i32 {
      %get3A = arith.index_cast %scan3A_115 : i32 to index
      %get3A_116 = arith.constant 0 : index
      %get3A_117 = tpu.vector_load %arg9[%get3A, %get3A_116] {strides = array<i32>} : memref<64x128xi32, #tpu.memory_space<vmem>>, vector<16xi32>,
      %shift_left3A = arith.constant 16 : i32
      %shift_left3A_118 = vector.broadcast %shift_left3A : i32 to vector<16xi32>
      %shift_left3A_119 = arith.shli %get3A_117, %shift_left3A_118 : vector<16xi32>
      %bitcast3A = vector.bitcast %shift_left3A_119 : vector<16xi32> to vector<16xf32>
      %and3A = vector.broadcast %scan3A_63 : i32 to vector<16xi32>
      %and3A_120 = arith.andi %get3A_117, %and3A : vector<16xi32>
      %bitcast3A_121 = vector.bitcast %and3A_120 : vector<16xi32> to vector<16xf32>
      %get3A_122 = arith.index_cast %scan3A_115 : i32 to index
      %get3A_123 = arith.constant 0 : index
      %get3A_124 = tpu.vector_load %arg7[%get3A_122, %get3A_123] {strides = array<i32>} : memref<64x256xf32, #tpu.memory_space<vmem>>, vector<16xf32>,
      %add3A_125 = arith.addf %bitcast3A, %get3A_124 : vector<16xf32>
      %swap3A = arith.index_cast %scan3A_115 : i32 to index
      %swap3A_126 = arith.constant 0 : index
      %swap3A_127 = tpu.vector_load %arg13[%swap3A, %swap3A_126] {strides = array<i32>} : memref<64x256xf32, #tpu.memory_space<vmem>>, vector<16xf32>,
      tpu.vector_store %arg13[%swap3A, %swap3A_126], %add3A_125 {strides = array<i32>} : memref<64x256xf32, #tpu.memory_space<vmem>>, vector<16xf32>,
      %get3A_128 = arith.index_cast %scan3A_115 : i32 to index
      %get3A_129 = arith.constant 16 : index
      %get3A_130 = tpu.vector_load %arg7[%get3A_128, %get3A_129] {strides = array<i32>} : memref<64x256xf32, #tpu.memory_space<vmem>>, vector<16xf32>,
      %add3A_131 = arith.addf %bitcast3A_121, %get3A_130 : vector<16xf32>
      %swap3A_132 = arith.index_cast %scan3A_115 : i32 to index
      %swap3A_133 = arith.constant 16 : index
      %swap3A_134 = tpu.vector_load %arg13[%swap3A_132, %swap3A_133] {strides = array<i32>} : memref<64x256xf32, #tpu.memory_space<vmem>>, vector<16xf32>,
      tpu.vector_store %arg13[%swap3A_132, %swap3A_133], %add3A_131 {strides = array<i32>} : memref<64x256xf32, #tpu.memory_space<vmem>>, vector<16xf32>,
      %get3A_135 = arith.index_cast %scan3A_115 : i32 to index
      %get3A_136 = arith.constant 16 : index
      %get3A_137 = tpu.vector_load %arg9[%get3A_135, %get3A_136] {strides = array<i32>} : memref<64x128xi32, #tpu.memory_space<vmem>>, vector<16xi32>,
      %shift_left3A_138 = arith.constant 16 : i32
      %shift_left3A_139 = vector.broadcast %shift_left3A_138 : i32 to vector<16xi32>
      %shift_left3A_140 = arith.shli %get3A_137, %shift_left3A_139 : vector<16xi32>
      %bitcast3A_141 = vector.bitcast %shift_left3A_140 : vector<16xi32> to vector<16xf32>
      %and3A_142 = vector.broadcast %scan3A_63 : i32 to vector<16xi32>
      %and3A_143 = arith.andi %get3A_137, %and3A_142 : vector<16xi32>
      %bitcast3A_144 = vector.bitcast %and3A_143 : vector<16xi32> to vector<16xf32>
      %get3A_145 = arith.index_cast %scan3A_115 : i32 to index
      %get3A_146 = arith.constant 32 : index
      %get3A_147 = tpu.vector_load %arg7[%get3A_145, %get3A_146] {strides = array<i32>} : memref<64x256xf32, #tpu.memory_space<vmem>>, vector<16xf32>,
      %add3A_148 = arith.addf %bitcast3A_141, %get3A_147 : vector<16xf32>
      %swap3A_149 = arith.index_cast %scan3A_115 : i32 to index
      %swap3A_150 = arith.constant 32 : index
      %swap3A_151 = tpu.vector_load %arg13[%swap3A_149, %swap3A_150] {strides = array<i32>} : memref<64x256xf32, #tpu.memory_space<vmem>>, vector<16xf32>,
      tpu.vector_store %arg13[%swap3A_149, %swap3A_150], %add3A_148 {strides = array<i32>} : memref<64x256xf32, #tpu.memory_space<vmem>>, vector<16xf32>,
      %get3A_152 = arith.index_cast %scan3A_115 : i32 to index
      %get3A_153 = arith.constant 48 : index
      %get3A_154 = tpu.vector_load %arg7[%get3A_152, %get3A_153] {strides = array<i32>} : memref<64x256xf32, #tpu.memory_space<vmem>>, vector<16xf32>,
      %add3A_155 = arith.addf %bitcast3A_144, %get3A_154 : vector<16xf32>
      %swap3A_156 = arith.index_cast %scan3A_115 : i32 to index
      %swap3A_157 = arith.constant 48 : index
      %swap3A_158 = tpu.vector_load %arg13[%swap3A_156, %swap3A_157] {strides = array<i32>} : memref<64x256xf32, #tpu.memory_space<vmem>>, vector<16xf32>,
      tpu.vector_store %arg13[%swap3A_156, %swap3A_157], %add3A_155 {strides = array<i32>} : memref<64x256xf32, #tpu.memory_space<vmem>>, vector<16xf32>,
      %get3A_159 = arith.index_cast %scan3A_115 : i32 to index
      %get3A_160 = arith.constant 32 : index
      %get3A_161 = tpu.vector_load %arg9[%get3A_159, %get3A_160] {strides = array<i32>} : memref<64x128xi32, #tpu.memory_space<vmem>>, vector<16xi32>,
      %shift_left3A_162 = arith.constant 16 : i32
      %shift_left3A_163 = vector.broadcast %shift_left3A_162 : i32 to vector<16xi32>
      %shift_left3A_164 = arith.shli %get3A_161, %shift_left3A_163 : vector<16xi32>
      %bitcast3A_165 = vector.bitcast %shift_left3A_164 : vector<16xi32> to vector<16xf32>
      %and3A_166 = vector.broadcast %scan3A_63 : i32 to vector<16xi32>
      %and3A_167 = arith.andi %get3A_161, %and3A_166 : vector<16xi32>
      %bitcast3A_168 = vector.bitcast %and3A_167 : vector<16xi32> to vector<16xf32>
      %get3A_169 = arith.index_cast %scan3A_115 : i32 to index
      %get3A_170 = arith.constant 64 : index
      %get3A_171 = tpu.vector_load %arg7[%get3A_169, %get3A_170] {strides = array<i32>} : memref<64x256xf32, #tpu.memory_space<vmem>>, vector<16xf32>,
      %add3A_172 = arith.addf %bitcast3A_165, %get3A_171 : vector<16xf32>
      %swap3A_173 = arith.index_cast %scan3A_115 : i32 to index
      %swap3A_174 = arith.constant 64 : index
      %swap3A_175 = tpu.vector_load %arg13[%swap3A_173, %swap3A_174] {strides = array<i32>} : memref<64x256xf32, #tpu.memory_space<vmem>>, vector<16xf32>,
      tpu.vector_store %arg13[%swap3A_173, %swap3A_174], %add3A_172 {strides = array<i32>} : memref<64x256xf32, #tpu.memory_space<vmem>>, vector<16xf32>,
      %get3A_176 = arith.index_cast %scan3A_115 : i32 to index
      %get3A_177 = arith.constant 80 : index
      %get3A_178 = tpu.vector_load %arg7[%get3A_176, %get3A_177] {strides = array<i32>} : memref<64x256xf32, #tpu.memory_space<vmem>>, vector<16xf32>,
      %add3A_179 = arith.addf %bitcast3A_168, %get3A_178 : vector<16xf32>
      %swap3A_180 = arith.index_cast %scan3A_115 : i32 to index
      %swap3A_181 = arith.constant 80 : index
      %swap3A_182 = tpu.vector_load %arg13[%swap3A_180, %swap3A_181] {strides = array<i32>} : memref<64x256xf32, #tpu.memory_space<vmem>>, vector<16xf32>,
      tpu.vector_store %arg13[%swap3A_180, %swap3A_181], %add3A_179 {strides = array<i32>} : memref<64x256xf32, #tpu.memory_space<vmem>>, vector<16xf32>,
      %get3A_183 = arith.index_cast %scan3A_115 : i32 to index
      %get3A_184 = arith.constant 48 : index
      %get3A_185 = tpu.vector_load %arg9[%get3A_183, %get3A_184] {strides = array<i32>} : memref<64x128xi32, #tpu.memory_space<vmem>>, vector<16xi32>,
      %shift_left3A_186 = arith.constant 16 : i32
      %shift_left3A_187 = vector.broadcast %shift_left3A_186 : i32 to vector<16xi32>
      %shift_left3A_188 = arith.shli %get3A_185, %shift_left3A_187 : vector<16xi32>
      %bitcast3A_189 = vector.bitcast %shift_left3A_188 : vector<16xi32> to vector<16xf32>
      %and3A_190 = vector.broadcast %scan3A_63 : i32 to vector<16xi32>
      %and3A_191 = arith.andi %get3A_185, %and3A_190 : vector<16xi32>
      %bitcast3A_192 = vector.bitcast %and3A_191 : vector<16xi32> to vector<16xf32>
      %get3A_193 = arith.index_cast %scan3A_115 : i32 to index
      %get3A_194 = arith.constant 96 : index
      %get3A_195 = tpu.vector_load %arg7[%get3A_193, %get3A_194] {strides = array<i32>} : memref<64x256xf32, #tpu.memory_space<vmem>>, vector<16xf32>,
      %add3A_196 = arith.addf %bitcast3A_189, %get3A_195 : vector<16xf32>
      %swap3A_197 = arith.index_cast %scan3A_115 : i32 to index
      %swap3A_198 = arith.constant 96 : index
      %swap3A_199 = tpu.vector_load %arg13[%swap3A_197, %swap3A_198] {strides = array<i32>} : memref<64x256xf32, #tpu.memory_space<vmem>>, vector<16xf32>,
      tpu.vector_store %arg13[%swap3A_197, %swap3A_198], %add3A_196 {strides = array<i32>} : memref<64x256xf32, #tpu.memory_space<vmem>>, vector<16xf32>,
      %get3A_200 = arith.index_cast %scan3A_115 : i32 to index
      %get3A_201 = arith.constant 112 : index
      %get3A_202 = tpu.vector_load %arg7[%get3A_200, %get3A_201] {strides = array<i32>} : memref<64x256xf32, #tpu.memory_space<vmem>>, vector<16xf32>,
      %add3A_203 = arith.addf %bitcast3A_192, %get3A_202 : vector<16xf32>
      %swap3A_204 = arith.index_cast %scan3A_115 : i32 to index
      %swap3A_205 = arith.constant 112 : index
      %swap3A_206 = tpu.vector_load %arg13[%swap3A_204, %swap3A_205] {strides = array<i32>} : memref<64x256xf32, #tpu.memory_space<vmem>>, vector<16xf32>,
      tpu.vector_store %arg13[%swap3A_204, %swap3A_205], %add3A_203 {strides = array<i32>} : memref<64x256xf32, #tpu.memory_space<vmem>>, vector<16xf32>,
      %get3A_207 = arith.index_cast %scan3A_115 : i32 to index
      %get3A_208 = arith.constant 64 : index
      %get3A_209 = tpu.vector_load %arg9[%get3A_207, %get3A_208] {strides = array<i32>} : memref<64x128xi32, #tpu.memory_space<vmem>>, vector<16xi32>,
      %shift_left3A_210 = arith.constant 16 : i32
      %shift_left3A_211 = vector.broadcast %shift_left3A_210 : i32 to vector<16xi32>
      %shift_left3A_212 = arith.shli %get3A_209, %shift_left3A_211 : vector<16xi32>
      %bitcast3A_213 = vector.bitcast %shift_left3A_212 : vector<16xi32> to vector<16xf32>
      %and3A_214 = vector.broadcast %scan3A_63 : i32 to vector<16xi32>
      %and3A_215 = arith.andi %get3A_209, %and3A_214 : vector<16xi32>
      %bitcast3A_216 = vector.bitcast %and3A_215 : vector<16xi32> to vector<16xf32>
      %get3A_217 = arith.index_cast %scan3A_115 : i32 to index
      %get3A_218 = arith.constant 128 : index
      %get3A_219 = tpu.vector_load %arg7[%get3A_217, %get3A_218] {strides = array<i32>} : memref<64x256xf32, #tpu.memory_space<vmem>>, vector<16xf32>,
      %add3A_220 = arith.addf %bitcast3A_213, %get3A_219 : vector<16xf32>
      %swap3A_221 = arith.index_cast %scan3A_115 : i32 to index
      %swap3A_222 = arith.constant 128 : index
      %swap3A_223 = tpu.vector_load %arg13[%swap3A_221, %swap3A_222] {strides = array<i32>} : memref<64x256xf32, #tpu.memory_space<vmem>>, vector<16xf32>,
      tpu.vector_store %arg13[%swap3A_221, %swap3A_222], %add3A_220 {strides = array<i32>} : memref<64x256xf32, #tpu.memory_space<vmem>>, vector<16xf32>,
      %get3A_224 = arith.index_cast %scan3A_115 : i32 to index
      %get3A_225 = arith.constant 144 : index
      %get3A_226 = tpu.vector_load %arg7[%get3A_224, %get3A_225] {strides = array<i32>} : memref<64x256xf32, #tpu.memory_space<vmem>>, vector<16xf32>,
      %add3A_227 = arith.addf %bitcast3A_216, %get3A_226 : vector<16xf32>
      %swap3A_228 = arith.index_cast %scan3A_115 : i32 to index
      %swap3A_229 = arith.constant 144 : index
      %swap3A_230 = tpu.vector_load %arg13[%swap3A_228, %swap3A_229] {strides = array<i32>} : memref<64x256xf32, #tpu.memory_space<vmem>>, vector<16xf32>,
      tpu.vector_store %arg13[%swap3A_228, %swap3A_229], %add3A_227 {strides = array<i32>} : memref<64x256xf32, #tpu.memory_space<vmem>>, vector<16xf32>,
      %get3A_231 = arith.index_cast %scan3A_115 : i32 to index
      %get3A_232 = arith.constant 80 : index
      %get3A_233 = tpu.vector_load %arg9[%get3A_231, %get3A_232] {strides = array<i32>} : memref<64x128xi32, #tpu.memory_space<vmem>>, vector<16xi32>,
      %shift_left3A_234 = arith.constant 16 : i32
      %shift_left3A_235 = vector.broadcast %shift_left3A_234 : i32 to vector<16xi32>
      %shift_left3A_236 = arith.shli %get3A_233, %shift_left3A_235 : vector<16xi32>
      %bitcast3A_237 = vector.bitcast %shift_left3A_236 : vector<16xi32> to vector<16xf32>
      %and3A_238 = vector.broadcast %scan3A_63 : i32 to vector<16xi32>
      %and3A_239 = arith.andi %get3A_233, %and3A_238 : vector<16xi32>
      %bitcast3A_240 = vector.bitcast %and3A_239 : vector<16xi32> to vector<16xf32>
      %get3A_241 = arith.index_cast %scan3A_115 : i32 to index
      %get3A_242 = arith.constant 160 : index
      %get3A_243 = tpu.vector_load %arg7[%get3A_241, %get3A_242] {strides = array<i32>} : memref<64x256xf32, #tpu.memory_space<vmem>>, vector<16xf32>,
      %add3A_244 = arith.addf %bitcast3A_237, %get3A_243 : vector<16xf32>
      %swap3A_245 = arith.index_cast %scan3A_115 : i32 to index
      %swap3A_246 = arith.constant 160 : index
      %swap3A_247 = tpu.vector_load %arg13[%swap3A_245, %swap3A_246] {strides = array<i32>} : memref<64x256xf32, #tpu.memory_space<vmem>>, vector<16xf32>,
      tpu.vector_store %arg13[%swap3A_245, %swap3A_246], %add3A_244 {strides = array<i32>} : memref<64x256xf32, #tpu.memory_space<vmem>>, vector<16xf32>,
      %get3A_248 = arith.index_cast %scan3A_115 : i32 to index
      %get3A_249 = arith.constant 176 : index
      %get3A_250 = tpu.vector_load %arg7[%get3A_248, %get3A_249] {strides = array<i32>} : memref<64x256xf32, #tpu.memory_space<vmem>>, vector<16xf32>,
      %add3A_251 = arith.addf %bitcast3A_240, %get3A_250 : vector<16xf32>
      %swap3A_252 = arith.index_cast %scan3A_115 : i32 to index
      %swap3A_253 = arith.constant 176 : index
      %swap3A_254 = tpu.vector_load %arg13[%swap3A_252, %swap3A_253] {strides = array<i32>} : memref<64x256xf32, #tpu.memory_space<vmem>>, vector<16xf32>,
      tpu.vector_store %arg13[%swap3A_252, %swap3A_253], %add3A_251 {strides = array<i32>} : memref<64x256xf32, #tpu.memory_space<vmem>>, vector<16xf32>,
      %get3A_255 = arith.index_cast %scan3A_115 : i32 to index
      %get3A_256 = arith.constant 96 : index
      %get3A_257 = tpu.vector_load %arg9[%get3A_255, %get3A_256] {strides = array<i32>} : memref<64x128xi32, #tpu.memory_space<vmem>>, vector<16xi32>,
      %shift_left3A_258 = arith.constant 16 : i32
      %shift_left3A_259 = vector.broadcast %shift_left3A_258 : i32 to vector<16xi32>
      %shift_left3A_260 = arith.shli %get3A_257, %shift_left3A_259 : vector<16xi32>
      %bitcast3A_261 = vector.bitcast %shift_left3A_260 : vector<16xi32> to vector<16xf32>
      %and3A_262 = vector.broadcast %scan3A_63 : i32 to vector<16xi32>
      %and3A_263 = arith.andi %get3A_257, %and3A_262 : vector<16xi32>
      %bitcast3A_264 = vector.bitcast %and3A_263 : vector<16xi32> to vector<16xf32>
      %get3A_265 = arith.index_cast %scan3A_115 : i32 to index
      %get3A_266 = arith.constant 192 : index
      %get3A_267 = tpu.vector_load %arg7[%get3A_265, %get3A_266] {strides = array<i32>} : memref<64x256xf32, #tpu.memory_space<vmem>>, vector<16xf32>,
      %add3A_268 = arith.addf %bitcast3A_261, %get3A_267 : vector<16xf32>
      %swap3A_269 = arith.index_cast %scan3A_115 : i32 to index
      %swap3A_270 = arith.constant 192 : index
      %swap3A_271 = tpu.vector_load %arg13[%swap3A_269, %swap3A_270] {strides = array<i32>} : memref<64x256xf32, #tpu.memory_space<vmem>>, vector<16xf32>,
      tpu.vector_store %arg13[%swap3A_269, %swap3A_270], %add3A_268 {strides = array<i32>} : memref<64x256xf32, #tpu.memory_space<vmem>>, vector<16xf32>,
      %get3A_272 = arith.index_cast %scan3A_115 : i32 to index
      %get3A_273 = arith.constant 208 : index
      %get3A_274 = tpu.vector_load %arg7[%get3A_272, %get3A_273] {strides = array<i32>} : memref<64x256xf32, #tpu.memory_space<vmem>>, vector<16xf32>,
      %add3A_275 = arith.addf %bitcast3A_264, %get3A_274 : vector<16xf32>
      %swap3A_276 = arith.index_cast %scan3A_115 : i32 to index
      %swap3A_277 = arith.constant 208 : index
      %swap3A_278 = tpu.vector_load %arg13[%swap3A_276, %swap3A_277] {strides = array<i32>} : memref<64x256xf32, #tpu.memory_space<vmem>>, vector<16xf32>,
      tpu.vector_store %arg13[%swap3A_276, %swap3A_277], %add3A_275 {strides = array<i32>} : memref<64x256xf32, #tpu.memory_space<vmem>>, vector<16xf32>,
      %get3A_279 = arith.index_cast %scan3A_115 : i32 to index
      %get3A_280 = arith.constant 112 : index
      %get3A_281 = tpu.vector_load %arg9[%get3A_279, %get3A_280] {strides = array<i32>} : memref<64x128xi32, #tpu.memory_space<vmem>>, vector<16xi32>,
      %shift_left3A_282 = arith.constant 16 : i32
      %shift_left3A_283 = vector.broadcast %shift_left3A_282 : i32 to vector<16xi32>
      %shift_left3A_284 = arith.shli %get3A_281, %shift_left3A_283 : vector<16xi32>
      %bitcast3A_285 = vector.bitcast %shift_left3A_284 : vector<16xi32> to vector<16xf32>
      %and3A_286 = vector.broadcast %scan3A_63 : i32 to vector<16xi32>
      %and3A_287 = arith.andi %get3A_281, %and3A_286 : vector<16xi32>
      %bitcast3A_288 = vector.bitcast %and3A_287 : vector<16xi32> to vector<16xf32>
      %get3A_289 = arith.index_cast %scan3A_115 : i32 to index
      %get3A_290 = arith.constant 224 : index
      %get3A_291 = tpu.vector_load %arg7[%get3A_289, %get3A_290] {strides = array<i32>} : memref<64x256xf32, #tpu.memory_space<vmem>>, vector<16xf32>,
      %add3A_292 = arith.addf %bitcast3A_285, %get3A_291 : vector<16xf32>
      %swap3A_293 = arith.index_cast %scan3A_115 : i32 to index
      %swap3A_294 = arith.constant 224 : index
      %swap3A_295 = tpu.vector_load %arg13[%swap3A_293, %swap3A_294] {strides = array<i32>} : memref<64x256xf32, #tpu.memory_space<vmem>>, vector<16xf32>,
      tpu.vector_store %arg13[%swap3A_293, %swap3A_294], %add3A_292 {strides = array<i32>} : memref<64x256xf32, #tpu.memory_space<vmem>>, vector<16xf32>,
      %get3A_296 = arith.index_cast %scan3A_115 : i32 to index
      %get3A_297 = arith.constant 240 : index
      %get3A_298 = tpu.vector_load %arg7[%get3A_296, %get3A_297] {strides = array<i32>} : memref<64x256xf32, #tpu.memory_space<vmem>>, vector<16xf32>,
      %add3A_299 = arith.addf %bitcast3A_288, %get3A_298 : vector<16xf32>
      %swap3A_300 = arith.index_cast %scan3A_115 : i32 to index
      %swap3A_301 = arith.constant 240 : index
      %swap3A_302 = tpu.vector_load %arg13[%swap3A_300, %swap3A_301] {strides = array<i32>} : memref<64x256xf32, #tpu.memory_space<vmem>>, vector<16xf32>,
      tpu.vector_store %arg13[%swap3A_300, %swap3A_301], %add3A_299 {strides = array<i32>} : memref<64x256xf32, #tpu.memory_space<vmem>>, vector<16xf32>,
      %scan3A_303 = arith.constant 1 : i32
      %scan3A_304 = arith.addi %scan3A_115, %scan3A_303 : i32
      %get3A_305 = arith.index_cast %scan3A_304 : i32 to index
      %get3A_306 = arith.constant 0 : index
      %get3A_307 = tpu.vector_load %arg9[%get3A_305, %get3A_306] {strides = array<i32>} : memref<64x128xi32, #tpu.memory_space<vmem>>, vector<16xi32>,
      %shift_left3A_308 = arith.constant 16 : i32
      %shift_left3A_309 = vector.broadcast %shift_left3A_308 : i32 to vector<16xi32>
      %shift_left3A_310 = arith.shli %get3A_307, %shift_left3A_309 : vector<16xi32>
      %bitcast3A_311 = vector.bitcast %shift_left3A_310 : vector<16xi32> to vector<16xf32>
      %and3A_312 = vector.broadcast %scan3A_63 : i32 to vector<16xi32>
      %and3A_313 = arith.andi %get3A_307, %and3A_312 : vector<16xi32>
      %bitcast3A_314 = vector.bitcast %and3A_313 : vector<16xi32> to vector<16xf32>
      %get3A_315 = arith.index_cast %scan3A_304 : i32 to index
      %get3A_316 = arith.constant 0 : index
      %get3A_317 = tpu.vector_load %arg7[%get3A_315, %get3A_316] {strides = array<i32>} : memref<64x256xf32, #tpu.memory_space<vmem>>, vector<16xf32>,
      %add3A_318 = arith.addf %bitcast3A_311, %get3A_317 : vector<16xf32>
      %swap3A_319 = arith.index_cast %scan3A_304 : i32 to index
      %swap3A_320 = arith.constant 0 : index
      %swap3A_321 = tpu.vector_load %arg13[%swap3A_319, %swap3A_320] {strides = array<i32>} : memref<64x256xf32, #tpu.memory_space<vmem>>, vector<16xf32>,
      tpu.vector_store %arg13[%swap3A_319, %swap3A_320], %add3A_318 {strides = array<i32>} : memref<64x256xf32, #tpu.memory_space<vmem>>, vector<16xf32>,
      %get3A_322 = arith.index_cast %scan3A_304 : i32 to index
      %get3A_323 = arith.constant 16 : index
      %get3A_324 = tpu.vector_load %arg7[%get3A_322, %get3A_323] {strides = array<i32>} : memref<64x256xf32, #tpu.memory_space<vmem>>, vector<16xf32>,
      %add3A_325 = arith.addf %bitcast3A_314, %get3A_324 : vector<16xf32>
      %swap3A_326 = arith.index_cast %scan3A_304 : i32 to index
      %swap3A_327 = arith.constant 16 : index
      %swap3A_328 = tpu.vector_load %arg13[%swap3A_326, %swap3A_327] {strides = array<i32>} : memref<64x256xf32, #tpu.memory_space<vmem>>, vector<16xf32>,
      tpu.vector_store %arg13[%swap3A_326, %swap3A_327], %add3A_325 {strides = array<i32>} : memref<64x256xf32, #tpu.memory_space<vmem>>, vector<16xf32>,
      %get3A_329 = arith.index_cast %scan3A_304 : i32 to index
      %get3A_330 = arith.constant 16 : index
      %get3A_331 = tpu.vector_load %arg9[%get3A_329, %get3A_330] {strides = array<i32>} : memref<64x128xi32, #tpu.memory_space<vmem>>, vector<16xi32>,
      %shift_left3A_332 = arith.constant 16 : i32
      %shift_left3A_333 = vector.broadcast %shift_left3A_332 : i32 to vector<16xi32>
      %shift_left3A_334 = arith.shli %get3A_331, %shift_left3A_333 : vector<16xi32>
      %bitcast3A_335 = vector.bitcast %shift_left3A_334 : vector<16xi32> to vector<16xf32>
      %and3A_336 = vector.broadcast %scan3A_63 : i32 to vector<16xi32>
      %and3A_337 = arith.andi %get3A_331, %and3A_336 : vector<16xi32>
      %bitcast3A_338 = vector.bitcast %and3A_337 : vector<16xi32> to vector<16xf32>
      %get3A_339 = arith.index_cast %scan3A_304 : i32 to index
      %get3A_340 = arith.constant 32 : index
      %get3A_341 = tpu.vector_load %arg7[%get3A_339, %get3A_340] {strides = array<i32>} : memref<64x256xf32, #tpu.memory_space<vmem>>, vector<16xf32>,
      %add3A_342 = arith.addf %bitcast3A_335, %get3A_341 : vector<16xf32>
      %swap3A_343 = arith.index_cast %scan3A_304 : i32 to index
      %swap3A_344 = arith.constant 32 : index
      %swap3A_345 = tpu.vector_load %arg13[%swap3A_343, %swap3A_344] {strides = array<i32>} : memref<64x256xf32, #tpu.memory_space<vmem>>, vector<16xf32>,
      tpu.vector_store %arg13[%swap3A_343, %swap3A_344], %add3A_342 {strides = array<i32>} : memref<64x256xf32, #tpu.memory_space<vmem>>, vector<16xf32>,
      %get3A_346 = arith.index_cast %scan3A_304 : i32 to index
      %get3A_347 = arith.constant 48 : index
      %get3A_348 = tpu.vector_load %arg7[%get3A_346, %get3A_347] {strides = array<i32>} : memref<64x256xf32, #tpu.memory_space<vmem>>, vector<16xf32>,
      %add3A_349 = arith.addf %bitcast3A_338, %get3A_348 : vector<16xf32>
      %swap3A_350 = arith.index_cast %scan3A_304 : i32 to index
      %swap3A_351 = arith.constant 48 : index
      %swap3A_352 = tpu.vector_load %arg13[%swap3A_350, %swap3A_351] {strides = array<i32>} : memref<64x256xf32, #tpu.memory_space<vmem>>, vector<16xf32>,
      tpu.vector_store %arg13[%swap3A_350, %swap3A_351], %add3A_349 {strides = array<i32>} : memref<64x256xf32, #tpu.memory_space<vmem>>, vector<16xf32>,
      %get3A_353 = arith.index_cast %scan3A_304 : i32 to index
      %get3A_354 = arith.constant 32 : index
      %get3A_355 = tpu.vector_load %arg9[%get3A_353, %get3A_354] {strides = array<i32>} : memref<64x128xi32, #tpu.memory_space<vmem>>, vector<16xi32>,
      %shift_left3A_356 = arith.constant 16 : i32
      %shift_left3A_357 = vector.broadcast %shift_left3A_356 : i32 to vector<16xi32>
      %shift_left3A_358 = arith.shli %get3A_355, %shift_left3A_357 : vector<16xi32>
      %bitcast3A_359 = vector.bitcast %shift_left3A_358 : vector<16xi32> to vector<16xf32>
      %and3A_360 = vector.broadcast %scan3A_63 : i32 to vector<16xi32>
      %and3A_361 = arith.andi %get3A_355, %and3A_360 : vector<16xi32>
      %bitcast3A_362 = vector.bitcast %and3A_361 : vector<16xi32> to vector<16xf32>
      %get3A_363 = arith.index_cast %scan3A_304 : i32 to index
      %get3A_364 = arith.constant 64 : index
      %get3A_365 = tpu.vector_load %arg7[%get3A_363, %get3A_364] {strides = array<i32>} : memref<64x256xf32, #tpu.memory_space<vmem>>, vector<16xf32>,
      %add3A_366 = arith.addf %bitcast3A_359, %get3A_365 : vector<16xf32>
      %swap3A_367 = arith.index_cast %scan3A_304 : i32 to index
      %swap3A_368 = arith.constant 64 : index
      %swap3A_369 = tpu.vector_load %arg13[%swap3A_367, %swap3A_368] {strides = array<i32>} : memref<64x256xf32, #tpu.memory_space<vmem>>, vector<16xf32>,
      tpu.vector_store %arg13[%swap3A_367, %swap3A_368], %add3A_366 {strides = array<i32>} : memref<64x256xf32, #tpu.memory_space<vmem>>, vector<16xf32>,
      %get3A_370 = arith.index_cast %scan3A_304 : i32 to index
      %get3A_371 = arith.constant 80 : index
      %get3A_372 = tpu.vector_load %arg7[%get3A_370, %get3A_371] {strides = array<i32>} : memref<64x256xf32, #tpu.memory_space<vmem>>, vector<16xf32>,
      %add3A_373 = arith.addf %bitcast3A_362, %get3A_372 : vector<16xf32>
      %swap3A_374 = arith.index_cast %scan3A_304 : i32 to index
      %swap3A_375 = arith.constant 80 : index
      %swap3A_376 = tpu.vector_load %arg13[%swap3A_374, %swap3A_375] {strides = array<i32>} : memref<64x256xf32, #tpu.memory_space<vmem>>, vector<16xf32>,
      tpu.vector_store %arg13[%swap3A_374, %swap3A_375], %add3A_373 {strides = array<i32>} : memref<64x256xf32, #tpu.memory_space<vmem>>, vector<16xf32>,
      %get3A_377 = arith.index_cast %scan3A_304 : i32 to index
      %get3A_378 = arith.constant 48 : index
      %get3A_379 = tpu.vector_load %arg9[%get3A_377, %get3A_378] {strides = array<i32>} : memref<64x128xi32, #tpu.memory_space<vmem>>, vector<16xi32>,
      %shift_left3A_380 = arith.constant 16 : i32
      %shift_left3A_381 = vector.broadcast %shift_left3A_380 : i32 to vector<16xi32>
      %shift_left3A_382 = arith.shli %get3A_379, %shift_left3A_381 : vector<16xi32>
      %bitcast3A_383 = vector.bitcast %shift_left3A_382 : vector<16xi32> to vector<16xf32>
      %and3A_384 = vector.broadcast %scan3A_63 : i32 to vector<16xi32>
      %and3A_385 = arith.andi %get3A_379, %and3A_384 : vector<16xi32>
      %bitcast3A_386 = vector.bitcast %and3A_385 : vector<16xi32> to vector<16xf32>
      %get3A_387 = arith.index_cast %scan3A_304 : i32 to index
      %get3A_388 = arith.constant 96 : index
      %get3A_389 = tpu.vector_load %arg7[%get3A_387, %get3A_388] {strides = array<i32>} : memref<64x256xf32, #tpu.memory_space<vmem>>, vector<16xf32>,
      %add3A_390 = arith.addf %bitcast3A_383, %get3A_389 : vector<16xf32>
      %swap3A_391 = arith.index_cast %scan3A_304 : i32 to index
      %swap3A_392 = arith.constant 96 : index
      %swap3A_393 = tpu.vector_load %arg13[%swap3A_391, %swap3A_392] {strides = array<i32>} : memref<64x256xf32, #tpu.memory_space<vmem>>, vector<16xf32>,
      tpu.vector_store %arg13[%swap3A_391, %swap3A_392], %add3A_390 {strides = array<i32>} : memref<64x256xf32, #tpu.memory_space<vmem>>, vector<16xf32>,
      %get3A_394 = arith.index_cast %scan3A_304 : i32 to index
      %get3A_395 = arith.constant 112 : index
      %get3A_396 = tpu.vector_load %arg7[%get3A_394, %get3A_395] {strides = array<i32>} : memref<64x256xf32, #tpu.memory_space<vmem>>, vector<16xf32>,
      %add3A_397 = arith.addf %bitcast3A_386, %get3A_396 : vector<16xf32>
      %swap3A_398 = arith.index_cast %scan3A_304 : i32 to index
      %swap3A_399 = arith.constant 112 : index
      %swap3A_400 = tpu.vector_load %arg13[%swap3A_398, %swap3A_399] {strides = array<i32>} : memref<64x256xf32, #tpu.memory_space<vmem>>, vector<16xf32>,
      tpu.vector_store %arg13[%swap3A_398, %swap3A_399], %add3A_397 {strides = array<i32>} : memref<64x256xf32, #tpu.memory_space<vmem>>, vector<16xf32>,
      %get3A_401 = arith.index_cast %scan3A_304 : i32 to index
      %get3A_402 = arith.constant 64 : index
      %get3A_403 = tpu.vector_load %arg9[%get3A_401, %get3A_402] {strides = array<i32>} : memref<64x128xi32, #tpu.memory_space<vmem>>, vector<16xi32>,
      %shift_left3A_404 = arith.constant 16 : i32
      %shift_left3A_405 = vector.broadcast %shift_left3A_404 : i32 to vector<16xi32>
      %shift_left3A_406 = arith.shli %get3A_403, %shift_left3A_405 : vector<16xi32>
      %bitcast3A_407 = vector.bitcast %shift_left3A_406 : vector<16xi32> to vector<16xf32>
      %and3A_408 = vector.broadcast %scan3A_63 : i32 to vector<16xi32>
      %and3A_409 = arith.andi %get3A_403, %and3A_408 : vector<16xi32>
      %bitcast3A_410 = vector.bitcast %and3A_409 : vector<16xi32> to vector<16xf32>
      %get3A_411 = arith.index_cast %scan3A_304 : i32 to index
      %get3A_412 = arith.constant 128 : index
      %get3A_413 = tpu.vector_load %arg7[%get3A_411, %get3A_412] {strides = array<i32>} : memref<64x256xf32, #tpu.memory_space<vmem>>, vector<16xf32>,
      %add3A_414 = arith.addf %bitcast3A_407, %get3A_413 : vector<16xf32>
      %swap3A_415 = arith.index_cast %scan3A_304 : i32 to index
      %swap3A_416 = arith.constant 128 : index
      %swap3A_417 = tpu.vector_load %arg13[%swap3A_415, %swap3A_416] {strides = array<i32>} : memref<64x256xf32, #tpu.memory_space<vmem>>, vector<16xf32>,
      tpu.vector_store %arg13[%swap3A_415, %swap3A_416], %add3A_414 {strides = array<i32>} : memref<64x256xf32, #tpu.memory_space<vmem>>, vector<16xf32>,
      %get3A_418 = arith.index_cast %scan3A_304 : i32 to index
      %get3A_419 = arith.constant 144 : index
      %get3A_420 = tpu.vector_load %arg7[%get3A_418, %get3A_419] {strides = array<i32>} : memref<64x256xf32, #tpu.memory_space<vmem>>, vector<16xf32>,
      %add3A_421 = arith.addf %bitcast3A_410, %get3A_420 : vector<16xf32>
      %swap3A_422 = arith.index_cast %scan3A_304 : i32 to index
      %swap3A_423 = arith.constant 144 : index
      %swap3A_424 = tpu.vector_load %arg13[%swap3A_422, %swap3A_423] {strides = array<i32>} : memref<64x256xf32, #tpu.memory_space<vmem>>, vector<16xf32>,
      tpu.vector_store %arg13[%swap3A_422, %swap3A_423], %add3A_421 {strides = array<i32>} : memref<64x256xf32, #tpu.memory_space<vmem>>, vector<16xf32>,
      %get3A_425 = arith.index_cast %scan3A_304 : i32 to index
      %get3A_426 = arith.constant 80 : index
      %get3A_427 = tpu.vector_load %arg9[%get3A_425, %get3A_426] {strides = array<i32>} : memref<64x128xi32, #tpu.memory_space<vmem>>, vector<16xi32>,
      %shift_left3A_428 = arith.constant 16 : i32
      %shift_left3A_429 = vector.broadcast %shift_left3A_428 : i32 to vector<16xi32>
      %shift_left3A_430 = arith.shli %get3A_427, %shift_left3A_429 : vector<16xi32>
      %bitcast3A_431 = vector.bitcast %shift_left3A_430 : vector<16xi32> to vector<16xf32>
      %and3A_432 = vector.broadcast %scan3A_63 : i32 to vector<16xi32>
      %and3A_433 = arith.andi %get3A_427, %and3A_432 : vector<16xi32>
      %bitcast3A_434 = vector.bitcast %and3A_433 : vector<16xi32> to vector<16xf32>
      %get3A_435 = arith.index_cast %scan3A_304 : i32 to index
      %get3A_436 = arith.constant 160 : index
      %get3A_437 = tpu.vector_load %arg7[%get3A_435, %get3A_436] {strides = array<i32>} : memref<64x256xf32, #tpu.memory_space<vmem>>, vector<16xf32>,
      %add3A_438 = arith.addf %bitcast3A_431, %get3A_437 : vector<16xf32>
      %swap3A_439 = arith.index_cast %scan3A_304 : i32 to index
      %swap3A_440 = arith.constant 160 : index
      %swap3A_441 = tpu.vector_load %arg13[%swap3A_439, %swap3A_440] {strides = array<i32>} : memref<64x256xf32, #tpu.memory_space<vmem>>, vector<16xf32>,
      tpu.vector_store %arg13[%swap3A_439, %swap3A_440], %add3A_438 {strides = array<i32>} : memref<64x256xf32, #tpu.memory_space<vmem>>, vector<16xf32>,
      %get3A_442 = arith.index_cast %scan3A_304 : i32 to index
      %get3A_443 = arith.constant 176 : index
      %get3A_444 = tpu.vector_load %arg7[%get3A_442, %get3A_443] {strides = array<i32>} : memref<64x256xf32, #tpu.memory_space<vmem>>, vector<16xf32>,
      %add3A_445 = arith.addf %bitcast3A_434, %get3A_444 : vector<16xf32>
      %swap3A_446 = arith.index_cast %scan3A_304 : i32 to index
      %swap3A_447 = arith.constant 176 : index
      %swap3A_448 = tpu.vector_load %arg13[%swap3A_446, %swap3A_447] {strides = array<i32>} : memref<64x256xf32, #tpu.memory_space<vmem>>, vector<16xf32>,
      tpu.vector_store %arg13[%swap3A_446, %swap3A_447], %add3A_445 {strides = array<i32>} : memref<64x256xf32, #tpu.memory_space<vmem>>, vector<16xf32>,
      %get3A_449 = arith.index_cast %scan3A_304 : i32 to index
      %get3A_450 = arith.constant 96 : index
      %get3A_451 = tpu.vector_load %arg9[%get3A_449, %get3A_450] {strides = array<i32>} : memref<64x128xi32, #tpu.memory_space<vmem>>, vector<16xi32>,
      %shift_left3A_452 = arith.constant 16 : i32
      %shift_left3A_453 = vector.broadcast %shift_left3A_452 : i32 to vector<16xi32>
      %shift_left3A_454 = arith.shli %get3A_451, %shift_left3A_453 : vector<16xi32>
      %bitcast3A_455 = vector.bitcast %shift_left3A_454 : vector<16xi32> to vector<16xf32>
      %and3A_456 = vector.broadcast %scan3A_63 : i32 to vector<16xi32>
      %and3A_457 = arith.andi %get3A_451, %and3A_456 : vector<16xi32>
      %bitcast3A_458 = vector.bitcast %and3A_457 : vector<16xi32> to vector<16xf32>
      %get3A_459 = arith.index_cast %scan3A_304 : i32 to index
      %get3A_460 = arith.constant 192 : index
      %get3A_461 = tpu.vector_load %arg7[%get3A_459, %get3A_460] {strides = array<i32>} : memref<64x256xf32, #tpu.memory_space<vmem>>, vector<16xf32>,
      %add3A_462 = arith.addf %bitcast3A_455, %get3A_461 : vector<16xf32>
      %swap3A_463 = arith.index_cast %scan3A_304 : i32 to index
      %swap3A_464 = arith.constant 192 : index
      %swap3A_465 = tpu.vector_load %arg13[%swap3A_463, %swap3A_464] {strides = array<i32>} : memref<64x256xf32, #tpu.memory_space<vmem>>, vector<16xf32>,
      tpu.vector_store %arg13[%swap3A_463, %swap3A_464], %add3A_462 {strides = array<i32>} : memref<64x256xf32, #tpu.memory_space<vmem>>, vector<16xf32>,
      %get3A_466 = arith.index_cast %scan3A_304 : i32 to index
      %get3A_467 = arith.constant 208 : index
      %get3A_468 = tpu.vector_load %arg7[%get3A_466, %get3A_467] {strides = array<i32>} : memref<64x256xf32, #tpu.memory_space<vmem>>, vector<16xf32>,
      %add3A_469 = arith.addf %bitcast3A_458, %get3A_468 : vector<16xf32>
      %swap3A_470 = arith.index_cast %scan3A_304 : i32 to index
      %swap3A_471 = arith.constant 208 : index
      %swap3A_472 = tpu.vector_load %arg13[%swap3A_470, %swap3A_471] {strides = array<i32>} : memref<64x256xf32, #tpu.memory_space<vmem>>, vector<16xf32>,
      tpu.vector_store %arg13[%swap3A_470, %swap3A_471], %add3A_469 {strides = array<i32>} : memref<64x256xf32, #tpu.memory_space<vmem>>, vector<16xf32>,
      %get3A_473 = arith.index_cast %scan3A_304 : i32 to index
      %get3A_474 = arith.constant 112 : index
      %get3A_475 = tpu.vector_load %arg9[%get3A_473, %get3A_474] {strides = array<i32>} : memref<64x128xi32, #tpu.memory_space<vmem>>, vector<16xi32>,
      %shift_left3A_476 = arith.constant 16 : i32
      %shift_left3A_477 = vector.broadcast %shift_left3A_476 : i32 to vector<16xi32>
      %shift_left3A_478 = arith.shli %get3A_475, %shift_left3A_477 : vector<16xi32>
      %bitcast3A_479 = vector.bitcast %shift_left3A_478 : vector<16xi32> to vector<16xf32>
      %and3A_480 = vector.broadcast %scan3A_63 : i32 to vector<16xi32>
      %and3A_481 = arith.andi %get3A_475, %and3A_480 : vector<16xi32>
      %bitcast3A_482 = vector.bitcast %and3A_481 : vector<16xi32> to vector<16xf32>
      %get3A_483 = arith.index_cast %scan3A_304 : i32 to index
      %get3A_484 = arith.constant 224 : index
      %get3A_485 = tpu.vector_load %arg7[%get3A_483, %get3A_484] {strides = array<i32>} : memref<64x256xf32, #tpu.memory_space<vmem>>, vector<16xf32>,
      %add3A_486 = arith.addf %bitcast3A_479, %get3A_485 : vector<16xf32>
      %swap3A_487 = arith.index_cast %scan3A_304 : i32 to index
      %swap3A_488 = arith.constant 224 : index
      %swap3A_489 = tpu.vector_load %arg13[%swap3A_487, %swap3A_488] {strides = array<i32>} : memref<64x256xf32, #tpu.memory_space<vmem>>, vector<16xf32>,
      tpu.vector_store %arg13[%swap3A_487, %swap3A_488], %add3A_486 {strides = array<i32>} : memref<64x256xf32, #tpu.memory_space<vmem>>, vector<16xf32>,
      %get3A_490 = arith.index_cast %scan3A_304 : i32 to index
      %get3A_491 = arith.constant 240 : index
      %get3A_492 = tpu.vector_load %arg7[%get3A_490, %get3A_491] {strides = array<i32>} : memref<64x256xf32, #tpu.memory_space<vmem>>, vector<16xf32>,
      %add3A_493 = arith.addf %bitcast3A_482, %get3A_492 : vector<16xf32>
      %swap3A_494 = arith.index_cast %scan3A_304 : i32 to index
      %swap3A_495 = arith.constant 240 : index
      %swap3A_496 = tpu.vector_load %arg13[%swap3A_494, %swap3A_495] {strides = array<i32>} : memref<64x256xf32, #tpu.memory_space<vmem>>, vector<16xf32>,
      tpu.vector_store %arg13[%swap3A_494, %swap3A_495], %add3A_493 {strides = array<i32>} : memref<64x256xf32, #tpu.memory_space<vmem>>, vector<16xf32>,
    }
    %scan3A_68 = arith.constant 64 : i32
    %add3A_69 = arith.constant 32 : i32
    %add3A_70 = arith.addi %add3A, %add3A_69 : i32
    %mul3A_71 = arith.constant 64 : i32
    %mul3A_72 = arith.muli %add3A_70, %mul3A_71 : i32
    %multiple_of3A_73 = tpu.assume_multiple %mul3A_72, 64 : i32
    %dma_start3A_74 = arith.constant 0 : i32
    %dma_start3A_75 = tpu.memref_slice %arg5[%multiple_of3A_73, %dma_start3A_74] : memref<16384x256xf32, #tpu.memory_space<hbm>> -> memref<64x256xf32, #tpu.memory_space<hbm>>
    %dma_start3A_76 = arith.constant 0 : i32
    %dma_start3A_77 = tpu.memref_slice %arg5[%multiple_of3A_73, %dma_start3A_76] : memref<16384x256xf32, #tpu.memory_space<hbm>> -> memref<64x256xf32, #tpu.memory_space<hbm>>
    tpu.enqueue_dma source(%arg13 : memref<64x256xf32, #tpu.memory_space<vmem>>) target(%dma_start3A_77 : memref<64x256xf32, #tpu.memory_space<hbm>>) target_semaphore(%arg19 : memref<!tpu.dma_semaphore, #tpu.memory_space<semaphore_mem>>)
    %scan3A_78 = arith.constant 0 : i32
    %scan3A_79 = arith.constant -65536 : i32
    %scan3A_80 = arith.constant 2 : i32
    %scan3A_81 = arith.constant 6 : i32
    %scan3A_82 = arith.addi %scan3A_80, %scan3A_81 : i32
    %scan3A_83 = arith.constant 1 : i32
    scf.for %scan3A_115 = %scan3A_80 to %scan3A_82 step %scan3A_83  : i32 {
      %add3A_116 = arith.constant 3 : i32
      %add3A_117 = arith.addi %scan3A_115, %add3A_116 : i32
      %min3A = arith.constant 7 : i32
      %min3A_118 = arith.minsi %add3A_117, %min3A : i32
      %jit3A = arith.constant 4 : i32
      %eq3A = arith.constant 0 : i32
      %eq3A_119 = arith.cmpi eq, %jit3A, %eq3A : i32
      %jit3A_120 = arith.constant 1 : i32
      %select_n3A = arith.select %eq3A_119, %jit3A_120, %jit3A : i32
      %rem3A = arith.remsi %scan3A_115, %select_n3A : i32
      %ne3A = arith.constant 0 : i32
      %ne3A_121 = arith.cmpi ne, %rem3A, %ne3A : i32
      %lt3A = arith.constant 0 : i32
      %lt3A_122 = arith.cmpi slt, %rem3A, %lt3A : i32
      %lt3A_123 = arith.constant 0 : i32
      %lt3A_124 = arith.cmpi slt, %select_n3A, %lt3A_123 : i32
      %ne3A_125 = arith.xori %lt3A_122, %lt3A_124 : i1
      %and3A = arith.andi %ne3A_125, %ne3A_121 : i1
      %add3A_126 = arith.addi %rem3A, %select_n3A : i32
      %select_n3A_127 = arith.select %and3A, %add3A_126, %rem3A : i32
      %eq3A_128 = arith.constant 0 : i32
      %eq3A_129 = arith.cmpi eq, %select_n3A_127, %eq3A_128 : i32
      %convert_element_type3A = arith.extui %eq3A_129 : i1 to i32
      %cond3A = arith.constant 0 : i32
      %cond3A_130 = arith.cmpi ne, %convert_element_type3A, %cond3A : i32
      scf.if %cond3A_130 {
        %dma_start3A_194 = arith.constant 0 : i32
        %dma_start3A_195 = tpu.memref_slice %arg6[%min3A_118, %dma_start3A_194] : memref<8x64xi32, #tpu.memory_space<vmem>> -> memref<1x64xi32, #tpu.memory_space<vmem>>
        %dma_start3A_196 = tpu.memref_squeeze %dma_start3A_195 : memref<1x64xi32, #tpu.memory_space<vmem>> -> memref<64xi32, #tpu.memory_space<vmem>>
        %dma_start3A_197 = arith.constant 0 : i32
        %dma_start3A_198 = arith.constant 0 : i32
        %dma_start3A_199 = tpu.memref_slice %arg2[%dma_start3A_197, %dma_start3A_198] : memref<2064x128xi32, #tpu.memory_space<hbm>> -> memref<2064x128xi32, #tpu.memory_space<hbm>>
        tpu.enqueue_indirect_dma source(%dma_start3A_199 : memref<2064x128xi32, #tpu.memory_space<hbm>>) target(%arg11 : memref<64x128xi32, #tpu.memory_space<vmem>>) offsets(%dma_start3A_196 : memref<64xi32, #tpu.memory_space<vmem>>) semaphore(%arg17 : memref<!tpu.dma_semaphore, #tpu.memory_space<semaphore_mem>>)
        %dma_wait3A_200 = arith.constant 0 : i32
        %dma_wait3A_201 = arith.constant 0 : i32
        %dma_wait3A_202 = tpu.memref_slice %arg5[%dma_wait3A_200, %dma_wait3A_201] : memref<16384x256xf32, #tpu.memory_space<hbm>> -> memref<64x256xf32, #tpu.memory_space<hbm>>
        %dma_wait3A_203 = arith.constant 0 : i32
        %dma_wait3A_204 = arith.constant 0 : i32
        %dma_wait3A_205 = tpu.memref_slice %arg5[%dma_wait3A_203, %dma_wait3A_204] : memref<16384x256xf32, #tpu.memory_space<hbm>> -> memref<64x256xf32, #tpu.memory_space<hbm>>
        tpu.wait_dma2 semaphore(%arg18 : memref<!tpu.dma_semaphore, #tpu.memory_space<semaphore_mem>>) src(%arg12 : memref<64x256xf32, #tpu.memory_space<vmem>>) dst(%dma_wait3A_205 : memref<64x256xf32, #tpu.memory_space<hbm>>)
        %dma_wait3A_206 = arith.constant 0 : i32
        %dma_wait3A_207 = arith.constant 0 : i32
        %dma_wait3A_208 = tpu.memref_slice %arg2[%dma_wait3A_206, %dma_wait3A_207] : memref<2064x128xi32, #tpu.memory_space<hbm>> -> memref<64x128xi32, #tpu.memory_space<hbm>>
        %dma_wait3A_209 = arith.constant 0 : i32
        %dma_wait3A_210 = arith.constant 0 : i32
        %dma_wait3A_211 = tpu.memref_slice %arg2[%dma_wait3A_209, %dma_wait3A_210] : memref<2064x128xi32, #tpu.memory_space<hbm>> -> memref<64x128xi32, #tpu.memory_space<hbm>>
        tpu.wait_dma2 semaphore(%arg14 : memref<!tpu.dma_semaphore, #tpu.memory_space<semaphore_mem>>) src(%dma_wait3A_211 : memref<64x128xi32, #tpu.memory_space<hbm>>) dst(%arg8 : memref<64x128xi32, #tpu.memory_space<vmem>>)
        %scan3A_212 = arith.constant 0 : i32
        %scan3A_213 = arith.constant 0 : i32
        %scan3A_214 = arith.constant 64 : i32
        %scan3A_215 = arith.addi %scan3A_213, %scan3A_214 : i32
        %scan3A_216 = arith.constant 2 : i32
        scf.for %scan3A_228 = %scan3A_213 to %scan3A_215 step %scan3A_216  : i32 {
          %get3A = arith.index_cast %scan3A_228 : i32 to index
          %get3A_229 = arith.constant 0 : index
          %get3A_230 = tpu.vector_load %arg8[%get3A, %get3A_229] {strides = array<i32>} : memref<64x128xi32, #tpu.memory_space<vmem>>, vector<16xi32>,
          %shift_left3A = arith.constant 16 : i32
          %shift_left3A_231 = vector.broadcast %shift_left3A : i32 to vector<16xi32>
          %shift_left3A_232 = arith.shli %get3A_230, %shift_left3A_231 : vector<16xi32>
          %bitcast3A = vector.bitcast %shift_left3A_232 : vector<16xi32> to vector<16xf32>
          %and3A_233 = vector.broadcast %scan3A_79 : i32 to vector<16xi32>
          %and3A_234 = arith.andi %get3A_230, %and3A_233 : vector<16xi32>
          %bitcast3A_235 = vector.bitcast %and3A_234 : vector<16xi32> to vector<16xf32>
          %get3A_236 = arith.index_cast %scan3A_228 : i32 to index
          %get3A_237 = arith.constant 0 : index
          %get3A_238 = tpu.vector_load %arg7[%get3A_236, %get3A_237] {strides = array<i32>} : memref<64x256xf32, #tpu.memory_space<vmem>>, vector<16xf32>,
          %add3A_239 = arith.addf %bitcast3A, %get3A_238 : vector<16xf32>
          %swap3A = arith.index_cast %scan3A_228 : i32 to index
          %swap3A_240 = arith.constant 0 : index
          %swap3A_241 = tpu.vector_load %arg12[%swap3A, %swap3A_240] {strides = array<i32>} : memref<64x256xf32, #tpu.memory_space<vmem>>, vector<16xf32>,
          tpu.vector_store %arg12[%swap3A, %swap3A_240], %add3A_239 {strides = array<i32>} : memref<64x256xf32, #tpu.memory_space<vmem>>, vector<16xf32>,
          %get3A_242 = arith.index_cast %scan3A_228 : i32 to index
          %get3A_243 = arith.constant 16 : index
          %get3A_244 = tpu.vector_load %arg7[%get3A_242, %get3A_243] {strides = array<i32>} : memref<64x256xf32, #tpu.memory_space<vmem>>, vector<16xf32>,
          %add3A_245 = arith.addf %bitcast3A_235, %get3A_244 : vector<16xf32>
          %swap3A_246 = arith.index_cast %scan3A_228 : i32 to index
          %swap3A_247 = arith.constant 16 : index
          %swap3A_248 = tpu.vector_load %arg12[%swap3A_246, %swap3A_247] {strides = array<i32>} : memref<64x256xf32, #tpu.memory_space<vmem>>, vector<16xf32>,
          tpu.vector_store %arg12[%swap3A_246, %swap3A_247], %add3A_245 {strides = array<i32>} : memref<64x256xf32, #tpu.memory_space<vmem>>, vector<16xf32>,
          %get3A_249 = arith.index_cast %scan3A_228 : i32 to index
          %get3A_250 = arith.constant 16 : index
          %get3A_251 = tpu.vector_load %arg8[%get3A_249, %get3A_250] {strides = array<i32>} : memref<64x128xi32, #tpu.memory_space<vmem>>, vector<16xi32>,
          %shift_left3A_252 = arith.constant 16 : i32
          %shift_left3A_253 = vector.broadcast %shift_left3A_252 : i32 to vector<16xi32>
          %shift_left3A_254 = arith.shli %get3A_251, %shift_left3A_253 : vector<16xi32>
          %bitcast3A_255 = vector.bitcast %shift_left3A_254 : vector<16xi32> to vector<16xf32>
          %and3A_256 = vector.broadcast %scan3A_79 : i32 to vector<16xi32>
          %and3A_257 = arith.andi %get3A_251, %and3A_256 : vector<16xi32>
          %bitcast3A_258 = vector.bitcast %and3A_257 : vector<16xi32> to vector<16xf32>
          %get3A_259 = arith.index_cast %scan3A_228 : i32 to index
          %get3A_260 = arith.constant 32 : index
          %get3A_261 = tpu.vector_load %arg7[%get3A_259, %get3A_260] {strides = array<i32>} : memref<64x256xf32, #tpu.memory_space<vmem>>, vector<16xf32>,
          %add3A_262 = arith.addf %bitcast3A_255, %get3A_261 : vector<16xf32>
          %swap3A_263 = arith.index_cast %scan3A_228 : i32 to index
          %swap3A_264 = arith.constant 32 : index
          %swap3A_265 = tpu.vector_load %arg12[%swap3A_263, %swap3A_264] {strides = array<i32>} : memref<64x256xf32, #tpu.memory_space<vmem>>, vector<16xf32>,
          tpu.vector_store %arg12[%swap3A_263, %swap3A_264], %add3A_262 {strides = array<i32>} : memref<64x256xf32, #tpu.memory_space<vmem>>, vector<16xf32>,
          %get3A_266 = arith.index_cast %scan3A_228 : i32 to index
          %get3A_267 = arith.constant 48 : index
          %get3A_268 = tpu.vector_load %arg7[%get3A_266, %get3A_267] {strides = array<i32>} : memref<64x256xf32, #tpu.memory_space<vmem>>, vector<16xf32>,
          %add3A_269 = arith.addf %bitcast3A_258, %get3A_268 : vector<16xf32>
          %swap3A_270 = arith.index_cast %scan3A_228 : i32 to index
          %swap3A_271 = arith.constant 48 : index
          %swap3A_272 = tpu.vector_load %arg12[%swap3A_270, %swap3A_271] {strides = array<i32>} : memref<64x256xf32, #tpu.memory_space<vmem>>, vector<16xf32>,
          tpu.vector_store %arg12[%swap3A_270, %swap3A_271], %add3A_269 {strides = array<i32>} : memref<64x256xf32, #tpu.memory_space<vmem>>, vector<16xf32>,
          %get3A_273 = arith.index_cast %scan3A_228 : i32 to index
          %get3A_274 = arith.constant 32 : index
          %get3A_275 = tpu.vector_load %arg8[%get3A_273, %get3A_274] {strides = array<i32>} : memref<64x128xi32, #tpu.memory_space<vmem>>, vector<16xi32>,
          %shift_left3A_276 = arith.constant 16 : i32
          %shift_left3A_277 = vector.broadcast %shift_left3A_276 : i32 to vector<16xi32>
          %shift_left3A_278 = arith.shli %get3A_275, %shift_left3A_277 : vector<16xi32>
          %bitcast3A_279 = vector.bitcast %shift_left3A_278 : vector<16xi32> to vector<16xf32>
          %and3A_280 = vector.broadcast %scan3A_79 : i32 to vector<16xi32>
          %and3A_281 = arith.andi %get3A_275, %and3A_280 : vector<16xi32>
          %bitcast3A_282 = vector.bitcast %and3A_281 : vector<16xi32> to vector<16xf32>
          %get3A_283 = arith.index_cast %scan3A_228 : i32 to index
          %get3A_284 = arith.constant 64 : index
          %get3A_285 = tpu.vector_load %arg7[%get3A_283, %get3A_284] {strides = array<i32>} : memref<64x256xf32, #tpu.memory_space<vmem>>, vector<16xf32>,
          %add3A_286 = arith.addf %bitcast3A_279, %get3A_285 : vector<16xf32>
          %swap3A_287 = arith.index_cast %scan3A_228 : i32 to index
          %swap3A_288 = arith.constant 64 : index
          %swap3A_289 = tpu.vector_load %arg12[%swap3A_287, %swap3A_288] {strides = array<i32>} : memref<64x256xf32, #tpu.memory_space<vmem>>, vector<16xf32>,
          tpu.vector_store %arg12[%swap3A_287, %swap3A_288], %add3A_286 {strides = array<i32>} : memref<64x256xf32, #tpu.memory_space<vmem>>, vector<16xf32>,
          %get3A_290 = arith.index_cast %scan3A_228 : i32 to index
          %get3A_291 = arith.constant 80 : index
          %get3A_292 = tpu.vector_load %arg7[%get3A_290, %get3A_291] {strides = array<i32>} : memref<64x256xf32, #tpu.memory_space<vmem>>, vector<16xf32>,
          %add3A_293 = arith.addf %bitcast3A_282, %get3A_292 : vector<16xf32>
          %swap3A_294 = arith.index_cast %scan3A_228 : i32 to index
          %swap3A_295 = arith.constant 80 : index
          %swap3A_296 = tpu.vector_load %arg12[%swap3A_294, %swap3A_295] {strides = array<i32>} : memref<64x256xf32, #tpu.memory_space<vmem>>, vector<16xf32>,
          tpu.vector_store %arg12[%swap3A_294, %swap3A_295], %add3A_293 {strides = array<i32>} : memref<64x256xf32, #tpu.memory_space<vmem>>, vector<16xf32>,
          %get3A_297 = arith.index_cast %scan3A_228 : i32 to index
          %get3A_298 = arith.constant 48 : index
          %get3A_299 = tpu.vector_load %arg8[%get3A_297, %get3A_298] {strides = array<i32>} : memref<64x128xi32, #tpu.memory_space<vmem>>, vector<16xi32>,
          %shift_left3A_300 = arith.constant 16 : i32
          %shift_left3A_301 = vector.broadcast %shift_left3A_300 : i32 to vector<16xi32>
          %shift_left3A_302 = arith.shli %get3A_299, %shift_left3A_301 : vector<16xi32>
          %bitcast3A_303 = vector.bitcast %shift_left3A_302 : vector<16xi32> to vector<16xf32>
          %and3A_304 = vector.broadcast %scan3A_79 : i32 to vector<16xi32>
          %and3A_305 = arith.andi %get3A_299, %and3A_304 : vector<16xi32>
          %bitcast3A_306 = vector.bitcast %and3A_305 : vector<16xi32> to vector<16xf32>
          %get3A_307 = arith.index_cast %scan3A_228 : i32 to index
          %get3A_308 = arith.constant 96 : index
          %get3A_309 = tpu.vector_load %arg7[%get3A_307, %get3A_308] {strides = array<i32>} : memref<64x256xf32, #tpu.memory_space<vmem>>, vector<16xf32>,
          %add3A_310 = arith.addf %bitcast3A_303, %get3A_309 : vector<16xf32>
          %swap3A_311 = arith.index_cast %scan3A_228 : i32 to index
          %swap3A_312 = arith.constant 96 : index
          %swap3A_313 = tpu.vector_load %arg12[%swap3A_311, %swap3A_312] {strides = array<i32>} : memref<64x256xf32, #tpu.memory_space<vmem>>, vector<16xf32>,
          tpu.vector_store %arg12[%swap3A_311, %swap3A_312], %add3A_310 {strides = array<i32>} : memref<64x256xf32, #tpu.memory_space<vmem>>, vector<16xf32>,
          %get3A_314 = arith.index_cast %scan3A_228 : i32 to index
          %get3A_315 = arith.constant 112 : index
          %get3A_316 = tpu.vector_load %arg7[%get3A_314, %get3A_315] {strides = array<i32>} : memref<64x256xf32, #tpu.memory_space<vmem>>, vector<16xf32>,
          %add3A_317 = arith.addf %bitcast3A_306, %get3A_316 : vector<16xf32>
          %swap3A_318 = arith.index_cast %scan3A_228 : i32 to index
          %swap3A_319 = arith.constant 112 : index
          %swap3A_320 = tpu.vector_load %arg12[%swap3A_318, %swap3A_319] {strides = array<i32>} : memref<64x256xf32, #tpu.memory_space<vmem>>, vector<16xf32>,
          tpu.vector_store %arg12[%swap3A_318, %swap3A_319], %add3A_317 {strides = array<i32>} : memref<64x256xf32, #tpu.memory_space<vmem>>, vector<16xf32>,
          %get3A_321 = arith.index_cast %scan3A_228 : i32 to index
          %get3A_322 = arith.constant 64 : index
          %get3A_323 = tpu.vector_load %arg8[%get3A_321, %get3A_322] {strides = array<i32>} : memref<64x128xi32, #tpu.memory_space<vmem>>, vector<16xi32>,
          %shift_left3A_324 = arith.constant 16 : i32
          %shift_left3A_325 = vector.broadcast %shift_left3A_324 : i32 to vector<16xi32>
          %shift_left3A_326 = arith.shli %get3A_323, %shift_left3A_325 : vector<16xi32>
          %bitcast3A_327 = vector.bitcast %shift_left3A_326 : vector<16xi32> to vector<16xf32>
          %and3A_328 = vector.broadcast %scan3A_79 : i32 to vector<16xi32>
          %and3A_329 = arith.andi %get3A_323, %and3A_328 : vector<16xi32>
          %bitcast3A_330 = vector.bitcast %and3A_329 : vector<16xi32> to vector<16xf32>
          %get3A_331 = arith.index_cast %scan3A_228 : i32 to index
          %get3A_332 = arith.constant 128 : index
          %get3A_333 = tpu.vector_load %arg7[%get3A_331, %get3A_332] {strides = array<i32>} : memref<64x256xf32, #tpu.memory_space<vmem>>, vector<16xf32>,
          %add3A_334 = arith.addf %bitcast3A_327, %get3A_333 : vector<16xf32>
          %swap3A_335 = arith.index_cast %scan3A_228 : i32 to index
          %swap3A_336 = arith.constant 128 : index
          %swap3A_337 = tpu.vector_load %arg12[%swap3A_335, %swap3A_336] {strides = array<i32>} : memref<64x256xf32, #tpu.memory_space<vmem>>, vector<16xf32>,
          tpu.vector_store %arg12[%swap3A_335, %swap3A_336], %add3A_334 {strides = array<i32>} : memref<64x256xf32, #tpu.memory_space<vmem>>, vector<16xf32>,
          %get3A_338 = arith.index_cast %scan3A_228 : i32 to index
          %get3A_339 = arith.constant 144 : index
          %get3A_340 = tpu.vector_load %arg7[%get3A_338, %get3A_339] {strides = array<i32>} : memref<64x256xf32, #tpu.memory_space<vmem>>, vector<16xf32>,
          %add3A_341 = arith.addf %bitcast3A_330, %get3A_340 : vector<16xf32>
          %swap3A_342 = arith.index_cast %scan3A_228 : i32 to index
          %swap3A_343 = arith.constant 144 : index
          %swap3A_344 = tpu.vector_load %arg12[%swap3A_342, %swap3A_343] {strides = array<i32>} : memref<64x256xf32, #tpu.memory_space<vmem>>, vector<16xf32>,
          tpu.vector_store %arg12[%swap3A_342, %swap3A_343], %add3A_341 {strides = array<i32>} : memref<64x256xf32, #tpu.memory_space<vmem>>, vector<16xf32>,
          %get3A_345 = arith.index_cast %scan3A_228 : i32 to index
          %get3A_346 = arith.constant 80 : index
          %get3A_347 = tpu.vector_load %arg8[%get3A_345, %get3A_346] {strides = array<i32>} : memref<64x128xi32, #tpu.memory_space<vmem>>, vector<16xi32>,
          %shift_left3A_348 = arith.constant 16 : i32
          %shift_left3A_349 = vector.broadcast %shift_left3A_348 : i32 to vector<16xi32>
          %shift_left3A_350 = arith.shli %get3A_347, %shift_left3A_349 : vector<16xi32>
          %bitcast3A_351 = vector.bitcast %shift_left3A_350 : vector<16xi32> to vector<16xf32>
          %and3A_352 = vector.broadcast %scan3A_79 : i32 to vector<16xi32>
          %and3A_353 = arith.andi %get3A_347, %and3A_352 : vector<16xi32>
          %bitcast3A_354 = vector.bitcast %and3A_353 : vector<16xi32> to vector<16xf32>
          %get3A_355 = arith.index_cast %scan3A_228 : i32 to index
          %get3A_356 = arith.constant 160 : index
          %get3A_357 = tpu.vector_load %arg7[%get3A_355, %get3A_356] {strides = array<i32>} : memref<64x256xf32, #tpu.memory_space<vmem>>, vector<16xf32>,
          %add3A_358 = arith.addf %bitcast3A_351, %get3A_357 : vector<16xf32>
          %swap3A_359 = arith.index_cast %scan3A_228 : i32 to index
          %swap3A_360 = arith.constant 160 : index
          %swap3A_361 = tpu.vector_load %arg12[%swap3A_359, %swap3A_360] {strides = array<i32>} : memref<64x256xf32, #tpu.memory_space<vmem>>, vector<16xf32>,
          tpu.vector_store %arg12[%swap3A_359, %swap3A_360], %add3A_358 {strides = array<i32>} : memref<64x256xf32, #tpu.memory_space<vmem>>, vector<16xf32>,
          %get3A_362 = arith.index_cast %scan3A_228 : i32 to index
          %get3A_363 = arith.constant 176 : index
          %get3A_364 = tpu.vector_load %arg7[%get3A_362, %get3A_363] {strides = array<i32>} : memref<64x256xf32, #tpu.memory_space<vmem>>, vector<16xf32>,
          %add3A_365 = arith.addf %bitcast3A_354, %get3A_364 : vector<16xf32>
          %swap3A_366 = arith.index_cast %scan3A_228 : i32 to index
          %swap3A_367 = arith.constant 176 : index
          %swap3A_368 = tpu.vector_load %arg12[%swap3A_366, %swap3A_367] {strides = array<i32>} : memref<64x256xf32, #tpu.memory_space<vmem>>, vector<16xf32>,
          tpu.vector_store %arg12[%swap3A_366, %swap3A_367], %add3A_365 {strides = array<i32>} : memref<64x256xf32, #tpu.memory_space<vmem>>, vector<16xf32>,
          %get3A_369 = arith.index_cast %scan3A_228 : i32 to index
          %get3A_370 = arith.constant 96 : index
          %get3A_371 = tpu.vector_load %arg8[%get3A_369, %get3A_370] {strides = array<i32>} : memref<64x128xi32, #tpu.memory_space<vmem>>, vector<16xi32>,
          %shift_left3A_372 = arith.constant 16 : i32
          %shift_left3A_373 = vector.broadcast %shift_left3A_372 : i32 to vector<16xi32>
          %shift_left3A_374 = arith.shli %get3A_371, %shift_left3A_373 : vector<16xi32>
          %bitcast3A_375 = vector.bitcast %shift_left3A_374 : vector<16xi32> to vector<16xf32>
          %and3A_376 = vector.broadcast %scan3A_79 : i32 to vector<16xi32>
          %and3A_377 = arith.andi %get3A_371, %and3A_376 : vector<16xi32>
          %bitcast3A_378 = vector.bitcast %and3A_377 : vector<16xi32> to vector<16xf32>
          %get3A_379 = arith.index_cast %scan3A_228 : i32 to index
          %get3A_380 = arith.constant 192 : index
          %get3A_381 = tpu.vector_load %arg7[%get3A_379, %get3A_380] {strides = array<i32>} : memref<64x256xf32, #tpu.memory_space<vmem>>, vector<16xf32>,
          %add3A_382 = arith.addf %bitcast3A_375, %get3A_381 : vector<16xf32>
          %swap3A_383 = arith.index_cast %scan3A_228 : i32 to index
          %swap3A_384 = arith.constant 192 : index
          %swap3A_385 = tpu.vector_load %arg12[%swap3A_383, %swap3A_384] {strides = array<i32>} : memref<64x256xf32, #tpu.memory_space<vmem>>, vector<16xf32>,
          tpu.vector_store %arg12[%swap3A_383, %swap3A_384], %add3A_382 {strides = array<i32>} : memref<64x256xf32, #tpu.memory_space<vmem>>, vector<16xf32>,
          %get3A_386 = arith.index_cast %scan3A_228 : i32 to index
          %get3A_387 = arith.constant 208 : index
          %get3A_388 = tpu.vector_load %arg7[%get3A_386, %get3A_387] {strides = array<i32>} : memref<64x256xf32, #tpu.memory_space<vmem>>, vector<16xf32>,
          %add3A_389 = arith.addf %bitcast3A_378, %get3A_388 : vector<16xf32>
          %swap3A_390 = arith.index_cast %scan3A_228 : i32 to index
          %swap3A_391 = arith.constant 208 : index
          %swap3A_392 = tpu.vector_load %arg12[%swap3A_390, %swap3A_391] {strides = array<i32>} : memref<64x256xf32, #tpu.memory_space<vmem>>, vector<16xf32>,
          tpu.vector_store %arg12[%swap3A_390, %swap3A_391], %add3A_389 {strides = array<i32>} : memref<64x256xf32, #tpu.memory_space<vmem>>, vector<16xf32>,
          %get3A_393 = arith.index_cast %scan3A_228 : i32 to index
          %get3A_394 = arith.constant 112 : index
          %get3A_395 = tpu.vector_load %arg8[%get3A_393, %get3A_394] {strides = array<i32>} : memref<64x128xi32, #tpu.memory_space<vmem>>, vector<16xi32>,
          %shift_left3A_396 = arith.constant 16 : i32
          %shift_left3A_397 = vector.broadcast %shift_left3A_396 : i32 to vector<16xi32>
          %shift_left3A_398 = arith.shli %get3A_395, %shift_left3A_397 : vector<16xi32>
          %bitcast3A_399 = vector.bitcast %shift_left3A_398 : vector<16xi32> to vector<16xf32>
          %and3A_400 = vector.broadcast %scan3A_79 : i32 to vector<16xi32>
          %and3A_401 = arith.andi %get3A_395, %and3A_400 : vector<16xi32>
          %bitcast3A_402 = vector.bitcast %and3A_401 : vector<16xi32> to vector<16xf32>
          %get3A_403 = arith.index_cast %scan3A_228 : i32 to index
          %get3A_404 = arith.constant 224 : index
          %get3A_405 = tpu.vector_load %arg7[%get3A_403, %get3A_404] {strides = array<i32>} : memref<64x256xf32, #tpu.memory_space<vmem>>, vector<16xf32>,
          %add3A_406 = arith.addf %bitcast3A_399, %get3A_405 : vector<16xf32>
          %swap3A_407 = arith.index_cast %scan3A_228 : i32 to index
          %swap3A_408 = arith.constant 224 : index
          %swap3A_409 = tpu.vector_load %arg12[%swap3A_407, %swap3A_408] {strides = array<i32>} : memref<64x256xf32, #tpu.memory_space<vmem>>, vector<16xf32>,
          tpu.vector_store %arg12[%swap3A_407, %swap3A_408], %add3A_406 {strides = array<i32>} : memref<64x256xf32, #tpu.memory_space<vmem>>, vector<16xf32>,
          %get3A_410 = arith.index_cast %scan3A_228 : i32 to index
          %get3A_411 = arith.constant 240 : index
          %get3A_412 = tpu.vector_load %arg7[%get3A_410, %get3A_411] {strides = array<i32>} : memref<64x256xf32, #tpu.memory_space<vmem>>, vector<16xf32>,
          %add3A_413 = arith.addf %bitcast3A_402, %get3A_412 : vector<16xf32>
          %swap3A_414 = arith.index_cast %scan3A_228 : i32 to index
          %swap3A_415 = arith.constant 240 : index
          %swap3A_416 = tpu.vector_load %arg12[%swap3A_414, %swap3A_415] {strides = array<i32>} : memref<64x256xf32, #tpu.memory_space<vmem>>, vector<16xf32>,
          tpu.vector_store %arg12[%swap3A_414, %swap3A_415], %add3A_413 {strides = array<i32>} : memref<64x256xf32, #tpu.memory_space<vmem>>, vector<16xf32>,
          %scan3A_417 = arith.constant 1 : i32
          %scan3A_418 = arith.addi %scan3A_228, %scan3A_417 : i32
          %get3A_419 = arith.index_cast %scan3A_418 : i32 to index
          %get3A_420 = arith.constant 0 : index
          %get3A_421 = tpu.vector_load %arg8[%get3A_419, %get3A_420] {strides = array<i32>} : memref<64x128xi32, #tpu.memory_space<vmem>>, vector<16xi32>,
          %shift_left3A_422 = arith.constant 16 : i32
          %shift_left3A_423 = vector.broadcast %shift_left3A_422 : i32 to vector<16xi32>
          %shift_left3A_424 = arith.shli %get3A_421, %shift_left3A_423 : vector<16xi32>
          %bitcast3A_425 = vector.bitcast %shift_left3A_424 : vector<16xi32> to vector<16xf32>
          %and3A_426 = vector.broadcast %scan3A_79 : i32 to vector<16xi32>
          %and3A_427 = arith.andi %get3A_421, %and3A_426 : vector<16xi32>
          %bitcast3A_428 = vector.bitcast %and3A_427 : vector<16xi32> to vector<16xf32>
          %get3A_429 = arith.index_cast %scan3A_418 : i32 to index
          %get3A_430 = arith.constant 0 : index
          %get3A_431 = tpu.vector_load %arg7[%get3A_429, %get3A_430] {strides = array<i32>} : memref<64x256xf32, #tpu.memory_space<vmem>>, vector<16xf32>,
          %add3A_432 = arith.addf %bitcast3A_425, %get3A_431 : vector<16xf32>
          %swap3A_433 = arith.index_cast %scan3A_418 : i32 to index
          %swap3A_434 = arith.constant 0 : index
          %swap3A_435 = tpu.vector_load %arg12[%swap3A_433, %swap3A_434] {strides = array<i32>} : memref<64x256xf32, #tpu.memory_space<vmem>>, vector<16xf32>,
          tpu.vector_store %arg12[%swap3A_433, %swap3A_434], %add3A_432 {strides = array<i32>} : memref<64x256xf32, #tpu.memory_space<vmem>>, vector<16xf32>,
          %get3A_436 = arith.index_cast %scan3A_418 : i32 to index
          %get3A_437 = arith.constant 16 : index
          %get3A_438 = tpu.vector_load %arg7[%get3A_436, %get3A_437] {strides = array<i32>} : memref<64x256xf32, #tpu.memory_space<vmem>>, vector<16xf32>,
          %add3A_439 = arith.addf %bitcast3A_428, %get3A_438 : vector<16xf32>
          %swap3A_440 = arith.index_cast %scan3A_418 : i32 to index
          %swap3A_441 = arith.constant 16 : index
          %swap3A_442 = tpu.vector_load %arg12[%swap3A_440, %swap3A_441] {strides = array<i32>} : memref<64x256xf32, #tpu.memory_space<vmem>>, vector<16xf32>,
          tpu.vector_store %arg12[%swap3A_440, %swap3A_441], %add3A_439 {strides = array<i32>} : memref<64x256xf32, #tpu.memory_space<vmem>>, vector<16xf32>,
          %get3A_443 = arith.index_cast %scan3A_418 : i32 to index
          %get3A_444 = arith.constant 16 : index
          %get3A_445 = tpu.vector_load %arg8[%get3A_443, %get3A_444] {strides = array<i32>} : memref<64x128xi32, #tpu.memory_space<vmem>>, vector<16xi32>,
          %shift_left3A_446 = arith.constant 16 : i32
          %shift_left3A_447 = vector.broadcast %shift_left3A_446 : i32 to vector<16xi32>
          %shift_left3A_448 = arith.shli %get3A_445, %shift_left3A_447 : vector<16xi32>
          %bitcast3A_449 = vector.bitcast %shift_left3A_448 : vector<16xi32> to vector<16xf32>
          %and3A_450 = vector.broadcast %scan3A_79 : i32 to vector<16xi32>
          %and3A_451 = arith.andi %get3A_445, %and3A_450 : vector<16xi32>
          %bitcast3A_452 = vector.bitcast %and3A_451 : vector<16xi32> to vector<16xf32>
          %get3A_453 = arith.index_cast %scan3A_418 : i32 to index
          %get3A_454 = arith.constant 32 : index
          %get3A_455 = tpu.vector_load %arg7[%get3A_453, %get3A_454] {strides = array<i32>} : memref<64x256xf32, #tpu.memory_space<vmem>>, vector<16xf32>,
          %add3A_456 = arith.addf %bitcast3A_449, %get3A_455 : vector<16xf32>
          %swap3A_457 = arith.index_cast %scan3A_418 : i32 to index
          %swap3A_458 = arith.constant 32 : index
          %swap3A_459 = tpu.vector_load %arg12[%swap3A_457, %swap3A_458] {strides = array<i32>} : memref<64x256xf32, #tpu.memory_space<vmem>>, vector<16xf32>,
          tpu.vector_store %arg12[%swap3A_457, %swap3A_458], %add3A_456 {strides = array<i32>} : memref<64x256xf32, #tpu.memory_space<vmem>>, vector<16xf32>,
          %get3A_460 = arith.index_cast %scan3A_418 : i32 to index
          %get3A_461 = arith.constant 48 : index
          %get3A_462 = tpu.vector_load %arg7[%get3A_460, %get3A_461] {strides = array<i32>} : memref<64x256xf32, #tpu.memory_space<vmem>>, vector<16xf32>,
          %add3A_463 = arith.addf %bitcast3A_452, %get3A_462 : vector<16xf32>
          %swap3A_464 = arith.index_cast %scan3A_418 : i32 to index
          %swap3A_465 = arith.constant 48 : index
          %swap3A_466 = tpu.vector_load %arg12[%swap3A_464, %swap3A_465] {strides = array<i32>} : memref<64x256xf32, #tpu.memory_space<vmem>>, vector<16xf32>,
          tpu.vector_store %arg12[%swap3A_464, %swap3A_465], %add3A_463 {strides = array<i32>} : memref<64x256xf32, #tpu.memory_space<vmem>>, vector<16xf32>,
          %get3A_467 = arith.index_cast %scan3A_418 : i32 to index
          %get3A_468 = arith.constant 32 : index
          %get3A_469 = tpu.vector_load %arg8[%get3A_467, %get3A_468] {strides = array<i32>} : memref<64x128xi32, #tpu.memory_space<vmem>>, vector<16xi32>,
          %shift_left3A_470 = arith.constant 16 : i32
          %shift_left3A_471 = vector.broadcast %shift_left3A_470 : i32 to vector<16xi32>
          %shift_left3A_472 = arith.shli %get3A_469, %shift_left3A_471 : vector<16xi32>
          %bitcast3A_473 = vector.bitcast %shift_left3A_472 : vector<16xi32> to vector<16xf32>
          %and3A_474 = vector.broadcast %scan3A_79 : i32 to vector<16xi32>
          %and3A_475 = arith.andi %get3A_469, %and3A_474 : vector<16xi32>
          %bitcast3A_476 = vector.bitcast %and3A_475 : vector<16xi32> to vector<16xf32>
          %get3A_477 = arith.index_cast %scan3A_418 : i32 to index
          %get3A_478 = arith.constant 64 : index
          %get3A_479 = tpu.vector_load %arg7[%get3A_477, %get3A_478] {strides = array<i32>} : memref<64x256xf32, #tpu.memory_space<vmem>>, vector<16xf32>,
          %add3A_480 = arith.addf %bitcast3A_473, %get3A_479 : vector<16xf32>
          %swap3A_481 = arith.index_cast %scan3A_418 : i32 to index
          %swap3A_482 = arith.constant 64 : index
          %swap3A_483 = tpu.vector_load %arg12[%swap3A_481, %swap3A_482] {strides = array<i32>} : memref<64x256xf32, #tpu.memory_space<vmem>>, vector<16xf32>,
          tpu.vector_store %arg12[%swap3A_481, %swap3A_482], %add3A_480 {strides = array<i32>} : memref<64x256xf32, #tpu.memory_space<vmem>>, vector<16xf32>,
          %get3A_484 = arith.index_cast %scan3A_418 : i32 to index
          %get3A_485 = arith.constant 80 : index
          %get3A_486 = tpu.vector_load %arg7[%get3A_484, %get3A_485] {strides = array<i32>} : memref<64x256xf32, #tpu.memory_space<vmem>>, vector<16xf32>,
          %add3A_487 = arith.addf %bitcast3A_476, %get3A_486 : vector<16xf32>
          %swap3A_488 = arith.index_cast %scan3A_418 : i32 to index
          %swap3A_489 = arith.constant 80 : index
          %swap3A_490 = tpu.vector_load %arg12[%swap3A_488, %swap3A_489] {strides = array<i32>} : memref<64x256xf32, #tpu.memory_space<vmem>>, vector<16xf32>,
          tpu.vector_store %arg12[%swap3A_488, %swap3A_489], %add3A_487 {strides = array<i32>} : memref<64x256xf32, #tpu.memory_space<vmem>>, vector<16xf32>,
          %get3A_491 = arith.index_cast %scan3A_418 : i32 to index
          %get3A_492 = arith.constant 48 : index
          %get3A_493 = tpu.vector_load %arg8[%get3A_491, %get3A_492] {strides = array<i32>} : memref<64x128xi32, #tpu.memory_space<vmem>>, vector<16xi32>,
          %shift_left3A_494 = arith.constant 16 : i32
          %shift_left3A_495 = vector.broadcast %shift_left3A_494 : i32 to vector<16xi32>
          %shift_left3A_496 = arith.shli %get3A_493, %shift_left3A_495 : vector<16xi32>
          %bitcast3A_497 = vector.bitcast %shift_left3A_496 : vector<16xi32> to vector<16xf32>
          %and3A_498 = vector.broadcast %scan3A_79 : i32 to vector<16xi32>
          %and3A_499 = arith.andi %get3A_493, %and3A_498 : vector<16xi32>
          %bitcast3A_500 = vector.bitcast %and3A_499 : vector<16xi32> to vector<16xf32>
          %get3A_501 = arith.index_cast %scan3A_418 : i32 to index
          %get3A_502 = arith.constant 96 : index
          %get3A_503 = tpu.vector_load %arg7[%get3A_501, %get3A_502] {strides = array<i32>} : memref<64x256xf32, #tpu.memory_space<vmem>>, vector<16xf32>,
          %add3A_504 = arith.addf %bitcast3A_497, %get3A_503 : vector<16xf32>
          %swap3A_505 = arith.index_cast %scan3A_418 : i32 to index
          %swap3A_506 = arith.constant 96 : index
          %swap3A_507 = tpu.vector_load %arg12[%swap3A_505, %swap3A_506] {strides = array<i32>} : memref<64x256xf32, #tpu.memory_space<vmem>>, vector<16xf32>,
          tpu.vector_store %arg12[%swap3A_505, %swap3A_506], %add3A_504 {strides = array<i32>} : memref<64x256xf32, #tpu.memory_space<vmem>>, vector<16xf32>,
          %get3A_508 = arith.index_cast %scan3A_418 : i32 to index
          %get3A_509 = arith.constant 112 : index
          %get3A_510 = tpu.vector_load %arg7[%get3A_508, %get3A_509] {strides = array<i32>} : memref<64x256xf32, #tpu.memory_space<vmem>>, vector<16xf32>,
          %add3A_511 = arith.addf %bitcast3A_500, %get3A_510 : vector<16xf32>
          %swap3A_512 = arith.index_cast %scan3A_418 : i32 to index
          %swap3A_513 = arith.constant 112 : index
          %swap3A_514 = tpu.vector_load %arg12[%swap3A_512, %swap3A_513] {strides = array<i32>} : memref<64x256xf32, #tpu.memory_space<vmem>>, vector<16xf32>,
          tpu.vector_store %arg12[%swap3A_512, %swap3A_513], %add3A_511 {strides = array<i32>} : memref<64x256xf32, #tpu.memory_space<vmem>>, vector<16xf32>,
          %get3A_515 = arith.index_cast %scan3A_418 : i32 to index
          %get3A_516 = arith.constant 64 : index
          %get3A_517 = tpu.vector_load %arg8[%get3A_515, %get3A_516] {strides = array<i32>} : memref<64x128xi32, #tpu.memory_space<vmem>>, vector<16xi32>,
          %shift_left3A_518 = arith.constant 16 : i32
          %shift_left3A_519 = vector.broadcast %shift_left3A_518 : i32 to vector<16xi32>
          %shift_left3A_520 = arith.shli %get3A_517, %shift_left3A_519 : vector<16xi32>
          %bitcast3A_521 = vector.bitcast %shift_left3A_520 : vector<16xi32> to vector<16xf32>
          %and3A_522 = vector.broadcast %scan3A_79 : i32 to vector<16xi32>
          %and3A_523 = arith.andi %get3A_517, %and3A_522 : vector<16xi32>
          %bitcast3A_524 = vector.bitcast %and3A_523 : vector<16xi32> to vector<16xf32>
          %get3A_525 = arith.index_cast %scan3A_418 : i32 to index
          %get3A_526 = arith.constant 128 : index
          %get3A_527 = tpu.vector_load %arg7[%get3A_525, %get3A_526] {strides = array<i32>} : memref<64x256xf32, #tpu.memory_space<vmem>>, vector<16xf32>,
          %add3A_528 = arith.addf %bitcast3A_521, %get3A_527 : vector<16xf32>
          %swap3A_529 = arith.index_cast %scan3A_418 : i32 to index
          %swap3A_530 = arith.constant 128 : index
          %swap3A_531 = tpu.vector_load %arg12[%swap3A_529, %swap3A_530] {strides = array<i32>} : memref<64x256xf32, #tpu.memory_space<vmem>>, vector<16xf32>,
          tpu.vector_store %arg12[%swap3A_529, %swap3A_530], %add3A_528 {strides = array<i32>} : memref<64x256xf32, #tpu.memory_space<vmem>>, vector<16xf32>,
          %get3A_532 = arith.index_cast %scan3A_418 : i32 to index
          %get3A_533 = arith.constant 144 : index
          %get3A_534 = tpu.vector_load %arg7[%get3A_532, %get3A_533] {strides = array<i32>} : memref<64x256xf32, #tpu.memory_space<vmem>>, vector<16xf32>,
          %add3A_535 = arith.addf %bitcast3A_524, %get3A_534 : vector<16xf32>
          %swap3A_536 = arith.index_cast %scan3A_418 : i32 to index
          %swap3A_537 = arith.constant 144 : index
          %swap3A_538 = tpu.vector_load %arg12[%swap3A_536, %swap3A_537] {strides = array<i32>} : memref<64x256xf32, #tpu.memory_space<vmem>>, vector<16xf32>,
          tpu.vector_store %arg12[%swap3A_536, %swap3A_537], %add3A_535 {strides = array<i32>} : memref<64x256xf32, #tpu.memory_space<vmem>>, vector<16xf32>,
          %get3A_539 = arith.index_cast %scan3A_418 : i32 to index
          %get3A_540 = arith.constant 80 : index
          %get3A_541 = tpu.vector_load %arg8[%get3A_539, %get3A_540] {strides = array<i32>} : memref<64x128xi32, #tpu.memory_space<vmem>>, vector<16xi32>,
          %shift_left3A_542 = arith.constant 16 : i32
          %shift_left3A_543 = vector.broadcast %shift_left3A_542 : i32 to vector<16xi32>
          %shift_left3A_544 = arith.shli %get3A_541, %shift_left3A_543 : vector<16xi32>
          %bitcast3A_545 = vector.bitcast %shift_left3A_544 : vector<16xi32> to vector<16xf32>
          %and3A_546 = vector.broadcast %scan3A_79 : i32 to vector<16xi32>
          %and3A_547 = arith.andi %get3A_541, %and3A_546 : vector<16xi32>
          %bitcast3A_548 = vector.bitcast %and3A_547 : vector<16xi32> to vector<16xf32>
          %get3A_549 = arith.index_cast %scan3A_418 : i32 to index
          %get3A_550 = arith.constant 160 : index
          %get3A_551 = tpu.vector_load %arg7[%get3A_549, %get3A_550] {strides = array<i32>} : memref<64x256xf32, #tpu.memory_space<vmem>>, vector<16xf32>,
          %add3A_552 = arith.addf %bitcast3A_545, %get3A_551 : vector<16xf32>
          %swap3A_553 = arith.index_cast %scan3A_418 : i32 to index
          %swap3A_554 = arith.constant 160 : index
          %swap3A_555 = tpu.vector_load %arg12[%swap3A_553, %swap3A_554] {strides = array<i32>} : memref<64x256xf32, #tpu.memory_space<vmem>>, vector<16xf32>,
          tpu.vector_store %arg12[%swap3A_553, %swap3A_554], %add3A_552 {strides = array<i32>} : memref<64x256xf32, #tpu.memory_space<vmem>>, vector<16xf32>,
          %get3A_556 = arith.index_cast %scan3A_418 : i32 to index
          %get3A_557 = arith.constant 176 : index
          %get3A_558 = tpu.vector_load %arg7[%get3A_556, %get3A_557] {strides = array<i32>} : memref<64x256xf32, #tpu.memory_space<vmem>>, vector<16xf32>,
          %add3A_559 = arith.addf %bitcast3A_548, %get3A_558 : vector<16xf32>
          %swap3A_560 = arith.index_cast %scan3A_418 : i32 to index
          %swap3A_561 = arith.constant 176 : index
          %swap3A_562 = tpu.vector_load %arg12[%swap3A_560, %swap3A_561] {strides = array<i32>} : memref<64x256xf32, #tpu.memory_space<vmem>>, vector<16xf32>,
          tpu.vector_store %arg12[%swap3A_560, %swap3A_561], %add3A_559 {strides = array<i32>} : memref<64x256xf32, #tpu.memory_space<vmem>>, vector<16xf32>,
          %get3A_563 = arith.index_cast %scan3A_418 : i32 to index
          %get3A_564 = arith.constant 96 : index
          %get3A_565 = tpu.vector_load %arg8[%get3A_563, %get3A_564] {strides = array<i32>} : memref<64x128xi32, #tpu.memory_space<vmem>>, vector<16xi32>,
          %shift_left3A_566 = arith.constant 16 : i32
          %shift_left3A_567 = vector.broadcast %shift_left3A_566 : i32 to vector<16xi32>
          %shift_left3A_568 = arith.shli %get3A_565, %shift_left3A_567 : vector<16xi32>
          %bitcast3A_569 = vector.bitcast %shift_left3A_568 : vector<16xi32> to vector<16xf32>
          %and3A_570 = vector.broadcast %scan3A_79 : i32 to vector<16xi32>
          %and3A_571 = arith.andi %get3A_565, %and3A_570 : vector<16xi32>
          %bitcast3A_572 = vector.bitcast %and3A_571 : vector<16xi32> to vector<16xf32>
          %get3A_573 = arith.index_cast %scan3A_418 : i32 to index
          %get3A_574 = arith.constant 192 : index
          %get3A_575 = tpu.vector_load %arg7[%get3A_573, %get3A_574] {strides = array<i32>} : memref<64x256xf32, #tpu.memory_space<vmem>>, vector<16xf32>,
          %add3A_576 = arith.addf %bitcast3A_569, %get3A_575 : vector<16xf32>
          %swap3A_577 = arith.index_cast %scan3A_418 : i32 to index
          %swap3A_578 = arith.constant 192 : index
          %swap3A_579 = tpu.vector_load %arg12[%swap3A_577, %swap3A_578] {strides = array<i32>} : memref<64x256xf32, #tpu.memory_space<vmem>>, vector<16xf32>,
          tpu.vector_store %arg12[%swap3A_577, %swap3A_578], %add3A_576 {strides = array<i32>} : memref<64x256xf32, #tpu.memory_space<vmem>>, vector<16xf32>,
          %get3A_580 = arith.index_cast %scan3A_418 : i32 to index
          %get3A_581 = arith.constant 208 : index
          %get3A_582 = tpu.vector_load %arg7[%get3A_580, %get3A_581] {strides = array<i32>} : memref<64x256xf32, #tpu.memory_space<vmem>>, vector<16xf32>,
          %add3A_583 = arith.addf %bitcast3A_572, %get3A_582 : vector<16xf32>
          %swap3A_584 = arith.index_cast %scan3A_418 : i32 to index
          %swap3A_585 = arith.constant 208 : index
          %swap3A_586 = tpu.vector_load %arg12[%swap3A_584, %swap3A_585] {strides = array<i32>} : memref<64x256xf32, #tpu.memory_space<vmem>>, vector<16xf32>,
          tpu.vector_store %arg12[%swap3A_584, %swap3A_585], %add3A_583 {strides = array<i32>} : memref<64x256xf32, #tpu.memory_space<vmem>>, vector<16xf32>,
          %get3A_587 = arith.index_cast %scan3A_418 : i32 to index
          %get3A_588 = arith.constant 112 : index
          %get3A_589 = tpu.vector_load %arg8[%get3A_587, %get3A_588] {strides = array<i32>} : memref<64x128xi32, #tpu.memory_space<vmem>>, vector<16xi32>,
          %shift_left3A_590 = arith.constant 16 : i32
          %shift_left3A_591 = vector.broadcast %shift_left3A_590 : i32 to vector<16xi32>
          %shift_left3A_592 = arith.shli %get3A_589, %shift_left3A_591 : vector<16xi32>
          %bitcast3A_593 = vector.bitcast %shift_left3A_592 : vector<16xi32> to vector<16xf32>
          %and3A_594 = vector.broadcast %scan3A_79 : i32 to vector<16xi32>
          %and3A_595 = arith.andi %get3A_589, %and3A_594 : vector<16xi32>
          %bitcast3A_596 = vector.bitcast %and3A_595 : vector<16xi32> to vector<16xf32>
          %get3A_597 = arith.index_cast %scan3A_418 : i32 to index
          %get3A_598 = arith.constant 224 : index
          %get3A_599 = tpu.vector_load %arg7[%get3A_597, %get3A_598] {strides = array<i32>} : memref<64x256xf32, #tpu.memory_space<vmem>>, vector<16xf32>,
          %add3A_600 = arith.addf %bitcast3A_593, %get3A_599 : vector<16xf32>
          %swap3A_601 = arith.index_cast %scan3A_418 : i32 to index
          %swap3A_602 = arith.constant 224 : index
          %swap3A_603 = tpu.vector_load %arg12[%swap3A_601, %swap3A_602] {strides = array<i32>} : memref<64x256xf32, #tpu.memory_space<vmem>>, vector<16xf32>,
          tpu.vector_store %arg12[%swap3A_601, %swap3A_602], %add3A_600 {strides = array<i32>} : memref<64x256xf32, #tpu.memory_space<vmem>>, vector<16xf32>,
          %get3A_604 = arith.index_cast %scan3A_418 : i32 to index
          %get3A_605 = arith.constant 240 : index
          %get3A_606 = tpu.vector_load %arg7[%get3A_604, %get3A_605] {strides = array<i32>} : memref<64x256xf32, #tpu.memory_space<vmem>>, vector<16xf32>,
          %add3A_607 = arith.addf %bitcast3A_596, %get3A_606 : vector<16xf32>
          %swap3A_608 = arith.index_cast %scan3A_418 : i32 to index
          %swap3A_609 = arith.constant 240 : index
          %swap3A_610 = tpu.vector_load %arg12[%swap3A_608, %swap3A_609] {strides = array<i32>} : memref<64x256xf32, #tpu.memory_space<vmem>>, vector<16xf32>,
          tpu.vector_store %arg12[%swap3A_608, %swap3A_609], %add3A_607 {strides = array<i32>} : memref<64x256xf32, #tpu.memory_space<vmem>>, vector<16xf32>,
        }
        %scan3A_217 = arith.constant 64 : i32
        %mul3A_218 = arith.constant 32 : i32
        %mul3A_219 = arith.muli %mul3A_218, %scan3A_115 : i32
        %add3A_220 = arith.addi %add3A, %mul3A_219 : i32
        %mul3A_221 = arith.constant 64 : i32
        %mul3A_222 = arith.muli %add3A_220, %mul3A_221 : i32
        %multiple_of3A_223 = tpu.assume_multiple %mul3A_222, 64 : i32
        %dma_start3A_224 = arith.constant 0 : i32
        %dma_start3A_225 = tpu.memref_slice %arg5[%multiple_of3A_223, %dma_start3A_224] : memref<16384x256xf32, #tpu.memory_space<hbm>> -> memref<64x256xf32, #tpu.memory_space<hbm>>
        %dma_start3A_226 = arith.constant 0 : i32
        %dma_start3A_227 = tpu.memref_slice %arg5[%multiple_of3A_223, %dma_start3A_226] : memref<16384x256xf32, #tpu.memory_space<hbm>> -> memref<64x256xf32, #tpu.memory_space<hbm>>
        tpu.enqueue_dma source(%arg12 : memref<64x256xf32, #tpu.memory_space<vmem>>) target(%dma_start3A_227 : memref<64x256xf32, #tpu.memory_space<hbm>>) target_semaphore(%arg18 : memref<!tpu.dma_semaphore, #tpu.memory_space<semaphore_mem>>)
      } else {
      }
      %jit3A_131 = arith.constant 4 : i32
      %eq3A_132 = arith.constant 0 : i32
      %eq3A_133 = arith.cmpi eq, %jit3A_131, %eq3A_132 : i32
      %jit3A_134 = arith.constant 1 : i32
      %select_n3A_135 = arith.select %eq3A_133, %jit3A_134, %jit3A_131 : i32
      %rem3A_136 = arith.remsi %scan3A_115, %select_n3A_135 : i32
      %ne3A_137 = arith.constant 0 : i32
      %ne3A_138 = arith.cmpi ne, %rem3A_136, %ne3A_137 : i32
      %lt3A_139 = arith.constant 0 : i32
      %lt3A_140 = arith.cmpi slt, %rem3A_136, %lt3A_139 : i32
      %lt3A_141 = arith.constant 0 : i32
      %lt3A_142 = arith.cmpi slt, %select_n3A_135, %lt3A_141 : i32
      %ne3A_143 = arith.xori %lt3A_140, %lt3A_142 : i1
      %and3A_144 = arith.andi %ne3A_143, %ne3A_138 : i1
      %add3A_145 = arith.addi %rem3A_136, %select_n3A_135 : i32
      %select_n3A_146 = arith.select %and3A_144, %add3A_145, %rem3A_136 : i32
      %eq3A_147 = arith.constant 1 : i32
      %eq3A_148 = arith.cmpi eq, %select_n3A_146, %eq3A_147 : i32
      %convert_element_type3A_149 = arith.extui %eq3A_148 : i1 to i32
      %cond3A_150 = arith.constant 0 : i32
      %cond3A_151 = arith.cmpi ne, %convert_element_type3A_149, %cond3A_150 : i32
      scf.if %cond3A_151 {
        %dma_start3A_194 = arith.constant 0 : i32
        %dma_start3A_195 = tpu.memref_slice %arg6[%min3A_118, %dma_start3A_194] : memref<8x64xi32, #tpu.memory_space<vmem>> -> memref<1x64xi32, #tpu.memory_space<vmem>>
        %dma_start3A_196 = tpu.memref_squeeze %dma_start3A_195 : memref<1x64xi32, #tpu.memory_space<vmem>> -> memref<64xi32, #tpu.memory_space<vmem>>
        %dma_start3A_197 = arith.constant 0 : i32
        %dma_start3A_198 = arith.constant 0 : i32
        %dma_start3A_199 = tpu.memref_slice %arg2[%dma_start3A_197, %dma_start3A_198] : memref<2064x128xi32, #tpu.memory_space<hbm>> -> memref<2064x128xi32, #tpu.memory_space<hbm>>
        tpu.enqueue_indirect_dma source(%dma_start3A_199 : memref<2064x128xi32, #tpu.memory_space<hbm>>) target(%arg8 : memref<64x128xi32, #tpu.memory_space<vmem>>) offsets(%dma_start3A_196 : memref<64xi32, #tpu.memory_space<vmem>>) semaphore(%arg14 : memref<!tpu.dma_semaphore, #tpu.memory_space<semaphore_mem>>)
        %dma_wait3A_200 = arith.constant 0 : i32
        %dma_wait3A_201 = arith.constant 0 : i32
        %dma_wait3A_202 = tpu.memref_slice %arg5[%dma_wait3A_200, %dma_wait3A_201] : memref<16384x256xf32, #tpu.memory_space<hbm>> -> memref<64x256xf32, #tpu.memory_space<hbm>>
        %dma_wait3A_203 = arith.constant 0 : i32
        %dma_wait3A_204 = arith.constant 0 : i32
        %dma_wait3A_205 = tpu.memref_slice %arg5[%dma_wait3A_203, %dma_wait3A_204] : memref<16384x256xf32, #tpu.memory_space<hbm>> -> memref<64x256xf32, #tpu.memory_space<hbm>>
        tpu.wait_dma2 semaphore(%arg19 : memref<!tpu.dma_semaphore, #tpu.memory_space<semaphore_mem>>) src(%arg13 : memref<64x256xf32, #tpu.memory_space<vmem>>) dst(%dma_wait3A_205 : memref<64x256xf32, #tpu.memory_space<hbm>>)
        %dma_wait3A_206 = arith.constant 0 : i32
        %dma_wait3A_207 = arith.constant 0 : i32
        %dma_wait3A_208 = tpu.memref_slice %arg2[%dma_wait3A_206, %dma_wait3A_207] : memref<2064x128xi32, #tpu.memory_space<hbm>> -> memref<64x128xi32, #tpu.memory_space<hbm>>
        %dma_wait3A_209 = arith.constant 0 : i32
        %dma_wait3A_210 = arith.constant 0 : i32
        %dma_wait3A_211 = tpu.memref_slice %arg2[%dma_wait3A_209, %dma_wait3A_210] : memref<2064x128xi32, #tpu.memory_space<hbm>> -> memref<64x128xi32, #tpu.memory_space<hbm>>
        tpu.wait_dma2 semaphore(%arg15 : memref<!tpu.dma_semaphore, #tpu.memory_space<semaphore_mem>>) src(%dma_wait3A_211 : memref<64x128xi32, #tpu.memory_space<hbm>>) dst(%arg9 : memref<64x128xi32, #tpu.memory_space<vmem>>)
        %scan3A_212 = arith.constant 0 : i32
        %scan3A_213 = arith.constant 0 : i32
        %scan3A_214 = arith.constant 64 : i32
        %scan3A_215 = arith.addi %scan3A_213, %scan3A_214 : i32
        %scan3A_216 = arith.constant 2 : i32
        scf.for %scan3A_228 = %scan3A_213 to %scan3A_215 step %scan3A_216  : i32 {
          %get3A = arith.index_cast %scan3A_228 : i32 to index
          %get3A_229 = arith.constant 0 : index
          %get3A_230 = tpu.vector_load %arg9[%get3A, %get3A_229] {strides = array<i32>} : memref<64x128xi32, #tpu.memory_space<vmem>>, vector<16xi32>,
          %shift_left3A = arith.constant 16 : i32
          %shift_left3A_231 = vector.broadcast %shift_left3A : i32 to vector<16xi32>
          %shift_left3A_232 = arith.shli %get3A_230, %shift_left3A_231 : vector<16xi32>
          %bitcast3A = vector.bitcast %shift_left3A_232 : vector<16xi32> to vector<16xf32>
          %and3A_233 = vector.broadcast %scan3A_79 : i32 to vector<16xi32>
          %and3A_234 = arith.andi %get3A_230, %and3A_233 : vector<16xi32>
          %bitcast3A_235 = vector.bitcast %and3A_234 : vector<16xi32> to vector<16xf32>
          %get3A_236 = arith.index_cast %scan3A_228 : i32 to index
          %get3A_237 = arith.constant 0 : index
          %get3A_238 = tpu.vector_load %arg7[%get3A_236, %get3A_237] {strides = array<i32>} : memref<64x256xf32, #tpu.memory_space<vmem>>, vector<16xf32>,
          %add3A_239 = arith.addf %bitcast3A, %get3A_238 : vector<16xf32>
          %swap3A = arith.index_cast %scan3A_228 : i32 to index
          %swap3A_240 = arith.constant 0 : index
          %swap3A_241 = tpu.vector_load %arg13[%swap3A, %swap3A_240] {strides = array<i32>} : memref<64x256xf32, #tpu.memory_space<vmem>>, vector<16xf32>,
          tpu.vector_store %arg13[%swap3A, %swap3A_240], %add3A_239 {strides = array<i32>} : memref<64x256xf32, #tpu.memory_space<vmem>>, vector<16xf32>,
          %get3A_242 = arith.index_cast %scan3A_228 : i32 to index
          %get3A_243 = arith.constant 16 : index
          %get3A_244 = tpu.vector_load %arg7[%get3A_242, %get3A_243] {strides = array<i32>} : memref<64x256xf32, #tpu.memory_space<vmem>>, vector<16xf32>,
          %add3A_245 = arith.addf %bitcast3A_235, %get3A_244 : vector<16xf32>
          %swap3A_246 = arith.index_cast %scan3A_228 : i32 to index
          %swap3A_247 = arith.constant 16 : index
          %swap3A_248 = tpu.vector_load %arg13[%swap3A_246, %swap3A_247] {strides = array<i32>} : memref<64x256xf32, #tpu.memory_space<vmem>>, vector<16xf32>,
          tpu.vector_store %arg13[%swap3A_246, %swap3A_247], %add3A_245 {strides = array<i32>} : memref<64x256xf32, #tpu.memory_space<vmem>>, vector<16xf32>,
          %get3A_249 = arith.index_cast %scan3A_228 : i32 to index
          %get3A_250 = arith.constant 16 : index
          %get3A_251 = tpu.vector_load %arg9[%get3A_249, %get3A_250] {strides = array<i32>} : memref<64x128xi32, #tpu.memory_space<vmem>>, vector<16xi32>,
          %shift_left3A_252 = arith.constant 16 : i32
          %shift_left3A_253 = vector.broadcast %shift_left3A_252 : i32 to vector<16xi32>
          %shift_left3A_254 = arith.shli %get3A_251, %shift_left3A_253 : vector<16xi32>
          %bitcast3A_255 = vector.bitcast %shift_left3A_254 : vector<16xi32> to vector<16xf32>
          %and3A_256 = vector.broadcast %scan3A_79 : i32 to vector<16xi32>
          %and3A_257 = arith.andi %get3A_251, %and3A_256 : vector<16xi32>
          %bitcast3A_258 = vector.bitcast %and3A_257 : vector<16xi32> to vector<16xf32>
          %get3A_259 = arith.index_cast %scan3A_228 : i32 to index
          %get3A_260 = arith.constant 32 : index
          %get3A_261 = tpu.vector_load %arg7[%get3A_259, %get3A_260] {strides = array<i32>} : memref<64x256xf32, #tpu.memory_space<vmem>>, vector<16xf32>,
          %add3A_262 = arith.addf %bitcast3A_255, %get3A_261 : vector<16xf32>
          %swap3A_263 = arith.index_cast %scan3A_228 : i32 to index
          %swap3A_264 = arith.constant 32 : index
          %swap3A_265 = tpu.vector_load %arg13[%swap3A_263, %swap3A_264] {strides = array<i32>} : memref<64x256xf32, #tpu.memory_space<vmem>>, vector<16xf32>,
          tpu.vector_store %arg13[%swap3A_263, %swap3A_264], %add3A_262 {strides = array<i32>} : memref<64x256xf32, #tpu.memory_space<vmem>>, vector<16xf32>,
          %get3A_266 = arith.index_cast %scan3A_228 : i32 to index
          %get3A_267 = arith.constant 48 : index
          %get3A_268 = tpu.vector_load %arg7[%get3A_266, %get3A_267] {strides = array<i32>} : memref<64x256xf32, #tpu.memory_space<vmem>>, vector<16xf32>,
          %add3A_269 = arith.addf %bitcast3A_258, %get3A_268 : vector<16xf32>
          %swap3A_270 = arith.index_cast %scan3A_228 : i32 to index
          %swap3A_271 = arith.constant 48 : index
          %swap3A_272 = tpu.vector_load %arg13[%swap3A_270, %swap3A_271] {strides = array<i32>} : memref<64x256xf32, #tpu.memory_space<vmem>>, vector<16xf32>,
          tpu.vector_store %arg13[%swap3A_270, %swap3A_271], %add3A_269 {strides = array<i32>} : memref<64x256xf32, #tpu.memory_space<vmem>>, vector<16xf32>,
          %get3A_273 = arith.index_cast %scan3A_228 : i32 to index
          %get3A_274 = arith.constant 32 : index
          %get3A_275 = tpu.vector_load %arg9[%get3A_273, %get3A_274] {strides = array<i32>} : memref<64x128xi32, #tpu.memory_space<vmem>>, vector<16xi32>,
          %shift_left3A_276 = arith.constant 16 : i32
          %shift_left3A_277 = vector.broadcast %shift_left3A_276 : i32 to vector<16xi32>
          %shift_left3A_278 = arith.shli %get3A_275, %shift_left3A_277 : vector<16xi32>
          %bitcast3A_279 = vector.bitcast %shift_left3A_278 : vector<16xi32> to vector<16xf32>
          %and3A_280 = vector.broadcast %scan3A_79 : i32 to vector<16xi32>
          %and3A_281 = arith.andi %get3A_275, %and3A_280 : vector<16xi32>
          %bitcast3A_282 = vector.bitcast %and3A_281 : vector<16xi32> to vector<16xf32>
          %get3A_283 = arith.index_cast %scan3A_228 : i32 to index
          %get3A_284 = arith.constant 64 : index
          %get3A_285 = tpu.vector_load %arg7[%get3A_283, %get3A_284] {strides = array<i32>} : memref<64x256xf32, #tpu.memory_space<vmem>>, vector<16xf32>,
          %add3A_286 = arith.addf %bitcast3A_279, %get3A_285 : vector<16xf32>
          %swap3A_287 = arith.index_cast %scan3A_228 : i32 to index
          %swap3A_288 = arith.constant 64 : index
          %swap3A_289 = tpu.vector_load %arg13[%swap3A_287, %swap3A_288] {strides = array<i32>} : memref<64x256xf32, #tpu.memory_space<vmem>>, vector<16xf32>,
          tpu.vector_store %arg13[%swap3A_287, %swap3A_288], %add3A_286 {strides = array<i32>} : memref<64x256xf32, #tpu.memory_space<vmem>>, vector<16xf32>,
          %get3A_290 = arith.index_cast %scan3A_228 : i32 to index
          %get3A_291 = arith.constant 80 : index
          %get3A_292 = tpu.vector_load %arg7[%get3A_290, %get3A_291] {strides = array<i32>} : memref<64x256xf32, #tpu.memory_space<vmem>>, vector<16xf32>,
          %add3A_293 = arith.addf %bitcast3A_282, %get3A_292 : vector<16xf32>
          %swap3A_294 = arith.index_cast %scan3A_228 : i32 to index
          %swap3A_295 = arith.constant 80 : index
          %swap3A_296 = tpu.vector_load %arg13[%swap3A_294, %swap3A_295] {strides = array<i32>} : memref<64x256xf32, #tpu.memory_space<vmem>>, vector<16xf32>,
          tpu.vector_store %arg13[%swap3A_294, %swap3A_295], %add3A_293 {strides = array<i32>} : memref<64x256xf32, #tpu.memory_space<vmem>>, vector<16xf32>,
          %get3A_297 = arith.index_cast %scan3A_228 : i32 to index
          %get3A_298 = arith.constant 48 : index
          %get3A_299 = tpu.vector_load %arg9[%get3A_297, %get3A_298] {strides = array<i32>} : memref<64x128xi32, #tpu.memory_space<vmem>>, vector<16xi32>,
          %shift_left3A_300 = arith.constant 16 : i32
          %shift_left3A_301 = vector.broadcast %shift_left3A_300 : i32 to vector<16xi32>
          %shift_left3A_302 = arith.shli %get3A_299, %shift_left3A_301 : vector<16xi32>
          %bitcast3A_303 = vector.bitcast %shift_left3A_302 : vector<16xi32> to vector<16xf32>
          %and3A_304 = vector.broadcast %scan3A_79 : i32 to vector<16xi32>
          %and3A_305 = arith.andi %get3A_299, %and3A_304 : vector<16xi32>
          %bitcast3A_306 = vector.bitcast %and3A_305 : vector<16xi32> to vector<16xf32>
          %get3A_307 = arith.index_cast %scan3A_228 : i32 to index
          %get3A_308 = arith.constant 96 : index
          %get3A_309 = tpu.vector_load %arg7[%get3A_307, %get3A_308] {strides = array<i32>} : memref<64x256xf32, #tpu.memory_space<vmem>>, vector<16xf32>,
          %add3A_310 = arith.addf %bitcast3A_303, %get3A_309 : vector<16xf32>
          %swap3A_311 = arith.index_cast %scan3A_228 : i32 to index
          %swap3A_312 = arith.constant 96 : index
          %swap3A_313 = tpu.vector_load %arg13[%swap3A_311, %swap3A_312] {strides = array<i32>} : memref<64x256xf32, #tpu.memory_space<vmem>>, vector<16xf32>,
          tpu.vector_store %arg13[%swap3A_311, %swap3A_312], %add3A_310 {strides = array<i32>} : memref<64x256xf32, #tpu.memory_space<vmem>>, vector<16xf32>,
          %get3A_314 = arith.index_cast %scan3A_228 : i32 to index
          %get3A_315 = arith.constant 112 : index
          %get3A_316 = tpu.vector_load %arg7[%get3A_314, %get3A_315] {strides = array<i32>} : memref<64x256xf32, #tpu.memory_space<vmem>>, vector<16xf32>,
          %add3A_317 = arith.addf %bitcast3A_306, %get3A_316 : vector<16xf32>
          %swap3A_318 = arith.index_cast %scan3A_228 : i32 to index
          %swap3A_319 = arith.constant 112 : index
          %swap3A_320 = tpu.vector_load %arg13[%swap3A_318, %swap3A_319] {strides = array<i32>} : memref<64x256xf32, #tpu.memory_space<vmem>>, vector<16xf32>,
          tpu.vector_store %arg13[%swap3A_318, %swap3A_319], %add3A_317 {strides = array<i32>} : memref<64x256xf32, #tpu.memory_space<vmem>>, vector<16xf32>,
          %get3A_321 = arith.index_cast %scan3A_228 : i32 to index
          %get3A_322 = arith.constant 64 : index
          %get3A_323 = tpu.vector_load %arg9[%get3A_321, %get3A_322] {strides = array<i32>} : memref<64x128xi32, #tpu.memory_space<vmem>>, vector<16xi32>,
          %shift_left3A_324 = arith.constant 16 : i32
          %shift_left3A_325 = vector.broadcast %shift_left3A_324 : i32 to vector<16xi32>
          %shift_left3A_326 = arith.shli %get3A_323, %shift_left3A_325 : vector<16xi32>
          %bitcast3A_327 = vector.bitcast %shift_left3A_326 : vector<16xi32> to vector<16xf32>
          %and3A_328 = vector.broadcast %scan3A_79 : i32 to vector<16xi32>
          %and3A_329 = arith.andi %get3A_323, %and3A_328 : vector<16xi32>
          %bitcast3A_330 = vector.bitcast %and3A_329 : vector<16xi32> to vector<16xf32>
          %get3A_331 = arith.index_cast %scan3A_228 : i32 to index
          %get3A_332 = arith.constant 128 : index
          %get3A_333 = tpu.vector_load %arg7[%get3A_331, %get3A_332] {strides = array<i32>} : memref<64x256xf32, #tpu.memory_space<vmem>>, vector<16xf32>,
          %add3A_334 = arith.addf %bitcast3A_327, %get3A_333 : vector<16xf32>
          %swap3A_335 = arith.index_cast %scan3A_228 : i32 to index
          %swap3A_336 = arith.constant 128 : index
          %swap3A_337 = tpu.vector_load %arg13[%swap3A_335, %swap3A_336] {strides = array<i32>} : memref<64x256xf32, #tpu.memory_space<vmem>>, vector<16xf32>,
          tpu.vector_store %arg13[%swap3A_335, %swap3A_336], %add3A_334 {strides = array<i32>} : memref<64x256xf32, #tpu.memory_space<vmem>>, vector<16xf32>,
          %get3A_338 = arith.index_cast %scan3A_228 : i32 to index
          %get3A_339 = arith.constant 144 : index
          %get3A_340 = tpu.vector_load %arg7[%get3A_338, %get3A_339] {strides = array<i32>} : memref<64x256xf32, #tpu.memory_space<vmem>>, vector<16xf32>,
          %add3A_341 = arith.addf %bitcast3A_330, %get3A_340 : vector<16xf32>
          %swap3A_342 = arith.index_cast %scan3A_228 : i32 to index
          %swap3A_343 = arith.constant 144 : index
          %swap3A_344 = tpu.vector_load %arg13[%swap3A_342, %swap3A_343] {strides = array<i32>} : memref<64x256xf32, #tpu.memory_space<vmem>>, vector<16xf32>,
          tpu.vector_store %arg13[%swap3A_342, %swap3A_343], %add3A_341 {strides = array<i32>} : memref<64x256xf32, #tpu.memory_space<vmem>>, vector<16xf32>,
          %get3A_345 = arith.index_cast %scan3A_228 : i32 to index
          %get3A_346 = arith.constant 80 : index
          %get3A_347 = tpu.vector_load %arg9[%get3A_345, %get3A_346] {strides = array<i32>} : memref<64x128xi32, #tpu.memory_space<vmem>>, vector<16xi32>,
          %shift_left3A_348 = arith.constant 16 : i32
          %shift_left3A_349 = vector.broadcast %shift_left3A_348 : i32 to vector<16xi32>
          %shift_left3A_350 = arith.shli %get3A_347, %shift_left3A_349 : vector<16xi32>
          %bitcast3A_351 = vector.bitcast %shift_left3A_350 : vector<16xi32> to vector<16xf32>
          %and3A_352 = vector.broadcast %scan3A_79 : i32 to vector<16xi32>
          %and3A_353 = arith.andi %get3A_347, %and3A_352 : vector<16xi32>
          %bitcast3A_354 = vector.bitcast %and3A_353 : vector<16xi32> to vector<16xf32>
          %get3A_355 = arith.index_cast %scan3A_228 : i32 to index
          %get3A_356 = arith.constant 160 : index
          %get3A_357 = tpu.vector_load %arg7[%get3A_355, %get3A_356] {strides = array<i32>} : memref<64x256xf32, #tpu.memory_space<vmem>>, vector<16xf32>,
          %add3A_358 = arith.addf %bitcast3A_351, %get3A_357 : vector<16xf32>
          %swap3A_359 = arith.index_cast %scan3A_228 : i32 to index
          %swap3A_360 = arith.constant 160 : index
          %swap3A_361 = tpu.vector_load %arg13[%swap3A_359, %swap3A_360] {strides = array<i32>} : memref<64x256xf32, #tpu.memory_space<vmem>>, vector<16xf32>,
          tpu.vector_store %arg13[%swap3A_359, %swap3A_360], %add3A_358 {strides = array<i32>} : memref<64x256xf32, #tpu.memory_space<vmem>>, vector<16xf32>,
          %get3A_362 = arith.index_cast %scan3A_228 : i32 to index
          %get3A_363 = arith.constant 176 : index
          %get3A_364 = tpu.vector_load %arg7[%get3A_362, %get3A_363] {strides = array<i32>} : memref<64x256xf32, #tpu.memory_space<vmem>>, vector<16xf32>,
          %add3A_365 = arith.addf %bitcast3A_354, %get3A_364 : vector<16xf32>
          %swap3A_366 = arith.index_cast %scan3A_228 : i32 to index
          %swap3A_367 = arith.constant 176 : index
          %swap3A_368 = tpu.vector_load %arg13[%swap3A_366, %swap3A_367] {strides = array<i32>} : memref<64x256xf32, #tpu.memory_space<vmem>>, vector<16xf32>,
          tpu.vector_store %arg13[%swap3A_366, %swap3A_367], %add3A_365 {strides = array<i32>} : memref<64x256xf32, #tpu.memory_space<vmem>>, vector<16xf32>,
          %get3A_369 = arith.index_cast %scan3A_228 : i32 to index
          %get3A_370 = arith.constant 96 : index
          %get3A_371 = tpu.vector_load %arg9[%get3A_369, %get3A_370] {strides = array<i32>} : memref<64x128xi32, #tpu.memory_space<vmem>>, vector<16xi32>,
          %shift_left3A_372 = arith.constant 16 : i32
          %shift_left3A_373 = vector.broadcast %shift_left3A_372 : i32 to vector<16xi32>
          %shift_left3A_374 = arith.shli %get3A_371, %shift_left3A_373 : vector<16xi32>
          %bitcast3A_375 = vector.bitcast %shift_left3A_374 : vector<16xi32> to vector<16xf32>
          %and3A_376 = vector.broadcast %scan3A_79 : i32 to vector<16xi32>
          %and3A_377 = arith.andi %get3A_371, %and3A_376 : vector<16xi32>
          %bitcast3A_378 = vector.bitcast %and3A_377 : vector<16xi32> to vector<16xf32>
          %get3A_379 = arith.index_cast %scan3A_228 : i32 to index
          %get3A_380 = arith.constant 192 : index
          %get3A_381 = tpu.vector_load %arg7[%get3A_379, %get3A_380] {strides = array<i32>} : memref<64x256xf32, #tpu.memory_space<vmem>>, vector<16xf32>,
          %add3A_382 = arith.addf %bitcast3A_375, %get3A_381 : vector<16xf32>
          %swap3A_383 = arith.index_cast %scan3A_228 : i32 to index
          %swap3A_384 = arith.constant 192 : index
          %swap3A_385 = tpu.vector_load %arg13[%swap3A_383, %swap3A_384] {strides = array<i32>} : memref<64x256xf32, #tpu.memory_space<vmem>>, vector<16xf32>,
          tpu.vector_store %arg13[%swap3A_383, %swap3A_384], %add3A_382 {strides = array<i32>} : memref<64x256xf32, #tpu.memory_space<vmem>>, vector<16xf32>,
          %get3A_386 = arith.index_cast %scan3A_228 : i32 to index
          %get3A_387 = arith.constant 208 : index
          %get3A_388 = tpu.vector_load %arg7[%get3A_386, %get3A_387] {strides = array<i32>} : memref<64x256xf32, #tpu.memory_space<vmem>>, vector<16xf32>,
          %add3A_389 = arith.addf %bitcast3A_378, %get3A_388 : vector<16xf32>
          %swap3A_390 = arith.index_cast %scan3A_228 : i32 to index
          %swap3A_391 = arith.constant 208 : index
          %swap3A_392 = tpu.vector_load %arg13[%swap3A_390, %swap3A_391] {strides = array<i32>} : memref<64x256xf32, #tpu.memory_space<vmem>>, vector<16xf32>,
          tpu.vector_store %arg13[%swap3A_390, %swap3A_391], %add3A_389 {strides = array<i32>} : memref<64x256xf32, #tpu.memory_space<vmem>>, vector<16xf32>,
          %get3A_393 = arith.index_cast %scan3A_228 : i32 to index
          %get3A_394 = arith.constant 112 : index
          %get3A_395 = tpu.vector_load %arg9[%get3A_393, %get3A_394] {strides = array<i32>} : memref<64x128xi32, #tpu.memory_space<vmem>>, vector<16xi32>,
          %shift_left3A_396 = arith.constant 16 : i32
          %shift_left3A_397 = vector.broadcast %shift_left3A_396 : i32 to vector<16xi32>
          %shift_left3A_398 = arith.shli %get3A_395, %shift_left3A_397 : vector<16xi32>
          %bitcast3A_399 = vector.bitcast %shift_left3A_398 : vector<16xi32> to vector<16xf32>
          %and3A_400 = vector.broadcast %scan3A_79 : i32 to vector<16xi32>
          %and3A_401 = arith.andi %get3A_395, %and3A_400 : vector<16xi32>
          %bitcast3A_402 = vector.bitcast %and3A_401 : vector<16xi32> to vector<16xf32>
          %get3A_403 = arith.index_cast %scan3A_228 : i32 to index
          %get3A_404 = arith.constant 224 : index
          %get3A_405 = tpu.vector_load %arg7[%get3A_403, %get3A_404] {strides = array<i32>} : memref<64x256xf32, #tpu.memory_space<vmem>>, vector<16xf32>,
          %add3A_406 = arith.addf %bitcast3A_399, %get3A_405 : vector<16xf32>
          %swap3A_407 = arith.index_cast %scan3A_228 : i32 to index
          %swap3A_408 = arith.constant 224 : index
          %swap3A_409 = tpu.vector_load %arg13[%swap3A_407, %swap3A_408] {strides = array<i32>} : memref<64x256xf32, #tpu.memory_space<vmem>>, vector<16xf32>,
          tpu.vector_store %arg13[%swap3A_407, %swap3A_408], %add3A_406 {strides = array<i32>} : memref<64x256xf32, #tpu.memory_space<vmem>>, vector<16xf32>,
          %get3A_410 = arith.index_cast %scan3A_228 : i32 to index
          %get3A_411 = arith.constant 240 : index
          %get3A_412 = tpu.vector_load %arg7[%get3A_410, %get3A_411] {strides = array<i32>} : memref<64x256xf32, #tpu.memory_space<vmem>>, vector<16xf32>,
          %add3A_413 = arith.addf %bitcast3A_402, %get3A_412 : vector<16xf32>
          %swap3A_414 = arith.index_cast %scan3A_228 : i32 to index
          %swap3A_415 = arith.constant 240 : index
          %swap3A_416 = tpu.vector_load %arg13[%swap3A_414, %swap3A_415] {strides = array<i32>} : memref<64x256xf32, #tpu.memory_space<vmem>>, vector<16xf32>,
          tpu.vector_store %arg13[%swap3A_414, %swap3A_415], %add3A_413 {strides = array<i32>} : memref<64x256xf32, #tpu.memory_space<vmem>>, vector<16xf32>,
          %scan3A_417 = arith.constant 1 : i32
          %scan3A_418 = arith.addi %scan3A_228, %scan3A_417 : i32
          %get3A_419 = arith.index_cast %scan3A_418 : i32 to index
          %get3A_420 = arith.constant 0 : index
          %get3A_421 = tpu.vector_load %arg9[%get3A_419, %get3A_420] {strides = array<i32>} : memref<64x128xi32, #tpu.memory_space<vmem>>, vector<16xi32>,
          %shift_left3A_422 = arith.constant 16 : i32
          %shift_left3A_423 = vector.broadcast %shift_left3A_422 : i32 to vector<16xi32>
          %shift_left3A_424 = arith.shli %get3A_421, %shift_left3A_423 : vector<16xi32>
          %bitcast3A_425 = vector.bitcast %shift_left3A_424 : vector<16xi32> to vector<16xf32>
          %and3A_426 = vector.broadcast %scan3A_79 : i32 to vector<16xi32>
          %and3A_427 = arith.andi %get3A_421, %and3A_426 : vector<16xi32>
          %bitcast3A_428 = vector.bitcast %and3A_427 : vector<16xi32> to vector<16xf32>
          %get3A_429 = arith.index_cast %scan3A_418 : i32 to index
          %get3A_430 = arith.constant 0 : index
          %get3A_431 = tpu.vector_load %arg7[%get3A_429, %get3A_430] {strides = array<i32>} : memref<64x256xf32, #tpu.memory_space<vmem>>, vector<16xf32>,
          %add3A_432 = arith.addf %bitcast3A_425, %get3A_431 : vector<16xf32>
          %swap3A_433 = arith.index_cast %scan3A_418 : i32 to index
          %swap3A_434 = arith.constant 0 : index
          %swap3A_435 = tpu.vector_load %arg13[%swap3A_433, %swap3A_434] {strides = array<i32>} : memref<64x256xf32, #tpu.memory_space<vmem>>, vector<16xf32>,
          tpu.vector_store %arg13[%swap3A_433, %swap3A_434], %add3A_432 {strides = array<i32>} : memref<64x256xf32, #tpu.memory_space<vmem>>, vector<16xf32>,
          %get3A_436 = arith.index_cast %scan3A_418 : i32 to index
          %get3A_437 = arith.constant 16 : index
          %get3A_438 = tpu.vector_load %arg7[%get3A_436, %get3A_437] {strides = array<i32>} : memref<64x256xf32, #tpu.memory_space<vmem>>, vector<16xf32>,
          %add3A_439 = arith.addf %bitcast3A_428, %get3A_438 : vector<16xf32>
          %swap3A_440 = arith.index_cast %scan3A_418 : i32 to index
          %swap3A_441 = arith.constant 16 : index
          %swap3A_442 = tpu.vector_load %arg13[%swap3A_440, %swap3A_441] {strides = array<i32>} : memref<64x256xf32, #tpu.memory_space<vmem>>, vector<16xf32>,
          tpu.vector_store %arg13[%swap3A_440, %swap3A_441], %add3A_439 {strides = array<i32>} : memref<64x256xf32, #tpu.memory_space<vmem>>, vector<16xf32>,
          %get3A_443 = arith.index_cast %scan3A_418 : i32 to index
          %get3A_444 = arith.constant 16 : index
          %get3A_445 = tpu.vector_load %arg9[%get3A_443, %get3A_444] {strides = array<i32>} : memref<64x128xi32, #tpu.memory_space<vmem>>, vector<16xi32>,
          %shift_left3A_446 = arith.constant 16 : i32
          %shift_left3A_447 = vector.broadcast %shift_left3A_446 : i32 to vector<16xi32>
          %shift_left3A_448 = arith.shli %get3A_445, %shift_left3A_447 : vector<16xi32>
          %bitcast3A_449 = vector.bitcast %shift_left3A_448 : vector<16xi32> to vector<16xf32>
          %and3A_450 = vector.broadcast %scan3A_79 : i32 to vector<16xi32>
          %and3A_451 = arith.andi %get3A_445, %and3A_450 : vector<16xi32>
          %bitcast3A_452 = vector.bitcast %and3A_451 : vector<16xi32> to vector<16xf32>
          %get3A_453 = arith.index_cast %scan3A_418 : i32 to index
          %get3A_454 = arith.constant 32 : index
          %get3A_455 = tpu.vector_load %arg7[%get3A_453, %get3A_454] {strides = array<i32>} : memref<64x256xf32, #tpu.memory_space<vmem>>, vector<16xf32>,
          %add3A_456 = arith.addf %bitcast3A_449, %get3A_455 : vector<16xf32>
          %swap3A_457 = arith.index_cast %scan3A_418 : i32 to index
          %swap3A_458 = arith.constant 32 : index
          %swap3A_459 = tpu.vector_load %arg13[%swap3A_457, %swap3A_458] {strides = array<i32>} : memref<64x256xf32, #tpu.memory_space<vmem>>, vector<16xf32>,
          tpu.vector_store %arg13[%swap3A_457, %swap3A_458], %add3A_456 {strides = array<i32>} : memref<64x256xf32, #tpu.memory_space<vmem>>, vector<16xf32>,
          %get3A_460 = arith.index_cast %scan3A_418 : i32 to index
          %get3A_461 = arith.constant 48 : index
          %get3A_462 = tpu.vector_load %arg7[%get3A_460, %get3A_461] {strides = array<i32>} : memref<64x256xf32, #tpu.memory_space<vmem>>, vector<16xf32>,
          %add3A_463 = arith.addf %bitcast3A_452, %get3A_462 : vector<16xf32>
          %swap3A_464 = arith.index_cast %scan3A_418 : i32 to index
          %swap3A_465 = arith.constant 48 : index
          %swap3A_466 = tpu.vector_load %arg13[%swap3A_464, %swap3A_465] {strides = array<i32>} : memref<64x256xf32, #tpu.memory_space<vmem>>, vector<16xf32>,
          tpu.vector_store %arg13[%swap3A_464, %swap3A_465], %add3A_463 {strides = array<i32>} : memref<64x256xf32, #tpu.memory_space<vmem>>, vector<16xf32>,
          %get3A_467 = arith.index_cast %scan3A_418 : i32 to index
          %get3A_468 = arith.constant 32 : index
          %get3A_469 = tpu.vector_load %arg9[%get3A_467, %get3A_468] {strides = array<i32>} : memref<64x128xi32, #tpu.memory_space<vmem>>, vector<16xi32>,
          %shift_left3A_470 = arith.constant 16 : i32
          %shift_left3A_471 = vector.broadcast %shift_left3A_470 : i32 to vector<16xi32>
          %shift_left3A_472 = arith.shli %get3A_469, %shift_left3A_471 : vector<16xi32>
          %bitcast3A_473 = vector.bitcast %shift_left3A_472 : vector<16xi32> to vector<16xf32>
          %and3A_474 = vector.broadcast %scan3A_79 : i32 to vector<16xi32>
          %and3A_475 = arith.andi %get3A_469, %and3A_474 : vector<16xi32>
          %bitcast3A_476 = vector.bitcast %and3A_475 : vector<16xi32> to vector<16xf32>
          %get3A_477 = arith.index_cast %scan3A_418 : i32 to index
          %get3A_478 = arith.constant 64 : index
          %get3A_479 = tpu.vector_load %arg7[%get3A_477, %get3A_478] {strides = array<i32>} : memref<64x256xf32, #tpu.memory_space<vmem>>, vector<16xf32>,
          %add3A_480 = arith.addf %bitcast3A_473, %get3A_479 : vector<16xf32>
          %swap3A_481 = arith.index_cast %scan3A_418 : i32 to index
          %swap3A_482 = arith.constant 64 : index
          %swap3A_483 = tpu.vector_load %arg13[%swap3A_481, %swap3A_482] {strides = array<i32>} : memref<64x256xf32, #tpu.memory_space<vmem>>, vector<16xf32>,
          tpu.vector_store %arg13[%swap3A_481, %swap3A_482], %add3A_480 {strides = array<i32>} : memref<64x256xf32, #tpu.memory_space<vmem>>, vector<16xf32>,
          %get3A_484 = arith.index_cast %scan3A_418 : i32 to index
          %get3A_485 = arith.constant 80 : index
          %get3A_486 = tpu.vector_load %arg7[%get3A_484, %get3A_485] {strides = array<i32>} : memref<64x256xf32, #tpu.memory_space<vmem>>, vector<16xf32>,
          %add3A_487 = arith.addf %bitcast3A_476, %get3A_486 : vector<16xf32>
          %swap3A_488 = arith.index_cast %scan3A_418 : i32 to index
          %swap3A_489 = arith.constant 80 : index
          %swap3A_490 = tpu.vector_load %arg13[%swap3A_488, %swap3A_489] {strides = array<i32>} : memref<64x256xf32, #tpu.memory_space<vmem>>, vector<16xf32>,
          tpu.vector_store %arg13[%swap3A_488, %swap3A_489], %add3A_487 {strides = array<i32>} : memref<64x256xf32, #tpu.memory_space<vmem>>, vector<16xf32>,
          %get3A_491 = arith.index_cast %scan3A_418 : i32 to index
          %get3A_492 = arith.constant 48 : index
          %get3A_493 = tpu.vector_load %arg9[%get3A_491, %get3A_492] {strides = array<i32>} : memref<64x128xi32, #tpu.memory_space<vmem>>, vector<16xi32>,
          %shift_left3A_494 = arith.constant 16 : i32
          %shift_left3A_495 = vector.broadcast %shift_left3A_494 : i32 to vector<16xi32>
          %shift_left3A_496 = arith.shli %get3A_493, %shift_left3A_495 : vector<16xi32>
          %bitcast3A_497 = vector.bitcast %shift_left3A_496 : vector<16xi32> to vector<16xf32>
          %and3A_498 = vector.broadcast %scan3A_79 : i32 to vector<16xi32>
          %and3A_499 = arith.andi %get3A_493, %and3A_498 : vector<16xi32>
          %bitcast3A_500 = vector.bitcast %and3A_499 : vector<16xi32> to vector<16xf32>
          %get3A_501 = arith.index_cast %scan3A_418 : i32 to index
          %get3A_502 = arith.constant 96 : index
          %get3A_503 = tpu.vector_load %arg7[%get3A_501, %get3A_502] {strides = array<i32>} : memref<64x256xf32, #tpu.memory_space<vmem>>, vector<16xf32>,
          %add3A_504 = arith.addf %bitcast3A_497, %get3A_503 : vector<16xf32>
          %swap3A_505 = arith.index_cast %scan3A_418 : i32 to index
          %swap3A_506 = arith.constant 96 : index
          %swap3A_507 = tpu.vector_load %arg13[%swap3A_505, %swap3A_506] {strides = array<i32>} : memref<64x256xf32, #tpu.memory_space<vmem>>, vector<16xf32>,
          tpu.vector_store %arg13[%swap3A_505, %swap3A_506], %add3A_504 {strides = array<i32>} : memref<64x256xf32, #tpu.memory_space<vmem>>, vector<16xf32>,
          %get3A_508 = arith.index_cast %scan3A_418 : i32 to index
          %get3A_509 = arith.constant 112 : index
          %get3A_510 = tpu.vector_load %arg7[%get3A_508, %get3A_509] {strides = array<i32>} : memref<64x256xf32, #tpu.memory_space<vmem>>, vector<16xf32>,
          %add3A_511 = arith.addf %bitcast3A_500, %get3A_510 : vector<16xf32>
          %swap3A_512 = arith.index_cast %scan3A_418 : i32 to index
          %swap3A_513 = arith.constant 112 : index
          %swap3A_514 = tpu.vector_load %arg13[%swap3A_512, %swap3A_513] {strides = array<i32>} : memref<64x256xf32, #tpu.memory_space<vmem>>, vector<16xf32>,
          tpu.vector_store %arg13[%swap3A_512, %swap3A_513], %add3A_511 {strides = array<i32>} : memref<64x256xf32, #tpu.memory_space<vmem>>, vector<16xf32>,
          %get3A_515 = arith.index_cast %scan3A_418 : i32 to index
          %get3A_516 = arith.constant 64 : index
          %get3A_517 = tpu.vector_load %arg9[%get3A_515, %get3A_516] {strides = array<i32>} : memref<64x128xi32, #tpu.memory_space<vmem>>, vector<16xi32>,
          %shift_left3A_518 = arith.constant 16 : i32
          %shift_left3A_519 = vector.broadcast %shift_left3A_518 : i32 to vector<16xi32>
          %shift_left3A_520 = arith.shli %get3A_517, %shift_left3A_519 : vector<16xi32>
          %bitcast3A_521 = vector.bitcast %shift_left3A_520 : vector<16xi32> to vector<16xf32>
          %and3A_522 = vector.broadcast %scan3A_79 : i32 to vector<16xi32>
          %and3A_523 = arith.andi %get3A_517, %and3A_522 : vector<16xi32>
          %bitcast3A_524 = vector.bitcast %and3A_523 : vector<16xi32> to vector<16xf32>
          %get3A_525 = arith.index_cast %scan3A_418 : i32 to index
          %get3A_526 = arith.constant 128 : index
          %get3A_527 = tpu.vector_load %arg7[%get3A_525, %get3A_526] {strides = array<i32>} : memref<64x256xf32, #tpu.memory_space<vmem>>, vector<16xf32>,
          %add3A_528 = arith.addf %bitcast3A_521, %get3A_527 : vector<16xf32>
          %swap3A_529 = arith.index_cast %scan3A_418 : i32 to index
          %swap3A_530 = arith.constant 128 : index
          %swap3A_531 = tpu.vector_load %arg13[%swap3A_529, %swap3A_530] {strides = array<i32>} : memref<64x256xf32, #tpu.memory_space<vmem>>, vector<16xf32>,
          tpu.vector_store %arg13[%swap3A_529, %swap3A_530], %add3A_528 {strides = array<i32>} : memref<64x256xf32, #tpu.memory_space<vmem>>, vector<16xf32>,
          %get3A_532 = arith.index_cast %scan3A_418 : i32 to index
          %get3A_533 = arith.constant 144 : index
          %get3A_534 = tpu.vector_load %arg7[%get3A_532, %get3A_533] {strides = array<i32>} : memref<64x256xf32, #tpu.memory_space<vmem>>, vector<16xf32>,
          %add3A_535 = arith.addf %bitcast3A_524, %get3A_534 : vector<16xf32>
          %swap3A_536 = arith.index_cast %scan3A_418 : i32 to index
          %swap3A_537 = arith.constant 144 : index
          %swap3A_538 = tpu.vector_load %arg13[%swap3A_536, %swap3A_537] {strides = array<i32>} : memref<64x256xf32, #tpu.memory_space<vmem>>, vector<16xf32>,
          tpu.vector_store %arg13[%swap3A_536, %swap3A_537], %add3A_535 {strides = array<i32>} : memref<64x256xf32, #tpu.memory_space<vmem>>, vector<16xf32>,
          %get3A_539 = arith.index_cast %scan3A_418 : i32 to index
          %get3A_540 = arith.constant 80 : index
          %get3A_541 = tpu.vector_load %arg9[%get3A_539, %get3A_540] {strides = array<i32>} : memref<64x128xi32, #tpu.memory_space<vmem>>, vector<16xi32>,
          %shift_left3A_542 = arith.constant 16 : i32
          %shift_left3A_543 = vector.broadcast %shift_left3A_542 : i32 to vector<16xi32>
          %shift_left3A_544 = arith.shli %get3A_541, %shift_left3A_543 : vector<16xi32>
          %bitcast3A_545 = vector.bitcast %shift_left3A_544 : vector<16xi32> to vector<16xf32>
          %and3A_546 = vector.broadcast %scan3A_79 : i32 to vector<16xi32>
          %and3A_547 = arith.andi %get3A_541, %and3A_546 : vector<16xi32>
          %bitcast3A_548 = vector.bitcast %and3A_547 : vector<16xi32> to vector<16xf32>
          %get3A_549 = arith.index_cast %scan3A_418 : i32 to index
          %get3A_550 = arith.constant 160 : index
          %get3A_551 = tpu.vector_load %arg7[%get3A_549, %get3A_550] {strides = array<i32>} : memref<64x256xf32, #tpu.memory_space<vmem>>, vector<16xf32>,
          %add3A_552 = arith.addf %bitcast3A_545, %get3A_551 : vector<16xf32>
          %swap3A_553 = arith.index_cast %scan3A_418 : i32 to index
          %swap3A_554 = arith.constant 160 : index
          %swap3A_555 = tpu.vector_load %arg13[%swap3A_553, %swap3A_554] {strides = array<i32>} : memref<64x256xf32, #tpu.memory_space<vmem>>, vector<16xf32>,
          tpu.vector_store %arg13[%swap3A_553, %swap3A_554], %add3A_552 {strides = array<i32>} : memref<64x256xf32, #tpu.memory_space<vmem>>, vector<16xf32>,
          %get3A_556 = arith.index_cast %scan3A_418 : i32 to index
          %get3A_557 = arith.constant 176 : index
          %get3A_558 = tpu.vector_load %arg7[%get3A_556, %get3A_557] {strides = array<i32>} : memref<64x256xf32, #tpu.memory_space<vmem>>, vector<16xf32>,
          %add3A_559 = arith.addf %bitcast3A_548, %get3A_558 : vector<16xf32>
          %swap3A_560 = arith.index_cast %scan3A_418 : i32 to index
          %swap3A_561 = arith.constant 176 : index
          %swap3A_562 = tpu.vector_load %arg13[%swap3A_560, %swap3A_561] {strides = array<i32>} : memref<64x256xf32, #tpu.memory_space<vmem>>, vector<16xf32>,
          tpu.vector_store %arg13[%swap3A_560, %swap3A_561], %add3A_559 {strides = array<i32>} : memref<64x256xf32, #tpu.memory_space<vmem>>, vector<16xf32>,
          %get3A_563 = arith.index_cast %scan3A_418 : i32 to index
          %get3A_564 = arith.constant 96 : index
          %get3A_565 = tpu.vector_load %arg9[%get3A_563, %get3A_564] {strides = array<i32>} : memref<64x128xi32, #tpu.memory_space<vmem>>, vector<16xi32>,
          %shift_left3A_566 = arith.constant 16 : i32
          %shift_left3A_567 = vector.broadcast %shift_left3A_566 : i32 to vector<16xi32>
          %shift_left3A_568 = arith.shli %get3A_565, %shift_left3A_567 : vector<16xi32>
          %bitcast3A_569 = vector.bitcast %shift_left3A_568 : vector<16xi32> to vector<16xf32>
          %and3A_570 = vector.broadcast %scan3A_79 : i32 to vector<16xi32>
          %and3A_571 = arith.andi %get3A_565, %and3A_570 : vector<16xi32>
          %bitcast3A_572 = vector.bitcast %and3A_571 : vector<16xi32> to vector<16xf32>
          %get3A_573 = arith.index_cast %scan3A_418 : i32 to index
          %get3A_574 = arith.constant 192 : index
          %get3A_575 = tpu.vector_load %arg7[%get3A_573, %get3A_574] {strides = array<i32>} : memref<64x256xf32, #tpu.memory_space<vmem>>, vector<16xf32>,
          %add3A_576 = arith.addf %bitcast3A_569, %get3A_575 : vector<16xf32>
          %swap3A_577 = arith.index_cast %scan3A_418 : i32 to index
          %swap3A_578 = arith.constant 192 : index
          %swap3A_579 = tpu.vector_load %arg13[%swap3A_577, %swap3A_578] {strides = array<i32>} : memref<64x256xf32, #tpu.memory_space<vmem>>, vector<16xf32>,
          tpu.vector_store %arg13[%swap3A_577, %swap3A_578], %add3A_576 {strides = array<i32>} : memref<64x256xf32, #tpu.memory_space<vmem>>, vector<16xf32>,
          %get3A_580 = arith.index_cast %scan3A_418 : i32 to index
          %get3A_581 = arith.constant 208 : index
          %get3A_582 = tpu.vector_load %arg7[%get3A_580, %get3A_581] {strides = array<i32>} : memref<64x256xf32, #tpu.memory_space<vmem>>, vector<16xf32>,
          %add3A_583 = arith.addf %bitcast3A_572, %get3A_582 : vector<16xf32>
          %swap3A_584 = arith.index_cast %scan3A_418 : i32 to index
          %swap3A_585 = arith.constant 208 : index
          %swap3A_586 = tpu.vector_load %arg13[%swap3A_584, %swap3A_585] {strides = array<i32>} : memref<64x256xf32, #tpu.memory_space<vmem>>, vector<16xf32>,
          tpu.vector_store %arg13[%swap3A_584, %swap3A_585], %add3A_583 {strides = array<i32>} : memref<64x256xf32, #tpu.memory_space<vmem>>, vector<16xf32>,
          %get3A_587 = arith.index_cast %scan3A_418 : i32 to index
          %get3A_588 = arith.constant 112 : index
          %get3A_589 = tpu.vector_load %arg9[%get3A_587, %get3A_588] {strides = array<i32>} : memref<64x128xi32, #tpu.memory_space<vmem>>, vector<16xi32>,
          %shift_left3A_590 = arith.constant 16 : i32
          %shift_left3A_591 = vector.broadcast %shift_left3A_590 : i32 to vector<16xi32>
          %shift_left3A_592 = arith.shli %get3A_589, %shift_left3A_591 : vector<16xi32>
          %bitcast3A_593 = vector.bitcast %shift_left3A_592 : vector<16xi32> to vector<16xf32>
          %and3A_594 = vector.broadcast %scan3A_79 : i32 to vector<16xi32>
          %and3A_595 = arith.andi %get3A_589, %and3A_594 : vector<16xi32>
          %bitcast3A_596 = vector.bitcast %and3A_595 : vector<16xi32> to vector<16xf32>
          %get3A_597 = arith.index_cast %scan3A_418 : i32 to index
          %get3A_598 = arith.constant 224 : index
          %get3A_599 = tpu.vector_load %arg7[%get3A_597, %get3A_598] {strides = array<i32>} : memref<64x256xf32, #tpu.memory_space<vmem>>, vector<16xf32>,
          %add3A_600 = arith.addf %bitcast3A_593, %get3A_599 : vector<16xf32>
          %swap3A_601 = arith.index_cast %scan3A_418 : i32 to index
          %swap3A_602 = arith.constant 224 : index
          %swap3A_603 = tpu.vector_load %arg13[%swap3A_601, %swap3A_602] {strides = array<i32>} : memref<64x256xf32, #tpu.memory_space<vmem>>, vector<16xf32>,
          tpu.vector_store %arg13[%swap3A_601, %swap3A_602], %add3A_600 {strides = array<i32>} : memref<64x256xf32, #tpu.memory_space<vmem>>, vector<16xf32>,
          %get3A_604 = arith.index_cast %scan3A_418 : i32 to index
          %get3A_605 = arith.constant 240 : index
          %get3A_606 = tpu.vector_load %arg7[%get3A_604, %get3A_605] {strides = array<i32>} : memref<64x256xf32, #tpu.memory_space<vmem>>, vector<16xf32>,
          %add3A_607 = arith.addf %bitcast3A_596, %get3A_606 : vector<16xf32>
          %swap3A_608 = arith.index_cast %scan3A_418 : i32 to index
          %swap3A_609 = arith.constant 240 : index
          %swap3A_610 = tpu.vector_load %arg13[%swap3A_608, %swap3A_609] {strides = array<i32>} : memref<64x256xf32, #tpu.memory_space<vmem>>, vector<16xf32>,
          tpu.vector_store %arg13[%swap3A_608, %swap3A_609], %add3A_607 {strides = array<i32>} : memref<64x256xf32, #tpu.memory_space<vmem>>, vector<16xf32>,
        }
        %scan3A_217 = arith.constant 64 : i32
        %mul3A_218 = arith.constant 32 : i32
        %mul3A_219 = arith.muli %mul3A_218, %scan3A_115 : i32
        %add3A_220 = arith.addi %add3A, %mul3A_219 : i32
        %mul3A_221 = arith.constant 64 : i32
        %mul3A_222 = arith.muli %add3A_220, %mul3A_221 : i32
        %multiple_of3A_223 = tpu.assume_multiple %mul3A_222, 64 : i32
        %dma_start3A_224 = arith.constant 0 : i32
        %dma_start3A_225 = tpu.memref_slice %arg5[%multiple_of3A_223, %dma_start3A_224] : memref<16384x256xf32, #tpu.memory_space<hbm>> -> memref<64x256xf32, #tpu.memory_space<hbm>>
        %dma_start3A_226 = arith.constant 0 : i32
        %dma_start3A_227 = tpu.memref_slice %arg5[%multiple_of3A_223, %dma_start3A_226] : memref<16384x256xf32, #tpu.memory_space<hbm>> -> memref<64x256xf32, #tpu.memory_space<hbm>>
        tpu.enqueue_dma source(%arg13 : memref<64x256xf32, #tpu.memory_space<vmem>>) target(%dma_start3A_227 : memref<64x256xf32, #tpu.memory_space<hbm>>) target_semaphore(%arg19 : memref<!tpu.dma_semaphore, #tpu.memory_space<semaphore_mem>>)
      } else {
      }
      %jit3A_152 = arith.constant 4 : i32
      %eq3A_153 = arith.constant 0 : i32
      %eq3A_154 = arith.cmpi eq, %jit3A_152, %eq3A_153 : i32
      %jit3A_155 = arith.constant 1 : i32
      %select_n3A_156 = arith.select %eq3A_154, %jit3A_155, %jit3A_152 : i32
      %rem3A_157 = arith.remsi %scan3A_115, %select_n3A_156 : i32
      %ne3A_158 = arith.constant 0 : i32
      %ne3A_159 = arith.cmpi ne, %rem3A_157, %ne3A_158 : i32
      %lt3A_160 = arith.constant 0 : i32
      %lt3A_161 = arith.cmpi slt, %rem3A_157, %lt3A_160 : i32
      %lt3A_162 = arith.constant 0 : i32
      %lt3A_163 = arith.cmpi slt, %select_n3A_156, %lt3A_162 : i32
      %ne3A_164 = arith.xori %lt3A_161, %lt3A_163 : i1
      %and3A_165 = arith.andi %ne3A_164, %ne3A_159 : i1
      %add3A_166 = arith.addi %rem3A_157, %select_n3A_156 : i32
      %select_n3A_167 = arith.select %and3A_165, %add3A_166, %rem3A_157 : i32
      %eq3A_168 = arith.constant 2 : i32
      %eq3A_169 = arith.cmpi eq, %select_n3A_167, %eq3A_168 : i32
      %convert_element_type3A_170 = arith.extui %eq3A_169 : i1 to i32
      %cond3A_171 = arith.constant 0 : i32
      %cond3A_172 = arith.cmpi ne, %convert_element_type3A_170, %cond3A_171 : i32
      scf.if %cond3A_172 {
        %dma_start3A_194 = arith.constant 0 : i32
        %dma_start3A_195 = tpu.memref_slice %arg6[%min3A_118, %dma_start3A_194] : memref<8x64xi32, #tpu.memory_space<vmem>> -> memref<1x64xi32, #tpu.memory_space<vmem>>
        %dma_start3A_196 = tpu.memref_squeeze %dma_start3A_195 : memref<1x64xi32, #tpu.memory_space<vmem>> -> memref<64xi32, #tpu.memory_space<vmem>>
        %dma_start3A_197 = arith.constant 0 : i32
        %dma_start3A_198 = arith.constant 0 : i32
        %dma_start3A_199 = tpu.memref_slice %arg2[%dma_start3A_197, %dma_start3A_198] : memref<2064x128xi32, #tpu.memory_space<hbm>> -> memref<2064x128xi32, #tpu.memory_space<hbm>>
        tpu.enqueue_indirect_dma source(%dma_start3A_199 : memref<2064x128xi32, #tpu.memory_space<hbm>>) target(%arg9 : memref<64x128xi32, #tpu.memory_space<vmem>>) offsets(%dma_start3A_196 : memref<64xi32, #tpu.memory_space<vmem>>) semaphore(%arg15 : memref<!tpu.dma_semaphore, #tpu.memory_space<semaphore_mem>>)
        %dma_wait3A_200 = arith.constant 0 : i32
        %dma_wait3A_201 = arith.constant 0 : i32
        %dma_wait3A_202 = tpu.memref_slice %arg5[%dma_wait3A_200, %dma_wait3A_201] : memref<16384x256xf32, #tpu.memory_space<hbm>> -> memref<64x256xf32, #tpu.memory_space<hbm>>
        %dma_wait3A_203 = arith.constant 0 : i32
        %dma_wait3A_204 = arith.constant 0 : i32
        %dma_wait3A_205 = tpu.memref_slice %arg5[%dma_wait3A_203, %dma_wait3A_204] : memref<16384x256xf32, #tpu.memory_space<hbm>> -> memref<64x256xf32, #tpu.memory_space<hbm>>
        tpu.wait_dma2 semaphore(%arg18 : memref<!tpu.dma_semaphore, #tpu.memory_space<semaphore_mem>>) src(%arg12 : memref<64x256xf32, #tpu.memory_space<vmem>>) dst(%dma_wait3A_205 : memref<64x256xf32, #tpu.memory_space<hbm>>)
        %dma_wait3A_206 = arith.constant 0 : i32
        %dma_wait3A_207 = arith.constant 0 : i32
        %dma_wait3A_208 = tpu.memref_slice %arg2[%dma_wait3A_206, %dma_wait3A_207] : memref<2064x128xi32, #tpu.memory_space<hbm>> -> memref<64x128xi32, #tpu.memory_space<hbm>>
        %dma_wait3A_209 = arith.constant 0 : i32
        %dma_wait3A_210 = arith.constant 0 : i32
        %dma_wait3A_211 = tpu.memref_slice %arg2[%dma_wait3A_209, %dma_wait3A_210] : memref<2064x128xi32, #tpu.memory_space<hbm>> -> memref<64x128xi32, #tpu.memory_space<hbm>>
        tpu.wait_dma2 semaphore(%arg16 : memref<!tpu.dma_semaphore, #tpu.memory_space<semaphore_mem>>) src(%dma_wait3A_211 : memref<64x128xi32, #tpu.memory_space<hbm>>) dst(%arg10 : memref<64x128xi32, #tpu.memory_space<vmem>>)
        %scan3A_212 = arith.constant 0 : i32
        %scan3A_213 = arith.constant 0 : i32
        %scan3A_214 = arith.constant 64 : i32
        %scan3A_215 = arith.addi %scan3A_213, %scan3A_214 : i32
        %scan3A_216 = arith.constant 2 : i32
        scf.for %scan3A_228 = %scan3A_213 to %scan3A_215 step %scan3A_216  : i32 {
          %get3A = arith.index_cast %scan3A_228 : i32 to index
          %get3A_229 = arith.constant 0 : index
          %get3A_230 = tpu.vector_load %arg10[%get3A, %get3A_229] {strides = array<i32>} : memref<64x128xi32, #tpu.memory_space<vmem>>, vector<16xi32>,
          %shift_left3A = arith.constant 16 : i32
          %shift_left3A_231 = vector.broadcast %shift_left3A : i32 to vector<16xi32>
          %shift_left3A_232 = arith.shli %get3A_230, %shift_left3A_231 : vector<16xi32>
          %bitcast3A = vector.bitcast %shift_left3A_232 : vector<16xi32> to vector<16xf32>
          %and3A_233 = vector.broadcast %scan3A_79 : i32 to vector<16xi32>
          %and3A_234 = arith.andi %get3A_230, %and3A_233 : vector<16xi32>
          %bitcast3A_235 = vector.bitcast %and3A_234 : vector<16xi32> to vector<16xf32>
          %get3A_236 = arith.index_cast %scan3A_228 : i32 to index
          %get3A_237 = arith.constant 0 : index
          %get3A_238 = tpu.vector_load %arg7[%get3A_236, %get3A_237] {strides = array<i32>} : memref<64x256xf32, #tpu.memory_space<vmem>>, vector<16xf32>,
          %add3A_239 = arith.addf %bitcast3A, %get3A_238 : vector<16xf32>
          %swap3A = arith.index_cast %scan3A_228 : i32 to index
          %swap3A_240 = arith.constant 0 : index
          %swap3A_241 = tpu.vector_load %arg12[%swap3A, %swap3A_240] {strides = array<i32>} : memref<64x256xf32, #tpu.memory_space<vmem>>, vector<16xf32>,
          tpu.vector_store %arg12[%swap3A, %swap3A_240], %add3A_239 {strides = array<i32>} : memref<64x256xf32, #tpu.memory_space<vmem>>, vector<16xf32>,
          %get3A_242 = arith.index_cast %scan3A_228 : i32 to index
          %get3A_243 = arith.constant 16 : index
          %get3A_244 = tpu.vector_load %arg7[%get3A_242, %get3A_243] {strides = array<i32>} : memref<64x256xf32, #tpu.memory_space<vmem>>, vector<16xf32>,
          %add3A_245 = arith.addf %bitcast3A_235, %get3A_244 : vector<16xf32>
          %swap3A_246 = arith.index_cast %scan3A_228 : i32 to index
          %swap3A_247 = arith.constant 16 : index
          %swap3A_248 = tpu.vector_load %arg12[%swap3A_246, %swap3A_247] {strides = array<i32>} : memref<64x256xf32, #tpu.memory_space<vmem>>, vector<16xf32>,
          tpu.vector_store %arg12[%swap3A_246, %swap3A_247], %add3A_245 {strides = array<i32>} : memref<64x256xf32, #tpu.memory_space<vmem>>, vector<16xf32>,
          %get3A_249 = arith.index_cast %scan3A_228 : i32 to index
          %get3A_250 = arith.constant 16 : index
          %get3A_251 = tpu.vector_load %arg10[%get3A_249, %get3A_250] {strides = array<i32>} : memref<64x128xi32, #tpu.memory_space<vmem>>, vector<16xi32>,
          %shift_left3A_252 = arith.constant 16 : i32
          %shift_left3A_253 = vector.broadcast %shift_left3A_252 : i32 to vector<16xi32>
          %shift_left3A_254 = arith.shli %get3A_251, %shift_left3A_253 : vector<16xi32>
          %bitcast3A_255 = vector.bitcast %shift_left3A_254 : vector<16xi32> to vector<16xf32>
          %and3A_256 = vector.broadcast %scan3A_79 : i32 to vector<16xi32>
          %and3A_257 = arith.andi %get3A_251, %and3A_256 : vector<16xi32>
          %bitcast3A_258 = vector.bitcast %and3A_257 : vector<16xi32> to vector<16xf32>
          %get3A_259 = arith.index_cast %scan3A_228 : i32 to index
          %get3A_260 = arith.constant 32 : index
          %get3A_261 = tpu.vector_load %arg7[%get3A_259, %get3A_260] {strides = array<i32>} : memref<64x256xf32, #tpu.memory_space<vmem>>, vector<16xf32>,
          %add3A_262 = arith.addf %bitcast3A_255, %get3A_261 : vector<16xf32>
          %swap3A_263 = arith.index_cast %scan3A_228 : i32 to index
          %swap3A_264 = arith.constant 32 : index
          %swap3A_265 = tpu.vector_load %arg12[%swap3A_263, %swap3A_264] {strides = array<i32>} : memref<64x256xf32, #tpu.memory_space<vmem>>, vector<16xf32>,
          tpu.vector_store %arg12[%swap3A_263, %swap3A_264], %add3A_262 {strides = array<i32>} : memref<64x256xf32, #tpu.memory_space<vmem>>, vector<16xf32>,
          %get3A_266 = arith.index_cast %scan3A_228 : i32 to index
          %get3A_267 = arith.constant 48 : index
          %get3A_268 = tpu.vector_load %arg7[%get3A_266, %get3A_267] {strides = array<i32>} : memref<64x256xf32, #tpu.memory_space<vmem>>, vector<16xf32>,
          %add3A_269 = arith.addf %bitcast3A_258, %get3A_268 : vector<16xf32>
          %swap3A_270 = arith.index_cast %scan3A_228 : i32 to index
          %swap3A_271 = arith.constant 48 : index
          %swap3A_272 = tpu.vector_load %arg12[%swap3A_270, %swap3A_271] {strides = array<i32>} : memref<64x256xf32, #tpu.memory_space<vmem>>, vector<16xf32>,
          tpu.vector_store %arg12[%swap3A_270, %swap3A_271], %add3A_269 {strides = array<i32>} : memref<64x256xf32, #tpu.memory_space<vmem>>, vector<16xf32>,
          %get3A_273 = arith.index_cast %scan3A_228 : i32 to index
          %get3A_274 = arith.constant 32 : index
          %get3A_275 = tpu.vector_load %arg10[%get3A_273, %get3A_274] {strides = array<i32>} : memref<64x128xi32, #tpu.memory_space<vmem>>, vector<16xi32>,
          %shift_left3A_276 = arith.constant 16 : i32
          %shift_left3A_277 = vector.broadcast %shift_left3A_276 : i32 to vector<16xi32>
          %shift_left3A_278 = arith.shli %get3A_275, %shift_left3A_277 : vector<16xi32>
          %bitcast3A_279 = vector.bitcast %shift_left3A_278 : vector<16xi32> to vector<16xf32>
          %and3A_280 = vector.broadcast %scan3A_79 : i32 to vector<16xi32>
          %and3A_281 = arith.andi %get3A_275, %and3A_280 : vector<16xi32>
          %bitcast3A_282 = vector.bitcast %and3A_281 : vector<16xi32> to vector<16xf32>
          %get3A_283 = arith.index_cast %scan3A_228 : i32 to index
          %get3A_284 = arith.constant 64 : index
          %get3A_285 = tpu.vector_load %arg7[%get3A_283, %get3A_284] {strides = array<i32>} : memref<64x256xf32, #tpu.memory_space<vmem>>, vector<16xf32>,
          %add3A_286 = arith.addf %bitcast3A_279, %get3A_285 : vector<16xf32>
          %swap3A_287 = arith.index_cast %scan3A_228 : i32 to index
          %swap3A_288 = arith.constant 64 : index
          %swap3A_289 = tpu.vector_load %arg12[%swap3A_287, %swap3A_288] {strides = array<i32>} : memref<64x256xf32, #tpu.memory_space<vmem>>, vector<16xf32>,
          tpu.vector_store %arg12[%swap3A_287, %swap3A_288], %add3A_286 {strides = array<i32>} : memref<64x256xf32, #tpu.memory_space<vmem>>, vector<16xf32>,
          %get3A_290 = arith.index_cast %scan3A_228 : i32 to index
          %get3A_291 = arith.constant 80 : index
          %get3A_292 = tpu.vector_load %arg7[%get3A_290, %get3A_291] {strides = array<i32>} : memref<64x256xf32, #tpu.memory_space<vmem>>, vector<16xf32>,
          %add3A_293 = arith.addf %bitcast3A_282, %get3A_292 : vector<16xf32>
          %swap3A_294 = arith.index_cast %scan3A_228 : i32 to index
          %swap3A_295 = arith.constant 80 : index
          %swap3A_296 = tpu.vector_load %arg12[%swap3A_294, %swap3A_295] {strides = array<i32>} : memref<64x256xf32, #tpu.memory_space<vmem>>, vector<16xf32>,
          tpu.vector_store %arg12[%swap3A_294, %swap3A_295], %add3A_293 {strides = array<i32>} : memref<64x256xf32, #tpu.memory_space<vmem>>, vector<16xf32>,
          %get3A_297 = arith.index_cast %scan3A_228 : i32 to index
          %get3A_298 = arith.constant 48 : index
          %get3A_299 = tpu.vector_load %arg10[%get3A_297, %get3A_298] {strides = array<i32>} : memref<64x128xi32, #tpu.memory_space<vmem>>, vector<16xi32>,
          %shift_left3A_300 = arith.constant 16 : i32
          %shift_left3A_301 = vector.broadcast %shift_left3A_300 : i32 to vector<16xi32>
          %shift_left3A_302 = arith.shli %get3A_299, %shift_left3A_301 : vector<16xi32>
          %bitcast3A_303 = vector.bitcast %shift_left3A_302 : vector<16xi32> to vector<16xf32>
          %and3A_304 = vector.broadcast %scan3A_79 : i32 to vector<16xi32>
          %and3A_305 = arith.andi %get3A_299, %and3A_304 : vector<16xi32>
          %bitcast3A_306 = vector.bitcast %and3A_305 : vector<16xi32> to vector<16xf32>
          %get3A_307 = arith.index_cast %scan3A_228 : i32 to index
          %get3A_308 = arith.constant 96 : index
          %get3A_309 = tpu.vector_load %arg7[%get3A_307, %get3A_308] {strides = array<i32>} : memref<64x256xf32, #tpu.memory_space<vmem>>, vector<16xf32>,
          %add3A_310 = arith.addf %bitcast3A_303, %get3A_309 : vector<16xf32>
          %swap3A_311 = arith.index_cast %scan3A_228 : i32 to index
          %swap3A_312 = arith.constant 96 : index
          %swap3A_313 = tpu.vector_load %arg12[%swap3A_311, %swap3A_312] {strides = array<i32>} : memref<64x256xf32, #tpu.memory_space<vmem>>, vector<16xf32>,
          tpu.vector_store %arg12[%swap3A_311, %swap3A_312], %add3A_310 {strides = array<i32>} : memref<64x256xf32, #tpu.memory_space<vmem>>, vector<16xf32>,
          %get3A_314 = arith.index_cast %scan3A_228 : i32 to index
          %get3A_315 = arith.constant 112 : index
          %get3A_316 = tpu.vector_load %arg7[%get3A_314, %get3A_315] {strides = array<i32>} : memref<64x256xf32, #tpu.memory_space<vmem>>, vector<16xf32>,
          %add3A_317 = arith.addf %bitcast3A_306, %get3A_316 : vector<16xf32>
          %swap3A_318 = arith.index_cast %scan3A_228 : i32 to index
          %swap3A_319 = arith.constant 112 : index
          %swap3A_320 = tpu.vector_load %arg12[%swap3A_318, %swap3A_319] {strides = array<i32>} : memref<64x256xf32, #tpu.memory_space<vmem>>, vector<16xf32>,
          tpu.vector_store %arg12[%swap3A_318, %swap3A_319], %add3A_317 {strides = array<i32>} : memref<64x256xf32, #tpu.memory_space<vmem>>, vector<16xf32>,
          %get3A_321 = arith.index_cast %scan3A_228 : i32 to index
          %get3A_322 = arith.constant 64 : index
          %get3A_323 = tpu.vector_load %arg10[%get3A_321, %get3A_322] {strides = array<i32>} : memref<64x128xi32, #tpu.memory_space<vmem>>, vector<16xi32>,
          %shift_left3A_324 = arith.constant 16 : i32
          %shift_left3A_325 = vector.broadcast %shift_left3A_324 : i32 to vector<16xi32>
          %shift_left3A_326 = arith.shli %get3A_323, %shift_left3A_325 : vector<16xi32>
          %bitcast3A_327 = vector.bitcast %shift_left3A_326 : vector<16xi32> to vector<16xf32>
          %and3A_328 = vector.broadcast %scan3A_79 : i32 to vector<16xi32>
          %and3A_329 = arith.andi %get3A_323, %and3A_328 : vector<16xi32>
          %bitcast3A_330 = vector.bitcast %and3A_329 : vector<16xi32> to vector<16xf32>
          %get3A_331 = arith.index_cast %scan3A_228 : i32 to index
          %get3A_332 = arith.constant 128 : index
          %get3A_333 = tpu.vector_load %arg7[%get3A_331, %get3A_332] {strides = array<i32>} : memref<64x256xf32, #tpu.memory_space<vmem>>, vector<16xf32>,
          %add3A_334 = arith.addf %bitcast3A_327, %get3A_333 : vector<16xf32>
          %swap3A_335 = arith.index_cast %scan3A_228 : i32 to index
          %swap3A_336 = arith.constant 128 : index
          %swap3A_337 = tpu.vector_load %arg12[%swap3A_335, %swap3A_336] {strides = array<i32>} : memref<64x256xf32, #tpu.memory_space<vmem>>, vector<16xf32>,
          tpu.vector_store %arg12[%swap3A_335, %swap3A_336], %add3A_334 {strides = array<i32>} : memref<64x256xf32, #tpu.memory_space<vmem>>, vector<16xf32>,
          %get3A_338 = arith.index_cast %scan3A_228 : i32 to index
          %get3A_339 = arith.constant 144 : index
          %get3A_340 = tpu.vector_load %arg7[%get3A_338, %get3A_339] {strides = array<i32>} : memref<64x256xf32, #tpu.memory_space<vmem>>, vector<16xf32>,
          %add3A_341 = arith.addf %bitcast3A_330, %get3A_340 : vector<16xf32>
          %swap3A_342 = arith.index_cast %scan3A_228 : i32 to index
          %swap3A_343 = arith.constant 144 : index
          %swap3A_344 = tpu.vector_load %arg12[%swap3A_342, %swap3A_343] {strides = array<i32>} : memref<64x256xf32, #tpu.memory_space<vmem>>, vector<16xf32>,
          tpu.vector_store %arg12[%swap3A_342, %swap3A_343], %add3A_341 {strides = array<i32>} : memref<64x256xf32, #tpu.memory_space<vmem>>, vector<16xf32>,
          %get3A_345 = arith.index_cast %scan3A_228 : i32 to index
          %get3A_346 = arith.constant 80 : index
          %get3A_347 = tpu.vector_load %arg10[%get3A_345, %get3A_346] {strides = array<i32>} : memref<64x128xi32, #tpu.memory_space<vmem>>, vector<16xi32>,
          %shift_left3A_348 = arith.constant 16 : i32
          %shift_left3A_349 = vector.broadcast %shift_left3A_348 : i32 to vector<16xi32>
          %shift_left3A_350 = arith.shli %get3A_347, %shift_left3A_349 : vector<16xi32>
          %bitcast3A_351 = vector.bitcast %shift_left3A_350 : vector<16xi32> to vector<16xf32>
          %and3A_352 = vector.broadcast %scan3A_79 : i32 to vector<16xi32>
          %and3A_353 = arith.andi %get3A_347, %and3A_352 : vector<16xi32>
          %bitcast3A_354 = vector.bitcast %and3A_353 : vector<16xi32> to vector<16xf32>
          %get3A_355 = arith.index_cast %scan3A_228 : i32 to index
          %get3A_356 = arith.constant 160 : index
          %get3A_357 = tpu.vector_load %arg7[%get3A_355, %get3A_356] {strides = array<i32>} : memref<64x256xf32, #tpu.memory_space<vmem>>, vector<16xf32>,
          %add3A_358 = arith.addf %bitcast3A_351, %get3A_357 : vector<16xf32>
          %swap3A_359 = arith.index_cast %scan3A_228 : i32 to index
          %swap3A_360 = arith.constant 160 : index
          %swap3A_361 = tpu.vector_load %arg12[%swap3A_359, %swap3A_360] {strides = array<i32>} : memref<64x256xf32, #tpu.memory_space<vmem>>, vector<16xf32>,
          tpu.vector_store %arg12[%swap3A_359, %swap3A_360], %add3A_358 {strides = array<i32>} : memref<64x256xf32, #tpu.memory_space<vmem>>, vector<16xf32>,
          %get3A_362 = arith.index_cast %scan3A_228 : i32 to index
          %get3A_363 = arith.constant 176 : index
          %get3A_364 = tpu.vector_load %arg7[%get3A_362, %get3A_363] {strides = array<i32>} : memref<64x256xf32, #tpu.memory_space<vmem>>, vector<16xf32>,
          %add3A_365 = arith.addf %bitcast3A_354, %get3A_364 : vector<16xf32>
          %swap3A_366 = arith.index_cast %scan3A_228 : i32 to index
          %swap3A_367 = arith.constant 176 : index
          %swap3A_368 = tpu.vector_load %arg12[%swap3A_366, %swap3A_367] {strides = array<i32>} : memref<64x256xf32, #tpu.memory_space<vmem>>, vector<16xf32>,
          tpu.vector_store %arg12[%swap3A_366, %swap3A_367], %add3A_365 {strides = array<i32>} : memref<64x256xf32, #tpu.memory_space<vmem>>, vector<16xf32>,
          %get3A_369 = arith.index_cast %scan3A_228 : i32 to index
          %get3A_370 = arith.constant 96 : index
          %get3A_371 = tpu.vector_load %arg10[%get3A_369, %get3A_370] {strides = array<i32>} : memref<64x128xi32, #tpu.memory_space<vmem>>, vector<16xi32>,
          %shift_left3A_372 = arith.constant 16 : i32
          %shift_left3A_373 = vector.broadcast %shift_left3A_372 : i32 to vector<16xi32>
          %shift_left3A_374 = arith.shli %get3A_371, %shift_left3A_373 : vector<16xi32>
          %bitcast3A_375 = vector.bitcast %shift_left3A_374 : vector<16xi32> to vector<16xf32>
          %and3A_376 = vector.broadcast %scan3A_79 : i32 to vector<16xi32>
          %and3A_377 = arith.andi %get3A_371, %and3A_376 : vector<16xi32>
          %bitcast3A_378 = vector.bitcast %and3A_377 : vector<16xi32> to vector<16xf32>
          %get3A_379 = arith.index_cast %scan3A_228 : i32 to index
          %get3A_380 = arith.constant 192 : index
          %get3A_381 = tpu.vector_load %arg7[%get3A_379, %get3A_380] {strides = array<i32>} : memref<64x256xf32, #tpu.memory_space<vmem>>, vector<16xf32>,
          %add3A_382 = arith.addf %bitcast3A_375, %get3A_381 : vector<16xf32>
          %swap3A_383 = arith.index_cast %scan3A_228 : i32 to index
          %swap3A_384 = arith.constant 192 : index
          %swap3A_385 = tpu.vector_load %arg12[%swap3A_383, %swap3A_384] {strides = array<i32>} : memref<64x256xf32, #tpu.memory_space<vmem>>, vector<16xf32>,
          tpu.vector_store %arg12[%swap3A_383, %swap3A_384], %add3A_382 {strides = array<i32>} : memref<64x256xf32, #tpu.memory_space<vmem>>, vector<16xf32>,
          %get3A_386 = arith.index_cast %scan3A_228 : i32 to index
          %get3A_387 = arith.constant 208 : index
          %get3A_388 = tpu.vector_load %arg7[%get3A_386, %get3A_387] {strides = array<i32>} : memref<64x256xf32, #tpu.memory_space<vmem>>, vector<16xf32>,
          %add3A_389 = arith.addf %bitcast3A_378, %get3A_388 : vector<16xf32>
          %swap3A_390 = arith.index_cast %scan3A_228 : i32 to index
          %swap3A_391 = arith.constant 208 : index
          %swap3A_392 = tpu.vector_load %arg12[%swap3A_390, %swap3A_391] {strides = array<i32>} : memref<64x256xf32, #tpu.memory_space<vmem>>, vector<16xf32>,
          tpu.vector_store %arg12[%swap3A_390, %swap3A_391], %add3A_389 {strides = array<i32>} : memref<64x256xf32, #tpu.memory_space<vmem>>, vector<16xf32>,
          %get3A_393 = arith.index_cast %scan3A_228 : i32 to index
          %get3A_394 = arith.constant 112 : index
          %get3A_395 = tpu.vector_load %arg10[%get3A_393, %get3A_394] {strides = array<i32>} : memref<64x128xi32, #tpu.memory_space<vmem>>, vector<16xi32>,
          %shift_left3A_396 = arith.constant 16 : i32
          %shift_left3A_397 = vector.broadcast %shift_left3A_396 : i32 to vector<16xi32>
          %shift_left3A_398 = arith.shli %get3A_395, %shift_left3A_397 : vector<16xi32>
          %bitcast3A_399 = vector.bitcast %shift_left3A_398 : vector<16xi32> to vector<16xf32>
          %and3A_400 = vector.broadcast %scan3A_79 : i32 to vector<16xi32>
          %and3A_401 = arith.andi %get3A_395, %and3A_400 : vector<16xi32>
          %bitcast3A_402 = vector.bitcast %and3A_401 : vector<16xi32> to vector<16xf32>
          %get3A_403 = arith.index_cast %scan3A_228 : i32 to index
          %get3A_404 = arith.constant 224 : index
          %get3A_405 = tpu.vector_load %arg7[%get3A_403, %get3A_404] {strides = array<i32>} : memref<64x256xf32, #tpu.memory_space<vmem>>, vector<16xf32>,
          %add3A_406 = arith.addf %bitcast3A_399, %get3A_405 : vector<16xf32>
          %swap3A_407 = arith.index_cast %scan3A_228 : i32 to index
          %swap3A_408 = arith.constant 224 : index
          %swap3A_409 = tpu.vector_load %arg12[%swap3A_407, %swap3A_408] {strides = array<i32>} : memref<64x256xf32, #tpu.memory_space<vmem>>, vector<16xf32>,
          tpu.vector_store %arg12[%swap3A_407, %swap3A_408], %add3A_406 {strides = array<i32>} : memref<64x256xf32, #tpu.memory_space<vmem>>, vector<16xf32>,
          %get3A_410 = arith.index_cast %scan3A_228 : i32 to index
          %get3A_411 = arith.constant 240 : index
          %get3A_412 = tpu.vector_load %arg7[%get3A_410, %get3A_411] {strides = array<i32>} : memref<64x256xf32, #tpu.memory_space<vmem>>, vector<16xf32>,
          %add3A_413 = arith.addf %bitcast3A_402, %get3A_412 : vector<16xf32>
          %swap3A_414 = arith.index_cast %scan3A_228 : i32 to index
          %swap3A_415 = arith.constant 240 : index
          %swap3A_416 = tpu.vector_load %arg12[%swap3A_414, %swap3A_415] {strides = array<i32>} : memref<64x256xf32, #tpu.memory_space<vmem>>, vector<16xf32>,
          tpu.vector_store %arg12[%swap3A_414, %swap3A_415], %add3A_413 {strides = array<i32>} : memref<64x256xf32, #tpu.memory_space<vmem>>, vector<16xf32>,
          %scan3A_417 = arith.constant 1 : i32
          %scan3A_418 = arith.addi %scan3A_228, %scan3A_417 : i32
          %get3A_419 = arith.index_cast %scan3A_418 : i32 to index
          %get3A_420 = arith.constant 0 : index
          %get3A_421 = tpu.vector_load %arg10[%get3A_419, %get3A_420] {strides = array<i32>} : memref<64x128xi32, #tpu.memory_space<vmem>>, vector<16xi32>,
          %shift_left3A_422 = arith.constant 16 : i32
          %shift_left3A_423 = vector.broadcast %shift_left3A_422 : i32 to vector<16xi32>
          %shift_left3A_424 = arith.shli %get3A_421, %shift_left3A_423 : vector<16xi32>
          %bitcast3A_425 = vector.bitcast %shift_left3A_424 : vector<16xi32> to vector<16xf32>
          %and3A_426 = vector.broadcast %scan3A_79 : i32 to vector<16xi32>
          %and3A_427 = arith.andi %get3A_421, %and3A_426 : vector<16xi32>
          %bitcast3A_428 = vector.bitcast %and3A_427 : vector<16xi32> to vector<16xf32>
          %get3A_429 = arith.index_cast %scan3A_418 : i32 to index
          %get3A_430 = arith.constant 0 : index
          %get3A_431 = tpu.vector_load %arg7[%get3A_429, %get3A_430] {strides = array<i32>} : memref<64x256xf32, #tpu.memory_space<vmem>>, vector<16xf32>,
          %add3A_432 = arith.addf %bitcast3A_425, %get3A_431 : vector<16xf32>
          %swap3A_433 = arith.index_cast %scan3A_418 : i32 to index
          %swap3A_434 = arith.constant 0 : index
          %swap3A_435 = tpu.vector_load %arg12[%swap3A_433, %swap3A_434] {strides = array<i32>} : memref<64x256xf32, #tpu.memory_space<vmem>>, vector<16xf32>,
          tpu.vector_store %arg12[%swap3A_433, %swap3A_434], %add3A_432 {strides = array<i32>} : memref<64x256xf32, #tpu.memory_space<vmem>>, vector<16xf32>,
          %get3A_436 = arith.index_cast %scan3A_418 : i32 to index
          %get3A_437 = arith.constant 16 : index
          %get3A_438 = tpu.vector_load %arg7[%get3A_436, %get3A_437] {strides = array<i32>} : memref<64x256xf32, #tpu.memory_space<vmem>>, vector<16xf32>,
          %add3A_439 = arith.addf %bitcast3A_428, %get3A_438 : vector<16xf32>
          %swap3A_440 = arith.index_cast %scan3A_418 : i32 to index
          %swap3A_441 = arith.constant 16 : index
          %swap3A_442 = tpu.vector_load %arg12[%swap3A_440, %swap3A_441] {strides = array<i32>} : memref<64x256xf32, #tpu.memory_space<vmem>>, vector<16xf32>,
          tpu.vector_store %arg12[%swap3A_440, %swap3A_441], %add3A_439 {strides = array<i32>} : memref<64x256xf32, #tpu.memory_space<vmem>>, vector<16xf32>,
          %get3A_443 = arith.index_cast %scan3A_418 : i32 to index
          %get3A_444 = arith.constant 16 : index
          %get3A_445 = tpu.vector_load %arg10[%get3A_443, %get3A_444] {strides = array<i32>} : memref<64x128xi32, #tpu.memory_space<vmem>>, vector<16xi32>,
          %shift_left3A_446 = arith.constant 16 : i32
          %shift_left3A_447 = vector.broadcast %shift_left3A_446 : i32 to vector<16xi32>
          %shift_left3A_448 = arith.shli %get3A_445, %shift_left3A_447 : vector<16xi32>
          %bitcast3A_449 = vector.bitcast %shift_left3A_448 : vector<16xi32> to vector<16xf32>
          %and3A_450 = vector.broadcast %scan3A_79 : i32 to vector<16xi32>
          %and3A_451 = arith.andi %get3A_445, %and3A_450 : vector<16xi32>
          %bitcast3A_452 = vector.bitcast %and3A_451 : vector<16xi32> to vector<16xf32>
          %get3A_453 = arith.index_cast %scan3A_418 : i32 to index
          %get3A_454 = arith.constant 32 : index
          %get3A_455 = tpu.vector_load %arg7[%get3A_453, %get3A_454] {strides = array<i32>} : memref<64x256xf32, #tpu.memory_space<vmem>>, vector<16xf32>,
          %add3A_456 = arith.addf %bitcast3A_449, %get3A_455 : vector<16xf32>
          %swap3A_457 = arith.index_cast %scan3A_418 : i32 to index
          %swap3A_458 = arith.constant 32 : index
          %swap3A_459 = tpu.vector_load %arg12[%swap3A_457, %swap3A_458] {strides = array<i32>} : memref<64x256xf32, #tpu.memory_space<vmem>>, vector<16xf32>,
          tpu.vector_store %arg12[%swap3A_457, %swap3A_458], %add3A_456 {strides = array<i32>} : memref<64x256xf32, #tpu.memory_space<vmem>>, vector<16xf32>,
          %get3A_460 = arith.index_cast %scan3A_418 : i32 to index
          %get3A_461 = arith.constant 48 : index
          %get3A_462 = tpu.vector_load %arg7[%get3A_460, %get3A_461] {strides = array<i32>} : memref<64x256xf32, #tpu.memory_space<vmem>>, vector<16xf32>,
          %add3A_463 = arith.addf %bitcast3A_452, %get3A_462 : vector<16xf32>
          %swap3A_464 = arith.index_cast %scan3A_418 : i32 to index
          %swap3A_465 = arith.constant 48 : index
          %swap3A_466 = tpu.vector_load %arg12[%swap3A_464, %swap3A_465] {strides = array<i32>} : memref<64x256xf32, #tpu.memory_space<vmem>>, vector<16xf32>,
          tpu.vector_store %arg12[%swap3A_464, %swap3A_465], %add3A_463 {strides = array<i32>} : memref<64x256xf32, #tpu.memory_space<vmem>>, vector<16xf32>,
          %get3A_467 = arith.index_cast %scan3A_418 : i32 to index
          %get3A_468 = arith.constant 32 : index
          %get3A_469 = tpu.vector_load %arg10[%get3A_467, %get3A_468] {strides = array<i32>} : memref<64x128xi32, #tpu.memory_space<vmem>>, vector<16xi32>,
          %shift_left3A_470 = arith.constant 16 : i32
          %shift_left3A_471 = vector.broadcast %shift_left3A_470 : i32 to vector<16xi32>
          %shift_left3A_472 = arith.shli %get3A_469, %shift_left3A_471 : vector<16xi32>
          %bitcast3A_473 = vector.bitcast %shift_left3A_472 : vector<16xi32> to vector<16xf32>
          %and3A_474 = vector.broadcast %scan3A_79 : i32 to vector<16xi32>
          %and3A_475 = arith.andi %get3A_469, %and3A_474 : vector<16xi32>
          %bitcast3A_476 = vector.bitcast %and3A_475 : vector<16xi32> to vector<16xf32>
          %get3A_477 = arith.index_cast %scan3A_418 : i32 to index
          %get3A_478 = arith.constant 64 : index
          %get3A_479 = tpu.vector_load %arg7[%get3A_477, %get3A_478] {strides = array<i32>} : memref<64x256xf32, #tpu.memory_space<vmem>>, vector<16xf32>,
          %add3A_480 = arith.addf %bitcast3A_473, %get3A_479 : vector<16xf32>
          %swap3A_481 = arith.index_cast %scan3A_418 : i32 to index
          %swap3A_482 = arith.constant 64 : index
          %swap3A_483 = tpu.vector_load %arg12[%swap3A_481, %swap3A_482] {strides = array<i32>} : memref<64x256xf32, #tpu.memory_space<vmem>>, vector<16xf32>,
          tpu.vector_store %arg12[%swap3A_481, %swap3A_482], %add3A_480 {strides = array<i32>} : memref<64x256xf32, #tpu.memory_space<vmem>>, vector<16xf32>,
          %get3A_484 = arith.index_cast %scan3A_418 : i32 to index
          %get3A_485 = arith.constant 80 : index
          %get3A_486 = tpu.vector_load %arg7[%get3A_484, %get3A_485] {strides = array<i32>} : memref<64x256xf32, #tpu.memory_space<vmem>>, vector<16xf32>,
          %add3A_487 = arith.addf %bitcast3A_476, %get3A_486 : vector<16xf32>
          %swap3A_488 = arith.index_cast %scan3A_418 : i32 to index
          %swap3A_489 = arith.constant 80 : index
          %swap3A_490 = tpu.vector_load %arg12[%swap3A_488, %swap3A_489] {strides = array<i32>} : memref<64x256xf32, #tpu.memory_space<vmem>>, vector<16xf32>,
          tpu.vector_store %arg12[%swap3A_488, %swap3A_489], %add3A_487 {strides = array<i32>} : memref<64x256xf32, #tpu.memory_space<vmem>>, vector<16xf32>,
          %get3A_491 = arith.index_cast %scan3A_418 : i32 to index
          %get3A_492 = arith.constant 48 : index
          %get3A_493 = tpu.vector_load %arg10[%get3A_491, %get3A_492] {strides = array<i32>} : memref<64x128xi32, #tpu.memory_space<vmem>>, vector<16xi32>,
          %shift_left3A_494 = arith.constant 16 : i32
          %shift_left3A_495 = vector.broadcast %shift_left3A_494 : i32 to vector<16xi32>
          %shift_left3A_496 = arith.shli %get3A_493, %shift_left3A_495 : vector<16xi32>
          %bitcast3A_497 = vector.bitcast %shift_left3A_496 : vector<16xi32> to vector<16xf32>
          %and3A_498 = vector.broadcast %scan3A_79 : i32 to vector<16xi32>
          %and3A_499 = arith.andi %get3A_493, %and3A_498 : vector<16xi32>
          %bitcast3A_500 = vector.bitcast %and3A_499 : vector<16xi32> to vector<16xf32>
          %get3A_501 = arith.index_cast %scan3A_418 : i32 to index
          %get3A_502 = arith.constant 96 : index
          %get3A_503 = tpu.vector_load %arg7[%get3A_501, %get3A_502] {strides = array<i32>} : memref<64x256xf32, #tpu.memory_space<vmem>>, vector<16xf32>,
          %add3A_504 = arith.addf %bitcast3A_497, %get3A_503 : vector<16xf32>
          %swap3A_505 = arith.index_cast %scan3A_418 : i32 to index
          %swap3A_506 = arith.constant 96 : index
          %swap3A_507 = tpu.vector_load %arg12[%swap3A_505, %swap3A_506] {strides = array<i32>} : memref<64x256xf32, #tpu.memory_space<vmem>>, vector<16xf32>,
          tpu.vector_store %arg12[%swap3A_505, %swap3A_506], %add3A_504 {strides = array<i32>} : memref<64x256xf32, #tpu.memory_space<vmem>>, vector<16xf32>,
          %get3A_508 = arith.index_cast %scan3A_418 : i32 to index
          %get3A_509 = arith.constant 112 : index
          %get3A_510 = tpu.vector_load %arg7[%get3A_508, %get3A_509] {strides = array<i32>} : memref<64x256xf32, #tpu.memory_space<vmem>>, vector<16xf32>,
          %add3A_511 = arith.addf %bitcast3A_500, %get3A_510 : vector<16xf32>
          %swap3A_512 = arith.index_cast %scan3A_418 : i32 to index
          %swap3A_513 = arith.constant 112 : index
          %swap3A_514 = tpu.vector_load %arg12[%swap3A_512, %swap3A_513] {strides = array<i32>} : memref<64x256xf32, #tpu.memory_space<vmem>>, vector<16xf32>,
          tpu.vector_store %arg12[%swap3A_512, %swap3A_513], %add3A_511 {strides = array<i32>} : memref<64x256xf32, #tpu.memory_space<vmem>>, vector<16xf32>,
          %get3A_515 = arith.index_cast %scan3A_418 : i32 to index
          %get3A_516 = arith.constant 64 : index
          %get3A_517 = tpu.vector_load %arg10[%get3A_515, %get3A_516] {strides = array<i32>} : memref<64x128xi32, #tpu.memory_space<vmem>>, vector<16xi32>,
          %shift_left3A_518 = arith.constant 16 : i32
          %shift_left3A_519 = vector.broadcast %shift_left3A_518 : i32 to vector<16xi32>
          %shift_left3A_520 = arith.shli %get3A_517, %shift_left3A_519 : vector<16xi32>
          %bitcast3A_521 = vector.bitcast %shift_left3A_520 : vector<16xi32> to vector<16xf32>
          %and3A_522 = vector.broadcast %scan3A_79 : i32 to vector<16xi32>
          %and3A_523 = arith.andi %get3A_517, %and3A_522 : vector<16xi32>
          %bitcast3A_524 = vector.bitcast %and3A_523 : vector<16xi32> to vector<16xf32>
          %get3A_525 = arith.index_cast %scan3A_418 : i32 to index
          %get3A_526 = arith.constant 128 : index
          %get3A_527 = tpu.vector_load %arg7[%get3A_525, %get3A_526] {strides = array<i32>} : memref<64x256xf32, #tpu.memory_space<vmem>>, vector<16xf32>,
          %add3A_528 = arith.addf %bitcast3A_521, %get3A_527 : vector<16xf32>
          %swap3A_529 = arith.index_cast %scan3A_418 : i32 to index
          %swap3A_530 = arith.constant 128 : index
          %swap3A_531 = tpu.vector_load %arg12[%swap3A_529, %swap3A_530] {strides = array<i32>} : memref<64x256xf32, #tpu.memory_space<vmem>>, vector<16xf32>,
          tpu.vector_store %arg12[%swap3A_529, %swap3A_530], %add3A_528 {strides = array<i32>} : memref<64x256xf32, #tpu.memory_space<vmem>>, vector<16xf32>,
          %get3A_532 = arith.index_cast %scan3A_418 : i32 to index
          %get3A_533 = arith.constant 144 : index
          %get3A_534 = tpu.vector_load %arg7[%get3A_532, %get3A_533] {strides = array<i32>} : memref<64x256xf32, #tpu.memory_space<vmem>>, vector<16xf32>,
          %add3A_535 = arith.addf %bitcast3A_524, %get3A_534 : vector<16xf32>
          %swap3A_536 = arith.index_cast %scan3A_418 : i32 to index
          %swap3A_537 = arith.constant 144 : index
          %swap3A_538 = tpu.vector_load %arg12[%swap3A_536, %swap3A_537] {strides = array<i32>} : memref<64x256xf32, #tpu.memory_space<vmem>>, vector<16xf32>,
          tpu.vector_store %arg12[%swap3A_536, %swap3A_537], %add3A_535 {strides = array<i32>} : memref<64x256xf32, #tpu.memory_space<vmem>>, vector<16xf32>,
          %get3A_539 = arith.index_cast %scan3A_418 : i32 to index
          %get3A_540 = arith.constant 80 : index
          %get3A_541 = tpu.vector_load %arg10[%get3A_539, %get3A_540] {strides = array<i32>} : memref<64x128xi32, #tpu.memory_space<vmem>>, vector<16xi32>,
          %shift_left3A_542 = arith.constant 16 : i32
          %shift_left3A_543 = vector.broadcast %shift_left3A_542 : i32 to vector<16xi32>
          %shift_left3A_544 = arith.shli %get3A_541, %shift_left3A_543 : vector<16xi32>
          %bitcast3A_545 = vector.bitcast %shift_left3A_544 : vector<16xi32> to vector<16xf32>
          %and3A_546 = vector.broadcast %scan3A_79 : i32 to vector<16xi32>
          %and3A_547 = arith.andi %get3A_541, %and3A_546 : vector<16xi32>
          %bitcast3A_548 = vector.bitcast %and3A_547 : vector<16xi32> to vector<16xf32>
          %get3A_549 = arith.index_cast %scan3A_418 : i32 to index
          %get3A_550 = arith.constant 160 : index
          %get3A_551 = tpu.vector_load %arg7[%get3A_549, %get3A_550] {strides = array<i32>} : memref<64x256xf32, #tpu.memory_space<vmem>>, vector<16xf32>,
          %add3A_552 = arith.addf %bitcast3A_545, %get3A_551 : vector<16xf32>
          %swap3A_553 = arith.index_cast %scan3A_418 : i32 to index
          %swap3A_554 = arith.constant 160 : index
          %swap3A_555 = tpu.vector_load %arg12[%swap3A_553, %swap3A_554] {strides = array<i32>} : memref<64x256xf32, #tpu.memory_space<vmem>>, vector<16xf32>,
          tpu.vector_store %arg12[%swap3A_553, %swap3A_554], %add3A_552 {strides = array<i32>} : memref<64x256xf32, #tpu.memory_space<vmem>>, vector<16xf32>,
          %get3A_556 = arith.index_cast %scan3A_418 : i32 to index
          %get3A_557 = arith.constant 176 : index
          %get3A_558 = tpu.vector_load %arg7[%get3A_556, %get3A_557] {strides = array<i32>} : memref<64x256xf32, #tpu.memory_space<vmem>>, vector<16xf32>,
          %add3A_559 = arith.addf %bitcast3A_548, %get3A_558 : vector<16xf32>
          %swap3A_560 = arith.index_cast %scan3A_418 : i32 to index
          %swap3A_561 = arith.constant 176 : index
          %swap3A_562 = tpu.vector_load %arg12[%swap3A_560, %swap3A_561] {strides = array<i32>} : memref<64x256xf32, #tpu.memory_space<vmem>>, vector<16xf32>,
          tpu.vector_store %arg12[%swap3A_560, %swap3A_561], %add3A_559 {strides = array<i32>} : memref<64x256xf32, #tpu.memory_space<vmem>>, vector<16xf32>,
          %get3A_563 = arith.index_cast %scan3A_418 : i32 to index
          %get3A_564 = arith.constant 96 : index
          %get3A_565 = tpu.vector_load %arg10[%get3A_563, %get3A_564] {strides = array<i32>} : memref<64x128xi32, #tpu.memory_space<vmem>>, vector<16xi32>,
          %shift_left3A_566 = arith.constant 16 : i32
          %shift_left3A_567 = vector.broadcast %shift_left3A_566 : i32 to vector<16xi32>
          %shift_left3A_568 = arith.shli %get3A_565, %shift_left3A_567 : vector<16xi32>
          %bitcast3A_569 = vector.bitcast %shift_left3A_568 : vector<16xi32> to vector<16xf32>
          %and3A_570 = vector.broadcast %scan3A_79 : i32 to vector<16xi32>
          %and3A_571 = arith.andi %get3A_565, %and3A_570 : vector<16xi32>
          %bitcast3A_572 = vector.bitcast %and3A_571 : vector<16xi32> to vector<16xf32>
          %get3A_573 = arith.index_cast %scan3A_418 : i32 to index
          %get3A_574 = arith.constant 192 : index
          %get3A_575 = tpu.vector_load %arg7[%get3A_573, %get3A_574] {strides = array<i32>} : memref<64x256xf32, #tpu.memory_space<vmem>>, vector<16xf32>,
          %add3A_576 = arith.addf %bitcast3A_569, %get3A_575 : vector<16xf32>
          %swap3A_577 = arith.index_cast %scan3A_418 : i32 to index
          %swap3A_578 = arith.constant 192 : index
          %swap3A_579 = tpu.vector_load %arg12[%swap3A_577, %swap3A_578] {strides = array<i32>} : memref<64x256xf32, #tpu.memory_space<vmem>>, vector<16xf32>,
          tpu.vector_store %arg12[%swap3A_577, %swap3A_578], %add3A_576 {strides = array<i32>} : memref<64x256xf32, #tpu.memory_space<vmem>>, vector<16xf32>,
          %get3A_580 = arith.index_cast %scan3A_418 : i32 to index
          %get3A_581 = arith.constant 208 : index
          %get3A_582 = tpu.vector_load %arg7[%get3A_580, %get3A_581] {strides = array<i32>} : memref<64x256xf32, #tpu.memory_space<vmem>>, vector<16xf32>,
          %add3A_583 = arith.addf %bitcast3A_572, %get3A_582 : vector<16xf32>
          %swap3A_584 = arith.index_cast %scan3A_418 : i32 to index
          %swap3A_585 = arith.constant 208 : index
          %swap3A_586 = tpu.vector_load %arg12[%swap3A_584, %swap3A_585] {strides = array<i32>} : memref<64x256xf32, #tpu.memory_space<vmem>>, vector<16xf32>,
          tpu.vector_store %arg12[%swap3A_584, %swap3A_585], %add3A_583 {strides = array<i32>} : memref<64x256xf32, #tpu.memory_space<vmem>>, vector<16xf32>,
          %get3A_587 = arith.index_cast %scan3A_418 : i32 to index
          %get3A_588 = arith.constant 112 : index
          %get3A_589 = tpu.vector_load %arg10[%get3A_587, %get3A_588] {strides = array<i32>} : memref<64x128xi32, #tpu.memory_space<vmem>>, vector<16xi32>,
          %shift_left3A_590 = arith.constant 16 : i32
          %shift_left3A_591 = vector.broadcast %shift_left3A_590 : i32 to vector<16xi32>
          %shift_left3A_592 = arith.shli %get3A_589, %shift_left3A_591 : vector<16xi32>
          %bitcast3A_593 = vector.bitcast %shift_left3A_592 : vector<16xi32> to vector<16xf32>
          %and3A_594 = vector.broadcast %scan3A_79 : i32 to vector<16xi32>
          %and3A_595 = arith.andi %get3A_589, %and3A_594 : vector<16xi32>
          %bitcast3A_596 = vector.bitcast %and3A_595 : vector<16xi32> to vector<16xf32>
          %get3A_597 = arith.index_cast %scan3A_418 : i32 to index
          %get3A_598 = arith.constant 224 : index
          %get3A_599 = tpu.vector_load %arg7[%get3A_597, %get3A_598] {strides = array<i32>} : memref<64x256xf32, #tpu.memory_space<vmem>>, vector<16xf32>,
          %add3A_600 = arith.addf %bitcast3A_593, %get3A_599 : vector<16xf32>
          %swap3A_601 = arith.index_cast %scan3A_418 : i32 to index
          %swap3A_602 = arith.constant 224 : index
          %swap3A_603 = tpu.vector_load %arg12[%swap3A_601, %swap3A_602] {strides = array<i32>} : memref<64x256xf32, #tpu.memory_space<vmem>>, vector<16xf32>,
          tpu.vector_store %arg12[%swap3A_601, %swap3A_602], %add3A_600 {strides = array<i32>} : memref<64x256xf32, #tpu.memory_space<vmem>>, vector<16xf32>,
          %get3A_604 = arith.index_cast %scan3A_418 : i32 to index
          %get3A_605 = arith.constant 240 : index
          %get3A_606 = tpu.vector_load %arg7[%get3A_604, %get3A_605] {strides = array<i32>} : memref<64x256xf32, #tpu.memory_space<vmem>>, vector<16xf32>,
          %add3A_607 = arith.addf %bitcast3A_596, %get3A_606 : vector<16xf32>
          %swap3A_608 = arith.index_cast %scan3A_418 : i32 to index
          %swap3A_609 = arith.constant 240 : index
          %swap3A_610 = tpu.vector_load %arg12[%swap3A_608, %swap3A_609] {strides = array<i32>} : memref<64x256xf32, #tpu.memory_space<vmem>>, vector<16xf32>,
          tpu.vector_store %arg12[%swap3A_608, %swap3A_609], %add3A_607 {strides = array<i32>} : memref<64x256xf32, #tpu.memory_space<vmem>>, vector<16xf32>,
        }
        %scan3A_217 = arith.constant 64 : i32
        %mul3A_218 = arith.constant 32 : i32
        %mul3A_219 = arith.muli %mul3A_218, %scan3A_115 : i32
        %add3A_220 = arith.addi %add3A, %mul3A_219 : i32
        %mul3A_221 = arith.constant 64 : i32
        %mul3A_222 = arith.muli %add3A_220, %mul3A_221 : i32
        %multiple_of3A_223 = tpu.assume_multiple %mul3A_222, 64 : i32
        %dma_start3A_224 = arith.constant 0 : i32
        %dma_start3A_225 = tpu.memref_slice %arg5[%multiple_of3A_223, %dma_start3A_224] : memref<16384x256xf32, #tpu.memory_space<hbm>> -> memref<64x256xf32, #tpu.memory_space<hbm>>
        %dma_start3A_226 = arith.constant 0 : i32
        %dma_start3A_227 = tpu.memref_slice %arg5[%multiple_of3A_223, %dma_start3A_226] : memref<16384x256xf32, #tpu.memory_space<hbm>> -> memref<64x256xf32, #tpu.memory_space<hbm>>
        tpu.enqueue_dma source(%arg12 : memref<64x256xf32, #tpu.memory_space<vmem>>) target(%dma_start3A_227 : memref<64x256xf32, #tpu.memory_space<hbm>>) target_semaphore(%arg18 : memref<!tpu.dma_semaphore, #tpu.memory_space<semaphore_mem>>)
      } else {
      }
      %jit3A_173 = arith.constant 4 : i32
      %eq3A_174 = arith.constant 0 : i32
      %eq3A_175 = arith.cmpi eq, %jit3A_173, %eq3A_174 : i32
      %jit3A_176 = arith.constant 1 : i32
      %select_n3A_177 = arith.select %eq3A_175, %jit3A_176, %jit3A_173 : i32
      %rem3A_178 = arith.remsi %scan3A_115, %select_n3A_177 : i32
      %ne3A_179 = arith.constant 0 : i32
      %ne3A_180 = arith.cmpi ne, %rem3A_178, %ne3A_179 : i32
      %lt3A_181 = arith.constant 0 : i32
      %lt3A_182 = arith.cmpi slt, %rem3A_178, %lt3A_181 : i32
      %lt3A_183 = arith.constant 0 : i32
      %lt3A_184 = arith.cmpi slt, %select_n3A_177, %lt3A_183 : i32
      %ne3A_185 = arith.xori %lt3A_182, %lt3A_184 : i1
      %and3A_186 = arith.andi %ne3A_185, %ne3A_180 : i1
      %add3A_187 = arith.addi %rem3A_178, %select_n3A_177 : i32
      %select_n3A_188 = arith.select %and3A_186, %add3A_187, %rem3A_178 : i32
      %eq3A_189 = arith.constant 3 : i32
      %eq3A_190 = arith.cmpi eq, %select_n3A_188, %eq3A_189 : i32
      %convert_element_type3A_191 = arith.extui %eq3A_190 : i1 to i32
      %cond3A_192 = arith.constant 0 : i32
      %cond3A_193 = arith.cmpi ne, %convert_element_type3A_191, %cond3A_192 : i32
      scf.if %cond3A_193 {
        %dma_start3A_194 = arith.constant 0 : i32
        %dma_start3A_195 = tpu.memref_slice %arg6[%min3A_118, %dma_start3A_194] : memref<8x64xi32, #tpu.memory_space<vmem>> -> memref<1x64xi32, #tpu.memory_space<vmem>>
        %dma_start3A_196 = tpu.memref_squeeze %dma_start3A_195 : memref<1x64xi32, #tpu.memory_space<vmem>> -> memref<64xi32, #tpu.memory_space<vmem>>
        %dma_start3A_197 = arith.constant 0 : i32
        %dma_start3A_198 = arith.constant 0 : i32
        %dma_start3A_199 = tpu.memref_slice %arg2[%dma_start3A_197, %dma_start3A_198] : memref<2064x128xi32, #tpu.memory_space<hbm>> -> memref<2064x128xi32, #tpu.memory_space<hbm>>
        tpu.enqueue_indirect_dma source(%dma_start3A_199 : memref<2064x128xi32, #tpu.memory_space<hbm>>) target(%arg10 : memref<64x128xi32, #tpu.memory_space<vmem>>) offsets(%dma_start3A_196 : memref<64xi32, #tpu.memory_space<vmem>>) semaphore(%arg16 : memref<!tpu.dma_semaphore, #tpu.memory_space<semaphore_mem>>)
        %dma_wait3A_200 = arith.constant 0 : i32
        %dma_wait3A_201 = arith.constant 0 : i32
        %dma_wait3A_202 = tpu.memref_slice %arg5[%dma_wait3A_200, %dma_wait3A_201] : memref<16384x256xf32, #tpu.memory_space<hbm>> -> memref<64x256xf32, #tpu.memory_space<hbm>>
        %dma_wait3A_203 = arith.constant 0 : i32
        %dma_wait3A_204 = arith.constant 0 : i32
        %dma_wait3A_205 = tpu.memref_slice %arg5[%dma_wait3A_203, %dma_wait3A_204] : memref<16384x256xf32, #tpu.memory_space<hbm>> -> memref<64x256xf32, #tpu.memory_space<hbm>>
        tpu.wait_dma2 semaphore(%arg19 : memref<!tpu.dma_semaphore, #tpu.memory_space<semaphore_mem>>) src(%arg13 : memref<64x256xf32, #tpu.memory_space<vmem>>) dst(%dma_wait3A_205 : memref<64x256xf32, #tpu.memory_space<hbm>>)
        %dma_wait3A_206 = arith.constant 0 : i32
        %dma_wait3A_207 = arith.constant 0 : i32
        %dma_wait3A_208 = tpu.memref_slice %arg2[%dma_wait3A_206, %dma_wait3A_207] : memref<2064x128xi32, #tpu.memory_space<hbm>> -> memref<64x128xi32, #tpu.memory_space<hbm>>
        %dma_wait3A_209 = arith.constant 0 : i32
        %dma_wait3A_210 = arith.constant 0 : i32
        %dma_wait3A_211 = tpu.memref_slice %arg2[%dma_wait3A_209, %dma_wait3A_210] : memref<2064x128xi32, #tpu.memory_space<hbm>> -> memref<64x128xi32, #tpu.memory_space<hbm>>
        tpu.wait_dma2 semaphore(%arg17 : memref<!tpu.dma_semaphore, #tpu.memory_space<semaphore_mem>>) src(%dma_wait3A_211 : memref<64x128xi32, #tpu.memory_space<hbm>>) dst(%arg11 : memref<64x128xi32, #tpu.memory_space<vmem>>)
        %scan3A_212 = arith.constant 0 : i32
        %scan3A_213 = arith.constant 0 : i32
        %scan3A_214 = arith.constant 64 : i32
        %scan3A_215 = arith.addi %scan3A_213, %scan3A_214 : i32
        %scan3A_216 = arith.constant 2 : i32
        scf.for %scan3A_228 = %scan3A_213 to %scan3A_215 step %scan3A_216  : i32 {
          %get3A = arith.index_cast %scan3A_228 : i32 to index
          %get3A_229 = arith.constant 0 : index
          %get3A_230 = tpu.vector_load %arg11[%get3A, %get3A_229] {strides = array<i32>} : memref<64x128xi32, #tpu.memory_space<vmem>>, vector<16xi32>,
          %shift_left3A = arith.constant 16 : i32
          %shift_left3A_231 = vector.broadcast %shift_left3A : i32 to vector<16xi32>
          %shift_left3A_232 = arith.shli %get3A_230, %shift_left3A_231 : vector<16xi32>
          %bitcast3A = vector.bitcast %shift_left3A_232 : vector<16xi32> to vector<16xf32>
          %and3A_233 = vector.broadcast %scan3A_79 : i32 to vector<16xi32>
          %and3A_234 = arith.andi %get3A_230, %and3A_233 : vector<16xi32>
          %bitcast3A_235 = vector.bitcast %and3A_234 : vector<16xi32> to vector<16xf32>
          %get3A_236 = arith.index_cast %scan3A_228 : i32 to index
          %get3A_237 = arith.constant 0 : index
          %get3A_238 = tpu.vector_load %arg7[%get3A_236, %get3A_237] {strides = array<i32>} : memref<64x256xf32, #tpu.memory_space<vmem>>, vector<16xf32>,
          %add3A_239 = arith.addf %bitcast3A, %get3A_238 : vector<16xf32>
          %swap3A = arith.index_cast %scan3A_228 : i32 to index
          %swap3A_240 = arith.constant 0 : index
          %swap3A_241 = tpu.vector_load %arg13[%swap3A, %swap3A_240] {strides = array<i32>} : memref<64x256xf32, #tpu.memory_space<vmem>>, vector<16xf32>,
          tpu.vector_store %arg13[%swap3A, %swap3A_240], %add3A_239 {strides = array<i32>} : memref<64x256xf32, #tpu.memory_space<vmem>>, vector<16xf32>,
          %get3A_242 = arith.index_cast %scan3A_228 : i32 to index
          %get3A_243 = arith.constant 16 : index
          %get3A_244 = tpu.vector_load %arg7[%get3A_242, %get3A_243] {strides = array<i32>} : memref<64x256xf32, #tpu.memory_space<vmem>>, vector<16xf32>,
          %add3A_245 = arith.addf %bitcast3A_235, %get3A_244 : vector<16xf32>
          %swap3A_246 = arith.index_cast %scan3A_228 : i32 to index
          %swap3A_247 = arith.constant 16 : index
          %swap3A_248 = tpu.vector_load %arg13[%swap3A_246, %swap3A_247] {strides = array<i32>} : memref<64x256xf32, #tpu.memory_space<vmem>>, vector<16xf32>,
          tpu.vector_store %arg13[%swap3A_246, %swap3A_247], %add3A_245 {strides = array<i32>} : memref<64x256xf32, #tpu.memory_space<vmem>>, vector<16xf32>,
          %get3A_249 = arith.index_cast %scan3A_228 : i32 to index
          %get3A_250 = arith.constant 16 : index
          %get3A_251 = tpu.vector_load %arg11[%get3A_249, %get3A_250] {strides = array<i32>} : memref<64x128xi32, #tpu.memory_space<vmem>>, vector<16xi32>,
          %shift_left3A_252 = arith.constant 16 : i32
          %shift_left3A_253 = vector.broadcast %shift_left3A_252 : i32 to vector<16xi32>
          %shift_left3A_254 = arith.shli %get3A_251, %shift_left3A_253 : vector<16xi32>
          %bitcast3A_255 = vector.bitcast %shift_left3A_254 : vector<16xi32> to vector<16xf32>
          %and3A_256 = vector.broadcast %scan3A_79 : i32 to vector<16xi32>
          %and3A_257 = arith.andi %get3A_251, %and3A_256 : vector<16xi32>
          %bitcast3A_258 = vector.bitcast %and3A_257 : vector<16xi32> to vector<16xf32>
          %get3A_259 = arith.index_cast %scan3A_228 : i32 to index
          %get3A_260 = arith.constant 32 : index
          %get3A_261 = tpu.vector_load %arg7[%get3A_259, %get3A_260] {strides = array<i32>} : memref<64x256xf32, #tpu.memory_space<vmem>>, vector<16xf32>,
          %add3A_262 = arith.addf %bitcast3A_255, %get3A_261 : vector<16xf32>
          %swap3A_263 = arith.index_cast %scan3A_228 : i32 to index
          %swap3A_264 = arith.constant 32 : index
          %swap3A_265 = tpu.vector_load %arg13[%swap3A_263, %swap3A_264] {strides = array<i32>} : memref<64x256xf32, #tpu.memory_space<vmem>>, vector<16xf32>,
          tpu.vector_store %arg13[%swap3A_263, %swap3A_264], %add3A_262 {strides = array<i32>} : memref<64x256xf32, #tpu.memory_space<vmem>>, vector<16xf32>,
          %get3A_266 = arith.index_cast %scan3A_228 : i32 to index
          %get3A_267 = arith.constant 48 : index
          %get3A_268 = tpu.vector_load %arg7[%get3A_266, %get3A_267] {strides = array<i32>} : memref<64x256xf32, #tpu.memory_space<vmem>>, vector<16xf32>,
          %add3A_269 = arith.addf %bitcast3A_258, %get3A_268 : vector<16xf32>
          %swap3A_270 = arith.index_cast %scan3A_228 : i32 to index
          %swap3A_271 = arith.constant 48 : index
          %swap3A_272 = tpu.vector_load %arg13[%swap3A_270, %swap3A_271] {strides = array<i32>} : memref<64x256xf32, #tpu.memory_space<vmem>>, vector<16xf32>,
          tpu.vector_store %arg13[%swap3A_270, %swap3A_271], %add3A_269 {strides = array<i32>} : memref<64x256xf32, #tpu.memory_space<vmem>>, vector<16xf32>,
          %get3A_273 = arith.index_cast %scan3A_228 : i32 to index
          %get3A_274 = arith.constant 32 : index
          %get3A_275 = tpu.vector_load %arg11[%get3A_273, %get3A_274] {strides = array<i32>} : memref<64x128xi32, #tpu.memory_space<vmem>>, vector<16xi32>,
          %shift_left3A_276 = arith.constant 16 : i32
          %shift_left3A_277 = vector.broadcast %shift_left3A_276 : i32 to vector<16xi32>
          %shift_left3A_278 = arith.shli %get3A_275, %shift_left3A_277 : vector<16xi32>
          %bitcast3A_279 = vector.bitcast %shift_left3A_278 : vector<16xi32> to vector<16xf32>
          %and3A_280 = vector.broadcast %scan3A_79 : i32 to vector<16xi32>
          %and3A_281 = arith.andi %get3A_275, %and3A_280 : vector<16xi32>
          %bitcast3A_282 = vector.bitcast %and3A_281 : vector<16xi32> to vector<16xf32>
          %get3A_283 = arith.index_cast %scan3A_228 : i32 to index
          %get3A_284 = arith.constant 64 : index
          %get3A_285 = tpu.vector_load %arg7[%get3A_283, %get3A_284] {strides = array<i32>} : memref<64x256xf32, #tpu.memory_space<vmem>>, vector<16xf32>,
          %add3A_286 = arith.addf %bitcast3A_279, %get3A_285 : vector<16xf32>
          %swap3A_287 = arith.index_cast %scan3A_228 : i32 to index
          %swap3A_288 = arith.constant 64 : index
          %swap3A_289 = tpu.vector_load %arg13[%swap3A_287, %swap3A_288] {strides = array<i32>} : memref<64x256xf32, #tpu.memory_space<vmem>>, vector<16xf32>,
          tpu.vector_store %arg13[%swap3A_287, %swap3A_288], %add3A_286 {strides = array<i32>} : memref<64x256xf32, #tpu.memory_space<vmem>>, vector<16xf32>,
          %get3A_290 = arith.index_cast %scan3A_228 : i32 to index
          %get3A_291 = arith.constant 80 : index
          %get3A_292 = tpu.vector_load %arg7[%get3A_290, %get3A_291] {strides = array<i32>} : memref<64x256xf32, #tpu.memory_space<vmem>>, vector<16xf32>,
          %add3A_293 = arith.addf %bitcast3A_282, %get3A_292 : vector<16xf32>
          %swap3A_294 = arith.index_cast %scan3A_228 : i32 to index
          %swap3A_295 = arith.constant 80 : index
          %swap3A_296 = tpu.vector_load %arg13[%swap3A_294, %swap3A_295] {strides = array<i32>} : memref<64x256xf32, #tpu.memory_space<vmem>>, vector<16xf32>,
          tpu.vector_store %arg13[%swap3A_294, %swap3A_295], %add3A_293 {strides = array<i32>} : memref<64x256xf32, #tpu.memory_space<vmem>>, vector<16xf32>,
          %get3A_297 = arith.index_cast %scan3A_228 : i32 to index
          %get3A_298 = arith.constant 48 : index
          %get3A_299 = tpu.vector_load %arg11[%get3A_297, %get3A_298] {strides = array<i32>} : memref<64x128xi32, #tpu.memory_space<vmem>>, vector<16xi32>,
          %shift_left3A_300 = arith.constant 16 : i32
          %shift_left3A_301 = vector.broadcast %shift_left3A_300 : i32 to vector<16xi32>
          %shift_left3A_302 = arith.shli %get3A_299, %shift_left3A_301 : vector<16xi32>
          %bitcast3A_303 = vector.bitcast %shift_left3A_302 : vector<16xi32> to vector<16xf32>
          %and3A_304 = vector.broadcast %scan3A_79 : i32 to vector<16xi32>
          %and3A_305 = arith.andi %get3A_299, %and3A_304 : vector<16xi32>
          %bitcast3A_306 = vector.bitcast %and3A_305 : vector<16xi32> to vector<16xf32>
          %get3A_307 = arith.index_cast %scan3A_228 : i32 to index
          %get3A_308 = arith.constant 96 : index
          %get3A_309 = tpu.vector_load %arg7[%get3A_307, %get3A_308] {strides = array<i32>} : memref<64x256xf32, #tpu.memory_space<vmem>>, vector<16xf32>,
          %add3A_310 = arith.addf %bitcast3A_303, %get3A_309 : vector<16xf32>
          %swap3A_311 = arith.index_cast %scan3A_228 : i32 to index
          %swap3A_312 = arith.constant 96 : index
          %swap3A_313 = tpu.vector_load %arg13[%swap3A_311, %swap3A_312] {strides = array<i32>} : memref<64x256xf32, #tpu.memory_space<vmem>>, vector<16xf32>,
          tpu.vector_store %arg13[%swap3A_311, %swap3A_312], %add3A_310 {strides = array<i32>} : memref<64x256xf32, #tpu.memory_space<vmem>>, vector<16xf32>,
          %get3A_314 = arith.index_cast %scan3A_228 : i32 to index
          %get3A_315 = arith.constant 112 : index
          %get3A_316 = tpu.vector_load %arg7[%get3A_314, %get3A_315] {strides = array<i32>} : memref<64x256xf32, #tpu.memory_space<vmem>>, vector<16xf32>,
          %add3A_317 = arith.addf %bitcast3A_306, %get3A_316 : vector<16xf32>
          %swap3A_318 = arith.index_cast %scan3A_228 : i32 to index
          %swap3A_319 = arith.constant 112 : index
          %swap3A_320 = tpu.vector_load %arg13[%swap3A_318, %swap3A_319] {strides = array<i32>} : memref<64x256xf32, #tpu.memory_space<vmem>>, vector<16xf32>,
          tpu.vector_store %arg13[%swap3A_318, %swap3A_319], %add3A_317 {strides = array<i32>} : memref<64x256xf32, #tpu.memory_space<vmem>>, vector<16xf32>,
          %get3A_321 = arith.index_cast %scan3A_228 : i32 to index
          %get3A_322 = arith.constant 64 : index
          %get3A_323 = tpu.vector_load %arg11[%get3A_321, %get3A_322] {strides = array<i32>} : memref<64x128xi32, #tpu.memory_space<vmem>>, vector<16xi32>,
          %shift_left3A_324 = arith.constant 16 : i32
          %shift_left3A_325 = vector.broadcast %shift_left3A_324 : i32 to vector<16xi32>
          %shift_left3A_326 = arith.shli %get3A_323, %shift_left3A_325 : vector<16xi32>
          %bitcast3A_327 = vector.bitcast %shift_left3A_326 : vector<16xi32> to vector<16xf32>
          %and3A_328 = vector.broadcast %scan3A_79 : i32 to vector<16xi32>
          %and3A_329 = arith.andi %get3A_323, %and3A_328 : vector<16xi32>
          %bitcast3A_330 = vector.bitcast %and3A_329 : vector<16xi32> to vector<16xf32>
          %get3A_331 = arith.index_cast %scan3A_228 : i32 to index
          %get3A_332 = arith.constant 128 : index
          %get3A_333 = tpu.vector_load %arg7[%get3A_331, %get3A_332] {strides = array<i32>} : memref<64x256xf32, #tpu.memory_space<vmem>>, vector<16xf32>,
          %add3A_334 = arith.addf %bitcast3A_327, %get3A_333 : vector<16xf32>
          %swap3A_335 = arith.index_cast %scan3A_228 : i32 to index
          %swap3A_336 = arith.constant 128 : index
          %swap3A_337 = tpu.vector_load %arg13[%swap3A_335, %swap3A_336] {strides = array<i32>} : memref<64x256xf32, #tpu.memory_space<vmem>>, vector<16xf32>,
          tpu.vector_store %arg13[%swap3A_335, %swap3A_336], %add3A_334 {strides = array<i32>} : memref<64x256xf32, #tpu.memory_space<vmem>>, vector<16xf32>,
          %get3A_338 = arith.index_cast %scan3A_228 : i32 to index
          %get3A_339 = arith.constant 144 : index
          %get3A_340 = tpu.vector_load %arg7[%get3A_338, %get3A_339] {strides = array<i32>} : memref<64x256xf32, #tpu.memory_space<vmem>>, vector<16xf32>,
          %add3A_341 = arith.addf %bitcast3A_330, %get3A_340 : vector<16xf32>
          %swap3A_342 = arith.index_cast %scan3A_228 : i32 to index
          %swap3A_343 = arith.constant 144 : index
          %swap3A_344 = tpu.vector_load %arg13[%swap3A_342, %swap3A_343] {strides = array<i32>} : memref<64x256xf32, #tpu.memory_space<vmem>>, vector<16xf32>,
          tpu.vector_store %arg13[%swap3A_342, %swap3A_343], %add3A_341 {strides = array<i32>} : memref<64x256xf32, #tpu.memory_space<vmem>>, vector<16xf32>,
          %get3A_345 = arith.index_cast %scan3A_228 : i32 to index
          %get3A_346 = arith.constant 80 : index
          %get3A_347 = tpu.vector_load %arg11[%get3A_345, %get3A_346] {strides = array<i32>} : memref<64x128xi32, #tpu.memory_space<vmem>>, vector<16xi32>,
          %shift_left3A_348 = arith.constant 16 : i32
          %shift_left3A_349 = vector.broadcast %shift_left3A_348 : i32 to vector<16xi32>
          %shift_left3A_350 = arith.shli %get3A_347, %shift_left3A_349 : vector<16xi32>
          %bitcast3A_351 = vector.bitcast %shift_left3A_350 : vector<16xi32> to vector<16xf32>
          %and3A_352 = vector.broadcast %scan3A_79 : i32 to vector<16xi32>
          %and3A_353 = arith.andi %get3A_347, %and3A_352 : vector<16xi32>
          %bitcast3A_354 = vector.bitcast %and3A_353 : vector<16xi32> to vector<16xf32>
          %get3A_355 = arith.index_cast %scan3A_228 : i32 to index
          %get3A_356 = arith.constant 160 : index
          %get3A_357 = tpu.vector_load %arg7[%get3A_355, %get3A_356] {strides = array<i32>} : memref<64x256xf32, #tpu.memory_space<vmem>>, vector<16xf32>,
          %add3A_358 = arith.addf %bitcast3A_351, %get3A_357 : vector<16xf32>
          %swap3A_359 = arith.index_cast %scan3A_228 : i32 to index
          %swap3A_360 = arith.constant 160 : index
          %swap3A_361 = tpu.vector_load %arg13[%swap3A_359, %swap3A_360] {strides = array<i32>} : memref<64x256xf32, #tpu.memory_space<vmem>>, vector<16xf32>,
          tpu.vector_store %arg13[%swap3A_359, %swap3A_360], %add3A_358 {strides = array<i32>} : memref<64x256xf32, #tpu.memory_space<vmem>>, vector<16xf32>,
          %get3A_362 = arith.index_cast %scan3A_228 : i32 to index
          %get3A_363 = arith.constant 176 : index
          %get3A_364 = tpu.vector_load %arg7[%get3A_362, %get3A_363] {strides = array<i32>} : memref<64x256xf32, #tpu.memory_space<vmem>>, vector<16xf32>,
          %add3A_365 = arith.addf %bitcast3A_354, %get3A_364 : vector<16xf32>
          %swap3A_366 = arith.index_cast %scan3A_228 : i32 to index
          %swap3A_367 = arith.constant 176 : index
          %swap3A_368 = tpu.vector_load %arg13[%swap3A_366, %swap3A_367] {strides = array<i32>} : memref<64x256xf32, #tpu.memory_space<vmem>>, vector<16xf32>,
          tpu.vector_store %arg13[%swap3A_366, %swap3A_367], %add3A_365 {strides = array<i32>} : memref<64x256xf32, #tpu.memory_space<vmem>>, vector<16xf32>,
          %get3A_369 = arith.index_cast %scan3A_228 : i32 to index
          %get3A_370 = arith.constant 96 : index
          %get3A_371 = tpu.vector_load %arg11[%get3A_369, %get3A_370] {strides = array<i32>} : memref<64x128xi32, #tpu.memory_space<vmem>>, vector<16xi32>,
          %shift_left3A_372 = arith.constant 16 : i32
          %shift_left3A_373 = vector.broadcast %shift_left3A_372 : i32 to vector<16xi32>
          %shift_left3A_374 = arith.shli %get3A_371, %shift_left3A_373 : vector<16xi32>
          %bitcast3A_375 = vector.bitcast %shift_left3A_374 : vector<16xi32> to vector<16xf32>
          %and3A_376 = vector.broadcast %scan3A_79 : i32 to vector<16xi32>
          %and3A_377 = arith.andi %get3A_371, %and3A_376 : vector<16xi32>
          %bitcast3A_378 = vector.bitcast %and3A_377 : vector<16xi32> to vector<16xf32>
          %get3A_379 = arith.index_cast %scan3A_228 : i32 to index
          %get3A_380 = arith.constant 192 : index
          %get3A_381 = tpu.vector_load %arg7[%get3A_379, %get3A_380] {strides = array<i32>} : memref<64x256xf32, #tpu.memory_space<vmem>>, vector<16xf32>,
          %add3A_382 = arith.addf %bitcast3A_375, %get3A_381 : vector<16xf32>
          %swap3A_383 = arith.index_cast %scan3A_228 : i32 to index
          %swap3A_384 = arith.constant 192 : index
          %swap3A_385 = tpu.vector_load %arg13[%swap3A_383, %swap3A_384] {strides = array<i32>} : memref<64x256xf32, #tpu.memory_space<vmem>>, vector<16xf32>,
          tpu.vector_store %arg13[%swap3A_383, %swap3A_384], %add3A_382 {strides = array<i32>} : memref<64x256xf32, #tpu.memory_space<vmem>>, vector<16xf32>,
          %get3A_386 = arith.index_cast %scan3A_228 : i32 to index
          %get3A_387 = arith.constant 208 : index
          %get3A_388 = tpu.vector_load %arg7[%get3A_386, %get3A_387] {strides = array<i32>} : memref<64x256xf32, #tpu.memory_space<vmem>>, vector<16xf32>,
          %add3A_389 = arith.addf %bitcast3A_378, %get3A_388 : vector<16xf32>
          %swap3A_390 = arith.index_cast %scan3A_228 : i32 to index
          %swap3A_391 = arith.constant 208 : index
          %swap3A_392 = tpu.vector_load %arg13[%swap3A_390, %swap3A_391] {strides = array<i32>} : memref<64x256xf32, #tpu.memory_space<vmem>>, vector<16xf32>,
          tpu.vector_store %arg13[%swap3A_390, %swap3A_391], %add3A_389 {strides = array<i32>} : memref<64x256xf32, #tpu.memory_space<vmem>>, vector<16xf32>,
          %get3A_393 = arith.index_cast %scan3A_228 : i32 to index
          %get3A_394 = arith.constant 112 : index
          %get3A_395 = tpu.vector_load %arg11[%get3A_393, %get3A_394] {strides = array<i32>} : memref<64x128xi32, #tpu.memory_space<vmem>>, vector<16xi32>,
          %shift_left3A_396 = arith.constant 16 : i32
          %shift_left3A_397 = vector.broadcast %shift_left3A_396 : i32 to vector<16xi32>
          %shift_left3A_398 = arith.shli %get3A_395, %shift_left3A_397 : vector<16xi32>
          %bitcast3A_399 = vector.bitcast %shift_left3A_398 : vector<16xi32> to vector<16xf32>
          %and3A_400 = vector.broadcast %scan3A_79 : i32 to vector<16xi32>
          %and3A_401 = arith.andi %get3A_395, %and3A_400 : vector<16xi32>
          %bitcast3A_402 = vector.bitcast %and3A_401 : vector<16xi32> to vector<16xf32>
          %get3A_403 = arith.index_cast %scan3A_228 : i32 to index
          %get3A_404 = arith.constant 224 : index
          %get3A_405 = tpu.vector_load %arg7[%get3A_403, %get3A_404] {strides = array<i32>} : memref<64x256xf32, #tpu.memory_space<vmem>>, vector<16xf32>,
          %add3A_406 = arith.addf %bitcast3A_399, %get3A_405 : vector<16xf32>
          %swap3A_407 = arith.index_cast %scan3A_228 : i32 to index
          %swap3A_408 = arith.constant 224 : index
          %swap3A_409 = tpu.vector_load %arg13[%swap3A_407, %swap3A_408] {strides = array<i32>} : memref<64x256xf32, #tpu.memory_space<vmem>>, vector<16xf32>,
          tpu.vector_store %arg13[%swap3A_407, %swap3A_408], %add3A_406 {strides = array<i32>} : memref<64x256xf32, #tpu.memory_space<vmem>>, vector<16xf32>,
          %get3A_410 = arith.index_cast %scan3A_228 : i32 to index
          %get3A_411 = arith.constant 240 : index
          %get3A_412 = tpu.vector_load %arg7[%get3A_410, %get3A_411] {strides = array<i32>} : memref<64x256xf32, #tpu.memory_space<vmem>>, vector<16xf32>,
          %add3A_413 = arith.addf %bitcast3A_402, %get3A_412 : vector<16xf32>
          %swap3A_414 = arith.index_cast %scan3A_228 : i32 to index
          %swap3A_415 = arith.constant 240 : index
          %swap3A_416 = tpu.vector_load %arg13[%swap3A_414, %swap3A_415] {strides = array<i32>} : memref<64x256xf32, #tpu.memory_space<vmem>>, vector<16xf32>,
          tpu.vector_store %arg13[%swap3A_414, %swap3A_415], %add3A_413 {strides = array<i32>} : memref<64x256xf32, #tpu.memory_space<vmem>>, vector<16xf32>,
          %scan3A_417 = arith.constant 1 : i32
          %scan3A_418 = arith.addi %scan3A_228, %scan3A_417 : i32
          %get3A_419 = arith.index_cast %scan3A_418 : i32 to index
          %get3A_420 = arith.constant 0 : index
          %get3A_421 = tpu.vector_load %arg11[%get3A_419, %get3A_420] {strides = array<i32>} : memref<64x128xi32, #tpu.memory_space<vmem>>, vector<16xi32>,
          %shift_left3A_422 = arith.constant 16 : i32
          %shift_left3A_423 = vector.broadcast %shift_left3A_422 : i32 to vector<16xi32>
          %shift_left3A_424 = arith.shli %get3A_421, %shift_left3A_423 : vector<16xi32>
          %bitcast3A_425 = vector.bitcast %shift_left3A_424 : vector<16xi32> to vector<16xf32>
          %and3A_426 = vector.broadcast %scan3A_79 : i32 to vector<16xi32>
          %and3A_427 = arith.andi %get3A_421, %and3A_426 : vector<16xi32>
          %bitcast3A_428 = vector.bitcast %and3A_427 : vector<16xi32> to vector<16xf32>
          %get3A_429 = arith.index_cast %scan3A_418 : i32 to index
          %get3A_430 = arith.constant 0 : index
          %get3A_431 = tpu.vector_load %arg7[%get3A_429, %get3A_430] {strides = array<i32>} : memref<64x256xf32, #tpu.memory_space<vmem>>, vector<16xf32>,
          %add3A_432 = arith.addf %bitcast3A_425, %get3A_431 : vector<16xf32>
          %swap3A_433 = arith.index_cast %scan3A_418 : i32 to index
          %swap3A_434 = arith.constant 0 : index
          %swap3A_435 = tpu.vector_load %arg13[%swap3A_433, %swap3A_434] {strides = array<i32>} : memref<64x256xf32, #tpu.memory_space<vmem>>, vector<16xf32>,
          tpu.vector_store %arg13[%swap3A_433, %swap3A_434], %add3A_432 {strides = array<i32>} : memref<64x256xf32, #tpu.memory_space<vmem>>, vector<16xf32>,
          %get3A_436 = arith.index_cast %scan3A_418 : i32 to index
          %get3A_437 = arith.constant 16 : index
          %get3A_438 = tpu.vector_load %arg7[%get3A_436, %get3A_437] {strides = array<i32>} : memref<64x256xf32, #tpu.memory_space<vmem>>, vector<16xf32>,
          %add3A_439 = arith.addf %bitcast3A_428, %get3A_438 : vector<16xf32>
          %swap3A_440 = arith.index_cast %scan3A_418 : i32 to index
          %swap3A_441 = arith.constant 16 : index
          %swap3A_442 = tpu.vector_load %arg13[%swap3A_440, %swap3A_441] {strides = array<i32>} : memref<64x256xf32, #tpu.memory_space<vmem>>, vector<16xf32>,
          tpu.vector_store %arg13[%swap3A_440, %swap3A_441], %add3A_439 {strides = array<i32>} : memref<64x256xf32, #tpu.memory_space<vmem>>, vector<16xf32>,
          %get3A_443 = arith.index_cast %scan3A_418 : i32 to index
          %get3A_444 = arith.constant 16 : index
          %get3A_445 = tpu.vector_load %arg11[%get3A_443, %get3A_444] {strides = array<i32>} : memref<64x128xi32, #tpu.memory_space<vmem>>, vector<16xi32>,
          %shift_left3A_446 = arith.constant 16 : i32
          %shift_left3A_447 = vector.broadcast %shift_left3A_446 : i32 to vector<16xi32>
          %shift_left3A_448 = arith.shli %get3A_445, %shift_left3A_447 : vector<16xi32>
          %bitcast3A_449 = vector.bitcast %shift_left3A_448 : vector<16xi32> to vector<16xf32>
          %and3A_450 = vector.broadcast %scan3A_79 : i32 to vector<16xi32>
          %and3A_451 = arith.andi %get3A_445, %and3A_450 : vector<16xi32>
          %bitcast3A_452 = vector.bitcast %and3A_451 : vector<16xi32> to vector<16xf32>
          %get3A_453 = arith.index_cast %scan3A_418 : i32 to index
          %get3A_454 = arith.constant 32 : index
          %get3A_455 = tpu.vector_load %arg7[%get3A_453, %get3A_454] {strides = array<i32>} : memref<64x256xf32, #tpu.memory_space<vmem>>, vector<16xf32>,
          %add3A_456 = arith.addf %bitcast3A_449, %get3A_455 : vector<16xf32>
          %swap3A_457 = arith.index_cast %scan3A_418 : i32 to index
          %swap3A_458 = arith.constant 32 : index
          %swap3A_459 = tpu.vector_load %arg13[%swap3A_457, %swap3A_458] {strides = array<i32>} : memref<64x256xf32, #tpu.memory_space<vmem>>, vector<16xf32>,
          tpu.vector_store %arg13[%swap3A_457, %swap3A_458], %add3A_456 {strides = array<i32>} : memref<64x256xf32, #tpu.memory_space<vmem>>, vector<16xf32>,
          %get3A_460 = arith.index_cast %scan3A_418 : i32 to index
          %get3A_461 = arith.constant 48 : index
          %get3A_462 = tpu.vector_load %arg7[%get3A_460, %get3A_461] {strides = array<i32>} : memref<64x256xf32, #tpu.memory_space<vmem>>, vector<16xf32>,
          %add3A_463 = arith.addf %bitcast3A_452, %get3A_462 : vector<16xf32>
          %swap3A_464 = arith.index_cast %scan3A_418 : i32 to index
          %swap3A_465 = arith.constant 48 : index
          %swap3A_466 = tpu.vector_load %arg13[%swap3A_464, %swap3A_465] {strides = array<i32>} : memref<64x256xf32, #tpu.memory_space<vmem>>, vector<16xf32>,
          tpu.vector_store %arg13[%swap3A_464, %swap3A_465], %add3A_463 {strides = array<i32>} : memref<64x256xf32, #tpu.memory_space<vmem>>, vector<16xf32>,
          %get3A_467 = arith.index_cast %scan3A_418 : i32 to index
          %get3A_468 = arith.constant 32 : index
          %get3A_469 = tpu.vector_load %arg11[%get3A_467, %get3A_468] {strides = array<i32>} : memref<64x128xi32, #tpu.memory_space<vmem>>, vector<16xi32>,
          %shift_left3A_470 = arith.constant 16 : i32
          %shift_left3A_471 = vector.broadcast %shift_left3A_470 : i32 to vector<16xi32>
          %shift_left3A_472 = arith.shli %get3A_469, %shift_left3A_471 : vector<16xi32>
          %bitcast3A_473 = vector.bitcast %shift_left3A_472 : vector<16xi32> to vector<16xf32>
          %and3A_474 = vector.broadcast %scan3A_79 : i32 to vector<16xi32>
          %and3A_475 = arith.andi %get3A_469, %and3A_474 : vector<16xi32>
          %bitcast3A_476 = vector.bitcast %and3A_475 : vector<16xi32> to vector<16xf32>
          %get3A_477 = arith.index_cast %scan3A_418 : i32 to index
          %get3A_478 = arith.constant 64 : index
          %get3A_479 = tpu.vector_load %arg7[%get3A_477, %get3A_478] {strides = array<i32>} : memref<64x256xf32, #tpu.memory_space<vmem>>, vector<16xf32>,
          %add3A_480 = arith.addf %bitcast3A_473, %get3A_479 : vector<16xf32>
          %swap3A_481 = arith.index_cast %scan3A_418 : i32 to index
          %swap3A_482 = arith.constant 64 : index
          %swap3A_483 = tpu.vector_load %arg13[%swap3A_481, %swap3A_482] {strides = array<i32>} : memref<64x256xf32, #tpu.memory_space<vmem>>, vector<16xf32>,
          tpu.vector_store %arg13[%swap3A_481, %swap3A_482], %add3A_480 {strides = array<i32>} : memref<64x256xf32, #tpu.memory_space<vmem>>, vector<16xf32>,
          %get3A_484 = arith.index_cast %scan3A_418 : i32 to index
          %get3A_485 = arith.constant 80 : index
          %get3A_486 = tpu.vector_load %arg7[%get3A_484, %get3A_485] {strides = array<i32>} : memref<64x256xf32, #tpu.memory_space<vmem>>, vector<16xf32>,
          %add3A_487 = arith.addf %bitcast3A_476, %get3A_486 : vector<16xf32>
          %swap3A_488 = arith.index_cast %scan3A_418 : i32 to index
          %swap3A_489 = arith.constant 80 : index
          %swap3A_490 = tpu.vector_load %arg13[%swap3A_488, %swap3A_489] {strides = array<i32>} : memref<64x256xf32, #tpu.memory_space<vmem>>, vector<16xf32>,
          tpu.vector_store %arg13[%swap3A_488, %swap3A_489], %add3A_487 {strides = array<i32>} : memref<64x256xf32, #tpu.memory_space<vmem>>, vector<16xf32>,
          %get3A_491 = arith.index_cast %scan3A_418 : i32 to index
          %get3A_492 = arith.constant 48 : index
          %get3A_493 = tpu.vector_load %arg11[%get3A_491, %get3A_492] {strides = array<i32>} : memref<64x128xi32, #tpu.memory_space<vmem>>, vector<16xi32>,
          %shift_left3A_494 = arith.constant 16 : i32
          %shift_left3A_495 = vector.broadcast %shift_left3A_494 : i32 to vector<16xi32>
          %shift_left3A_496 = arith.shli %get3A_493, %shift_left3A_495 : vector<16xi32>
          %bitcast3A_497 = vector.bitcast %shift_left3A_496 : vector<16xi32> to vector<16xf32>
          %and3A_498 = vector.broadcast %scan3A_79 : i32 to vector<16xi32>
          %and3A_499 = arith.andi %get3A_493, %and3A_498 : vector<16xi32>
          %bitcast3A_500 = vector.bitcast %and3A_499 : vector<16xi32> to vector<16xf32>
          %get3A_501 = arith.index_cast %scan3A_418 : i32 to index
          %get3A_502 = arith.constant 96 : index
          %get3A_503 = tpu.vector_load %arg7[%get3A_501, %get3A_502] {strides = array<i32>} : memref<64x256xf32, #tpu.memory_space<vmem>>, vector<16xf32>,
          %add3A_504 = arith.addf %bitcast3A_497, %get3A_503 : vector<16xf32>
          %swap3A_505 = arith.index_cast %scan3A_418 : i32 to index
          %swap3A_506 = arith.constant 96 : index
          %swap3A_507 = tpu.vector_load %arg13[%swap3A_505, %swap3A_506] {strides = array<i32>} : memref<64x256xf32, #tpu.memory_space<vmem>>, vector<16xf32>,
          tpu.vector_store %arg13[%swap3A_505, %swap3A_506], %add3A_504 {strides = array<i32>} : memref<64x256xf32, #tpu.memory_space<vmem>>, vector<16xf32>,
          %get3A_508 = arith.index_cast %scan3A_418 : i32 to index
          %get3A_509 = arith.constant 112 : index
          %get3A_510 = tpu.vector_load %arg7[%get3A_508, %get3A_509] {strides = array<i32>} : memref<64x256xf32, #tpu.memory_space<vmem>>, vector<16xf32>,
          %add3A_511 = arith.addf %bitcast3A_500, %get3A_510 : vector<16xf32>
          %swap3A_512 = arith.index_cast %scan3A_418 : i32 to index
          %swap3A_513 = arith.constant 112 : index
          %swap3A_514 = tpu.vector_load %arg13[%swap3A_512, %swap3A_513] {strides = array<i32>} : memref<64x256xf32, #tpu.memory_space<vmem>>, vector<16xf32>,
          tpu.vector_store %arg13[%swap3A_512, %swap3A_513], %add3A_511 {strides = array<i32>} : memref<64x256xf32, #tpu.memory_space<vmem>>, vector<16xf32>,
          %get3A_515 = arith.index_cast %scan3A_418 : i32 to index
          %get3A_516 = arith.constant 64 : index
          %get3A_517 = tpu.vector_load %arg11[%get3A_515, %get3A_516] {strides = array<i32>} : memref<64x128xi32, #tpu.memory_space<vmem>>, vector<16xi32>,
          %shift_left3A_518 = arith.constant 16 : i32
          %shift_left3A_519 = vector.broadcast %shift_left3A_518 : i32 to vector<16xi32>
          %shift_left3A_520 = arith.shli %get3A_517, %shift_left3A_519 : vector<16xi32>
          %bitcast3A_521 = vector.bitcast %shift_left3A_520 : vector<16xi32> to vector<16xf32>
          %and3A_522 = vector.broadcast %scan3A_79 : i32 to vector<16xi32>
          %and3A_523 = arith.andi %get3A_517, %and3A_522 : vector<16xi32>
          %bitcast3A_524 = vector.bitcast %and3A_523 : vector<16xi32> to vector<16xf32>
          %get3A_525 = arith.index_cast %scan3A_418 : i32 to index
          %get3A_526 = arith.constant 128 : index
          %get3A_527 = tpu.vector_load %arg7[%get3A_525, %get3A_526] {strides = array<i32>} : memref<64x256xf32, #tpu.memory_space<vmem>>, vector<16xf32>,
          %add3A_528 = arith.addf %bitcast3A_521, %get3A_527 : vector<16xf32>
          %swap3A_529 = arith.index_cast %scan3A_418 : i32 to index
          %swap3A_530 = arith.constant 128 : index
          %swap3A_531 = tpu.vector_load %arg13[%swap3A_529, %swap3A_530] {strides = array<i32>} : memref<64x256xf32, #tpu.memory_space<vmem>>, vector<16xf32>,
          tpu.vector_store %arg13[%swap3A_529, %swap3A_530], %add3A_528 {strides = array<i32>} : memref<64x256xf32, #tpu.memory_space<vmem>>, vector<16xf32>,
          %get3A_532 = arith.index_cast %scan3A_418 : i32 to index
          %get3A_533 = arith.constant 144 : index
          %get3A_534 = tpu.vector_load %arg7[%get3A_532, %get3A_533] {strides = array<i32>} : memref<64x256xf32, #tpu.memory_space<vmem>>, vector<16xf32>,
          %add3A_535 = arith.addf %bitcast3A_524, %get3A_534 : vector<16xf32>
          %swap3A_536 = arith.index_cast %scan3A_418 : i32 to index
          %swap3A_537 = arith.constant 144 : index
          %swap3A_538 = tpu.vector_load %arg13[%swap3A_536, %swap3A_537] {strides = array<i32>} : memref<64x256xf32, #tpu.memory_space<vmem>>, vector<16xf32>,
          tpu.vector_store %arg13[%swap3A_536, %swap3A_537], %add3A_535 {strides = array<i32>} : memref<64x256xf32, #tpu.memory_space<vmem>>, vector<16xf32>,
          %get3A_539 = arith.index_cast %scan3A_418 : i32 to index
          %get3A_540 = arith.constant 80 : index
          %get3A_541 = tpu.vector_load %arg11[%get3A_539, %get3A_540] {strides = array<i32>} : memref<64x128xi32, #tpu.memory_space<vmem>>, vector<16xi32>,
          %shift_left3A_542 = arith.constant 16 : i32
          %shift_left3A_543 = vector.broadcast %shift_left3A_542 : i32 to vector<16xi32>
          %shift_left3A_544 = arith.shli %get3A_541, %shift_left3A_543 : vector<16xi32>
          %bitcast3A_545 = vector.bitcast %shift_left3A_544 : vector<16xi32> to vector<16xf32>
          %and3A_546 = vector.broadcast %scan3A_79 : i32 to vector<16xi32>
          %and3A_547 = arith.andi %get3A_541, %and3A_546 : vector<16xi32>
          %bitcast3A_548 = vector.bitcast %and3A_547 : vector<16xi32> to vector<16xf32>
          %get3A_549 = arith.index_cast %scan3A_418 : i32 to index
          %get3A_550 = arith.constant 160 : index
          %get3A_551 = tpu.vector_load %arg7[%get3A_549, %get3A_550] {strides = array<i32>} : memref<64x256xf32, #tpu.memory_space<vmem>>, vector<16xf32>,
          %add3A_552 = arith.addf %bitcast3A_545, %get3A_551 : vector<16xf32>
          %swap3A_553 = arith.index_cast %scan3A_418 : i32 to index
          %swap3A_554 = arith.constant 160 : index
          %swap3A_555 = tpu.vector_load %arg13[%swap3A_553, %swap3A_554] {strides = array<i32>} : memref<64x256xf32, #tpu.memory_space<vmem>>, vector<16xf32>,
          tpu.vector_store %arg13[%swap3A_553, %swap3A_554], %add3A_552 {strides = array<i32>} : memref<64x256xf32, #tpu.memory_space<vmem>>, vector<16xf32>,
          %get3A_556 = arith.index_cast %scan3A_418 : i32 to index
          %get3A_557 = arith.constant 176 : index
          %get3A_558 = tpu.vector_load %arg7[%get3A_556, %get3A_557] {strides = array<i32>} : memref<64x256xf32, #tpu.memory_space<vmem>>, vector<16xf32>,
          %add3A_559 = arith.addf %bitcast3A_548, %get3A_558 : vector<16xf32>
          %swap3A_560 = arith.index_cast %scan3A_418 : i32 to index
          %swap3A_561 = arith.constant 176 : index
          %swap3A_562 = tpu.vector_load %arg13[%swap3A_560, %swap3A_561] {strides = array<i32>} : memref<64x256xf32, #tpu.memory_space<vmem>>, vector<16xf32>,
          tpu.vector_store %arg13[%swap3A_560, %swap3A_561], %add3A_559 {strides = array<i32>} : memref<64x256xf32, #tpu.memory_space<vmem>>, vector<16xf32>,
          %get3A_563 = arith.index_cast %scan3A_418 : i32 to index
          %get3A_564 = arith.constant 96 : index
          %get3A_565 = tpu.vector_load %arg11[%get3A_563, %get3A_564] {strides = array<i32>} : memref<64x128xi32, #tpu.memory_space<vmem>>, vector<16xi32>,
          %shift_left3A_566 = arith.constant 16 : i32
          %shift_left3A_567 = vector.broadcast %shift_left3A_566 : i32 to vector<16xi32>
          %shift_left3A_568 = arith.shli %get3A_565, %shift_left3A_567 : vector<16xi32>
          %bitcast3A_569 = vector.bitcast %shift_left3A_568 : vector<16xi32> to vector<16xf32>
          %and3A_570 = vector.broadcast %scan3A_79 : i32 to vector<16xi32>
          %and3A_571 = arith.andi %get3A_565, %and3A_570 : vector<16xi32>
          %bitcast3A_572 = vector.bitcast %and3A_571 : vector<16xi32> to vector<16xf32>
          %get3A_573 = arith.index_cast %scan3A_418 : i32 to index
          %get3A_574 = arith.constant 192 : index
          %get3A_575 = tpu.vector_load %arg7[%get3A_573, %get3A_574] {strides = array<i32>} : memref<64x256xf32, #tpu.memory_space<vmem>>, vector<16xf32>,
          %add3A_576 = arith.addf %bitcast3A_569, %get3A_575 : vector<16xf32>
          %swap3A_577 = arith.index_cast %scan3A_418 : i32 to index
          %swap3A_578 = arith.constant 192 : index
          %swap3A_579 = tpu.vector_load %arg13[%swap3A_577, %swap3A_578] {strides = array<i32>} : memref<64x256xf32, #tpu.memory_space<vmem>>, vector<16xf32>,
          tpu.vector_store %arg13[%swap3A_577, %swap3A_578], %add3A_576 {strides = array<i32>} : memref<64x256xf32, #tpu.memory_space<vmem>>, vector<16xf32>,
          %get3A_580 = arith.index_cast %scan3A_418 : i32 to index
          %get3A_581 = arith.constant 208 : index
          %get3A_582 = tpu.vector_load %arg7[%get3A_580, %get3A_581] {strides = array<i32>} : memref<64x256xf32, #tpu.memory_space<vmem>>, vector<16xf32>,
          %add3A_583 = arith.addf %bitcast3A_572, %get3A_582 : vector<16xf32>
          %swap3A_584 = arith.index_cast %scan3A_418 : i32 to index
          %swap3A_585 = arith.constant 208 : index
          %swap3A_586 = tpu.vector_load %arg13[%swap3A_584, %swap3A_585] {strides = array<i32>} : memref<64x256xf32, #tpu.memory_space<vmem>>, vector<16xf32>,
          tpu.vector_store %arg13[%swap3A_584, %swap3A_585], %add3A_583 {strides = array<i32>} : memref<64x256xf32, #tpu.memory_space<vmem>>, vector<16xf32>,
          %get3A_587 = arith.index_cast %scan3A_418 : i32 to index
          %get3A_588 = arith.constant 112 : index
          %get3A_589 = tpu.vector_load %arg11[%get3A_587, %get3A_588] {strides = array<i32>} : memref<64x128xi32, #tpu.memory_space<vmem>>, vector<16xi32>,
          %shift_left3A_590 = arith.constant 16 : i32
          %shift_left3A_591 = vector.broadcast %shift_left3A_590 : i32 to vector<16xi32>
          %shift_left3A_592 = arith.shli %get3A_589, %shift_left3A_591 : vector<16xi32>
          %bitcast3A_593 = vector.bitcast %shift_left3A_592 : vector<16xi32> to vector<16xf32>
          %and3A_594 = vector.broadcast %scan3A_79 : i32 to vector<16xi32>
          %and3A_595 = arith.andi %get3A_589, %and3A_594 : vector<16xi32>
          %bitcast3A_596 = vector.bitcast %and3A_595 : vector<16xi32> to vector<16xf32>
          %get3A_597 = arith.index_cast %scan3A_418 : i32 to index
          %get3A_598 = arith.constant 224 : index
          %get3A_599 = tpu.vector_load %arg7[%get3A_597, %get3A_598] {strides = array<i32>} : memref<64x256xf32, #tpu.memory_space<vmem>>, vector<16xf32>,
          %add3A_600 = arith.addf %bitcast3A_593, %get3A_599 : vector<16xf32>
          %swap3A_601 = arith.index_cast %scan3A_418 : i32 to index
          %swap3A_602 = arith.constant 224 : index
          %swap3A_603 = tpu.vector_load %arg13[%swap3A_601, %swap3A_602] {strides = array<i32>} : memref<64x256xf32, #tpu.memory_space<vmem>>, vector<16xf32>,
          tpu.vector_store %arg13[%swap3A_601, %swap3A_602], %add3A_600 {strides = array<i32>} : memref<64x256xf32, #tpu.memory_space<vmem>>, vector<16xf32>,
          %get3A_604 = arith.index_cast %scan3A_418 : i32 to index
          %get3A_605 = arith.constant 240 : index
          %get3A_606 = tpu.vector_load %arg7[%get3A_604, %get3A_605] {strides = array<i32>} : memref<64x256xf32, #tpu.memory_space<vmem>>, vector<16xf32>,
          %add3A_607 = arith.addf %bitcast3A_596, %get3A_606 : vector<16xf32>
          %swap3A_608 = arith.index_cast %scan3A_418 : i32 to index
          %swap3A_609 = arith.constant 240 : index
          %swap3A_610 = tpu.vector_load %arg13[%swap3A_608, %swap3A_609] {strides = array<i32>} : memref<64x256xf32, #tpu.memory_space<vmem>>, vector<16xf32>,
          tpu.vector_store %arg13[%swap3A_608, %swap3A_609], %add3A_607 {strides = array<i32>} : memref<64x256xf32, #tpu.memory_space<vmem>>, vector<16xf32>,
        }
        %scan3A_217 = arith.constant 64 : i32
        %mul3A_218 = arith.constant 32 : i32
        %mul3A_219 = arith.muli %mul3A_218, %scan3A_115 : i32
        %add3A_220 = arith.addi %add3A, %mul3A_219 : i32
        %mul3A_221 = arith.constant 64 : i32
        %mul3A_222 = arith.muli %add3A_220, %mul3A_221 : i32
        %multiple_of3A_223 = tpu.assume_multiple %mul3A_222, 64 : i32
        %dma_start3A_224 = arith.constant 0 : i32
        %dma_start3A_225 = tpu.memref_slice %arg5[%multiple_of3A_223, %dma_start3A_224] : memref<16384x256xf32, #tpu.memory_space<hbm>> -> memref<64x256xf32, #tpu.memory_space<hbm>>
        %dma_start3A_226 = arith.constant 0 : i32
        %dma_start3A_227 = tpu.memref_slice %arg5[%multiple_of3A_223, %dma_start3A_226] : memref<16384x256xf32, #tpu.memory_space<hbm>> -> memref<64x256xf32, #tpu.memory_space<hbm>>
        tpu.enqueue_dma source(%arg13 : memref<64x256xf32, #tpu.memory_space<vmem>>) target(%dma_start3A_227 : memref<64x256xf32, #tpu.memory_space<hbm>>) target_semaphore(%arg19 : memref<!tpu.dma_semaphore, #tpu.memory_space<semaphore_mem>>)
      } else {
      }
    }
    %scan3A_84 = arith.constant 6 : i32
    %dma_wait3A_85 = arith.constant 0 : i32
    %dma_wait3A_86 = arith.constant 0 : i32
    %dma_wait3A_87 = tpu.memref_slice %arg5[%dma_wait3A_85, %dma_wait3A_86] : memref<16384x256xf32, #tpu.memory_space<hbm>> -> memref<64x256xf32, #tpu.memory_space<hbm>>
    %dma_wait3A_88 = arith.constant 0 : i32
    %dma_wait3A_89 = arith.constant 0 : i32
    %dma_wait3A_90 = tpu.memref_slice %arg5[%dma_wait3A_88, %dma_wait3A_89] : memref<16384x256xf32, #tpu.memory_space<hbm>> -> memref<64x256xf32, #tpu.memory_space<hbm>>
    tpu.wait_dma2 semaphore(%arg18 : memref<!tpu.dma_semaphore, #tpu.memory_space<semaphore_mem>>) src(%arg12 : memref<64x256xf32, #tpu.memory_space<vmem>>) dst(%dma_wait3A_90 : memref<64x256xf32, #tpu.memory_space<hbm>>)
    %dma_wait3A_91 = arith.constant 0 : i32
    %dma_wait3A_92 = arith.constant 0 : i32
    %dma_wait3A_93 = tpu.memref_slice %arg5[%dma_wait3A_91, %dma_wait3A_92] : memref<16384x256xf32, #tpu.memory_space<hbm>> -> memref<64x256xf32, #tpu.memory_space<hbm>>
    %dma_wait3A_94 = arith.constant 0 : i32
    %dma_wait3A_95 = arith.constant 0 : i32
    %dma_wait3A_96 = tpu.memref_slice %arg5[%dma_wait3A_94, %dma_wait3A_95] : memref<16384x256xf32, #tpu.memory_space<hbm>> -> memref<64x256xf32, #tpu.memory_space<hbm>>
    tpu.wait_dma2 semaphore(%arg19 : memref<!tpu.dma_semaphore, #tpu.memory_space<semaphore_mem>>) src(%arg13 : memref<64x256xf32, #tpu.memory_space<vmem>>) dst(%dma_wait3A_96 : memref<64x256xf32, #tpu.memory_space<hbm>>)
    %dma_wait3A_97 = arith.constant 0 : i32
    %dma_wait3A_98 = arith.constant 0 : i32
    %dma_wait3A_99 = tpu.memref_slice %arg2[%dma_wait3A_97, %dma_wait3A_98] : memref<2064x128xi32, #tpu.memory_space<hbm>> -> memref<64x128xi32, #tpu.memory_space<hbm>>
    %dma_wait3A_100 = arith.constant 0 : i32
    %dma_wait3A_101 = arith.constant 0 : i32
    %dma_wait3A_102 = tpu.memref_slice %arg2[%dma_wait3A_100, %dma_wait3A_101] : memref<2064x128xi32, #tpu.memory_space<hbm>> -> memref<64x128xi32, #tpu.memory_space<hbm>>
    tpu.wait_dma2 semaphore(%arg14 : memref<!tpu.dma_semaphore, #tpu.memory_space<semaphore_mem>>) src(%dma_wait3A_102 : memref<64x128xi32, #tpu.memory_space<hbm>>) dst(%arg8 : memref<64x128xi32, #tpu.memory_space<vmem>>)
    %dma_wait3A_103 = arith.constant 0 : i32
    %dma_wait3A_104 = arith.constant 0 : i32
    %dma_wait3A_105 = tpu.memref_slice %arg2[%dma_wait3A_103, %dma_wait3A_104] : memref<2064x128xi32, #tpu.memory_space<hbm>> -> memref<64x128xi32, #tpu.memory_space<hbm>>
    %dma_wait3A_106 = arith.constant 0 : i32
    %dma_wait3A_107 = arith.constant 0 : i32
    %dma_wait3A_108 = tpu.memref_slice %arg2[%dma_wait3A_106, %dma_wait3A_107] : memref<2064x128xi32, #tpu.memory_space<hbm>> -> memref<64x128xi32, #tpu.memory_space<hbm>>
    tpu.wait_dma2 semaphore(%arg15 : memref<!tpu.dma_semaphore, #tpu.memory_space<semaphore_mem>>) src(%dma_wait3A_108 : memref<64x128xi32, #tpu.memory_space<hbm>>) dst(%arg9 : memref<64x128xi32, #tpu.memory_space<vmem>>)
    %dma_wait3A_109 = arith.constant 0 : i32
    %dma_wait3A_110 = arith.constant 0 : i32
    %dma_wait3A_111 = tpu.memref_slice %arg2[%dma_wait3A_109, %dma_wait3A_110] : memref<2064x128xi32, #tpu.memory_space<hbm>> -> memref<64x128xi32, #tpu.memory_space<hbm>>
    %dma_wait3A_112 = arith.constant 0 : i32
    %dma_wait3A_113 = arith.constant 0 : i32
    %dma_wait3A_114 = tpu.memref_slice %arg2[%dma_wait3A_112, %dma_wait3A_113] : memref<2064x128xi32, #tpu.memory_space<hbm>> -> memref<64x128xi32, #tpu.memory_space<hbm>>
    tpu.wait_dma2 semaphore(%arg16 : memref<!tpu.dma_semaphore, #tpu.memory_space<semaphore_mem>>) src(%dma_wait3A_114 : memref<64x128xi32, #tpu.memory_space<hbm>>) dst(%arg10 : memref<64x128xi32, #tpu.memory_space<vmem>>)
    return
  }
}

module attributes {stable_mosaic.version = 14 : i64} {
  func.func @_prep_body(%arg0: memref<8192x8xf32, #tpu.memory_space<vmem>>, %arg1: memref<8192x4xi32, #tpu.memory_space<vmem>>, %arg2: memref<8192x3xf32, #tpu.memory_space<vmem>>, %arg3: memref<16x256xf32, #tpu.memory_space<vmem>>, %arg4: memref<13x256xf32, #tpu.memory_space<vmem>>, %arg5: memref<3x256xf32, #tpu.memory_space<vmem>>, %arg6: memref<128x256xf32, #tpu.memory_space<vmem>>, %arg7: memref<2048x256xf32, #tpu.memory_space<vmem>>, %arg8: memref<2048x256xf32, #tpu.memory_space<vmem>>, %arg9: memref<8192x16xi32, #tpu.memory_space<vmem>>) attributes {dimension_semantics = [], scalar_prefetch = 0 : i64, scratch_operands = 0 : i64, tpu.core_type = #tpu.core_type<tc>} {
    %get3A = arith.constant 0 : index
    %get3A_0 = arith.constant 0 : index
    %get3A_1 = vector.load %arg0[%get3A, %get3A_0] : memref<8192x8xf32, #tpu.memory_space<vmem>>, vector<8192x8xf32>
    %tanh3A = math.tanh %get3A_1 : vector<8192x8xf32>
    %add3A = arith.constant 1.000000e+00 : f32
    %add3A_2 = vector.broadcast %add3A : f32 to vector<8192x8xf32>
    %add3A_3 = arith.addf %tanh3A, %add3A_2 : vector<8192x8xf32>
    %mul3A = arith.constant 5.000000e-01 : f32
    %mul3A_4 = vector.broadcast %mul3A : f32 to vector<8192x8xf32>
    %mul3A_5 = arith.mulf %add3A_3, %mul3A_4 : vector<8192x8xf32>
    %mul3A_6 = arith.constant 1.024000e+03 : f32
    %mul3A_7 = vector.broadcast %mul3A_6 : f32 to vector<8192x8xf32>
    %mul3A_8 = arith.mulf %mul3A_5, %mul3A_7 : vector<8192x8xf32>
    %floor3A = math.floor %mul3A_8 : vector<8192x8xf32>
    %convert_element_type3A = arith.fptosi %floor3A : vector<8192x8xf32> to vector<8192x8xi32>
    %jit3A = arith.constant 0 : i32
    %jit3A_9 = arith.constant 1023 : i32
    %max3A = vector.broadcast %jit3A : i32 to vector<8192x8xi32>
    %max3A_10 = arith.maxsi %max3A, %convert_element_type3A : vector<8192x8xi32>
    %min3A = vector.broadcast %jit3A_9 : i32 to vector<8192x8xi32>
    %min3A_11 = arith.minsi %min3A, %max3A_10 : vector<8192x8xi32>
    %get3A_12 = arith.constant 0 : index
    %get3A_13 = arith.constant 0 : index
    %get3A_14 = vector.load %arg2[%get3A_12, %get3A_13] : memref<8192x3xf32, #tpu.memory_space<vmem>>, vector<8192x3xf32>
    %tanh3A_15 = math.tanh %get3A_14 : vector<8192x3xf32>
    %add3A_16 = arith.constant 1.000000e+00 : f32
    %add3A_17 = vector.broadcast %add3A_16 : f32 to vector<8192x3xf32>
    %add3A_18 = arith.addf %tanh3A_15, %add3A_17 : vector<8192x3xf32>
    %mul3A_19 = arith.constant 5.000000e-01 : f32
    %mul3A_20 = vector.broadcast %mul3A_19 : f32 to vector<8192x3xf32>
    %mul3A_21 = arith.mulf %add3A_18, %mul3A_20 : vector<8192x3xf32>
    %mul3A_22 = arith.constant 1.024000e+03 : f32
    %mul3A_23 = vector.broadcast %mul3A_22 : f32 to vector<8192x3xf32>
    %mul3A_24 = arith.mulf %mul3A_21, %mul3A_23 : vector<8192x3xf32>
    %floor3A_25 = math.floor %mul3A_24 : vector<8192x3xf32>
    %convert_element_type3A_26 = arith.fptosi %floor3A_25 : vector<8192x3xf32> to vector<8192x3xi32>
    %jit3A_27 = arith.constant 0 : i32
    %jit3A_28 = arith.constant 1023 : i32
    %max3A_29 = vector.broadcast %jit3A_27 : i32 to vector<8192x3xi32>
    %max3A_30 = arith.maxsi %max3A_29, %convert_element_type3A_26 : vector<8192x3xi32>
    %min3A_31 = vector.broadcast %jit3A_28 : i32 to vector<8192x3xi32>
    %min3A_32 = arith.minsi %min3A_31, %max3A_30 : vector<8192x3xi32>
    %get3A_33 = arith.constant 0 : index
    %get3A_34 = arith.constant 0 : index
    %get3A_35 = vector.load %arg1[%get3A_33, %get3A_34] : memref<8192x4xi32, #tpu.memory_space<vmem>>, vector<8192x4xi32>
    %add3A_36 = arith.constant 1024 : i32
    %add3A_37 = vector.broadcast %add3A_36 : i32 to vector<8192x4xi32>
    %add3A_38 = arith.addi %get3A_35, %add3A_37 : vector<8192x4xi32>
    %broadcast_in_dim3A = arith.constant 2048 : i32
    %broadcast_in_dim3A_39 = vector.broadcast %broadcast_in_dim3A : i32 to vector<8192x1xi32>
    %concatenate3A = tpu.concatenate %min3A_11, %add3A_38, %broadcast_in_dim3A_39, %min3A_32 in 1 : vector<8192x8xi32>, vector<8192x4xi32>, vector<8192x1xi32>, vector<8192x3xi32> -> vector<8192x16xi32>
    %swap3A = arith.constant 0 : index
    %swap3A_40 = arith.constant 0 : index
    %swap3A_41 = vector.load %arg9[%swap3A, %swap3A_40] : memref<8192x16xi32, #tpu.memory_space<vmem>>, vector<8192x16xi32>
    tpu.vector_store %arg9[%swap3A, %swap3A_40], %concatenate3A {strides = array<i32>} : memref<8192x16xi32, #tpu.memory_space<vmem>>, vector<8192x16xi32>,
    %get3A_42 = arith.constant 0 : index
    %get3A_43 = arith.constant 0 : index
    %get3A_44 = vector.load %arg4[%get3A_42, %get3A_43] : memref<13x256xf32, #tpu.memory_space<vmem>>, vector<13x256xf32>
    %get3A_45 = arith.constant 0 : index
    %get3A_46 = arith.constant 0 : index
    %get3A_47 = vector.load %arg5[%get3A_45, %get3A_46] : memref<3x256xf32, #tpu.memory_space<vmem>>, vector<3x256xf32>
    %concatenate3A_48 = tpu.concatenate %get3A_44, %get3A_47 in 0 : vector<13x256xf32>, vector<3x256xf32> -> vector<16x256xf32>
    %get3A_49 = arith.constant 0 : index
    %get3A_50 = arith.constant 0 : index
    %get3A_51 = vector.load %arg6[%get3A_49, %get3A_50] : memref<128x256xf32, #tpu.memory_space<vmem>>, vector<128x256xf32>
    %broadcast_in_dim3A_52 = vector.shape_cast %get3A_51 : vector<128x256xf32> to vector<128x1x256xf32>
    %broadcast_in_dim3A_53 = vector.shape_cast %concatenate3A_48 : vector<16x256xf32> to vector<1x16x256xf32>
    %add3A_54 = vector.broadcast %broadcast_in_dim3A_52 : vector<128x1x256xf32> to vector<128x16x256xf32>
    %add3A_55 = vector.broadcast %broadcast_in_dim3A_53 : vector<1x16x256xf32> to vector<128x16x256xf32>
    %add3A_56 = arith.addf %add3A_54, %add3A_55 : vector<128x16x256xf32>
    %reshape3A = vector.shape_cast %add3A_56 : vector<128x16x256xf32> to vector<2048x256xf32>
    %swap3A_57 = arith.constant 0 : index
    %swap3A_58 = arith.constant 0 : index
    %swap3A_59 = vector.load %arg7[%swap3A_57, %swap3A_58] : memref<2048x256xf32, #tpu.memory_space<vmem>>, vector<2048x256xf32>
    tpu.vector_store %arg7[%swap3A_57, %swap3A_58], %reshape3A {strides = array<i32>} : memref<2048x256xf32, #tpu.memory_space<vmem>>, vector<2048x256xf32>,
    %iota3A = tpu.iota {dimensions = array<i32: 0>} : vector<16x1xi32>
    %eq3A = arith.constant 12 : i32
    %eq3A_60 = vector.broadcast %eq3A : i32 to vector<16x1xi32>
    %eq3A_61 = arith.cmpi eq, %iota3A, %eq3A_60 : vector<16x1xi32>
    %get3A_62 = arith.constant 0 : index
    %get3A_63 = arith.constant 0 : index
    %get3A_64 = vector.load %arg3[%get3A_62, %get3A_63] : memref<16x256xf32, #tpu.memory_space<vmem>>, vector<1x256xf32>
    %jit3A_65 = arith.constant 0.000000e+00 : f32
    %broadcast_in_dim3A_66 = vector.shape_cast %eq3A_61 : vector<16x1xi1> to vector<16x1xi1>
    %broadcast_in_dim3A_67 = vector.broadcast %broadcast_in_dim3A_66 : vector<16x1xi1> to vector<16x256xi1>
    %broadcast_in_dim3A_68 = vector.shape_cast %get3A_64 : vector<1x256xf32> to vector<1x256xf32>
    %broadcast_in_dim3A_69 = vector.broadcast %broadcast_in_dim3A_68 : vector<1x256xf32> to vector<16x256xf32>
    %broadcast_in_dim3A_70 = vector.broadcast %jit3A_65 : f32 to vector<16x256xf32>
    %select_n3A = arith.select %broadcast_in_dim3A_67, %broadcast_in_dim3A_69, %broadcast_in_dim3A_70 : vector<16x256xi1>, vector<16x256xf32>
    %add3A_71 = arith.addf %concatenate3A_48, %select_n3A : vector<16x256xf32>
    %get3A_72 = arith.constant 0 : index
    %get3A_73 = arith.constant 0 : index
    %get3A_74 = vector.load %arg6[%get3A_72, %get3A_73] : memref<128x256xf32, #tpu.memory_space<vmem>>, vector<128x256xf32>
    %broadcast_in_dim3A_75 = vector.shape_cast %get3A_74 : vector<128x256xf32> to vector<128x1x256xf32>
    %broadcast_in_dim3A_76 = vector.shape_cast %add3A_71 : vector<16x256xf32> to vector<1x16x256xf32>
    %add3A_77 = vector.broadcast %broadcast_in_dim3A_75 : vector<128x1x256xf32> to vector<128x16x256xf32>
    %add3A_78 = vector.broadcast %broadcast_in_dim3A_76 : vector<1x16x256xf32> to vector<128x16x256xf32>
    %add3A_79 = arith.addf %add3A_77, %add3A_78 : vector<128x16x256xf32>
    %reshape3A_80 = vector.shape_cast %add3A_79 : vector<128x16x256xf32> to vector<2048x256xf32>
    %swap3A_81 = arith.constant 0 : index
    %swap3A_82 = arith.constant 0 : index
    %swap3A_83 = vector.load %arg8[%swap3A_81, %swap3A_82] : memref<2048x256xf32, #tpu.memory_space<vmem>>, vector<2048x256xf32>
    tpu.vector_store %arg8[%swap3A_81, %swap3A_82], %reshape3A_80 {strides = array<i32>} : memref<2048x256xf32, #tpu.memory_space<vmem>>, vector<2048x256xf32>,
    return
  }
}

module attributes {stable_mosaic.version = 14 : i64} {
  func.func @_tcg_body(%arg0: i32, %arg1: memref<2048x1xi32, #tpu.memory_space<vmem>>, %arg2: memref<2048x256xbf16, #tpu.memory_space<vmem>>, %arg3: memref<2048x256xf32, #tpu.memory_space<vmem>>, %arg4: memref<2048x256xf32, #tpu.memory_space<vmem>>) attributes {dimension_semantics = [#tpu.dimension_semantics<parallel>], iteration_bounds = array<i64: 56>, scalar_prefetch = 0 : i64, scratch_operands = 0 : i64, tpu.core_type = #tpu.core_type<tc>, window_params = [{transform_indices = @transform_0, window_bounds = array<i64: 2048, 1>}, {pipeline_mode = #tpu.pipeline_mode<synchronous>, transform_indices = @transform_1, window_bounds = array<i64: 2048, 256>}, {pipeline_mode = #tpu.pipeline_mode<synchronous>, transform_indices = @transform_2, window_bounds = array<i64: 2048, 256>}, {transform_indices = @transform_3, window_bounds = array<i64: 2048, 256>}]} {
    %get3A = arith.constant 0 : index
    %get3A_0 = arith.constant 0 : index
    %get3A_1 = vector.load %arg1[%get3A, %get3A_0] : memref<2048x1xi32, #tpu.memory_space<vmem>>, vector<2048x1xi32>
    %get3A_2 = arith.constant 0 : index
    %get3A_3 = arith.constant 0 : index
    %get3A_4 = vector.load %arg3[%get3A_2, %get3A_3] : memref<2048x256xf32, #tpu.memory_space<vmem>>, vector<2048x256xf32>
    %iota3A = tpu.iota {dimensions = array<i32: 1>} : vector<2048x1024xi32>
    %add3A = arith.constant 0 : i32
    %add3A_5 = vector.broadcast %add3A : i32 to vector<2048x1024xi32>
    %add3A_6 = arith.addi %iota3A, %add3A_5 : vector<2048x1024xi32>
    %eq3A = vector.broadcast %get3A_1 : vector<2048x1xi32> to vector<2048x1024xi32>
    %eq3A_7 = arith.cmpi eq, %add3A_6, %eq3A : vector<2048x1024xi32>
    %jit3A = arith.constant 1.000000e+00 : f32
    %jit3A_8 = arith.constant 0.000000e+00 : f32
    %broadcast_in_dim3A = vector.broadcast %jit3A : f32 to vector<2048x1024xf32>
    %broadcast_in_dim3A_9 = vector.broadcast %jit3A_8 : f32 to vector<2048x1024xf32>
    %select_n3A = arith.select %eq3A_7, %broadcast_in_dim3A, %broadcast_in_dim3A_9 : vector<2048x1024xi1>, vector<2048x1024xf32>
    %convert_element_type3A = arith.truncf %select_n3A : vector<2048x1024xf32> to vector<2048x1024xbf16>
    %get3A_10 = arith.constant 0 : index
    %get3A_11 = arith.constant 0 : index
    %get3A_12 = vector.load %arg2[%get3A_10, %get3A_11] : memref<2048x256xbf16, #tpu.memory_space<vmem>>, vector<1024x256xbf16>
    %dot_general3A = arith.constant dense<0.000000e+00> : vector<2048x256xf32>
    %dot_general3A_13 = tpu.matmul %convert_element_type3A, %get3A_12, %dot_general3A {dimension_numbers = #tpu.dot_dimension_numbers<[1], [0], [0], [1], [0, 0, 1, 1], [], []>, transpose_lhs_hint = false} : vector<2048x1024xbf16>, vector<1024x256xbf16>, vector<2048x256xf32> -> vector<2048x256xf32>
    %add3A_14 = arith.addf %get3A_4, %dot_general3A_13 : vector<2048x256xf32>
    %iota3A_15 = tpu.iota {dimensions = array<i32: 1>} : vector<2048x1024xi32>
    %add3A_16 = arith.constant 1024 : i32
    %add3A_17 = vector.broadcast %add3A_16 : i32 to vector<2048x1024xi32>
    %add3A_18 = arith.addi %iota3A_15, %add3A_17 : vector<2048x1024xi32>
    %eq3A_19 = vector.broadcast %get3A_1 : vector<2048x1xi32> to vector<2048x1024xi32>
    %eq3A_20 = arith.cmpi eq, %add3A_18, %eq3A_19 : vector<2048x1024xi32>
    %jit3A_21 = arith.constant 1.000000e+00 : f32
    %jit3A_22 = arith.constant 0.000000e+00 : f32
    %broadcast_in_dim3A_23 = vector.broadcast %jit3A_21 : f32 to vector<2048x1024xf32>
    %broadcast_in_dim3A_24 = vector.broadcast %jit3A_22 : f32 to vector<2048x1024xf32>
    %select_n3A_25 = arith.select %eq3A_20, %broadcast_in_dim3A_23, %broadcast_in_dim3A_24 : vector<2048x1024xi1>, vector<2048x1024xf32>
    %convert_element_type3A_26 = arith.truncf %select_n3A_25 : vector<2048x1024xf32> to vector<2048x1024xbf16>
    %get3A_27 = arith.constant 1024 : index
    %get3A_28 = arith.constant 0 : index
    %get3A_29 = vector.load %arg2[%get3A_27, %get3A_28] : memref<2048x256xbf16, #tpu.memory_space<vmem>>, vector<1024x256xbf16>
    %dot_general3A_30 = arith.constant dense<0.000000e+00> : vector<2048x256xf32>
    %dot_general3A_31 = tpu.matmul %convert_element_type3A_26, %get3A_29, %dot_general3A_30 {dimension_numbers = #tpu.dot_dimension_numbers<[1], [0], [0], [1], [0, 0, 1, 1], [], []>, transpose_lhs_hint = false} : vector<2048x1024xbf16>, vector<1024x256xbf16>, vector<2048x256xf32> -> vector<2048x256xf32>
    %add3A_32 = arith.addf %add3A_14, %dot_general3A_31 : vector<2048x256xf32>
    %swap3A = arith.constant 0 : index
    %swap3A_33 = arith.constant 0 : index
    %swap3A_34 = vector.load %arg4[%swap3A, %swap3A_33] : memref<2048x256xf32, #tpu.memory_space<vmem>>, vector<2048x256xf32>
    tpu.vector_store %arg4[%swap3A, %swap3A_33], %add3A_32 {strides = array<i32>} : memref<2048x256xf32, #tpu.memory_space<vmem>>, vector<2048x256xf32>,
    return
  }
  func.func @transform_0(%arg0: i32) -> (i32, i32) {
    %c0_i32 = arith.constant 0 : i32
    %c0_i32_0 = arith.constant 0 : i32
    return %arg0, %c0_i32 : i32, i32
  }
  func.func @transform_1(%arg0: i32) -> (i32, i32) {
    %c0_i32 = arith.constant 0 : i32
    %c0_i32_0 = arith.constant 0 : i32
    %c0_i32_1 = arith.constant 0 : i32
    return %c0_i32, %c0_i32_0 : i32, i32
  }
  func.func @transform_2(%arg0: i32) -> (i32, i32) {
    %c0_i32 = arith.constant 0 : i32
    %c0_i32_0 = arith.constant 0 : i32
    %c0_i32_1 = arith.constant 0 : i32
    return %c0_i32, %c0_i32_0 : i32, i32
  }
  func.func @transform_3(%arg0: i32) -> (i32, i32) {
    %c0_i32 = arith.constant 0 : i32
    %c0_i32_0 = arith.constant 0 : i32
    return %arg0, %c0_i32 : i32, i32
  }
}

</mosaic_0001>

<sc_bundles>
// kernel: kernel.5.cloned.1.call-start
scs
__scs_entry_jumppad:
0x0: {  	(pc) =	sbr.rel $0x88, $3  }
0x1: {  	(tag) =	ssettag $0x0;
	lr =	simm.s32 $0x1  }
0x2: {  	[smem:$0x3F98] =	sst lr;
	_ =	strace $0xD0000000  }
0x3: {  	_ = 	snop  }
0x4: {  	_ = 	snop  }
0x5: {  	_ = 	snop  }
0x6: {  	_ = 	snop  }
0x7: {  	_ = 	snop  }
__scs_overlays_trampoline_lowered:
0x8: {  	[smem:$0x3FA7] =	sst s0  }
0x9: {  	[smem:$0x3FA8] =	sst s1  }
0xa: {  	[smem:$0x3FA9] =	sst s2  }
0xb: {  	[smem:$0x3FAA] =	sst s3  }
0xc: {  	[smem:$0x3FAB] =	sst s4  }
0xd: {  	[smem:$0x3FAC] =	sst s5  }
0xe: {  	[smem:$0x3FAD] =	sst s6  }
0xf: {  	[smem:$0x3FAE] =	sst s7  }
0x10: {  	[smem:$0x3FAF] =	sst s8  }
0x11: {  	[smem:$0x3FB0] =	sst s9;
	s0 =	simm.s32 @!p0 $0x0  }
0x12: {  	s1 =	sld [smem:$0x3F96];
	s0 =	simm.s32 @p0 $0x1  }
0x13: {  	[smem:$0x3FB1] =	sst s0;
	s0 =	simm.s32 @!p1 $0x0  }
0x14: {  	s2 =	sld [smem:$0x3F95];
	s0 =	simm.s32 @p1 $0x1  }
0x15: {  	[smem:$0x3FB2] =	sst s0;
	s0 =	simm.s32 @!p2 $0x0  }
0x16: {  	s3 =	sld [smem:$0x3FDB];
	s0 =	simm.s32 @p2 $0x1  }
0x17: {  	s4 =	simm.s32 $0x1BF5;
	[smem:$0x3FB4] =	sst s0  }
0x18: {  	s0 =	sld [smem:$0x3F97];
	_ =	swait.ge [sflag:s4], $0x0  }
0x19: {  	s7 =	sld [smem:$0x3F98]  }
0x1a: {  	s8 =	sadd.s32 $0xFFFFE003, lr  }
0x1b: {  	s9 =	sadd.s32 $0xFFFFFEF7, lr;
	s5 =	simm.s32 $0xFFFFFFFF;
	p2 =	slt.u32 s8, $0xFFFFF086  }
0x1c: {  	p1 =	slt.u32 s9, $0xF7A;
	s5 =	simm.s32 @!p2 $0x0  }
0x1d: {  	s5 =	simm.s32 @p1 $0x1;
	p0 =	seq.s32 s7, s2  }
0x1e: {  	s7 =	smul.u32 @!p0 $0xF7A, s2;
	p2 =	seq.s32 @!p0 s5, $0x0  }
0x1f: {  	s9 =	smul.u32 $0xF7A, s1;
	s8 =	simm.s32 @!p0 $0x1BF5;
	p2 =	por !p2, p0  }
0x20: {  	[sflag:s8] =	ssyncset.s32 @!p0 $0xFFFFF086;
	s6 =	sadd.s32 @!p0 s3, s7;
	s7 =	simm.s32 @!p0 $0x108  }
0x21: {  	s3 =	sadd.s32 s3, s9;
	s6 =	sadd.s32 @!p0 $0x88, s6;
	s7 =	simm.s32 @p2 $0x1082  }
0x22: {  	[simem:s7], [sflag:s8] =	dma.local @!p0 [hbm:s6], $0xF7A  }
0x23: {  	s9 =	sor.u32 $0xD0000000, s2;
	s6 =	simm.s32 $0x108;
	_ =	swait.ge @!p0 [sflag:s8], $0x0  }
0x24: {  	s3 =	sadd.s32 $0x88, s3;
	s6 =	simm.s32 @!p1 $0x1082;
	[sflag:s4] =	ssyncset.s32 $0xFFFFF086  }
0x25: {  	[simem:s6], [sflag:s4] =	dma.local [hbm:s3], $0xF7A  }
0x26: {  	[smem:$0x3F98] =	sst s1;
	(tag) =	ssettag s2;
	_ =	strace s9  }
0x27: {  	s1 =	sld [smem:$0x3FA8]  }
0x28: {  	s2 =	sld [smem:$0x3FA9]  }
0x29: {  	s4 =	sld [smem:$0x3FAB]  }
0x2a: {  	p0 =	seq.s32 s5, $0x0;
	s5 =	sld [smem:$0x3FAC]  }
0x2b: {  	s6 =	sld [smem:$0x3FAD]  }
0x2c: {  	s7 =	sld [smem:$0x3FAE]  }
0x2d: {  	s3 =	simm.s32 $0x108;
	s8 =	sld [smem:$0x3FAF]  }
0x2e: {  	s3 =	simm.s32 @!p0 $0x1082;
	s9 =	sld [smem:$0x3FB0]  }
0x2f: {  	lr =	sadd.s32 s0, s3;
	s0 =	sld [smem:$0x3FA7]  }
0x30: {  	s3 =	sld [smem:$0x3FAA]  }
0x31: {  	[smem:$0x3FB3] =	sst s10  }
0x32: {  	s10 =	sld [smem:$0x3FB1];
	_ =	sdelay $0x3  }
0x33: {  	p0 =	seq.s32 s10, $0x1;
	s10 =	sld [smem:$0x3FB3];
	_ =	sdelay $0x3  }
0x34: {  	[smem:$0x3FB3] =	sst s10  }
0x35: {  	s10 =	sld [smem:$0x3FB2];
	_ =	sdelay $0x3  }
0x36: {  	p1 =	seq.s32 s10, $0x1;
	s10 =	sld [smem:$0x3FB3];
	_ =	sdelay $0x3  }
0x37: {  	[smem:$0x3FB3] =	sst s10  }
0x38: {  	s10 =	sld [smem:$0x3FB4]  }
0x39: {  	_ = 	snop;
	(pc) =	sbr.ind lr, $3  }
0x3a: {  	_ = 	snop  }
0x3b: {  	_ = 	snop  }
0x3c: {  	p2 =	seq.s32 s10, $0x1;
	s10 =	sld [smem:$0x3FB3]  }
0x3d: {  	_ =	shalt  }
0x3e: {  	_ =	shalt  }
0x3f: {  	_ =	shalt  }
0x40: {  	_ =	shalt  }
0x41: {  	_ =	shalt  }
0x42: {  	_ =	shalt  }
0x43: {  	_ =	shalt  }
0x44: {  	_ =	shalt  }
0x45: {  	_ =	shalt  }
0x46: {  	_ =	shalt  }
0x47: {  	_ =	shalt  }
0x48: {  	_ =	shalt  }
0x49: {  	_ =	shalt  }
0x4a: {  	_ =	shalt  }
0x4b: {  	_ =	shalt  }
0x4c: {  	_ =	shalt  }
0x4d: {  	_ =	shalt  }
0x4e: {  	_ =	shalt  }
0x4f: {  	_ =	shalt  }
0x50: {  	_ =	shalt  }
0x51: {  	_ =	shalt  }
0x52: {  	_ =	shalt  }
0x53: {  	_ =	shalt  }
0x54: {  	_ =	shalt  }
0x55: {  	_ =	shalt  }
0x56: {  	_ =	shalt  }
0x57: {  	_ =	shalt  }
0x58: {  	_ =	shalt  }
0x59: {  	_ =	shalt  }
0x5a: {  	_ =	shalt  }
0x5b: {  	_ =	shalt  }
0x5c: {  	_ =	shalt  }
0x5d: {  	_ =	shalt  }
0x5e: {  	_ =	shalt  }
0x5f: {  	_ =	shalt  }
0x60: {  	_ =	shalt  }
0x61: {  	_ =	shalt  }
0x62: {  	_ =	shalt  }
0x63: {  	_ =	shalt  }
0x64: {  	_ =	shalt  }
0x65: {  	_ =	shalt  }
0x66: {  	_ =	shalt  }
0x67: {  	_ =	shalt  }
0x68: {  	_ =	shalt  }
0x69: {  	_ =	shalt  }
0x6a: {  	_ =	shalt  }
0x6b: {  	_ =	shalt  }
0x6c: {  	_ =	shalt  }
0x6d: {  	_ =	shalt  }
0x6e: {  	_ =	shalt  }
0x6f: {  	_ =	shalt  }
0x70: {  	_ =	shalt  }
0x71: {  	_ =	shalt  }
0x72: {  	_ =	shalt  }
0x73: {  	_ =	shalt  }
0x74: {  	_ =	shalt  }
0x75: {  	_ =	shalt  }
0x76: {  	_ =	shalt  }
0x77: {  	_ =	shalt  }
0x78: {  	_ =	shalt  }
0x79: {  	_ =	shalt  }
0x7a: {  	_ =	shalt  }
0x7b: {  	_ =	shalt  }
0x7c: {  	_ =	shalt  }
0x7d: {  	_ =	shalt  }
0x7e: {  	_ =	shalt  }
0x7f: {  	_ =	shalt  }
0x80: {  	_ =	shalt  }
0x81: {  	_ =	shalt  }
0x82: {  	_ =	shalt  }
0x83: {  	_ =	shalt  }
0x84: {  	_ =	shalt  }
0x85: {  	_ =	shalt  }
0x86: {  	_ =	shalt  }
0x87: {  	_ =	shalt  }
.Lfunc_end0:
.L_simem_size_0:
called_computation_lowered:
.L_overlay_start_0:
0x88: {  	s2 =	sld [smem:$0x3FD9]  }
0x89: {  	s3 =	sld [smem:$0x3FFE];
	_ =	sdelay $0x1  }
0x8a: {  	s1 =	srdreg.scid  }
0x8b: {  	s0 =	sand.u32 $0x1, s1  }
0x8c: {  	s16 =	sshll.u32 s0, $0xA;
	s2 =	sadd.s32 s3, s2  }
0x8d: {  	s2 =	sadd.s32 s2, s16  }
0x8e: {  	[smem:$0x3FBF] =	sst s2  }
0x8f: {  	_ = 	snop  }
0x90: {  	(tm) =	ssettm $0x1  }
0x91: {  	s17 =	sld [smem:$0x3FFB];
	_ =	sdelay $0x3  }
0x92: {  	_ =	strace s17  }
0x93: {  	s2 =	sld [smem:$0x3FFC];
	_ =	sdelay $0x3  }
0x94: {  	_ =	strace s2  }
0x95: {  	s2 =	sld [smem:$0x3FFD];
	_ =	sdelay $0x3  }
0x96: {  	_ =	strace s2  }
0x97: {  	_ =	strace $0x8FFFFFFF  }
0x98: {  	s18 =	sld [smem:$0x3FDB];
	_ =	sdelay $0x1  }
0x99: {  	s19 =	simm.s32 $_scs_section_size  }
0x9a: {  	s4 =	simm.s32 $_size__tile_overlayer_lowered;
	s5 =	simm.s32 $_tile_overlayer_lowered  }
0x9b: {  	s22 =	simm.s32 $0x1BFF;
	s21 =	sshll.u32 s5, $0x1;
	s2 =	sadd.s32 s19, s18  }
0x9c: {  	s6 =	simm.s32 $0x0;
	s20 =	sshll.u32 s4, $0x1;
	s4 =	sadd.s32 s21, s2  }
0x9d: {  	[timem:s6], [sflag:s22] =	dma.local [hbm:s4], s20  }
0x9e: {  	_ =	swait.ge [sflag:s22], s20  }
0x9f: {  	s3 =	ssub.s32 $0x0, s20;
	[sflag:s22] =	ssyncset.done $0x0  }
0xa0: {  	[sflag:s22] =	ssyncadd.s32 s3;
	_ =	sdelay $0x1  }
0xa1: {  	s23 =	simm.s32 $0x1B8B  }
0xa2: {  	_ =	swait.ge [sflag:s23], $0x1  }
0xa3: {  	[sflag:s23] =	ssyncset.done $0x0  }
0xa4: {  	s25 =	simm.s32 $0x1B8E;
	s24 =	sld [smem:$0x3FFE];
	[sflag:s23] =	ssyncadd.s32 $0xFFFFFFFF  }
0xa5: {  	s26 =	simm.s32 $execute0_lowered;
	[smem:$0x3FD2] =	sst s25  }
0xa6: {  	s4 =	sshll.u32 s26, $0x1;
	_ =	strace $0x80000046;
	[dreg:$0x1] =	wrdreg $0xFFFFFFFF  }
0xa7: {  	s28 =	simm.s32 $_size_execute0_lowered;
	s2 =	sadd.s32 s2, s4;
	[dreg:$0x0] =	wrdreg $0x0  }
0xa8: {  	s4 =	sshll.u32 s28, $0x1;
	[dreg:$0x2] =	wrdreg s2  }
0xa9: {  	[dreg:$0x3] =	wrdreg s4  }
0xaa: {  	[dreg:$0x4] =	wrdreg $0xC0  }
0xab: {  	_ =	task [dreg:s6], $0x5FFFF  }
0xac: {  	[dreg:$0x1] =	wrdreg $0xFFFFFFFF  }
0xad: {  	[dreg:$0x0] =	wrdreg $0x60  }
0xae: {  	[dreg:$0x2] =	wrdreg s24  }
0xaf: {  	[dreg:$0x3] =	wrdreg $0x9  }
0xb0: {  	_ =	task.clear_ibuf [dreg:s6], $0x4FFFF;
	_ =	strace $0x90000046  }
0xb1: {  	s29 =	simm.s32 $0x9;
	_ =	strace $0x80000048  }
0xb2: {  	_ =	swait.ge [sflag:s29], $0x1  }
0xb3: {  	[sflag:s29] =	ssyncadd.s32 $0xFFFFFFFF  }
0xb4: {  	_ =	strace $0x90000048  }
0xb5: {  	_ =	sfence  }
0xb6: {  	s30 =	sld [smem:$0x0];
	_ =	sdelay $0x2  }
0xb7: {  	s31 =	sshll.u32 s1, $0xD;
	s1 =	sshrl.u32 s1, $0x2  }
0xb8: {  	s3 =	sand.u32 $0x4000, s31;
	s1 =	sadd.s32 s1, s30  }
0xb9: {  	s0 =	sor.u32 s3, s0;
	s1 =	sshll.u32 s1, $0x11  }
0xba: {  	s0 =	sor.u32 s1, s0  }
0xbb: {  	s0 =	sadd.s32 $0x8F2B, s0  }
0xbc: {  	[sflag:s0] =	ssyncadd.remote.s32 $0x1  }
0xbd: {  	_ =	sfence.sel $0xFFFF  }
0xbe: {  	[dreg:$0x0] =	wrdreg $0xFFFFFFFF;
	(pc) =	sbr.abs _section_cstart, $3  }
0xbf: {  	[dreg:$0x1] =	wrdreg $0xFFFFFFFF  }
0xc0: {  	_ =	task.clear_ibuf [dreg:s6], $0x2FFFF;
	_ =	strace $0x9FFFFFFF  }
0xc1: {  	(tm) =	ssettm $0x7FFFFFFF  }
tec
execute0_lowered:
.L_overlay_start_1:
0x0: {  	(tag) =	ssettag $0x1  }
0x1: {  	s0 =	rddreg [dreg:$0x0];
	s2 =	simm.s32 $0x0;
	s1 =	srdreg.scid  }
0x2: {  	s3 =	stileid.u32;
	s10 =	simm.s32 $0x7;
	s13 =	simm.s32 $0x40  }
0x3: {  	s14 =	simm.s32 $0x4400;
	s15 =	simm.s32 $0x6400;
	s17 =	simm.s32 $0x8400  }
0x4: {  	s19 =	simm.s32 $0xA400;
	s20 =	simm.s32 $0x1;
	s21 =	simm.s32 $0xC400  }
0x5: {  	s23 =	simm.s32 $0x2;
	s28 =	simm.s32 $0x3;
	s29 =	simm.s32 $0x4  }
0x6: {  	s30 =	simm.s32 $0x0;
	s1 =	sand.u32 $0x1, s1;
	s4 =	sshll.u32 s3, $0x1  }
0x7: {  	[smem:$0x7FF] =	sst s2;
	s3 =	sadd.s32 $0x1400, s0;
	s4 =	sor.u32 s1, s4  }
0x8: {  	_ =	strace $0x80000047;
	s5 =	sshll.u32 s4, $0x4;
	s4 =	sshll.u32 s4, $0xB  }
0x9: {  	s1 =	ssub.s32 $0x2, s1;
	s5 =	sadd.s32 s5, s0;
	s0 =	sadd.s32 s4, s0  }
.Ltmp0:
0xa: {  	s24 =	sshrl.u32 s1, $0x1;
	s25 =	sadd.s32 $0x9600, s0;
	(pc) =	sbr.rel .LBB2_1-.Ltmp0, $4  }
0xb: {  	s1 =	ssub.s32 s1, s24;
	s26 =	sadd.s32 $0x19600, s5;
	[dreg:$0x2] =	wrdreg s25  }
0xc: {  	s6 =	sadd.s32 $0x1A600, s0;
	s0 =	sadd.s32 $0x2A600, s0;
	[dreg:$0x3] =	wrdreg s26  }
0xd: {  	s24 =	simm.s32 $0x10400;
	s31 =	smax.u32 s1, $0x1;
	[dreg:$0x4] =	wrdreg s0  }
0xe: {  	[dreg:$0x5] =	wrdreg s31;
	s25 =	simm.s32 $0x5;
	s26 =	simm.s32 $0x6  }
.LBB2_22:
0xf: {  	_ =	swait.ge [sflag:s25], $0x4000  }
0x10: {  	[sflag:s25] =	ssyncset.done $0x0  }
0x11: {  	[sflag:s25] =	ssyncadd.s32 $0xFFFFC000  }
0x12: {  	_ =	swait.ge [sflag:s26], $0x4000  }
0x13: {  	[sflag:s26] =	ssyncset.done $0x0  }
0x14: {  	[sflag:s26] =	ssyncadd.s32 $0xFFFFC000  }
0x15: {  	_ =	swait.ge [sflag:s20], $0x2000  }
0x16: {  	[sflag:s20] =	ssyncset.done $0x0  }
0x17: {  	[sflag:s20] =	ssyncadd.s32 $0xFFFFE000  }
0x18: {  	_ =	swait.ge [sflag:s23], $0x2000  }
0x19: {  	[sflag:s23] =	ssyncset.done $0x0  }
0x1a: {  	[sflag:s23] =	ssyncadd.s32 $0xFFFFE000  }
0x1b: {  	_ =	swait.ge [sflag:s28], $0x2000  }
0x1c: {  	s30 =	sadd.s32 $0x1, s30;
	s0 =	rddreg [dreg:$0x5]  }
0x1d: {  	p0 =	sne.s32 s30, s0  }
.Ltmp1:
0x1e: {  	_ = 	snop;
	(pc) =	sbr.rel @!p0 .LBB2_23-.Ltmp1, $3  }
0x1f: {  	_ =	sdelay $0x1  }
0x20: {  	[sflag:s28] =	ssyncset.done $0x0  }
0x21: {  	[sflag:s28] =	ssyncadd.s32 $0xFFFFE000  }
.LBB2_1:
0x22: {  	s0 =	rddreg [dreg:$0x2];
	s1 =	simm.s32 $0x400  }
0x23: {  	[tilespmem:s1], [sflag:$0x7] =	stream.linear.gather [hbm4b:s0+s2], $0x4000, $0x38;
	[tilespmem:$0x14400] =	vst v63  }
0x24: {  	_ =	swait.ge [sflag:s10], $0x4000  }
0x25: {  	s12 =	simm.s32 $0x80;
	[sflag:s10] =	ssyncset.done $0x0  }
0x26: {  	s4 =	simm.s32 $0x1000;
	s11 =	rddreg [dreg:$0x3];
	[sflag:s10] =	ssyncadd.s32 $0xFFFFC000  }
0x27: {  	[tilespmem:s2], [sflag:$0x7] =	stream.strided.gather [hbm4b:s11+s12], $0x400, s4, s12, $0x38;
	[tilespmem:$0x14400] =	vst v63  }
0x28: {  	_ =	swait.ge [sflag:s10], $0x400  }
0x29: {  	[sflag:s10] =	ssyncset.done $0x0  }
0x2a: {  	[sflag:s10] =	ssyncadd.s32 $0xFFFFFC00  }
0x2b: {  	[tilespmem:s14], [sflag:$0x1] =	stream.indirect.gather [hbm4b:s3+s13], $0x80, s2, s13, $0xb8;
	[tilespmem:$0x14400] =	vst v63  }
0x2c: {  	_ = 	snop  }
0x2d: {  	[tilespmem:s15], [sflag:$0x2] =	stream.indirect.gather [hbm4b:s3+s13], $0x80, s12, s13, $0xb8;
	[tilespmem:$0x14400] =	vst v63  }
0x2e: {  	s16 =	simm.s32 $0x100  }
0x2f: {  	[tilespmem:s17], [sflag:$0x3] =	stream.indirect.gather [hbm4b:s3+s13], $0x80, s16, s13, $0xb8;
	[tilespmem:$0x14400] =	vst v63  }
0x30: {  	s18 =	simm.s32 $0x180  }
0x31: {  	[tilespmem:s19], [sflag:$0x4] =	stream.indirect.gather [hbm4b:s3+s13], $0x80, s18, s13, $0xb8;
	[tilespmem:$0x14400] =	vst v63  }
0x32: {  	_ =	swait.ge [sflag:s20], $0x2000  }
0x33: {  	s31 =	simm.s32 $0x4480;
	[sflag:s20] =	ssyncset.done $0x0  }
0x34: {  	s22 =	sand.u32 $0x300, s2;
	s0 =	sand.u32 $0x3800, s2;
	[sflag:s20] =	ssyncadd.s32 $0xFFFFE000  }
0x35: {  	s1 =	sor.u32 s22, s0;
	v0 =	vld [tilespmem:s31+$0xFFFFFF80]  }
0x36: {  	v1 =	vld [tilespmem:s1+$0x410]  }
0x37: {  	v2 =	vld [tilespmem:s1+$0x400];
	_ =	sdelay $0x2  }
0x38: {  	v3 =	vand.u32 $0xFFFF0000, v0  }
0x39: {  	v0 =	vshll.u32 v0, $0x10;
	v1 =	vadd.f32 v3, v1  }
0x3a: {  	v0 =	vadd.f32 v0, v2  }
0x3b: {  	[tilespmem:s1+$0xC410] =	vst v1  }
0x3c: {  	[tilespmem:s1+$0xC400] =	vst v0  }
0x3d: {  	v0 =	vld [tilespmem:s31+$0xFFFFFF90]  }
0x3e: {  	v1 =	vld [tilespmem:s1+$0x420]  }
0x3f: {  	v2 =	vld [tilespmem:s1+$0x430];
	_ =	sdelay $0x2  }
0x40: {  	v3 =	vshll.u32 v0, $0x10  }
0x41: {  	v0 =	vand.u32 $0xFFFF0000, v0;
	v1 =	vadd.f32 v3, v1  }
0x42: {  	v0 =	vadd.f32 v0, v2  }
0x43: {  	[tilespmem:s1+$0xC420] =	vst v1  }
0x44: {  	[tilespmem:s1+$0xC430] =	vst v0  }
0x45: {  	v0 =	vld [tilespmem:s31+$0xFFFFFFA0]  }
0x46: {  	v1 =	vld [tilespmem:s1+$0x440]  }
0x47: {  	v2 =	vld [tilespmem:s1+$0x450];
	_ =	sdelay $0x2  }
0x48: {  	v3 =	vshll.u32 v0, $0x10  }
0x49: {  	v0 =	vand.u32 $0xFFFF0000, v0;
	v1 =	vadd.f32 v3, v1  }
0x4a: {  	v0 =	vadd.f32 v0, v2  }
0x4b: {  	[tilespmem:s1+$0xC440] =	vst v1  }
0x4c: {  	[tilespmem:s1+$0xC450] =	vst v0  }
0x4d: {  	v0 =	vld [tilespmem:s31+$0xFFFFFFB0]  }
0x4e: {  	v1 =	vld [tilespmem:s1+$0x460]  }
0x4f: {  	v2 =	vld [tilespmem:s1+$0x470];
	_ =	sdelay $0x2  }
0x50: {  	v3 =	vshll.u32 v0, $0x10  }
0x51: {  	v0 =	vand.u32 $0xFFFF0000, v0;
	v1 =	vadd.f32 v3, v1  }
0x52: {  	v0 =	vadd.f32 v0, v2  }
0x53: {  	[tilespmem:s1+$0xC460] =	vst v1  }
0x54: {  	[tilespmem:s1+$0xC470] =	vst v0  }
0x55: {  	v0 =	vld [tilespmem:s31+$0xFFFFFFC0]  }
0x56: {  	v1 =	vld [tilespmem:s1+$0x800]  }
0x57: {  	v2 =	vld [tilespmem:s1+$0x810];
	_ =	sdelay $0x2  }
0x58: {  	v3 =	vshll.u32 v0, $0x10  }
0x59: {  	v0 =	vand.u32 $0xFFFF0000, v0;
	v1 =	vadd.f32 v3, v1  }
0x5a: {  	s9 =	simm.s32 $0x80;
	s22 =	simm.s32 $0x0;
	v0 =	vadd.f32 v0, v2  }
0x5b: {  	s12 =	simm.s32 $0x0;
	s16 =	simm.s32 $0x4580;
	s18 =	simm.s32 $0x0;
	[tilespmem:s1+$0xC800] =	vst v1  }
.LBB2_2:
0x5c: {  	s12 =	sadd.s32 $0x2, s12;
	[tilespmem:s1+$0xC810] =	vst v0;
	v0 =	vld [tilespmem:s1+$0x830];
	s18 =	sadd.s32 $0x200, s18;
	s22 =	sadd.s32 $0x100, s22  }
0x5d: {  	s4 =	sadd.s32 $0x80, s22;
	p0 =	slt.u32 s12, $0x3E;
	v1 =	vld [tilespmem:s31+$0xFFFFFFD0]  }
0x5e: {  	v2 =	vld [tilespmem:s1+$0x820];
	_ =	sdelay $0x3  }
0x5f: {  	v3 =	vshll.u32 v1, $0x10;
	v1 =	vand.u32 $0xFFFF0000, v1  }
0x60: {  	v2 =	vadd.f32 v3, v2;
	v0 =	vadd.f32 v1, v0;
	_ =	sdelay $0x1  }
0x61: {  	[tilespmem:s1+$0xC820] =	vst v2  }
0x62: {  	[tilespmem:s1+$0xC830] =	vst v0;
	v0 =	vld [tilespmem:s1+$0x850]  }
0x63: {  	v1 =	vld [tilespmem:s31+$0xFFFFFFE0]  }
0x64: {  	v2 =	vld [tilespmem:s1+$0x840];
	_ =	sdelay $0x3  }
0x65: {  	v3 =	vshll.u32 v1, $0x10;
	v1 =	vand.u32 $0xFFFF0000, v1  }
0x66: {  	s5 =	sand.u32 $0x3800, s18;
	s11 =	sand.u32 $0x300, s22;
	v2 =	vadd.f32 v3, v2;
	v0 =	vadd.f32 v1, v0  }
0x67: {  	s11 =	sor.u32 s11, s5  }
0x68: {  	[tilespmem:s1+$0xC840] =	vst v2  }
0x69: {  	[tilespmem:s1+$0xC850] =	vst v0;
	v0 =	vld [tilespmem:s1+$0x870]  }
0x6a: {  	v1 =	vld [tilespmem:s31+$0xFFFFFFF0]  }
0x6b: {  	v2 =	vld [tilespmem:s1+$0x860];
	_ =	sdelay $0x3  }
0x6c: {  	v3 =	vshll.u32 v1, $0x10;
	v1 =	vand.u32 $0xFFFF0000, v1  }
0x6d: {  	v2 =	vadd.f32 v3, v2;
	v0 =	vadd.f32 v1, v0;
	_ =	sdelay $0x1  }
0x6e: {  	[tilespmem:s1+$0xC860] =	vst v2  }
0x6f: {  	s7 =	sand.u32 $0x380, s9;
	s9 =	smov.u32 s4;
	[tilespmem:s1+$0xC870] =	vst v0;
	s1 =	smov.u32 s11  }
0x70: {  	s11 =	sor.u32 s0, s7;
	s0 =	smov.u32 s5;
	v0 =	vld [tilespmem:s31+$0x0]  }
0x71: {  	v1 =	vld [tilespmem:s11+$0x400]  }
0x72: {  	v2 =	vld [tilespmem:s11+$0x420]  }
0x73: {  	v3 =	vld [tilespmem:s11+$0x410]  }
0x74: {  	v4 =	vld [tilespmem:s11+$0x430]  }
0x75: {  	v5 =	vshll.u32 v0, $0x10;
	v0 =	vand.u32 $0xFFFF0000, v0;
	v6 =	vld [tilespmem:s11+$0x440]  }
0x76: {  	v1 =	vadd.f32 v5, v1;
	v5 =	vld [tilespmem:s11+$0x450]  }
0x77: {  	v7 =	vld [tilespmem:s11+$0x460]  }
0x78: {  	[tilespmem:s11+$0xC400] =	vst v1;
	v0 =	vadd.f32 v0, v3;
	v1 =	vld [tilespmem:s11+$0x470]  }
0x79: {  	v3 =	vld [tilespmem:s11+$0x800]  }
0x7a: {  	[tilespmem:s11+$0xC410] =	vst v0;
	v0 =	vld [tilespmem:s11+$0x810]  }
0x7b: {  	v8 =	vld [tilespmem:s31+$0x10]  }
0x7c: {  	v9 =	vld [tilespmem:s11+$0x820]  }
0x7d: {  	v10 =	vld [tilespmem:s11+$0x830]  }
0x7e: {  	v11 =	vld [tilespmem:s11+$0x840]  }
0x7f: {  	v12 =	vld [tilespmem:s11+$0x850]  }
0x80: {  	v13 =	vshll.u32 v8, $0x10;
	v8 =	vand.u32 $0xFFFF0000, v8;
	v14 =	vld [tilespmem:s11+$0x860]  }
0x81: {  	v2 =	vadd.f32 v13, v2;
	v4 =	vadd.f32 v8, v4;
	v8 =	vld [tilespmem:s11+$0x870];
	_ =	sdelay $0x1  }
0x82: {  	[tilespmem:s11+$0xC420] =	vst v2  }
0x83: {  	[tilespmem:s11+$0xC430] =	vst v4  }
0x84: {  	v2 =	vld [tilespmem:s31+$0x20];
	_ =	sdelay $0x4  }
0x85: {  	v4 =	vshll.u32 v2, $0x10;
	v2 =	vand.u32 $0xFFFF0000, v2  }
0x86: {  	v4 =	vadd.f32 v4, v6;
	v2 =	vadd.f32 v2, v5;
	_ =	sdelay $0x1  }
0x87: {  	[tilespmem:s11+$0xC440] =	vst v4  }
0x88: {  	[tilespmem:s11+$0xC450] =	vst v2  }
0x89: {  	v2 =	vld [tilespmem:s31+$0x30];
	_ =	sdelay $0x4  }
0x8a: {  	v4 =	vshll.u32 v2, $0x10;
	v2 =	vand.u32 $0xFFFF0000, v2  }
0x8b: {  	v4 =	vadd.f32 v4, v7;
	v1 =	vadd.f32 v2, v1;
	_ =	sdelay $0x1  }
0x8c: {  	[tilespmem:s11+$0xC460] =	vst v4  }
0x8d: {  	[tilespmem:s11+$0xC470] =	vst v1  }
0x8e: {  	v1 =	vld [tilespmem:s31+$0x40];
	_ =	sdelay $0x4  }
0x8f: {  	v2 =	vshll.u32 v1, $0x10;
	v1 =	vand.u32 $0xFFFF0000, v1  }
0x90: {  	v2 =	vadd.f32 v2, v3;
	v0 =	vadd.f32 v1, v0;
	_ =	sdelay $0x1  }
0x91: {  	[tilespmem:s11+$0xC800] =	vst v2  }
0x92: {  	[tilespmem:s11+$0xC810] =	vst v0  }
0x93: {  	v0 =	vld [tilespmem:s31+$0x50];
	_ =	sdelay $0x4  }
0x94: {  	v1 =	vshll.u32 v0, $0x10;
	v0 =	vand.u32 $0xFFFF0000, v0  }
0x95: {  	v1 =	vadd.f32 v1, v9;
	v0 =	vadd.f32 v0, v10;
	_ =	sdelay $0x1  }
0x96: {  	[tilespmem:s11+$0xC820] =	vst v1  }
0x97: {  	[tilespmem:s11+$0xC830] =	vst v0  }
0x98: {  	v0 =	vld [tilespmem:s31+$0x60];
	_ =	sdelay $0x4  }
0x99: {  	v1 =	vshll.u32 v0, $0x10;
	v0 =	vand.u32 $0xFFFF0000, v0  }
0x9a: {  	v1 =	vadd.f32 v1, v11;
	v0 =	vadd.f32 v0, v12;
	_ =	sdelay $0x1  }
0x9b: {  	[tilespmem:s11+$0xC840] =	vst v1  }
0x9c: {  	[tilespmem:s11+$0xC850] =	vst v0  }
0x9d: {  	v0 =	vld [tilespmem:s31+$0x70];
	s31 =	smov.u32 s16;
	_ =	sdelay $0x4  }
0x9e: {  	v1 =	vshll.u32 v0, $0x10;
	v0 =	vand.u32 $0xFFFF0000, v0  }
0x9f: {  	v1 =	vadd.f32 v1, v14;
	v0 =	vadd.f32 v0, v8;
	_ =	sdelay $0x1  }
0xa0: {  	[tilespmem:s11+$0xC860] =	vst v1  }
0xa1: {  	[tilespmem:s11+$0xC870] =	vst v0  }
0xa2: {  	v0 =	vld [tilespmem:s16+$0xFFFFFF80]  }
0xa3: {  	v1 =	vld [tilespmem:s1+$0x410]  }
0xa4: {  	v2 =	vld [tilespmem:s1+$0x400];
	_ =	sdelay $0x2  }
0xa5: {  	v3 =	vshll.u32 v0, $0x10;
	v0 =	vand.u32 $0xFFFF0000, v0  }
0xa6: {  	v0 =	vadd.f32 v0, v1  }
0xa7: {  	v1 =	vadd.f32 v3, v2  }
0xa8: {  	[tilespmem:s1+$0xC410] =	vst v0  }
0xa9: {  	[tilespmem:s1+$0xC400] =	vst v1;
	v0 =	vld [tilespmem:s1+$0x430]  }
0xaa: {  	v1 =	vld [tilespmem:s16+$0xFFFFFF90]  }
0xab: {  	v2 =	vld [tilespmem:s1+$0x420];
	_ =	sdelay $0x3  }
0xac: {  	v3 =	vshll.u32 v1, $0x10;
	v1 =	vand.u32 $0xFFFF0000, v1  }
0xad: {  	v2 =	vadd.f32 v3, v2;
	v0 =	vadd.f32 v1, v0;
	_ =	sdelay $0x1  }
0xae: {  	[tilespmem:s1+$0xC420] =	vst v2  }
0xaf: {  	[tilespmem:s1+$0xC430] =	vst v0;
	v0 =	vld [tilespmem:s1+$0x450]  }
0xb0: {  	v1 =	vld [tilespmem:s16+$0xFFFFFFA0]  }
0xb1: {  	v2 =	vld [tilespmem:s1+$0x440];
	_ =	sdelay $0x3  }
0xb2: {  	v3 =	vshll.u32 v1, $0x10;
	v1 =	vand.u32 $0xFFFF0000, v1  }
0xb3: {  	v2 =	vadd.f32 v3, v2;
	v0 =	vadd.f32 v1, v0;
	_ =	sdelay $0x1  }
0xb4: {  	[tilespmem:s1+$0xC440] =	vst v2  }
0xb5: {  	[tilespmem:s1+$0xC450] =	vst v0;
	v0 =	vld [tilespmem:s1+$0x470]  }
0xb6: {  	v1 =	vld [tilespmem:s16+$0xFFFFFFB0]  }
0xb7: {  	v2 =	vld [tilespmem:s1+$0x460];
	_ =	sdelay $0x3  }
0xb8: {  	v3 =	vshll.u32 v1, $0x10;
	v1 =	vand.u32 $0xFFFF0000, v1  }
0xb9: {  	v2 =	vadd.f32 v3, v2;
	v0 =	vadd.f32 v1, v0;
	_ =	sdelay $0x1  }
0xba: {  	[tilespmem:s1+$0xC460] =	vst v2  }
0xbb: {  	[tilespmem:s1+$0xC470] =	vst v0;
	v0 =	vld [tilespmem:s1+$0x810]  }
0xbc: {  	v1 =	vld [tilespmem:s16+$0xFFFFFFC0]  }
0xbd: {  	v2 =	vld [tilespmem:s1+$0x800];
	_ =	sdelay $0x2  }
.Ltmp2:
0xbe: {  	(pc) =	sbr.rel @p0 .LBB2_2-.Ltmp2, $3  }
0xbf: {  	v3 =	vshll.u32 v1, $0x10;
	v1 =	vand.u32 $0xFFFF0000, v1  }
0xc0: {  	v2 =	vadd.f32 v3, v2;
	v0 =	vadd.f32 v1, v0;
	_ =	sdelay $0x1  }
0xc1: {  	s16 =	sadd.s32 $0x100, s16;
	[tilespmem:s1+$0xC800] =	vst v2  }
0xc2: {  	[tilespmem:s1+$0xC810] =	vst v0  }
0xc3: {  	v0 =	vld [tilespmem:s31+$0xFFFFFFD0]  }
0xc4: {  	v1 =	vld [tilespmem:s1+$0x820]  }
0xc5: {  	v2 =	vld [tilespmem:s1+$0x830];
	_ =	sdelay $0x2  }
0xc6: {  	v3 =	vshll.u32 v0, $0x10  }
0xc7: {  	v0 =	vand.u32 $0xFFFF0000, v0;
	v1 =	vadd.f32 v3, v1  }
0xc8: {  	v0 =	vadd.f32 v0, v2  }
0xc9: {  	[tilespmem:s1+$0xC820] =	vst v1  }
0xca: {  	[tilespmem:s1+$0xC830] =	vst v0  }
0xcb: {  	v0 =	vld [tilespmem:s31+$0xFFFFFFE0]  }
0xcc: {  	v1 =	vld [tilespmem:s1+$0x840]  }
0xcd: {  	v2 =	vld [tilespmem:s1+$0x850];
	_ =	sdelay $0x2  }
0xce: {  	v3 =	vshll.u32 v0, $0x10  }
0xcf: {  	v0 =	vand.u32 $0xFFFF0000, v0;
	v1 =	vadd.f32 v3, v1  }
0xd0: {  	v0 =	vadd.f32 v0, v2  }
0xd1: {  	[tilespmem:s1+$0xC840] =	vst v1  }
0xd2: {  	[tilespmem:s1+$0xC850] =	vst v0  }
0xd3: {  	v0 =	vld [tilespmem:s31+$0xFFFFFFF0]  }
0xd4: {  	v1 =	vld [tilespmem:s1+$0x860]  }
0xd5: {  	v2 =	vld [tilespmem:s1+$0x870];
	_ =	sdelay $0x2  }
0xd6: {  	v3 =	vshll.u32 v0, $0x10  }
0xd7: {  	v0 =	vand.u32 $0xFFFF0000, v0;
	v1 =	vadd.f32 v3, v1  }
0xd8: {  	v0 =	vadd.f32 v0, v2  }
0xd9: {  	[tilespmem:s1+$0xC860] =	vst v1  }
0xda: {  	s16 =	sand.u32 $0x380, s9;
	[tilespmem:s1+$0xC870] =	vst v0  }
0xdb: {  	s0 =	sor.u32 s0, s16;
	v0 =	vld [tilespmem:s31+$0x0]  }
0xdc: {  	v1 =	vld [tilespmem:s0+$0x400]  }
0xdd: {  	v2 =	vld [tilespmem:s0+$0x410];
	_ =	sdelay $0x2  }
0xde: {  	v3 =	vshll.u32 v0, $0x10  }
0xdf: {  	v0 =	vand.u32 $0xFFFF0000, v0;
	v1 =	vadd.f32 v3, v1  }
0xe0: {  	v0 =	vadd.f32 v0, v2  }
0xe1: {  	[tilespmem:s0+$0xC400] =	vst v1  }
0xe2: {  	[tilespmem:s0+$0xC410] =	vst v0  }
0xe3: {  	v0 =	vld [tilespmem:s31+$0x10]  }
0xe4: {  	v1 =	vld [tilespmem:s0+$0x420]  }
0xe5: {  	v2 =	vld [tilespmem:s0+$0x430];
	_ =	sdelay $0x2  }
0xe6: {  	v3 =	vshll.u32 v0, $0x10  }
0xe7: {  	v0 =	vand.u32 $0xFFFF0000, v0;
	v1 =	vadd.f32 v3, v1  }
0xe8: {  	v0 =	vadd.f32 v0, v2  }
0xe9: {  	[tilespmem:s0+$0xC420] =	vst v1  }
0xea: {  	[tilespmem:s0+$0xC430] =	vst v0  }
0xeb: {  	v0 =	vld [tilespmem:s31+$0x20]  }
0xec: {  	v1 =	vld [tilespmem:s0+$0x440]  }
0xed: {  	v2 =	vld [tilespmem:s0+$0x450];
	_ =	sdelay $0x2  }
0xee: {  	v3 =	vshll.u32 v0, $0x10  }
0xef: {  	v0 =	vand.u32 $0xFFFF0000, v0;
	v1 =	vadd.f32 v3, v1  }
0xf0: {  	v0 =	vadd.f32 v0, v2  }
0xf1: {  	[tilespmem:s0+$0xC440] =	vst v1  }
0xf2: {  	[tilespmem:s0+$0xC450] =	vst v0  }
0xf3: {  	v0 =	vld [tilespmem:s31+$0x30]  }
0xf4: {  	v1 =	vld [tilespmem:s0+$0x460]  }
0xf5: {  	v2 =	vld [tilespmem:s0+$0x470];
	_ =	sdelay $0x2  }
0xf6: {  	v3 =	vshll.u32 v0, $0x10  }
0xf7: {  	v0 =	vand.u32 $0xFFFF0000, v0;
	v1 =	vadd.f32 v3, v1  }
0xf8: {  	v0 =	vadd.f32 v0, v2  }
0xf9: {  	[tilespmem:s0+$0xC460] =	vst v1  }
0xfa: {  	[tilespmem:s0+$0xC470] =	vst v0  }
0xfb: {  	v0 =	vld [tilespmem:s31+$0x40]  }
0xfc: {  	v1 =	vld [tilespmem:s0+$0x800]  }
0xfd: {  	v2 =	vld [tilespmem:s0+$0x810];
	_ =	sdelay $0x2  }
0xfe: {  	v3 =	vshll.u32 v0, $0x10  }
0xff: {  	v0 =	vand.u32 $0xFFFF0000, v0;
	v1 =	vadd.f32 v3, v1  }
0x100: {  	v0 =	vadd.f32 v0, v2  }
0x101: {  	[tilespmem:s0+$0xC800] =	vst v1  }
0x102: {  	[tilespmem:s0+$0xC810] =	vst v0  }
0x103: {  	v0 =	vld [tilespmem:s31+$0x50]  }
0x104: {  	v1 =	vld [tilespmem:s0+$0x820]  }
0x105: {  	v2 =	vld [tilespmem:s0+$0x830];
	_ =	sdelay $0x2  }
0x106: {  	v3 =	vshll.u32 v0, $0x10  }
0x107: {  	v0 =	vand.u32 $0xFFFF0000, v0;
	v1 =	vadd.f32 v3, v1  }
0x108: {  	v0 =	vadd.f32 v0, v2  }
0x109: {  	[tilespmem:s0+$0xC820] =	vst v1  }
0x10a: {  	[tilespmem:s0+$0xC830] =	vst v0  }
0x10b: {  	v0 =	vld [tilespmem:s31+$0x60]  }
0x10c: {  	v1 =	vld [tilespmem:s0+$0x840]  }
0x10d: {  	v2 =	vld [tilespmem:s0+$0x850];
	_ =	sdelay $0x2  }
0x10e: {  	v3 =	vshll.u32 v0, $0x10  }
0x10f: {  	v0 =	vand.u32 $0xFFFF0000, v0;
	v1 =	vadd.f32 v3, v1  }
0x110: {  	v0 =	vadd.f32 v0, v2  }
0x111: {  	[tilespmem:s0+$0xC840] =	vst v1  }
0x112: {  	[tilespmem:s0+$0xC850] =	vst v0  }
0x113: {  	v0 =	vld [tilespmem:s31+$0x70]  }
0x114: {  	v1 =	vld [tilespmem:s0+$0x860]  }
0x115: {  	v2 =	vld [tilespmem:s0+$0x870];
	_ =	sdelay $0x2  }
0x116: {  	v3 =	vshll.u32 v0, $0x10  }
0x117: {  	v0 =	vand.u32 $0xFFFF0000, v0;
	v1 =	vadd.f32 v3, v1  }
0x118: {  	v0 =	vadd.f32 v0, v2  }
0x119: {  	[tilespmem:s0+$0xC860] =	vst v1  }
0x11a: {  	s9 =	simm.s32 $0x0;
	[tilespmem:s0+$0xC870] =	vst v0  }
0x11b: {  	[hbm4b:s6+s9] =	stream.linear.scatter [tilespmem:s21], [sflag:$0x5], $0x4000, $0x38;
	[tilespmem:$0x14400] =	vst v63  }
0x11c: {  	s18 =	simm.s32 $0x200  }
0x11d: {  	[tilespmem:s14], [sflag:$0x1] =	stream.indirect.gather [hbm4b:s3+s13], $0x80, s18, s13, $0xb8;
	[tilespmem:$0x14400] =	vst v63  }
0x11e: {  	_ =	swait.ge [sflag:s23], $0x2000  }
0x11f: {  	s22 =	sand.u32 $0x300, s9;
	[sflag:s23] =	ssyncset.done $0x0  }
0x120: {  	s31 =	simm.s32 $0x6480;
	s0 =	sand.u32 $0x3800, s9;
	[sflag:s23] =	ssyncadd.s32 $0xFFFFE000  }
0x121: {  	s1 =	sor.u32 s22, s0;
	v0 =	vld [tilespmem:s31+$0xFFFFFF80]  }
0x122: {  	v1 =	vld [tilespmem:s1+$0x410]  }
0x123: {  	v2 =	vld [tilespmem:s1+$0x400];
	_ =	sdelay $0x2  }
0x124: {  	v3 =	vand.u32 $0xFFFF0000, v0  }
0x125: {  	v0 =	vshll.u32 v0, $0x10;
	v1 =	vadd.f32 v3, v1  }
0x126: {  	v0 =	vadd.f32 v0, v2  }
0x127: {  	[tilespmem:s1+$0x10410] =	vst v1  }
0x128: {  	[tilespmem:s1+$0x10400] =	vst v0  }
0x129: {  	v0 =	vld [tilespmem:s31+$0xFFFFFF90]  }
0x12a: {  	v1 =	vld [tilespmem:s1+$0x420]  }
0x12b: {  	v2 =	vld [tilespmem:s1+$0x430];
	_ =	sdelay $0x2  }
0x12c: {  	v3 =	vshll.u32 v0, $0x10  }
0x12d: {  	v0 =	vand.u32 $0xFFFF0000, v0;
	v1 =	vadd.f32 v3, v1  }
0x12e: {  	v0 =	vadd.f32 v0, v2  }
0x12f: {  	[tilespmem:s1+$0x10420] =	vst v1  }
0x130: {  	[tilespmem:s1+$0x10430] =	vst v0  }
0x131: {  	v0 =	vld [tilespmem:s31+$0xFFFFFFA0]  }
0x132: {  	v1 =	vld [tilespmem:s1+$0x440]  }
0x133: {  	v2 =	vld [tilespmem:s1+$0x450];
	_ =	sdelay $0x2  }
0x134: {  	v3 =	vshll.u32 v0, $0x10  }
0x135: {  	v0 =	vand.u32 $0xFFFF0000, v0;
	v1 =	vadd.f32 v3, v1  }
0x136: {  	v0 =	vadd.f32 v0, v2  }
0x137: {  	[tilespmem:s1+$0x10440] =	vst v1  }
0x138: {  	[tilespmem:s1+$0x10450] =	vst v0  }
0x139: {  	v0 =	vld [tilespmem:s31+$0xFFFFFFB0]  }
0x13a: {  	v1 =	vld [tilespmem:s1+$0x460]  }
0x13b: {  	v2 =	vld [tilespmem:s1+$0x470];
	_ =	sdelay $0x2  }
0x13c: {  	v3 =	vshll.u32 v0, $0x10  }
0x13d: {  	v0 =	vand.u32 $0xFFFF0000, v0;
	v1 =	vadd.f32 v3, v1  }
0x13e: {  	v0 =	vadd.f32 v0, v2  }
0x13f: {  	[tilespmem:s1+$0x10460] =	vst v1  }
0x140: {  	[tilespmem:s1+$0x10470] =	vst v0  }
0x141: {  	v0 =	vld [tilespmem:s31+$0xFFFFFFC0]  }
0x142: {  	v1 =	vld [tilespmem:s1+$0x800]  }
0x143: {  	v2 =	vld [tilespmem:s1+$0x810];
	_ =	sdelay $0x2  }
0x144: {  	v3 =	vshll.u32 v0, $0x10  }
0x145: {  	v0 =	vand.u32 $0xFFFF0000, v0;
	v1 =	vadd.f32 v3, v1  }
0x146: {  	s12 =	simm.s32 $0x80;
	v0 =	vadd.f32 v0, v2  }
0x147: {  	s16 =	simm.s32 $0x0;
	s22 =	simm.s32 $0x0;
	s18 =	simm.s32 $0x6580;
	[tilespmem:s1+$0x10800] =	vst v1  }
.LBB2_4:
0x148: {  	s16 =	sadd.s32 $0x2, s16;
	[tilespmem:s1+$0x10810] =	vst v0;
	v0 =	vld [tilespmem:s1+$0x830];
	s9 =	sadd.s32 $0x200, s9;
	s22 =	sadd.s32 $0x100, s22  }
0x149: {  	s4 =	sadd.s32 $0x80, s22;
	p0 =	slt.u32 s16, $0x3E;
	v1 =	vld [tilespmem:s31+$0xFFFFFFD0]  }
0x14a: {  	v2 =	vld [tilespmem:s1+$0x820];
	_ =	sdelay $0x3  }
0x14b: {  	v3 =	vshll.u32 v1, $0x10;
	v1 =	vand.u32 $0xFFFF0000, v1  }
0x14c: {  	v2 =	vadd.f32 v3, v2;
	v0 =	vadd.f32 v1, v0;
	_ =	sdelay $0x1  }
0x14d: {  	[tilespmem:s1+$0x10820] =	vst v2  }
0x14e: {  	[tilespmem:s1+$0x10830] =	vst v0;
	v0 =	vld [tilespmem:s1+$0x850]  }
0x14f: {  	v1 =	vld [tilespmem:s31+$0xFFFFFFE0]  }
0x150: {  	v2 =	vld [tilespmem:s1+$0x840];
	_ =	sdelay $0x3  }
0x151: {  	v3 =	vshll.u32 v1, $0x10;
	v1 =	vand.u32 $0xFFFF0000, v1  }
0x152: {  	s5 =	sand.u32 $0x3800, s9;
	s7 =	sand.u32 $0x300, s22;
	v2 =	vadd.f32 v3, v2;
	v0 =	vadd.f32 v1, v0  }
0x153: {  	s7 =	sor.u32 s7, s5  }
0x154: {  	[tilespmem:s1+$0x10840] =	vst v2  }
0x155: {  	[tilespmem:s1+$0x10850] =	vst v0;
	v0 =	vld [tilespmem:s1+$0x870]  }
0x156: {  	v1 =	vld [tilespmem:s31+$0xFFFFFFF0]  }
0x157: {  	v2 =	vld [tilespmem:s1+$0x860];
	_ =	sdelay $0x3  }
0x158: {  	v3 =	vshll.u32 v1, $0x10;
	v1 =	vand.u32 $0xFFFF0000, v1  }
0x159: {  	v2 =	vadd.f32 v3, v2;
	v0 =	vadd.f32 v1, v0;
	_ =	sdelay $0x1  }
0x15a: {  	[tilespmem:s1+$0x10860] =	vst v2  }
0x15b: {  	s11 =	sand.u32 $0x380, s12;
	s12 =	smov.u32 s4;
	[tilespmem:s1+$0x10870] =	vst v0;
	s1 =	smov.u32 s7  }
0x15c: {  	s11 =	sor.u32 s0, s11;
	s0 =	smov.u32 s5;
	v0 =	vld [tilespmem:s31+$0x0]  }
0x15d: {  	v1 =	vld [tilespmem:s11+$0x400]  }
0x15e: {  	v2 =	vld [tilespmem:s11+$0x420]  }
0x15f: {  	v3 =	vld [tilespmem:s11+$0x410]  }
0x160: {  	v4 =	vld [tilespmem:s11+$0x430]  }
0x161: {  	v5 =	vshll.u32 v0, $0x10;
	v0 =	vand.u32 $0xFFFF0000, v0;
	v6 =	vld [tilespmem:s11+$0x440]  }
0x162: {  	v1 =	vadd.f32 v5, v1;
	v5 =	vld [tilespmem:s11+$0x450]  }
0x163: {  	v7 =	vld [tilespmem:s11+$0x460]  }
0x164: {  	[tilespmem:s11+$0x10400] =	vst v1;
	v0 =	vadd.f32 v0, v3;
	v1 =	vld [tilespmem:s11+$0x470]  }
0x165: {  	v3 =	vld [tilespmem:s11+$0x800]  }
0x166: {  	[tilespmem:s11+$0x10410] =	vst v0;
	v0 =	vld [tilespmem:s11+$0x810]  }
0x167: {  	v8 =	vld [tilespmem:s31+$0x10]  }
0x168: {  	v9 =	vld [tilespmem:s11+$0x820]  }
0x169: {  	v10 =	vld [tilespmem:s11+$0x830]  }
0x16a: {  	v11 =	vld [tilespmem:s11+$0x840]  }
0x16b: {  	v12 =	vld [tilespmem:s11+$0x850]  }
0x16c: {  	v13 =	vshll.u32 v8, $0x10;
	v8 =	vand.u32 $0xFFFF0000, v8;
	v14 =	vld [tilespmem:s11+$0x860]  }
0x16d: {  	v2 =	vadd.f32 v13, v2;
	v4 =	vadd.f32 v8, v4;
	v8 =	vld [tilespmem:s11+$0x870];
	_ =	sdelay $0x1  }
0x16e: {  	[tilespmem:s11+$0x10420] =	vst v2  }
0x16f: {  	[tilespmem:s11+$0x10430] =	vst v4  }
0x170: {  	v2 =	vld [tilespmem:s31+$0x20];
	_ =	sdelay $0x4  }
0x171: {  	v4 =	vshll.u32 v2, $0x10;
	v2 =	vand.u32 $0xFFFF0000, v2  }
0x172: {  	v4 =	vadd.f32 v4, v6;
	v2 =	vadd.f32 v2, v5;
	_ =	sdelay $0x1  }
0x173: {  	[tilespmem:s11+$0x10440] =	vst v4  }
0x174: {  	[tilespmem:s11+$0x10450] =	vst v2  }
0x175: {  	v2 =	vld [tilespmem:s31+$0x30];
	_ =	sdelay $0x4  }
0x176: {  	v4 =	vshll.u32 v2, $0x10;
	v2 =	vand.u32 $0xFFFF0000, v2  }
0x177: {  	v4 =	vadd.f32 v4, v7;
	v1 =	vadd.f32 v2, v1;
	_ =	sdelay $0x1  }
0x178: {  	[tilespmem:s11+$0x10460] =	vst v4  }
0x179: {  	[tilespmem:s11+$0x10470] =	vst v1  }
0x17a: {  	v1 =	vld [tilespmem:s31+$0x40];
	_ =	sdelay $0x4  }
0x17b: {  	v2 =	vshll.u32 v1, $0x10;
	v1 =	vand.u32 $0xFFFF0000, v1  }
0x17c: {  	v2 =	vadd.f32 v2, v3;
	v0 =	vadd.f32 v1, v0;
	_ =	sdelay $0x1  }
0x17d: {  	[tilespmem:s11+$0x10800] =	vst v2  }
0x17e: {  	[tilespmem:s11+$0x10810] =	vst v0  }
0x17f: {  	v0 =	vld [tilespmem:s31+$0x50];
	_ =	sdelay $0x4  }
0x180: {  	v1 =	vshll.u32 v0, $0x10;
	v0 =	vand.u32 $0xFFFF0000, v0  }
0x181: {  	v1 =	vadd.f32 v1, v9;
	v0 =	vadd.f32 v0, v10;
	_ =	sdelay $0x1  }
0x182: {  	[tilespmem:s11+$0x10820] =	vst v1  }
0x183: {  	[tilespmem:s11+$0x10830] =	vst v0  }
0x184: {  	v0 =	vld [tilespmem:s31+$0x60];
	_ =	sdelay $0x4  }
0x185: {  	v1 =	vshll.u32 v0, $0x10;
	v0 =	vand.u32 $0xFFFF0000, v0  }
0x186: {  	v1 =	vadd.f32 v1, v11;
	v0 =	vadd.f32 v0, v12;
	_ =	sdelay $0x1  }
0x187: {  	[tilespmem:s11+$0x10840] =	vst v1  }
0x188: {  	[tilespmem:s11+$0x10850] =	vst v0  }
0x189: {  	v0 =	vld [tilespmem:s31+$0x70];
	s31 =	smov.u32 s18;
	_ =	sdelay $0x4  }
0x18a: {  	v1 =	vshll.u32 v0, $0x10;
	v0 =	vand.u32 $0xFFFF0000, v0  }
0x18b: {  	v1 =	vadd.f32 v1, v14;
	v0 =	vadd.f32 v0, v8;
	_ =	sdelay $0x1  }
0x18c: {  	[tilespmem:s11+$0x10860] =	vst v1  }
0x18d: {  	[tilespmem:s11+$0x10870] =	vst v0  }
0x18e: {  	v0 =	vld [tilespmem:s18+$0xFFFFFF80]  }
0x18f: {  	v1 =	vld [tilespmem:s1+$0x410]  }
0x190: {  	v2 =	vld [tilespmem:s1+$0x400];
	_ =	sdelay $0x2  }
0x191: {  	v3 =	vshll.u32 v0, $0x10;
	v0 =	vand.u32 $0xFFFF0000, v0  }
0x192: {  	v0 =	vadd.f32 v0, v1  }
0x193: {  	v1 =	vadd.f32 v3, v2  }
0x194: {  	[tilespmem:s1+$0x10410] =	vst v0  }
0x195: {  	[tilespmem:s1+$0x10400] =	vst v1;
	v0 =	vld [tilespmem:s1+$0x430]  }
0x196: {  	v1 =	vld [tilespmem:s18+$0xFFFFFF90]  }
0x197: {  	v2 =	vld [tilespmem:s1+$0x420];
	_ =	sdelay $0x3  }
0x198: {  	v3 =	vshll.u32 v1, $0x10;
	v1 =	vand.u32 $0xFFFF0000, v1  }
0x199: {  	v2 =	vadd.f32 v3, v2;
	v0 =	vadd.f32 v1, v0;
	_ =	sdelay $0x1  }
0x19a: {  	[tilespmem:s1+$0x10420] =	vst v2  }
0x19b: {  	[tilespmem:s1+$0x10430] =	vst v0;
	v0 =	vld [tilespmem:s1+$0x450]  }
0x19c: {  	v1 =	vld [tilespmem:s18+$0xFFFFFFA0]  }
0x19d: {  	v2 =	vld [tilespmem:s1+$0x440];
	_ =	sdelay $0x3  }
0x19e: {  	v3 =	vshll.u32 v1, $0x10;
	v1 =	vand.u32 $0xFFFF0000, v1  }
0x19f: {  	v2 =	vadd.f32 v3, v2;
	v0 =	vadd.f32 v1, v0;
	_ =	sdelay $0x1  }
0x1a0: {  	[tilespmem:s1+$0x10440] =	vst v2  }
0x1a1: {  	[tilespmem:s1+$0x10450] =	vst v0;
	v0 =	vld [tilespmem:s1+$0x470]  }
0x1a2: {  	v1 =	vld [tilespmem:s18+$0xFFFFFFB0]  }
0x1a3: {  	v2 =	vld [tilespmem:s1+$0x460];
	_ =	sdelay $0x3  }
0x1a4: {  	v3 =	vshll.u32 v1, $0x10;
	v1 =	vand.u32 $0xFFFF0000, v1  }
0x1a5: {  	v2 =	vadd.f32 v3, v2;
	v0 =	vadd.f32 v1, v0;
	_ =	sdelay $0x1  }
0x1a6: {  	[tilespmem:s1+$0x10460] =	vst v2  }
0x1a7: {  	[tilespmem:s1+$0x10470] =	vst v0;
	v0 =	vld [tilespmem:s1+$0x810]  }
0x1a8: {  	v1 =	vld [tilespmem:s18+$0xFFFFFFC0]  }
0x1a9: {  	v2 =	vld [tilespmem:s1+$0x800];
	_ =	sdelay $0x2  }
.Ltmp3:
0x1aa: {  	(pc) =	sbr.rel @p0 .LBB2_4-.Ltmp3, $3  }
0x1ab: {  	v3 =	vshll.u32 v1, $0x10;
	v1 =	vand.u32 $0xFFFF0000, v1  }
0x1ac: {  	v2 =	vadd.f32 v3, v2;
	v0 =	vadd.f32 v1, v0;
	_ =	sdelay $0x1  }
0x1ad: {  	s18 =	sadd.s32 $0x100, s18;
	[tilespmem:s1+$0x10800] =	vst v2  }
0x1ae: {  	[tilespmem:s1+$0x10810] =	vst v0  }
0x1af: {  	v0 =	vld [tilespmem:s31+$0xFFFFFFD0]  }
0x1b0: {  	v1 =	vld [tilespmem:s1+$0x820]  }
0x1b1: {  	v2 =	vld [tilespmem:s1+$0x830];
	_ =	sdelay $0x2  }
0x1b2: {  	v3 =	vshll.u32 v0, $0x10  }
0x1b3: {  	v0 =	vand.u32 $0xFFFF0000, v0;
	v1 =	vadd.f32 v3, v1  }
0x1b4: {  	v0 =	vadd.f32 v0, v2  }
0x1b5: {  	[tilespmem:s1+$0x10820] =	vst v1  }
0x1b6: {  	[tilespmem:s1+$0x10830] =	vst v0  }
0x1b7: {  	v0 =	vld [tilespmem:s31+$0xFFFFFFE0]  }
0x1b8: {  	v35 =	vld [tilespmem:s1+$0x840]  }
0x1b9: {  	v36 =	vld [tilespmem:s1+$0x850];
	_ =	sdelay $0x2  }
0x1ba: {  	v37 =	vshll.u32 v0, $0x10  }
0x1bb: {  	v0 =	vand.u32 $0xFFFF0000, v0;
	v1 =	vadd.f32 v37, v35  }
0x1bc: {  	v0 =	vadd.f32 v0, v36  }
0x1bd: {  	[tilespmem:s1+$0x10840] =	vst v1  }
0x1be: {  	[tilespmem:s1+$0x10850] =	vst v0  }
0x1bf: {  	v0 =	vld [tilespmem:s31+$0xFFFFFFF0]  }
0x1c0: {  	v38 =	vld [tilespmem:s1+$0x860]  }
0x1c1: {  	v39 =	vld [tilespmem:s1+$0x870];
	_ =	sdelay $0x2  }
0x1c2: {  	v40 =	vshll.u32 v0, $0x10  }
0x1c3: {  	v0 =	vand.u32 $0xFFFF0000, v0;
	v1 =	vadd.f32 v40, v38  }
0x1c4: {  	v0 =	vadd.f32 v0, v39  }
0x1c5: {  	[tilespmem:s1+$0x10860] =	vst v1  }
0x1c6: {  	s18 =	sand.u32 $0x380, s12;
	[tilespmem:s1+$0x10870] =	vst v0  }
0x1c7: {  	s0 =	sor.u32 s0, s18;
	v0 =	vld [tilespmem:s31+$0x0]  }
0x1c8: {  	v1 =	vld [tilespmem:s0+$0x400]  }
0x1c9: {  	v41 =	vld [tilespmem:s0+$0x410];
	_ =	sdelay $0x2  }
0x1ca: {  	v42 =	vshll.u32 v0, $0x10  }
0x1cb: {  	v0 =	vand.u32 $0xFFFF0000, v0;
	v1 =	vadd.f32 v42, v1  }
0x1cc: {  	v0 =	vadd.f32 v0, v41  }
0x1cd: {  	[tilespmem:s0+$0x10400] =	vst v1  }
0x1ce: {  	[tilespmem:s0+$0x10410] =	vst v0  }
0x1cf: {  	v0 =	vld [tilespmem:s31+$0x10]  }
0x1d0: {  	v43 =	vld [tilespmem:s0+$0x420]  }
0x1d1: {  	v44 =	vld [tilespmem:s0+$0x430];
	_ =	sdelay $0x2  }
0x1d2: {  	v45 =	vshll.u32 v0, $0x10  }
0x1d3: {  	v0 =	vand.u32 $0xFFFF0000, v0;
	v1 =	vadd.f32 v45, v43  }
0x1d4: {  	v0 =	vadd.f32 v0, v44  }
0x1d5: {  	[tilespmem:s0+$0x10420] =	vst v1  }
0x1d6: {  	[tilespmem:s0+$0x10430] =	vst v0  }
0x1d7: {  	v0 =	vld [tilespmem:s31+$0x20]  }
0x1d8: {  	v46 =	vld [tilespmem:s0+$0x440]  }
0x1d9: {  	v47 =	vld [tilespmem:s0+$0x450];
	_ =	sdelay $0x2  }
0x1da: {  	v48 =	vshll.u32 v0, $0x10  }
0x1db: {  	v0 =	vand.u32 $0xFFFF0000, v0;
	v1 =	vadd.f32 v48, v46  }
0x1dc: {  	v0 =	vadd.f32 v0, v47  }
0x1dd: {  	[tilespmem:s0+$0x10440] =	vst v1  }
0x1de: {  	[tilespmem:s0+$0x10450] =	vst v0  }
0x1df: {  	v0 =	vld [tilespmem:s31+$0x30]  }
0x1e0: {  	v49 =	vld [tilespmem:s0+$0x460]  }
0x1e1: {  	v50 =	vld [tilespmem:s0+$0x470];
	_ =	sdelay $0x2  }
0x1e2: {  	v51 =	vshll.u32 v0, $0x10  }
0x1e3: {  	v0 =	vand.u32 $0xFFFF0000, v0;
	v1 =	vadd.f32 v51, v49  }
0x1e4: {  	v0 =	vadd.f32 v0, v50  }
0x1e5: {  	[tilespmem:s0+$0x10460] =	vst v1  }
0x1e6: {  	[tilespmem:s0+$0x10470] =	vst v0  }
0x1e7: {  	v0 =	vld [tilespmem:s31+$0x40]  }
0x1e8: {  	v52 =	vld [tilespmem:s0+$0x800]  }
0x1e9: {  	v53 =	vld [tilespmem:s0+$0x810];
	_ =	sdelay $0x2  }
0x1ea: {  	v54 =	vshll.u32 v0, $0x10  }
0x1eb: {  	v0 =	vand.u32 $0xFFFF0000, v0;
	v1 =	vadd.f32 v54, v52  }
0x1ec: {  	v0 =	vadd.f32 v0, v53  }
0x1ed: {  	[tilespmem:s0+$0x10800] =	vst v1  }
0x1ee: {  	[tilespmem:s0+$0x10810] =	vst v0  }
0x1ef: {  	v0 =	vld [tilespmem:s31+$0x50]  }
0x1f0: {  	v55 =	vld [tilespmem:s0+$0x820]  }
0x1f1: {  	v56 =	vld [tilespmem:s0+$0x830];
	_ =	sdelay $0x2  }
0x1f2: {  	v57 =	vshll.u32 v0, $0x10  }
0x1f3: {  	v0 =	vand.u32 $0xFFFF0000, v0;
	v1 =	vadd.f32 v57, v55  }
0x1f4: {  	v0 =	vadd.f32 v0, v56  }
0x1f5: {  	[tilespmem:s0+$0x10820] =	vst v1  }
0x1f6: {  	[tilespmem:s0+$0x10830] =	vst v0  }
0x1f7: {  	v0 =	vld [tilespmem:s31+$0x60]  }
0x1f8: {  	v58 =	vld [tilespmem:s0+$0x840]  }
0x1f9: {  	v59 =	vld [tilespmem:s0+$0x850];
	_ =	sdelay $0x2  }
0x1fa: {  	v60 =	vshll.u32 v0, $0x10  }
0x1fb: {  	v0 =	vand.u32 $0xFFFF0000, v0;
	v1 =	vadd.f32 v60, v58  }
0x1fc: {  	v0 =	vadd.f32 v0, v59  }
0x1fd: {  	[tilespmem:s0+$0x10840] =	vst v1  }
0x1fe: {  	[tilespmem:s0+$0x10850] =	vst v0  }
0x1ff: {  	v0 =	vld [tilespmem:s31+$0x70]  }
0x200: {  	v61 =	vld [tilespmem:s0+$0x860]  }
0x201: {  	v62 =	vld [tilespmem:s0+$0x870];
	_ =	sdelay $0x2  }
0x202: {  	v63 =	vshll.u32 v0, $0x10  }
.Ltmp4:
0x203: {  	v0 =	vand.u32 $0xFFFF0000, v0;
	v1 =	vadd.f32 v63, v61;
	(pc) =	sbr.rel .LBB2_6-.Ltmp4, $4  }
0x204: {  	v0 =	vadd.f32 v0, v62  }
0x205: {  	[tilespmem:s0+$0x10860] =	vst v1  }
0x206: {  	s22 =	rddreg [dreg:$0x4];
	s31 =	simm.s32 $0x2;
	[tilespmem:s0+$0x10870] =	vst v0  }
0x207: {  	[hbm4b:s22+s2] =	stream.linear.scatter [tilespmem:s24], [sflag:$0x6], $0x4000, $0x38;
	[tilespmem:$0x14400] =	vst v63  }
.LBB2_20:
0x208: {  	[tilespmem:s9+$0x10810] =	vst v0  }
0x209: {  	v0 =	vld [tilespmem:s0+$0xFFFFFFD0]  }
0x20a: {  	v1 =	vld [tilespmem:s9+$0x820]  }
0x20b: {  	v2 =	vld [tilespmem:s9+$0x830];
	_ =	sdelay $0x2  }
0x20c: {  	v3 =	vshll.u32 v0, $0x10  }
0x20d: {  	v0 =	vand.u32 $0xFFFF0000, v0;
	v1 =	vadd.f32 v3, v1  }
0x20e: {  	v0 =	vadd.f32 v0, v2  }
0x20f: {  	[tilespmem:s9+$0x10820] =	vst v1  }
0x210: {  	[tilespmem:s9+$0x10830] =	vst v0  }
0x211: {  	v0 =	vld [tilespmem:s0+$0xFFFFFFE0]  }
0x212: {  	v35 =	vld [tilespmem:s9+$0x840]  }
0x213: {  	v36 =	vld [tilespmem:s9+$0x850];
	_ =	sdelay $0x2  }
0x214: {  	v37 =	vshll.u32 v0, $0x10  }
0x215: {  	v0 =	vand.u32 $0xFFFF0000, v0;
	v1 =	vadd.f32 v37, v35  }
0x216: {  	v0 =	vadd.f32 v0, v36  }
0x217: {  	[tilespmem:s9+$0x10840] =	vst v1  }
0x218: {  	[tilespmem:s9+$0x10850] =	vst v0  }
0x219: {  	v0 =	vld [tilespmem:s0+$0xFFFFFFF0]  }
0x21a: {  	v38 =	vld [tilespmem:s9+$0x860]  }
0x21b: {  	v39 =	vld [tilespmem:s9+$0x870];
	_ =	sdelay $0x2  }
0x21c: {  	v40 =	vshll.u32 v0, $0x10  }
0x21d: {  	v0 =	vand.u32 $0xFFFF0000, v0;
	v1 =	vadd.f32 v40, v38  }
0x21e: {  	v0 =	vadd.f32 v0, v39  }
0x21f: {  	[tilespmem:s9+$0x10860] =	vst v1  }
0x220: {  	s4 =	sand.u32 $0x380, s16;
	[tilespmem:s9+$0x10870] =	vst v0  }
0x221: {  	s1 =	sor.u32 s1, s4;
	v0 =	vld [tilespmem:s0+$0x0]  }
0x222: {  	v1 =	vld [tilespmem:s1+$0x400]  }
0x223: {  	v41 =	vld [tilespmem:s1+$0x410];
	_ =	sdelay $0x2  }
0x224: {  	v42 =	vshll.u32 v0, $0x10  }
0x225: {  	v0 =	vand.u32 $0xFFFF0000, v0;
	v1 =	vadd.f32 v42, v1  }
0x226: {  	v0 =	vadd.f32 v0, v41  }
0x227: {  	[tilespmem:s1+$0x10400] =	vst v1  }
0x228: {  	[tilespmem:s1+$0x10410] =	vst v0  }
0x229: {  	v0 =	vld [tilespmem:s0+$0x10]  }
0x22a: {  	v43 =	vld [tilespmem:s1+$0x420]  }
0x22b: {  	v44 =	vld [tilespmem:s1+$0x430];
	_ =	sdelay $0x2  }
0x22c: {  	v45 =	vshll.u32 v0, $0x10  }
0x22d: {  	v0 =	vand.u32 $0xFFFF0000, v0;
	v1 =	vadd.f32 v45, v43  }
0x22e: {  	v0 =	vadd.f32 v0, v44  }
0x22f: {  	[tilespmem:s1+$0x10420] =	vst v1  }
0x230: {  	[tilespmem:s1+$0x10430] =	vst v0  }
0x231: {  	v0 =	vld [tilespmem:s0+$0x20]  }
0x232: {  	v46 =	vld [tilespmem:s1+$0x440]  }
0x233: {  	v47 =	vld [tilespmem:s1+$0x450];
	_ =	sdelay $0x2  }
0x234: {  	v48 =	vshll.u32 v0, $0x10  }
0x235: {  	v0 =	vand.u32 $0xFFFF0000, v0;
	v1 =	vadd.f32 v48, v46  }
0x236: {  	v0 =	vadd.f32 v0, v47  }
0x237: {  	[tilespmem:s1+$0x10440] =	vst v1  }
0x238: {  	[tilespmem:s1+$0x10450] =	vst v0  }
0x239: {  	v0 =	vld [tilespmem:s0+$0x30]  }
0x23a: {  	v49 =	vld [tilespmem:s1+$0x460]  }
0x23b: {  	v50 =	vld [tilespmem:s1+$0x470];
	_ =	sdelay $0x2  }
0x23c: {  	v51 =	vshll.u32 v0, $0x10  }
0x23d: {  	v0 =	vand.u32 $0xFFFF0000, v0;
	v1 =	vadd.f32 v51, v49  }
0x23e: {  	v0 =	vadd.f32 v0, v50  }
0x23f: {  	[tilespmem:s1+$0x10460] =	vst v1  }
0x240: {  	[tilespmem:s1+$0x10470] =	vst v0  }
0x241: {  	v0 =	vld [tilespmem:s0+$0x40]  }
0x242: {  	v52 =	vld [tilespmem:s1+$0x800]  }
0x243: {  	v53 =	vld [tilespmem:s1+$0x810];
	_ =	sdelay $0x2  }
0x244: {  	v54 =	vshll.u32 v0, $0x10  }
0x245: {  	v0 =	vand.u32 $0xFFFF0000, v0;
	v1 =	vadd.f32 v54, v52  }
0x246: {  	v0 =	vadd.f32 v0, v53  }
0x247: {  	[tilespmem:s1+$0x10800] =	vst v1  }
0x248: {  	[tilespmem:s1+$0x10810] =	vst v0  }
0x249: {  	v0 =	vld [tilespmem:s0+$0x50]  }
0x24a: {  	v55 =	vld [tilespmem:s1+$0x820]  }
0x24b: {  	v56 =	vld [tilespmem:s1+$0x830];
	_ =	sdelay $0x2  }
0x24c: {  	v57 =	vshll.u32 v0, $0x10  }
0x24d: {  	v0 =	vand.u32 $0xFFFF0000, v0;
	v1 =	vadd.f32 v57, v55  }
0x24e: {  	v0 =	vadd.f32 v0, v56  }
0x24f: {  	[tilespmem:s1+$0x10820] =	vst v1  }
0x250: {  	[tilespmem:s1+$0x10830] =	vst v0  }
0x251: {  	v0 =	vld [tilespmem:s0+$0x60]  }
0x252: {  	v58 =	vld [tilespmem:s1+$0x840]  }
0x253: {  	v59 =	vld [tilespmem:s1+$0x850];
	_ =	sdelay $0x2  }
0x254: {  	v60 =	vshll.u32 v0, $0x10  }
0x255: {  	v0 =	vand.u32 $0xFFFF0000, v0;
	v1 =	vadd.f32 v60, v58  }
0x256: {  	v0 =	vadd.f32 v0, v59  }
0x257: {  	[tilespmem:s1+$0x10840] =	vst v1  }
0x258: {  	[tilespmem:s1+$0x10850] =	vst v0  }
0x259: {  	v0 =	vld [tilespmem:s0+$0x70]  }
0x25a: {  	v61 =	vld [tilespmem:s1+$0x860]  }
0x25b: {  	v62 =	vld [tilespmem:s1+$0x870];
	_ =	sdelay $0x2  }
0x25c: {  	v63 =	vshll.u32 v0, $0x10  }
0x25d: {  	v0 =	vand.u32 $0xFFFF0000, v0;
	v1 =	vadd.f32 v63, v61  }
0x25e: {  	v0 =	vadd.f32 v0, v62  }
0x25f: {  	s22 =	sshll.u32 s31, $0x10;
	[tilespmem:s1+$0x10860] =	vst v1  }
0x260: {  	s0 =	sadd.s32 s22, s6;
	[tilespmem:s1+$0x10870] =	vst v0  }
0x261: {  	[hbm4b:s0+s2] =	stream.linear.scatter [tilespmem:s24], [sflag:$0x6], $0x4000, $0x38;
	[tilespmem:$0x14400] =	vst v63  }
.LBB2_21:
0x262: {  	s31 =	sadd.s32 $0x1, s31  }
0x263: {  	p0 =	sne.s32 s31, $0x8  }
.Ltmp5:
0x264: {  	_ = 	snop;
	(pc) =	sbr.rel @!p0 .LBB2_22-.Ltmp5, $1  }
0x265: {  	_ =	sdelay $0x3  }
.LBB2_6:
0x266: {  	s1 =	sand.u32 $0x3, s31  }
0x267: {  	p0 =	sgt.s32 s1, $0x1  }
.Ltmp6:
0x268: {  	_ = 	snop;
	(pc) =	sbr.rel @p0 .LBB2_17-.Ltmp6, $4  }
0x269: {  	_ = 	snop  }
0x26a: {  	s0 =	smin.u32 s31, $0x4  }
0x26b: {  	s0 =	sshll.u32 s0, $0x7  }
0x26c: {  	s0 =	sadd.s32 $0x180, s0  }
0x26d: {  	p0 =	seq.s32 s1, $0x0  }
.Ltmp7:
0x26e: {  	_ = 	snop;
	(pc) =	sbr.rel @!p0 .LBB2_11-.Ltmp7, $1  }
0x26f: {  	_ =	sdelay $0x3  }
0x270: {  	[tilespmem:s19], [sflag:$0x4] =	stream.indirect.gather [hbm4b:s3+s13], $0x80, s0, s13, $0xb8;
	[tilespmem:$0x14400] =	vst v63  }
0x271: {  	_ =	swait.ge [sflag:s25], $0x4000  }
0x272: {  	[sflag:s25] =	ssyncset.done $0x0  }
0x273: {  	[sflag:s25] =	ssyncadd.s32 $0xFFFFC000  }
0x274: {  	_ =	swait.ge [sflag:s20], $0x2000  }
0x275: {  	s12 =	simm.s32 $0x0;
	s0 =	simm.s32 $0x4480;
	[sflag:s20] =	ssyncset.done $0x0  }
0x276: {  	s1 =	sand.u32 $0x3800, s12;
	s4 =	sand.u32 $0x300, s12;
	[sflag:s20] =	ssyncadd.s32 $0xFFFFE000  }
0x277: {  	s9 =	sor.u32 s4, s1;
	v0 =	vld [tilespmem:s0+$0xFFFFFF80]  }
0x278: {  	v1 =	vld [tilespmem:s9+$0x410]  }
0x279: {  	v2 =	vld [tilespmem:s9+$0x400];
	_ =	sdelay $0x2  }
0x27a: {  	v3 =	vand.u32 $0xFFFF0000, v0  }
0x27b: {  	v0 =	vshll.u32 v0, $0x10;
	v1 =	vadd.f32 v3, v1  }
0x27c: {  	v0 =	vadd.f32 v0, v2  }
0x27d: {  	[tilespmem:s9+$0xC410] =	vst v1  }
0x27e: {  	[tilespmem:s9+$0xC400] =	vst v0  }
0x27f: {  	v0 =	vld [tilespmem:s0+$0xFFFFFF90]  }
0x280: {  	v1 =	vld [tilespmem:s9+$0x420]  }
0x281: {  	v2 =	vld [tilespmem:s9+$0x430];
	_ =	sdelay $0x2  }
0x282: {  	v3 =	vshll.u32 v0, $0x10  }
0x283: {  	v0 =	vand.u32 $0xFFFF0000, v0;
	v1 =	vadd.f32 v3, v1  }
0x284: {  	v0 =	vadd.f32 v0, v2  }
0x285: {  	[tilespmem:s9+$0xC420] =	vst v1  }
0x286: {  	[tilespmem:s9+$0xC430] =	vst v0  }
0x287: {  	v0 =	vld [tilespmem:s0+$0xFFFFFFA0]  }
0x288: {  	v1 =	vld [tilespmem:s9+$0x440]  }
0x289: {  	v2 =	vld [tilespmem:s9+$0x450];
	_ =	sdelay $0x2  }
0x28a: {  	v3 =	vshll.u32 v0, $0x10  }
0x28b: {  	v0 =	vand.u32 $0xFFFF0000, v0;
	v1 =	vadd.f32 v3, v1  }
0x28c: {  	v0 =	vadd.f32 v0, v2  }
0x28d: {  	[tilespmem:s9+$0xC440] =	vst v1  }
0x28e: {  	[tilespmem:s9+$0xC450] =	vst v0  }
0x28f: {  	v0 =	vld [tilespmem:s0+$0xFFFFFFB0]  }
0x290: {  	v1 =	vld [tilespmem:s9+$0x460]  }
0x291: {  	v2 =	vld [tilespmem:s9+$0x470];
	_ =	sdelay $0x2  }
0x292: {  	v3 =	vshll.u32 v0, $0x10  }
0x293: {  	v0 =	vand.u32 $0xFFFF0000, v0;
	v1 =	vadd.f32 v3, v1  }
0x294: {  	v0 =	vadd.f32 v0, v2  }
0x295: {  	[tilespmem:s9+$0xC460] =	vst v1  }
0x296: {  	[tilespmem:s9+$0xC470] =	vst v0  }
0x297: {  	v0 =	vld [tilespmem:s0+$0xFFFFFFC0]  }
0x298: {  	v1 =	vld [tilespmem:s9+$0x800]  }
0x299: {  	v2 =	vld [tilespmem:s9+$0x810];
	_ =	sdelay $0x2  }
0x29a: {  	v3 =	vshll.u32 v0, $0x10  }
0x29b: {  	v0 =	vand.u32 $0xFFFF0000, v0;
	v1 =	vadd.f32 v3, v1  }
0x29c: {  	s18 =	simm.s32 $0x0;
	v0 =	vadd.f32 v0, v2  }
0x29d: {  	s16 =	simm.s32 $0x80;
	s22 =	simm.s32 $0x4580;
	s11 =	simm.s32 $0x0;
	[tilespmem:s9+$0xC800] =	vst v1  }
.LBB2_9:
0x29e: {  	s18 =	sadd.s32 $0x2, s18;
	[tilespmem:s9+$0xC810] =	vst v0;
	v0 =	vld [tilespmem:s9+$0x830];
	s12 =	sadd.s32 $0x200, s12;
	s11 =	sadd.s32 $0x100, s11  }
0x29f: {  	s4 =	sadd.s32 $0x80, s11;
	p0 =	slt.u32 s18, $0x3E;
	v1 =	vld [tilespmem:s0+$0xFFFFFFD0]  }
0x2a0: {  	v2 =	vld [tilespmem:s9+$0x820];
	_ =	sdelay $0x3  }
0x2a1: {  	v3 =	vshll.u32 v1, $0x10;
	v1 =	vand.u32 $0xFFFF0000, v1  }
0x2a2: {  	v2 =	vadd.f32 v3, v2;
	v0 =	vadd.f32 v1, v0;
	_ =	sdelay $0x1  }
0x2a3: {  	[tilespmem:s9+$0xC820] =	vst v2  }
0x2a4: {  	[tilespmem:s9+$0xC830] =	vst v0;
	v0 =	vld [tilespmem:s9+$0x850]  }
0x2a5: {  	v1 =	vld [tilespmem:s0+$0xFFFFFFE0]  }
0x2a6: {  	v2 =	vld [tilespmem:s9+$0x840];
	_ =	sdelay $0x3  }
0x2a7: {  	v3 =	vshll.u32 v1, $0x10;
	v1 =	vand.u32 $0xFFFF0000, v1  }
0x2a8: {  	s5 =	sand.u32 $0x3800, s12;
	s7 =	sand.u32 $0x300, s11;
	v2 =	vadd.f32 v3, v2;
	v0 =	vadd.f32 v1, v0  }
0x2a9: {  	s7 =	sor.u32 s7, s5  }
0x2aa: {  	[tilespmem:s9+$0xC840] =	vst v2  }
0x2ab: {  	[tilespmem:s9+$0xC850] =	vst v0;
	v0 =	vld [tilespmem:s9+$0x870]  }
0x2ac: {  	v1 =	vld [tilespmem:s0+$0xFFFFFFF0]  }
0x2ad: {  	v2 =	vld [tilespmem:s9+$0x860];
	_ =	sdelay $0x3  }
0x2ae: {  	v3 =	vshll.u32 v1, $0x10;
	v1 =	vand.u32 $0xFFFF0000, v1  }
0x2af: {  	v2 =	vadd.f32 v3, v2;
	v0 =	vadd.f32 v1, v0;
	_ =	sdelay $0x1  }
0x2b0: {  	[tilespmem:s9+$0xC860] =	vst v2  }
0x2b1: {  	s8 =	sand.u32 $0x380, s16;
	s16 =	smov.u32 s4;
	[tilespmem:s9+$0xC870] =	vst v0;
	s9 =	smov.u32 s7  }
0x2b2: {  	s4 =	sor.u32 s1, s8;
	s1 =	smov.u32 s5;
	v0 =	vld [tilespmem:s0+$0x0]  }
0x2b3: {  	v1 =	vld [tilespmem:s4+$0x400]  }
0x2b4: {  	v2 =	vld [tilespmem:s4+$0x420]  }
0x2b5: {  	v3 =	vld [tilespmem:s4+$0x410]  }
0x2b6: {  	v4 =	vld [tilespmem:s4+$0x430]  }
0x2b7: {  	v5 =	vshll.u32 v0, $0x10;
	v0 =	vand.u32 $0xFFFF0000, v0;
	v6 =	vld [tilespmem:s4+$0x440]  }
0x2b8: {  	v1 =	vadd.f32 v5, v1;
	v5 =	vld [tilespmem:s4+$0x450]  }
0x2b9: {  	v7 =	vld [tilespmem:s4+$0x460]  }
0x2ba: {  	[tilespmem:s4+$0xC400] =	vst v1;
	v0 =	vadd.f32 v0, v3;
	v1 =	vld [tilespmem:s4+$0x470]  }
0x2bb: {  	v3 =	vld [tilespmem:s4+$0x800]  }
0x2bc: {  	[tilespmem:s4+$0xC410] =	vst v0;
	v0 =	vld [tilespmem:s4+$0x810]  }
0x2bd: {  	v8 =	vld [tilespmem:s0+$0x10]  }
0x2be: {  	v9 =	vld [tilespmem:s4+$0x820]  }
0x2bf: {  	v10 =	vld [tilespmem:s4+$0x830]  }
0x2c0: {  	v11 =	vld [tilespmem:s4+$0x840]  }
0x2c1: {  	v12 =	vld [tilespmem:s4+$0x850]  }
0x2c2: {  	v13 =	vshll.u32 v8, $0x10;
	v8 =	vand.u32 $0xFFFF0000, v8;
	v14 =	vld [tilespmem:s4+$0x860]  }
0x2c3: {  	v2 =	vadd.f32 v13, v2;
	v4 =	vadd.f32 v8, v4;
	v8 =	vld [tilespmem:s4+$0x870];
	_ =	sdelay $0x1  }
0x2c4: {  	[tilespmem:s4+$0xC420] =	vst v2  }
0x2c5: {  	[tilespmem:s4+$0xC430] =	vst v4  }
0x2c6: {  	v2 =	vld [tilespmem:s0+$0x20];
	_ =	sdelay $0x4  }
0x2c7: {  	v4 =	vshll.u32 v2, $0x10;
	v2 =	vand.u32 $0xFFFF0000, v2  }
0x2c8: {  	v4 =	vadd.f32 v4, v6;
	v2 =	vadd.f32 v2, v5;
	_ =	sdelay $0x1  }
0x2c9: {  	[tilespmem:s4+$0xC440] =	vst v4  }
0x2ca: {  	[tilespmem:s4+$0xC450] =	vst v2  }
0x2cb: {  	v2 =	vld [tilespmem:s0+$0x30];
	_ =	sdelay $0x4  }
0x2cc: {  	v4 =	vshll.u32 v2, $0x10;
	v2 =	vand.u32 $0xFFFF0000, v2  }
0x2cd: {  	v4 =	vadd.f32 v4, v7;
	v1 =	vadd.f32 v2, v1;
	_ =	sdelay $0x1  }
0x2ce: {  	[tilespmem:s4+$0xC460] =	vst v4  }
0x2cf: {  	[tilespmem:s4+$0xC470] =	vst v1  }
0x2d0: {  	v1 =	vld [tilespmem:s0+$0x40];
	_ =	sdelay $0x4  }
0x2d1: {  	v2 =	vshll.u32 v1, $0x10;
	v1 =	vand.u32 $0xFFFF0000, v1  }
0x2d2: {  	v2 =	vadd.f32 v2, v3;
	v0 =	vadd.f32 v1, v0;
	_ =	sdelay $0x1  }
0x2d3: {  	[tilespmem:s4+$0xC800] =	vst v2  }
0x2d4: {  	[tilespmem:s4+$0xC810] =	vst v0  }
0x2d5: {  	v0 =	vld [tilespmem:s0+$0x50];
	_ =	sdelay $0x4  }
0x2d6: {  	v1 =	vshll.u32 v0, $0x10;
	v0 =	vand.u32 $0xFFFF0000, v0  }
0x2d7: {  	v1 =	vadd.f32 v1, v9;
	v0 =	vadd.f32 v0, v10;
	_ =	sdelay $0x1  }
0x2d8: {  	[tilespmem:s4+$0xC820] =	vst v1  }
0x2d9: {  	[tilespmem:s4+$0xC830] =	vst v0  }
0x2da: {  	v0 =	vld [tilespmem:s0+$0x60];
	_ =	sdelay $0x4  }
0x2db: {  	v1 =	vshll.u32 v0, $0x10;
	v0 =	vand.u32 $0xFFFF0000, v0  }
0x2dc: {  	v1 =	vadd.f32 v1, v11;
	v0 =	vadd.f32 v0, v12;
	_ =	sdelay $0x1  }
0x2dd: {  	[tilespmem:s4+$0xC840] =	vst v1  }
0x2de: {  	[tilespmem:s4+$0xC850] =	vst v0  }
0x2df: {  	v0 =	vld [tilespmem:s0+$0x70];
	s0 =	smov.u32 s22;
	_ =	sdelay $0x4  }
0x2e0: {  	v1 =	vshll.u32 v0, $0x10;
	v0 =	vand.u32 $0xFFFF0000, v0  }
0x2e1: {  	v1 =	vadd.f32 v1, v14;
	v0 =	vadd.f32 v0, v8;
	_ =	sdelay $0x1  }
0x2e2: {  	[tilespmem:s4+$0xC860] =	vst v1  }
0x2e3: {  	[tilespmem:s4+$0xC870] =	vst v0  }
0x2e4: {  	v0 =	vld [tilespmem:s22+$0xFFFFFF80]  }
0x2e5: {  	v1 =	vld [tilespmem:s9+$0x410]  }
0x2e6: {  	v2 =	vld [tilespmem:s9+$0x400];
	_ =	sdelay $0x2  }
0x2e7: {  	v3 =	vshll.u32 v0, $0x10;
	v0 =	vand.u32 $0xFFFF0000, v0  }
0x2e8: {  	v0 =	vadd.f32 v0, v1  }
0x2e9: {  	v1 =	vadd.f32 v3, v2  }
0x2ea: {  	[tilespmem:s9+$0xC410] =	vst v0  }
0x2eb: {  	[tilespmem:s9+$0xC400] =	vst v1;
	v0 =	vld [tilespmem:s9+$0x430]  }
0x2ec: {  	v1 =	vld [tilespmem:s22+$0xFFFFFF90]  }
0x2ed: {  	v2 =	vld [tilespmem:s9+$0x420];
	_ =	sdelay $0x3  }
0x2ee: {  	v3 =	vshll.u32 v1, $0x10;
	v1 =	vand.u32 $0xFFFF0000, v1  }
0x2ef: {  	v2 =	vadd.f32 v3, v2;
	v0 =	vadd.f32 v1, v0;
	_ =	sdelay $0x1  }
0x2f0: {  	[tilespmem:s9+$0xC420] =	vst v2  }
0x2f1: {  	[tilespmem:s9+$0xC430] =	vst v0;
	v0 =	vld [tilespmem:s9+$0x450]  }
0x2f2: {  	v1 =	vld [tilespmem:s22+$0xFFFFFFA0]  }
0x2f3: {  	v2 =	vld [tilespmem:s9+$0x440];
	_ =	sdelay $0x3  }
0x2f4: {  	v3 =	vshll.u32 v1, $0x10;
	v1 =	vand.u32 $0xFFFF0000, v1  }
0x2f5: {  	v2 =	vadd.f32 v3, v2;
	v0 =	vadd.f32 v1, v0;
	_ =	sdelay $0x1  }
0x2f6: {  	[tilespmem:s9+$0xC440] =	vst v2  }
0x2f7: {  	[tilespmem:s9+$0xC450] =	vst v0;
	v0 =	vld [tilespmem:s9+$0x470]  }
0x2f8: {  	v1 =	vld [tilespmem:s22+$0xFFFFFFB0]  }
0x2f9: {  	v2 =	vld [tilespmem:s9+$0x460];
	_ =	sdelay $0x3  }
0x2fa: {  	v3 =	vshll.u32 v1, $0x10;
	v1 =	vand.u32 $0xFFFF0000, v1  }
0x2fb: {  	v2 =	vadd.f32 v3, v2;
	v0 =	vadd.f32 v1, v0;
	_ =	sdelay $0x1  }
0x2fc: {  	[tilespmem:s9+$0xC460] =	vst v2  }
0x2fd: {  	[tilespmem:s9+$0xC470] =	vst v0;
	v0 =	vld [tilespmem:s9+$0x810]  }
0x2fe: {  	v1 =	vld [tilespmem:s22+$0xFFFFFFC0]  }
0x2ff: {  	v2 =	vld [tilespmem:s9+$0x800];
	_ =	sdelay $0x2  }
.Ltmp8:
0x300: {  	(pc) =	sbr.rel @p0 .LBB2_9-.Ltmp8, $3  }
0x301: {  	v3 =	vshll.u32 v1, $0x10;
	v1 =	vand.u32 $0xFFFF0000, v1  }
0x302: {  	v2 =	vadd.f32 v3, v2;
	v0 =	vadd.f32 v1, v0;
	_ =	sdelay $0x1  }
0x303: {  	s22 =	sadd.s32 $0x100, s22;
	[tilespmem:s9+$0xC800] =	vst v2  }
0x304: {  	[tilespmem:s9+$0xC810] =	vst v0  }
0x305: {  	v0 =	vld [tilespmem:s0+$0xFFFFFFD0]  }
0x306: {  	v1 =	vld [tilespmem:s9+$0x820]  }
0x307: {  	v2 =	vld [tilespmem:s9+$0x830];
	_ =	sdelay $0x2  }
0x308: {  	v3 =	vshll.u32 v0, $0x10  }
0x309: {  	v0 =	vand.u32 $0xFFFF0000, v0;
	v1 =	vadd.f32 v3, v1  }
0x30a: {  	v0 =	vadd.f32 v0, v2  }
0x30b: {  	[tilespmem:s9+$0xC820] =	vst v1  }
0x30c: {  	[tilespmem:s9+$0xC830] =	vst v0  }
0x30d: {  	v0 =	vld [tilespmem:s0+$0xFFFFFFE0]  }
0x30e: {  	v35 =	vld [tilespmem:s9+$0x840]  }
0x30f: {  	v36 =	vld [tilespmem:s9+$0x850];
	_ =	sdelay $0x2  }
0x310: {  	v37 =	vshll.u32 v0, $0x10  }
0x311: {  	v0 =	vand.u32 $0xFFFF0000, v0;
	v1 =	vadd.f32 v37, v35  }
0x312: {  	v0 =	vadd.f32 v0, v36  }
0x313: {  	[tilespmem:s9+$0xC840] =	vst v1  }
0x314: {  	[tilespmem:s9+$0xC850] =	vst v0  }
0x315: {  	v0 =	vld [tilespmem:s0+$0xFFFFFFF0]  }
0x316: {  	v38 =	vld [tilespmem:s9+$0x860]  }
0x317: {  	v39 =	vld [tilespmem:s9+$0x870];
	_ =	sdelay $0x2  }
0x318: {  	v40 =	vshll.u32 v0, $0x10  }
0x319: {  	v0 =	vand.u32 $0xFFFF0000, v0;
	v1 =	vadd.f32 v40, v38  }
0x31a: {  	v0 =	vadd.f32 v0, v39  }
0x31b: {  	[tilespmem:s9+$0xC860] =	vst v1  }
0x31c: {  	s4 =	sand.u32 $0x380, s16;
	[tilespmem:s9+$0xC870] =	vst v0  }
0x31d: {  	s1 =	sor.u32 s1, s4;
	v0 =	vld [tilespmem:s0+$0x0]  }
0x31e: {  	v1 =	vld [tilespmem:s1+$0x400]  }
0x31f: {  	v41 =	vld [tilespmem:s1+$0x410];
	_ =	sdelay $0x2  }
0x320: {  	v42 =	vshll.u32 v0, $0x10  }
0x321: {  	v0 =	vand.u32 $0xFFFF0000, v0;
	v1 =	vadd.f32 v42, v1  }
0x322: {  	v0 =	vadd.f32 v0, v41  }
0x323: {  	[tilespmem:s1+$0xC400] =	vst v1  }
0x324: {  	[tilespmem:s1+$0xC410] =	vst v0  }
0x325: {  	v0 =	vld [tilespmem:s0+$0x10]  }
0x326: {  	v43 =	vld [tilespmem:s1+$0x420]  }
0x327: {  	v44 =	vld [tilespmem:s1+$0x430];
	_ =	sdelay $0x2  }
0x328: {  	v45 =	vshll.u32 v0, $0x10  }
0x329: {  	v0 =	vand.u32 $0xFFFF0000, v0;
	v1 =	vadd.f32 v45, v43  }
0x32a: {  	v0 =	vadd.f32 v0, v44  }
0x32b: {  	[tilespmem:s1+$0xC420] =	vst v1  }
0x32c: {  	[tilespmem:s1+$0xC430] =	vst v0  }
0x32d: {  	v0 =	vld [tilespmem:s0+$0x20]  }
0x32e: {  	v46 =	vld [tilespmem:s1+$0x440]  }
0x32f: {  	v47 =	vld [tilespmem:s1+$0x450];
	_ =	sdelay $0x2  }
0x330: {  	v48 =	vshll.u32 v0, $0x10  }
0x331: {  	v0 =	vand.u32 $0xFFFF0000, v0;
	v1 =	vadd.f32 v48, v46  }
0x332: {  	v0 =	vadd.f32 v0, v47  }
0x333: {  	[tilespmem:s1+$0xC440] =	vst v1  }
0x334: {  	[tilespmem:s1+$0xC450] =	vst v0  }
0x335: {  	v0 =	vld [tilespmem:s0+$0x30]  }
0x336: {  	v49 =	vld [tilespmem:s1+$0x460]  }
0x337: {  	v50 =	vld [tilespmem:s1+$0x470];
	_ =	sdelay $0x2  }
0x338: {  	v51 =	vshll.u32 v0, $0x10  }
0x339: {  	v0 =	vand.u32 $0xFFFF0000, v0;
	v1 =	vadd.f32 v51, v49  }
0x33a: {  	v0 =	vadd.f32 v0, v50  }
0x33b: {  	[tilespmem:s1+$0xC460] =	vst v1  }
0x33c: {  	[tilespmem:s1+$0xC470] =	vst v0  }
0x33d: {  	v0 =	vld [tilespmem:s0+$0x40]  }
0x33e: {  	v52 =	vld [tilespmem:s1+$0x800]  }
0x33f: {  	v53 =	vld [tilespmem:s1+$0x810];
	_ =	sdelay $0x2  }
0x340: {  	v54 =	vshll.u32 v0, $0x10  }
0x341: {  	v0 =	vand.u32 $0xFFFF0000, v0;
	v1 =	vadd.f32 v54, v52  }
0x342: {  	v0 =	vadd.f32 v0, v53  }
0x343: {  	[tilespmem:s1+$0xC800] =	vst v1  }
0x344: {  	[tilespmem:s1+$0xC810] =	vst v0  }
0x345: {  	v0 =	vld [tilespmem:s0+$0x50]  }
0x346: {  	v55 =	vld [tilespmem:s1+$0x820]  }
0x347: {  	v56 =	vld [tilespmem:s1+$0x830];
	_ =	sdelay $0x2  }
0x348: {  	v57 =	vshll.u32 v0, $0x10  }
0x349: {  	v0 =	vand.u32 $0xFFFF0000, v0;
	v1 =	vadd.f32 v57, v55  }
0x34a: {  	v0 =	vadd.f32 v0, v56  }
0x34b: {  	[tilespmem:s1+$0xC820] =	vst v1  }
0x34c: {  	[tilespmem:s1+$0xC830] =	vst v0  }
0x34d: {  	v0 =	vld [tilespmem:s0+$0x60]  }
0x34e: {  	v58 =	vld [tilespmem:s1+$0x840]  }
0x34f: {  	v59 =	vld [tilespmem:s1+$0x850];
	_ =	sdelay $0x2  }
0x350: {  	v60 =	vshll.u32 v0, $0x10  }
0x351: {  	v0 =	vand.u32 $0xFFFF0000, v0;
	v1 =	vadd.f32 v60, v58  }
0x352: {  	v0 =	vadd.f32 v0, v59  }
0x353: {  	[tilespmem:s1+$0xC840] =	vst v1  }
0x354: {  	[tilespmem:s1+$0xC850] =	vst v0  }
0x355: {  	v0 =	vld [tilespmem:s0+$0x70]  }
0x356: {  	v61 =	vld [tilespmem:s1+$0x860]  }
0x357: {  	v62 =	vld [tilespmem:s1+$0x870];
	_ =	sdelay $0x2  }
0x358: {  	v63 =	vshll.u32 v0, $0x10  }
.Ltmp9:
0x359: {  	v0 =	vand.u32 $0xFFFF0000, v0;
	v1 =	vadd.f32 v63, v61;
	(pc) =	sbr.rel .LBB2_21-.Ltmp9, $4  }
0x35a: {  	v0 =	vadd.f32 v0, v62  }
0x35b: {  	s22 =	sshll.u32 s31, $0x10;
	[tilespmem:s1+$0xC860] =	vst v1  }
0x35c: {  	s0 =	sadd.s32 s22, s6;
	[tilespmem:s1+$0xC870] =	vst v0  }
0x35d: {  	[hbm4b:s0+s2] =	stream.linear.scatter [tilespmem:s21], [sflag:$0x5], $0x4000, $0x38;
	[tilespmem:$0x14400] =	vst v63  }
.LBB2_17:
0x35e: {  	p0 =	seq.s32 s1, $0x2  }
.Ltmp10:
0x35f: {  	_ = 	snop;
	(pc) =	sbr.rel @!p0 .LBB2_18-.Ltmp10, $1  }
0x360: {  	_ =	sdelay $0x3  }
0x361: {  	[tilespmem:s15], [sflag:$0x2] =	stream.indirect.gather [hbm4b:s3+s13], $0x80, s0, s13, $0xb8;
	[tilespmem:$0x14400] =	vst v63  }
0x362: {  	_ =	swait.ge [sflag:s25], $0x4000  }
0x363: {  	[sflag:s25] =	ssyncset.done $0x0  }
0x364: {  	[sflag:s25] =	ssyncadd.s32 $0xFFFFC000  }
0x365: {  	_ =	swait.ge [sflag:s28], $0x2000  }
0x366: {  	s12 =	simm.s32 $0x0;
	s0 =	simm.s32 $0x8480;
	[sflag:s28] =	ssyncset.done $0x0  }
0x367: {  	s1 =	sand.u32 $0x3800, s12;
	s4 =	sand.u32 $0x300, s12;
	[sflag:s28] =	ssyncadd.s32 $0xFFFFE000  }
0x368: {  	s9 =	sor.u32 s4, s1;
	v0 =	vld [tilespmem:s0+$0xFFFFFF80]  }
0x369: {  	v1 =	vld [tilespmem:s9+$0x410]  }
0x36a: {  	v2 =	vld [tilespmem:s9+$0x400];
	_ =	sdelay $0x2  }
0x36b: {  	v3 =	vand.u32 $0xFFFF0000, v0  }
0x36c: {  	v0 =	vshll.u32 v0, $0x10;
	v1 =	vadd.f32 v3, v1  }
0x36d: {  	v0 =	vadd.f32 v0, v2  }
0x36e: {  	[tilespmem:s9+$0xC410] =	vst v1  }
0x36f: {  	[tilespmem:s9+$0xC400] =	vst v0  }
0x370: {  	v0 =	vld [tilespmem:s0+$0xFFFFFF90]  }
0x371: {  	v1 =	vld [tilespmem:s9+$0x420]  }
0x372: {  	v2 =	vld [tilespmem:s9+$0x430];
	_ =	sdelay $0x2  }
0x373: {  	v3 =	vshll.u32 v0, $0x10  }
0x374: {  	v0 =	vand.u32 $0xFFFF0000, v0;
	v1 =	vadd.f32 v3, v1  }
0x375: {  	v0 =	vadd.f32 v0, v2  }
0x376: {  	[tilespmem:s9+$0xC420] =	vst v1  }
0x377: {  	[tilespmem:s9+$0xC430] =	vst v0  }
0x378: {  	v0 =	vld [tilespmem:s0+$0xFFFFFFA0]  }
0x379: {  	v1 =	vld [tilespmem:s9+$0x440]  }
0x37a: {  	v2 =	vld [tilespmem:s9+$0x450];
	_ =	sdelay $0x2  }
0x37b: {  	v3 =	vshll.u32 v0, $0x10  }
0x37c: {  	v0 =	vand.u32 $0xFFFF0000, v0;
	v1 =	vadd.f32 v3, v1  }
0x37d: {  	v0 =	vadd.f32 v0, v2  }
0x37e: {  	[tilespmem:s9+$0xC440] =	vst v1  }
0x37f: {  	[tilespmem:s9+$0xC450] =	vst v0  }
0x380: {  	v0 =	vld [tilespmem:s0+$0xFFFFFFB0]  }
0x381: {  	v1 =	vld [tilespmem:s9+$0x460]  }
0x382: {  	v2 =	vld [tilespmem:s9+$0x470];
	_ =	sdelay $0x2  }
0x383: {  	v3 =	vshll.u32 v0, $0x10  }
0x384: {  	v0 =	vand.u32 $0xFFFF0000, v0;
	v1 =	vadd.f32 v3, v1  }
0x385: {  	v0 =	vadd.f32 v0, v2  }
0x386: {  	[tilespmem:s9+$0xC460] =	vst v1  }
0x387: {  	[tilespmem:s9+$0xC470] =	vst v0  }
0x388: {  	v0 =	vld [tilespmem:s0+$0xFFFFFFC0]  }
0x389: {  	v1 =	vld [tilespmem:s9+$0x800]  }
0x38a: {  	v2 =	vld [tilespmem:s9+$0x810];
	_ =	sdelay $0x2  }
0x38b: {  	v3 =	vshll.u32 v0, $0x10  }
0x38c: {  	v0 =	vand.u32 $0xFFFF0000, v0;
	v1 =	vadd.f32 v3, v1  }
0x38d: {  	s18 =	simm.s32 $0x0;
	v0 =	vadd.f32 v0, v2  }
0x38e: {  	s16 =	simm.s32 $0x80;
	s22 =	simm.s32 $0x8580;
	s11 =	simm.s32 $0x0;
	[tilespmem:s9+$0xC800] =	vst v1  }
.LBB2_15:
0x38f: {  	s18 =	sadd.s32 $0x2, s18;
	[tilespmem:s9+$0xC810] =	vst v0;
	v0 =	vld [tilespmem:s9+$0x830];
	s12 =	sadd.s32 $0x200, s12;
	s11 =	sadd.s32 $0x100, s11  }
0x390: {  	s4 =	sadd.s32 $0x80, s11;
	p0 =	slt.u32 s18, $0x3E;
	v1 =	vld [tilespmem:s0+$0xFFFFFFD0]  }
0x391: {  	v2 =	vld [tilespmem:s9+$0x820];
	_ =	sdelay $0x3  }
0x392: {  	v3 =	vshll.u32 v1, $0x10;
	v1 =	vand.u32 $0xFFFF0000, v1  }
0x393: {  	v2 =	vadd.f32 v3, v2;
	v0 =	vadd.f32 v1, v0;
	_ =	sdelay $0x1  }
0x394: {  	[tilespmem:s9+$0xC820] =	vst v2  }
0x395: {  	[tilespmem:s9+$0xC830] =	vst v0;
	v0 =	vld [tilespmem:s9+$0x850]  }
0x396: {  	v1 =	vld [tilespmem:s0+$0xFFFFFFE0]  }
0x397: {  	v2 =	vld [tilespmem:s9+$0x840];
	_ =	sdelay $0x3  }
0x398: {  	v3 =	vshll.u32 v1, $0x10;
	v1 =	vand.u32 $0xFFFF0000, v1  }
0x399: {  	s5 =	sand.u32 $0x3800, s12;
	s7 =	sand.u32 $0x300, s11;
	v2 =	vadd.f32 v3, v2;
	v0 =	vadd.f32 v1, v0  }
0x39a: {  	s7 =	sor.u32 s7, s5  }
0x39b: {  	[tilespmem:s9+$0xC840] =	vst v2  }
0x39c: {  	[tilespmem:s9+$0xC850] =	vst v0;
	v0 =	vld [tilespmem:s9+$0x870]  }
0x39d: {  	v1 =	vld [tilespmem:s0+$0xFFFFFFF0]  }
0x39e: {  	v2 =	vld [tilespmem:s9+$0x860];
	_ =	sdelay $0x3  }
0x39f: {  	v3 =	vshll.u32 v1, $0x10;
	v1 =	vand.u32 $0xFFFF0000, v1  }
0x3a0: {  	v2 =	vadd.f32 v3, v2;
	v0 =	vadd.f32 v1, v0;
	_ =	sdelay $0x1  }
0x3a1: {  	[tilespmem:s9+$0xC860] =	vst v2  }
0x3a2: {  	s8 =	sand.u32 $0x380, s16;
	s16 =	smov.u32 s4;
	[tilespmem:s9+$0xC870] =	vst v0;
	s9 =	smov.u32 s7  }
0x3a3: {  	s4 =	sor.u32 s1, s8;
	s1 =	smov.u32 s5;
	v0 =	vld [tilespmem:s0+$0x0]  }
0x3a4: {  	v1 =	vld [tilespmem:s4+$0x400]  }
0x3a5: {  	v2 =	vld [tilespmem:s4+$0x420]  }
0x3a6: {  	v3 =	vld [tilespmem:s4+$0x410]  }
0x3a7: {  	v4 =	vld [tilespmem:s4+$0x430]  }
0x3a8: {  	v5 =	vshll.u32 v0, $0x10;
	v0 =	vand.u32 $0xFFFF0000, v0;
	v6 =	vld [tilespmem:s4+$0x440]  }
0x3a9: {  	v1 =	vadd.f32 v5, v1;
	v5 =	vld [tilespmem:s4+$0x450]  }
0x3aa: {  	v7 =	vld [tilespmem:s4+$0x460]  }
0x3ab: {  	[tilespmem:s4+$0xC400] =	vst v1;
	v0 =	vadd.f32 v0, v3;
	v1 =	vld [tilespmem:s4+$0x470]  }
0x3ac: {  	v3 =	vld [tilespmem:s4+$0x800]  }
0x3ad: {  	[tilespmem:s4+$0xC410] =	vst v0;
	v0 =	vld [tilespmem:s4+$0x810]  }
0x3ae: {  	v8 =	vld [tilespmem:s0+$0x10]  }
0x3af: {  	v9 =	vld [tilespmem:s4+$0x820]  }
0x3b0: {  	v10 =	vld [tilespmem:s4+$0x830]  }
0x3b1: {  	v11 =	vld [tilespmem:s4+$0x840]  }
0x3b2: {  	v12 =	vld [tilespmem:s4+$0x850]  }
0x3b3: {  	v13 =	vshll.u32 v8, $0x10;
	v8 =	vand.u32 $0xFFFF0000, v8;
	v14 =	vld [tilespmem:s4+$0x860]  }
0x3b4: {  	v2 =	vadd.f32 v13, v2;
	v4 =	vadd.f32 v8, v4;
	v8 =	vld [tilespmem:s4+$0x870];
	_ =	sdelay $0x1  }
0x3b5: {  	[tilespmem:s4+$0xC420] =	vst v2  }
0x3b6: {  	[tilespmem:s4+$0xC430] =	vst v4  }
0x3b7: {  	v2 =	vld [tilespmem:s0+$0x20];
	_ =	sdelay $0x4  }
0x3b8: {  	v4 =	vshll.u32 v2, $0x10;
	v2 =	vand.u32 $0xFFFF0000, v2  }
0x3b9: {  	v4 =	vadd.f32 v4, v6;
	v2 =	vadd.f32 v2, v5;
	_ =	sdelay $0x1  }
0x3ba: {  	[tilespmem:s4+$0xC440] =	vst v4  }
0x3bb: {  	[tilespmem:s4+$0xC450] =	vst v2  }
0x3bc: {  	v2 =	vld [tilespmem:s0+$0x30];
	_ =	sdelay $0x4  }
0x3bd: {  	v4 =	vshll.u32 v2, $0x10;
	v2 =	vand.u32 $0xFFFF0000, v2  }
0x3be: {  	v4 =	vadd.f32 v4, v7;
	v1 =	vadd.f32 v2, v1;
	_ =	sdelay $0x1  }
0x3bf: {  	[tilespmem:s4+$0xC460] =	vst v4  }
0x3c0: {  	[tilespmem:s4+$0xC470] =	vst v1  }
0x3c1: {  	v1 =	vld [tilespmem:s0+$0x40];
	_ =	sdelay $0x4  }
0x3c2: {  	v2 =	vshll.u32 v1, $0x10;
	v1 =	vand.u32 $0xFFFF0000, v1  }
0x3c3: {  	v2 =	vadd.f32 v2, v3;
	v0 =	vadd.f32 v1, v0;
	_ =	sdelay $0x1  }
0x3c4: {  	[tilespmem:s4+$0xC800] =	vst v2  }
0x3c5: {  	[tilespmem:s4+$0xC810] =	vst v0  }
0x3c6: {  	v0 =	vld [tilespmem:s0+$0x50];
	_ =	sdelay $0x4  }
0x3c7: {  	v1 =	vshll.u32 v0, $0x10;
	v0 =	vand.u32 $0xFFFF0000, v0  }
0x3c8: {  	v1 =	vadd.f32 v1, v9;
	v0 =	vadd.f32 v0, v10;
	_ =	sdelay $0x1  }
0x3c9: {  	[tilespmem:s4+$0xC820] =	vst v1  }
0x3ca: {  	[tilespmem:s4+$0xC830] =	vst v0  }
0x3cb: {  	v0 =	vld [tilespmem:s0+$0x60];
	_ =	sdelay $0x4  }
0x3cc: {  	v1 =	vshll.u32 v0, $0x10;
	v0 =	vand.u32 $0xFFFF0000, v0  }
0x3cd: {  	v1 =	vadd.f32 v1, v11;
	v0 =	vadd.f32 v0, v12;
	_ =	sdelay $0x1  }
0x3ce: {  	[tilespmem:s4+$0xC840] =	vst v1  }
0x3cf: {  	[tilespmem:s4+$0xC850] =	vst v0  }
0x3d0: {  	v0 =	vld [tilespmem:s0+$0x70];
	s0 =	smov.u32 s22;
	_ =	sdelay $0x4  }
0x3d1: {  	v1 =	vshll.u32 v0, $0x10;
	v0 =	vand.u32 $0xFFFF0000, v0  }
0x3d2: {  	v1 =	vadd.f32 v1, v14;
	v0 =	vadd.f32 v0, v8;
	_ =	sdelay $0x1  }
0x3d3: {  	[tilespmem:s4+$0xC860] =	vst v1  }
0x3d4: {  	[tilespmem:s4+$0xC870] =	vst v0  }
0x3d5: {  	v0 =	vld [tilespmem:s22+$0xFFFFFF80]  }
0x3d6: {  	v1 =	vld [tilespmem:s9+$0x410]  }
0x3d7: {  	v2 =	vld [tilespmem:s9+$0x400];
	_ =	sdelay $0x2  }
0x3d8: {  	v3 =	vshll.u32 v0, $0x10;
	v0 =	vand.u32 $0xFFFF0000, v0  }
0x3d9: {  	v0 =	vadd.f32 v0, v1  }
0x3da: {  	v1 =	vadd.f32 v3, v2  }
0x3db: {  	[tilespmem:s9+$0xC410] =	vst v0  }
0x3dc: {  	[tilespmem:s9+$0xC400] =	vst v1;
	v0 =	vld [tilespmem:s9+$0x430]  }
0x3dd: {  	v1 =	vld [tilespmem:s22+$0xFFFFFF90]  }
0x3de: {  	v2 =	vld [tilespmem:s9+$0x420];
	_ =	sdelay $0x3  }
0x3df: {  	v3 =	vshll.u32 v1, $0x10;
	v1 =	vand.u32 $0xFFFF0000, v1  }
0x3e0: {  	v2 =	vadd.f32 v3, v2;
	v0 =	vadd.f32 v1, v0;
	_ =	sdelay $0x1  }
0x3e1: {  	[tilespmem:s9+$0xC420] =	vst v2  }
0x3e2: {  	[tilespmem:s9+$0xC430] =	vst v0;
	v0 =	vld [tilespmem:s9+$0x450]  }
0x3e3: {  	v1 =	vld [tilespmem:s22+$0xFFFFFFA0]  }
0x3e4: {  	v2 =	vld [tilespmem:s9+$0x440];
	_ =	sdelay $0x3  }
0x3e5: {  	v3 =	vshll.u32 v1, $0x10;
	v1 =	vand.u32 $0xFFFF0000, v1  }
0x3e6: {  	v2 =	vadd.f32 v3, v2;
	v0 =	vadd.f32 v1, v0;
	_ =	sdelay $0x1  }
0x3e7: {  	[tilespmem:s9+$0xC440] =	vst v2  }
0x3e8: {  	[tilespmem:s9+$0xC450] =	vst v0;
	v0 =	vld [tilespmem:s9+$0x470]  }
0x3e9: {  	v1 =	vld [tilespmem:s22+$0xFFFFFFB0]  }
0x3ea: {  	v2 =	vld [tilespmem:s9+$0x460];
	_ =	sdelay $0x3  }
0x3eb: {  	v3 =	vshll.u32 v1, $0x10;
	v1 =	vand.u32 $0xFFFF0000, v1  }
0x3ec: {  	v2 =	vadd.f32 v3, v2;
	v0 =	vadd.f32 v1, v0;
	_ =	sdelay $0x1  }
0x3ed: {  	[tilespmem:s9+$0xC460] =	vst v2  }
0x3ee: {  	[tilespmem:s9+$0xC470] =	vst v0;
	v0 =	vld [tilespmem:s9+$0x810]  }
0x3ef: {  	v1 =	vld [tilespmem:s22+$0xFFFFFFC0]  }
0x3f0: {  	v2 =	vld [tilespmem:s9+$0x800];
	_ =	sdelay $0x2  }
.Ltmp11:
0x3f1: {  	(pc) =	sbr.rel @p0 .LBB2_15-.Ltmp11, $3  }
0x3f2: {  	v3 =	vshll.u32 v1, $0x10;
	v1 =	vand.u32 $0xFFFF0000, v1  }
0x3f3: {  	v2 =	vadd.f32 v3, v2;
	v0 =	vadd.f32 v1, v0;
	_ =	sdelay $0x1  }
0x3f4: {  	s22 =	sadd.s32 $0x100, s22;
	[tilespmem:s9+$0xC800] =	vst v2  }
0x3f5: {  	[tilespmem:s9+$0xC810] =	vst v0  }
0x3f6: {  	v0 =	vld [tilespmem:s0+$0xFFFFFFD0]  }
0x3f7: {  	v1 =	vld [tilespmem:s9+$0x820]  }
0x3f8: {  	v2 =	vld [tilespmem:s9+$0x830];
	_ =	sdelay $0x2  }
0x3f9: {  	v3 =	vshll.u32 v0, $0x10  }
0x3fa: {  	v0 =	vand.u32 $0xFFFF0000, v0;
	v1 =	vadd.f32 v3, v1  }
0x3fb: {  	v0 =	vadd.f32 v0, v2  }
0x3fc: {  	[tilespmem:s9+$0xC820] =	vst v1  }
0x3fd: {  	[tilespmem:s9+$0xC830] =	vst v0  }
0x3fe: {  	v0 =	vld [tilespmem:s0+$0xFFFFFFE0]  }
0x3ff: {  	v35 =	vld [tilespmem:s9+$0x840]  }
0x400: {  	v36 =	vld [tilespmem:s9+$0x850];
	_ =	sdelay $0x2  }
0x401: {  	v37 =	vshll.u32 v0, $0x10  }
0x402: {  	v0 =	vand.u32 $0xFFFF0000, v0;
	v1 =	vadd.f32 v37, v35  }
0x403: {  	v0 =	vadd.f32 v0, v36  }
0x404: {  	[tilespmem:s9+$0xC840] =	vst v1  }
0x405: {  	[tilespmem:s9+$0xC850] =	vst v0  }
0x406: {  	v0 =	vld [tilespmem:s0+$0xFFFFFFF0]  }
0x407: {  	v38 =	vld [tilespmem:s9+$0x860]  }
0x408: {  	v39 =	vld [tilespmem:s9+$0x870];
	_ =	sdelay $0x2  }
0x409: {  	v40 =	vshll.u32 v0, $0x10  }
0x40a: {  	v0 =	vand.u32 $0xFFFF0000, v0;
	v1 =	vadd.f32 v40, v38  }
0x40b: {  	v0 =	vadd.f32 v0, v39  }
0x40c: {  	[tilespmem:s9+$0xC860] =	vst v1  }
0x40d: {  	s4 =	sand.u32 $0x380, s16;
	[tilespmem:s9+$0xC870] =	vst v0  }
0x40e: {  	s1 =	sor.u32 s1, s4;
	v0 =	vld [tilespmem:s0+$0x0]  }
0x40f: {  	v1 =	vld [tilespmem:s1+$0x400]  }
0x410: {  	v41 =	vld [tilespmem:s1+$0x410];
	_ =	sdelay $0x2  }
0x411: {  	v42 =	vshll.u32 v0, $0x10  }
0x412: {  	v0 =	vand.u32 $0xFFFF0000, v0;
	v1 =	vadd.f32 v42, v1  }
0x413: {  	v0 =	vadd.f32 v0, v41  }
0x414: {  	[tilespmem:s1+$0xC400] =	vst v1  }
0x415: {  	[tilespmem:s1+$0xC410] =	vst v0  }
0x416: {  	v0 =	vld [tilespmem:s0+$0x10]  }
0x417: {  	v43 =	vld [tilespmem:s1+$0x420]  }
0x418: {  	v44 =	vld [tilespmem:s1+$0x430];
	_ =	sdelay $0x2  }
0x419: {  	v45 =	vshll.u32 v0, $0x10  }
0x41a: {  	v0 =	vand.u32 $0xFFFF0000, v0;
	v1 =	vadd.f32 v45, v43  }
0x41b: {  	v0 =	vadd.f32 v0, v44  }
0x41c: {  	[tilespmem:s1+$0xC420] =	vst v1  }
0x41d: {  	[tilespmem:s1+$0xC430] =	vst v0  }
0x41e: {  	v0 =	vld [tilespmem:s0+$0x20]  }
0x41f: {  	v46 =	vld [tilespmem:s1+$0x440]  }
0x420: {  	v47 =	vld [tilespmem:s1+$0x450];
	_ =	sdelay $0x2  }
0x421: {  	v48 =	vshll.u32 v0, $0x10  }
0x422: {  	v0 =	vand.u32 $0xFFFF0000, v0;
	v1 =	vadd.f32 v48, v46  }
0x423: {  	v0 =	vadd.f32 v0, v47  }
0x424: {  	[tilespmem:s1+$0xC440] =	vst v1  }
0x425: {  	[tilespmem:s1+$0xC450] =	vst v0  }
0x426: {  	v0 =	vld [tilespmem:s0+$0x30]  }
0x427: {  	v49 =	vld [tilespmem:s1+$0x460]  }
0x428: {  	v50 =	vld [tilespmem:s1+$0x470];
	_ =	sdelay $0x2  }
0x429: {  	v51 =	vshll.u32 v0, $0x10  }
0x42a: {  	v0 =	vand.u32 $0xFFFF0000, v0;
	v1 =	vadd.f32 v51, v49  }
0x42b: {  	v0 =	vadd.f32 v0, v50  }
0x42c: {  	[tilespmem:s1+$0xC460] =	vst v1  }
0x42d: {  	[tilespmem:s1+$0xC470] =	vst v0  }
0x42e: {  	v0 =	vld [tilespmem:s0+$0x40]  }
0x42f: {  	v52 =	vld [tilespmem:s1+$0x800]  }
0x430: {  	v53 =	vld [tilespmem:s1+$0x810];
	_ =	sdelay $0x2  }
0x431: {  	v54 =	vshll.u32 v0, $0x10  }
0x432: {  	v0 =	vand.u32 $0xFFFF0000, v0;
	v1 =	vadd.f32 v54, v52  }
0x433: {  	v0 =	vadd.f32 v0, v53  }
0x434: {  	[tilespmem:s1+$0xC800] =	vst v1  }
0x435: {  	[tilespmem:s1+$0xC810] =	vst v0  }
0x436: {  	v0 =	vld [tilespmem:s0+$0x50]  }
0x437: {  	v55 =	vld [tilespmem:s1+$0x820]  }
0x438: {  	v56 =	vld [tilespmem:s1+$0x830];
	_ =	sdelay $0x2  }
0x439: {  	v57 =	vshll.u32 v0, $0x10  }
0x43a: {  	v0 =	vand.u32 $0xFFFF0000, v0;
	v1 =	vadd.f32 v57, v55  }
0x43b: {  	v0 =	vadd.f32 v0, v56  }
0x43c: {  	[tilespmem:s1+$0xC820] =	vst v1  }
0x43d: {  	[tilespmem:s1+$0xC830] =	vst v0  }
0x43e: {  	v0 =	vld [tilespmem:s0+$0x60]  }
0x43f: {  	v58 =	vld [tilespmem:s1+$0x840]  }
0x440: {  	v59 =	vld [tilespmem:s1+$0x850];
	_ =	sdelay $0x2  }
0x441: {  	v60 =	vshll.u32 v0, $0x10  }
0x442: {  	v0 =	vand.u32 $0xFFFF0000, v0;
	v1 =	vadd.f32 v60, v58  }
0x443: {  	v0 =	vadd.f32 v0, v59  }
0x444: {  	[tilespmem:s1+$0xC840] =	vst v1  }
0x445: {  	[tilespmem:s1+$0xC850] =	vst v0  }
0x446: {  	v0 =	vld [tilespmem:s0+$0x70]  }
0x447: {  	v61 =	vld [tilespmem:s1+$0x860]  }
0x448: {  	v62 =	vld [tilespmem:s1+$0x870];
	_ =	sdelay $0x2  }
0x449: {  	v63 =	vshll.u32 v0, $0x10  }
.Ltmp12:
0x44a: {  	v0 =	vand.u32 $0xFFFF0000, v0;
	v1 =	vadd.f32 v63, v61;
	(pc) =	sbr.rel .LBB2_21-.Ltmp12, $4  }
0x44b: {  	v0 =	vadd.f32 v0, v62  }
0x44c: {  	s22 =	sshll.u32 s31, $0x10;
	[tilespmem:s1+$0xC860] =	vst v1  }
0x44d: {  	s0 =	sadd.s32 s22, s6;
	[tilespmem:s1+$0xC870] =	vst v0  }
0x44e: {  	[hbm4b:s0+s2] =	stream.linear.scatter [tilespmem:s21], [sflag:$0x5], $0x4000, $0x38;
	[tilespmem:$0x14400] =	vst v63  }
.LBB2_11:
0x44f: {  	[tilespmem:s14], [sflag:$0x1] =	stream.indirect.gather [hbm4b:s3+s13], $0x80, s0, s13, $0xb8;
	[tilespmem:$0x14400] =	vst v63  }
0x450: {  	_ =	swait.ge [sflag:s26], $0x4000  }
0x451: {  	[sflag:s26] =	ssyncset.done $0x0  }
0x452: {  	[sflag:s26] =	ssyncadd.s32 $0xFFFFC000  }
0x453: {  	_ =	swait.ge [sflag:s23], $0x2000  }
0x454: {  	s12 =	simm.s32 $0x0;
	s0 =	simm.s32 $0x6480;
	[sflag:s23] =	ssyncset.done $0x0  }
0x455: {  	s1 =	sand.u32 $0x3800, s12;
	s4 =	sand.u32 $0x300, s12;
	[sflag:s23] =	ssyncadd.s32 $0xFFFFE000  }
0x456: {  	s9 =	sor.u32 s4, s1;
	v0 =	vld [tilespmem:s0+$0xFFFFFF80]  }
0x457: {  	v1 =	vld [tilespmem:s9+$0x410]  }
0x458: {  	v2 =	vld [tilespmem:s9+$0x400];
	_ =	sdelay $0x2  }
0x459: {  	v3 =	vand.u32 $0xFFFF0000, v0  }
0x45a: {  	v0 =	vshll.u32 v0, $0x10;
	v1 =	vadd.f32 v3, v1  }
0x45b: {  	v0 =	vadd.f32 v0, v2  }
0x45c: {  	[tilespmem:s9+$0x10410] =	vst v1  }
0x45d: {  	[tilespmem:s9+$0x10400] =	vst v0  }
0x45e: {  	v0 =	vld [tilespmem:s0+$0xFFFFFF90]  }
0x45f: {  	v1 =	vld [tilespmem:s9+$0x420]  }
0x460: {  	v2 =	vld [tilespmem:s9+$0x430];
	_ =	sdelay $0x2  }
0x461: {  	v3 =	vshll.u32 v0, $0x10  }
0x462: {  	v0 =	vand.u32 $0xFFFF0000, v0;
	v1 =	vadd.f32 v3, v1  }
0x463: {  	v0 =	vadd.f32 v0, v2  }
0x464: {  	[tilespmem:s9+$0x10420] =	vst v1  }
0x465: {  	[tilespmem:s9+$0x10430] =	vst v0  }
0x466: {  	v0 =	vld [tilespmem:s0+$0xFFFFFFA0]  }
0x467: {  	v1 =	vld [tilespmem:s9+$0x440]  }
0x468: {  	v2 =	vld [tilespmem:s9+$0x450];
	_ =	sdelay $0x2  }
0x469: {  	v3 =	vshll.u32 v0, $0x10  }
0x46a: {  	v0 =	vand.u32 $0xFFFF0000, v0;
	v1 =	vadd.f32 v3, v1  }
0x46b: {  	v0 =	vadd.f32 v0, v2  }
0x46c: {  	[tilespmem:s9+$0x10440] =	vst v1  }
0x46d: {  	[tilespmem:s9+$0x10450] =	vst v0  }
0x46e: {  	v0 =	vld [tilespmem:s0+$0xFFFFFFB0]  }
0x46f: {  	v1 =	vld [tilespmem:s9+$0x460]  }
0x470: {  	v2 =	vld [tilespmem:s9+$0x470];
	_ =	sdelay $0x2  }
0x471: {  	v3 =	vshll.u32 v0, $0x10  }
0x472: {  	v0 =	vand.u32 $0xFFFF0000, v0;
	v1 =	vadd.f32 v3, v1  }
0x473: {  	v0 =	vadd.f32 v0, v2  }
0x474: {  	[tilespmem:s9+$0x10460] =	vst v1  }
0x475: {  	[tilespmem:s9+$0x10470] =	vst v0  }
0x476: {  	v0 =	vld [tilespmem:s0+$0xFFFFFFC0]  }
0x477: {  	v1 =	vld [tilespmem:s9+$0x800]  }
0x478: {  	v2 =	vld [tilespmem:s9+$0x810];
	_ =	sdelay $0x2  }
0x479: {  	v3 =	vshll.u32 v0, $0x10  }
0x47a: {  	v0 =	vand.u32 $0xFFFF0000, v0;
	v1 =	vadd.f32 v3, v1  }
0x47b: {  	s18 =	simm.s32 $0x0;
	v0 =	vadd.f32 v0, v2  }
0x47c: {  	s16 =	simm.s32 $0x80;
	s22 =	simm.s32 $0x6580;
	s11 =	simm.s32 $0x0;
	[tilespmem:s9+$0x10800] =	vst v1  }
.LBB2_12:
0x47d: {  	s18 =	sadd.s32 $0x2, s18;
	[tilespmem:s9+$0x10810] =	vst v0;
	v0 =	vld [tilespmem:s9+$0x830];
	s12 =	sadd.s32 $0x200, s12;
	s11 =	sadd.s32 $0x100, s11  }
0x47e: {  	s4 =	sadd.s32 $0x80, s11;
	p0 =	slt.u32 s18, $0x3E;
	v1 =	vld [tilespmem:s0+$0xFFFFFFD0]  }
0x47f: {  	v2 =	vld [tilespmem:s9+$0x820];
	_ =	sdelay $0x3  }
0x480: {  	v3 =	vshll.u32 v1, $0x10;
	v1 =	vand.u32 $0xFFFF0000, v1  }
0x481: {  	v2 =	vadd.f32 v3, v2;
	v0 =	vadd.f32 v1, v0;
	_ =	sdelay $0x1  }
0x482: {  	[tilespmem:s9+$0x10820] =	vst v2  }
0x483: {  	[tilespmem:s9+$0x10830] =	vst v0;
	v0 =	vld [tilespmem:s9+$0x850]  }
0x484: {  	v1 =	vld [tilespmem:s0+$0xFFFFFFE0]  }
0x485: {  	v2 =	vld [tilespmem:s9+$0x840];
	_ =	sdelay $0x3  }
0x486: {  	v3 =	vshll.u32 v1, $0x10;
	v1 =	vand.u32 $0xFFFF0000, v1  }
0x487: {  	s5 =	sand.u32 $0x3800, s12;
	s7 =	sand.u32 $0x300, s11;
	v2 =	vadd.f32 v3, v2;
	v0 =	vadd.f32 v1, v0  }
0x488: {  	s7 =	sor.u32 s7, s5  }
0x489: {  	[tilespmem:s9+$0x10840] =	vst v2  }
0x48a: {  	[tilespmem:s9+$0x10850] =	vst v0;
	v0 =	vld [tilespmem:s9+$0x870]  }
0x48b: {  	v1 =	vld [tilespmem:s0+$0xFFFFFFF0]  }
0x48c: {  	v2 =	vld [tilespmem:s9+$0x860];
	_ =	sdelay $0x3  }
0x48d: {  	v3 =	vshll.u32 v1, $0x10;
	v1 =	vand.u32 $0xFFFF0000, v1  }
0x48e: {  	v2 =	vadd.f32 v3, v2;
	v0 =	vadd.f32 v1, v0;
	_ =	sdelay $0x1  }
0x48f: {  	[tilespmem:s9+$0x10860] =	vst v2  }
0x490: {  	s8 =	sand.u32 $0x380, s16;
	s16 =	smov.u32 s4;
	[tilespmem:s9+$0x10870] =	vst v0;
	s9 =	smov.u32 s7  }
0x491: {  	s4 =	sor.u32 s1, s8;
	s1 =	smov.u32 s5;
	v0 =	vld [tilespmem:s0+$0x0]  }
0x492: {  	v1 =	vld [tilespmem:s4+$0x400]  }
0x493: {  	v2 =	vld [tilespmem:s4+$0x420]  }
0x494: {  	v3 =	vld [tilespmem:s4+$0x410]  }
0x495: {  	v4 =	vld [tilespmem:s4+$0x430]  }
0x496: {  	v5 =	vshll.u32 v0, $0x10;
	v0 =	vand.u32 $0xFFFF0000, v0;
	v6 =	vld [tilespmem:s4+$0x440]  }
0x497: {  	v1 =	vadd.f32 v5, v1;
	v5 =	vld [tilespmem:s4+$0x450]  }
0x498: {  	v7 =	vld [tilespmem:s4+$0x460]  }
0x499: {  	[tilespmem:s4+$0x10400] =	vst v1;
	v0 =	vadd.f32 v0, v3;
	v1 =	vld [tilespmem:s4+$0x470]  }
0x49a: {  	v3 =	vld [tilespmem:s4+$0x800]  }
0x49b: {  	[tilespmem:s4+$0x10410] =	vst v0;
	v0 =	vld [tilespmem:s4+$0x810]  }
0x49c: {  	v8 =	vld [tilespmem:s0+$0x10]  }
0x49d: {  	v9 =	vld [tilespmem:s4+$0x820]  }
0x49e: {  	v10 =	vld [tilespmem:s4+$0x830]  }
0x49f: {  	v11 =	vld [tilespmem:s4+$0x840]  }
0x4a0: {  	v12 =	vld [tilespmem:s4+$0x850]  }
0x4a1: {  	v13 =	vshll.u32 v8, $0x10;
	v8 =	vand.u32 $0xFFFF0000, v8;
	v14 =	vld [tilespmem:s4+$0x860]  }
0x4a2: {  	v2 =	vadd.f32 v13, v2;
	v4 =	vadd.f32 v8, v4;
	v8 =	vld [tilespmem:s4+$0x870];
	_ =	sdelay $0x1  }
0x4a3: {  	[tilespmem:s4+$0x10420] =	vst v2  }
0x4a4: {  	[tilespmem:s4+$0x10430] =	vst v4  }
0x4a5: {  	v2 =	vld [tilespmem:s0+$0x20];
	_ =	sdelay $0x4  }
0x4a6: {  	v4 =	vshll.u32 v2, $0x10;
	v2 =	vand.u32 $0xFFFF0000, v2  }
0x4a7: {  	v4 =	vadd.f32 v4, v6;
	v2 =	vadd.f32 v2, v5;
	_ =	sdelay $0x1  }
0x4a8: {  	[tilespmem:s4+$0x10440] =	vst v4  }
0x4a9: {  	[tilespmem:s4+$0x10450] =	vst v2  }
0x4aa: {  	v2 =	vld [tilespmem:s0+$0x30];
	_ =	sdelay $0x4  }
0x4ab: {  	v4 =	vshll.u32 v2, $0x10;
	v2 =	vand.u32 $0xFFFF0000, v2  }
0x4ac: {  	v4 =	vadd.f32 v4, v7;
	v1 =	vadd.f32 v2, v1;
	_ =	sdelay $0x1  }
0x4ad: {  	[tilespmem:s4+$0x10460] =	vst v4  }
0x4ae: {  	[tilespmem:s4+$0x10470] =	vst v1  }
0x4af: {  	v1 =	vld [tilespmem:s0+$0x40];
	_ =	sdelay $0x4  }
0x4b0: {  	v2 =	vshll.u32 v1, $0x10;
	v1 =	vand.u32 $0xFFFF0000, v1  }
0x4b1: {  	v2 =	vadd.f32 v2, v3;
	v0 =	vadd.f32 v1, v0;
	_ =	sdelay $0x1  }
0x4b2: {  	[tilespmem:s4+$0x10800] =	vst v2  }
0x4b3: {  	[tilespmem:s4+$0x10810] =	vst v0  }
0x4b4: {  	v0 =	vld [tilespmem:s0+$0x50];
	_ =	sdelay $0x4  }
0x4b5: {  	v1 =	vshll.u32 v0, $0x10;
	v0 =	vand.u32 $0xFFFF0000, v0  }
0x4b6: {  	v1 =	vadd.f32 v1, v9;
	v0 =	vadd.f32 v0, v10;
	_ =	sdelay $0x1  }
0x4b7: {  	[tilespmem:s4+$0x10820] =	vst v1  }
0x4b8: {  	[tilespmem:s4+$0x10830] =	vst v0  }
0x4b9: {  	v0 =	vld [tilespmem:s0+$0x60];
	_ =	sdelay $0x4  }
0x4ba: {  	v1 =	vshll.u32 v0, $0x10;
	v0 =	vand.u32 $0xFFFF0000, v0  }
0x4bb: {  	v1 =	vadd.f32 v1, v11;
	v0 =	vadd.f32 v0, v12;
	_ =	sdelay $0x1  }
0x4bc: {  	[tilespmem:s4+$0x10840] =	vst v1  }
0x4bd: {  	[tilespmem:s4+$0x10850] =	vst v0  }
0x4be: {  	v0 =	vld [tilespmem:s0+$0x70];
	s0 =	smov.u32 s22;
	_ =	sdelay $0x4  }
0x4bf: {  	v1 =	vshll.u32 v0, $0x10;
	v0 =	vand.u32 $0xFFFF0000, v0  }
0x4c0: {  	v1 =	vadd.f32 v1, v14;
	v0 =	vadd.f32 v0, v8;
	_ =	sdelay $0x1  }
0x4c1: {  	[tilespmem:s4+$0x10860] =	vst v1  }
0x4c2: {  	[tilespmem:s4+$0x10870] =	vst v0  }
0x4c3: {  	v0 =	vld [tilespmem:s22+$0xFFFFFF80]  }
0x4c4: {  	v1 =	vld [tilespmem:s9+$0x410]  }
0x4c5: {  	v2 =	vld [tilespmem:s9+$0x400];
	_ =	sdelay $0x2  }
0x4c6: {  	v3 =	vshll.u32 v0, $0x10;
	v0 =	vand.u32 $0xFFFF0000, v0  }
0x4c7: {  	v0 =	vadd.f32 v0, v1  }
0x4c8: {  	v1 =	vadd.f32 v3, v2  }
0x4c9: {  	[tilespmem:s9+$0x10410] =	vst v0  }
0x4ca: {  	[tilespmem:s9+$0x10400] =	vst v1;
	v0 =	vld [tilespmem:s9+$0x430]  }
0x4cb: {  	v1 =	vld [tilespmem:s22+$0xFFFFFF90]  }
0x4cc: {  	v2 =	vld [tilespmem:s9+$0x420];
	_ =	sdelay $0x3  }
0x4cd: {  	v3 =	vshll.u32 v1, $0x10;
	v1 =	vand.u32 $0xFFFF0000, v1  }
0x4ce: {  	v2 =	vadd.f32 v3, v2;
	v0 =	vadd.f32 v1, v0;
	_ =	sdelay $0x1  }
0x4cf: {  	[tilespmem:s9+$0x10420] =	vst v2  }
0x4d0: {  	[tilespmem:s9+$0x10430] =	vst v0;
	v0 =	vld [tilespmem:s9+$0x450]  }
0x4d1: {  	v1 =	vld [tilespmem:s22+$0xFFFFFFA0]  }
0x4d2: {  	v2 =	vld [tilespmem:s9+$0x440];
	_ =	sdelay $0x3  }
0x4d3: {  	v3 =	vshll.u32 v1, $0x10;
	v1 =	vand.u32 $0xFFFF0000, v1  }
0x4d4: {  	v2 =	vadd.f32 v3, v2;
	v0 =	vadd.f32 v1, v0;
	_ =	sdelay $0x1  }
0x4d5: {  	[tilespmem:s9+$0x10440] =	vst v2  }
0x4d6: {  	[tilespmem:s9+$0x10450] =	vst v0;
	v0 =	vld [tilespmem:s9+$0x470]  }
0x4d7: {  	v1 =	vld [tilespmem:s22+$0xFFFFFFB0]  }
0x4d8: {  	v2 =	vld [tilespmem:s9+$0x460];
	_ =	sdelay $0x3  }
0x4d9: {  	v3 =	vshll.u32 v1, $0x10;
	v1 =	vand.u32 $0xFFFF0000, v1  }
0x4da: {  	v2 =	vadd.f32 v3, v2;
	v0 =	vadd.f32 v1, v0;
	_ =	sdelay $0x1  }
0x4db: {  	[tilespmem:s9+$0x10460] =	vst v2  }
0x4dc: {  	[tilespmem:s9+$0x10470] =	vst v0;
	v0 =	vld [tilespmem:s9+$0x810]  }
0x4dd: {  	v1 =	vld [tilespmem:s22+$0xFFFFFFC0]  }
0x4de: {  	v2 =	vld [tilespmem:s9+$0x800];
	_ =	sdelay $0x2  }
.Ltmp13:
0x4df: {  	(pc) =	sbr.rel @p0 .LBB2_12-.Ltmp13, $3  }
0x4e0: {  	v3 =	vshll.u32 v1, $0x10;
	v1 =	vand.u32 $0xFFFF0000, v1  }
0x4e1: {  	v2 =	vadd.f32 v3, v2;
	v0 =	vadd.f32 v1, v0;
	_ =	sdelay $0x1  }
0x4e2: {  	s22 =	sadd.s32 $0x100, s22;
	[tilespmem:s9+$0x10800] =	vst v2  }
0x4e3: {  	[tilespmem:s9+$0x10810] =	vst v0  }
0x4e4: {  	v0 =	vld [tilespmem:s0+$0xFFFFFFD0]  }
0x4e5: {  	v1 =	vld [tilespmem:s9+$0x820]  }
0x4e6: {  	v2 =	vld [tilespmem:s9+$0x830];
	_ =	sdelay $0x2  }
0x4e7: {  	v3 =	vshll.u32 v0, $0x10  }
0x4e8: {  	v0 =	vand.u32 $0xFFFF0000, v0;
	v1 =	vadd.f32 v3, v1  }
0x4e9: {  	v0 =	vadd.f32 v0, v2  }
0x4ea: {  	[tilespmem:s9+$0x10820] =	vst v1  }
0x4eb: {  	[tilespmem:s9+$0x10830] =	vst v0  }
0x4ec: {  	v0 =	vld [tilespmem:s0+$0xFFFFFFE0]  }
0x4ed: {  	v35 =	vld [tilespmem:s9+$0x840]  }
0x4ee: {  	v36 =	vld [tilespmem:s9+$0x850];
	_ =	sdelay $0x2  }
0x4ef: {  	v37 =	vshll.u32 v0, $0x10  }
0x4f0: {  	v0 =	vand.u32 $0xFFFF0000, v0;
	v1 =	vadd.f32 v37, v35  }
0x4f1: {  	v0 =	vadd.f32 v0, v36  }
0x4f2: {  	[tilespmem:s9+$0x10840] =	vst v1  }
0x4f3: {  	[tilespmem:s9+$0x10850] =	vst v0  }
0x4f4: {  	v0 =	vld [tilespmem:s0+$0xFFFFFFF0]  }
0x4f5: {  	v38 =	vld [tilespmem:s9+$0x860]  }
0x4f6: {  	v39 =	vld [tilespmem:s9+$0x870];
	_ =	sdelay $0x2  }
0x4f7: {  	v40 =	vshll.u32 v0, $0x10  }
0x4f8: {  	v0 =	vand.u32 $0xFFFF0000, v0;
	v1 =	vadd.f32 v40, v38  }
0x4f9: {  	v0 =	vadd.f32 v0, v39  }
0x4fa: {  	[tilespmem:s9+$0x10860] =	vst v1  }
0x4fb: {  	s4 =	sand.u32 $0x380, s16;
	[tilespmem:s9+$0x10870] =	vst v0  }
0x4fc: {  	s1 =	sor.u32 s1, s4;
	v0 =	vld [tilespmem:s0+$0x0]  }
0x4fd: {  	v1 =	vld [tilespmem:s1+$0x400]  }
0x4fe: {  	v41 =	vld [tilespmem:s1+$0x410];
	_ =	sdelay $0x2  }
0x4ff: {  	v42 =	vshll.u32 v0, $0x10  }
0x500: {  	v0 =	vand.u32 $0xFFFF0000, v0;
	v1 =	vadd.f32 v42, v1  }
0x501: {  	v0 =	vadd.f32 v0, v41  }
0x502: {  	[tilespmem:s1+$0x10400] =	vst v1  }
0x503: {  	[tilespmem:s1+$0x10410] =	vst v0  }
0x504: {  	v0 =	vld [tilespmem:s0+$0x10]  }
0x505: {  	v43 =	vld [tilespmem:s1+$0x420]  }
0x506: {  	v44 =	vld [tilespmem:s1+$0x430];
	_ =	sdelay $0x2  }
0x507: {  	v45 =	vshll.u32 v0, $0x10  }
0x508: {  	v0 =	vand.u32 $0xFFFF0000, v0;
	v1 =	vadd.f32 v45, v43  }
0x509: {  	v0 =	vadd.f32 v0, v44  }
0x50a: {  	[tilespmem:s1+$0x10420] =	vst v1  }
0x50b: {  	[tilespmem:s1+$0x10430] =	vst v0  }
0x50c: {  	v0 =	vld [tilespmem:s0+$0x20]  }
0x50d: {  	v46 =	vld [tilespmem:s1+$0x440]  }
0x50e: {  	v47 =	vld [tilespmem:s1+$0x450];
	_ =	sdelay $0x2  }
0x50f: {  	v48 =	vshll.u32 v0, $0x10  }
0x510: {  	v0 =	vand.u32 $0xFFFF0000, v0;
	v1 =	vadd.f32 v48, v46  }
0x511: {  	v0 =	vadd.f32 v0, v47  }
0x512: {  	[tilespmem:s1+$0x10440] =	vst v1  }
0x513: {  	[tilespmem:s1+$0x10450] =	vst v0  }
0x514: {  	v0 =	vld [tilespmem:s0+$0x30]  }
0x515: {  	v49 =	vld [tilespmem:s1+$0x460]  }
0x516: {  	v50 =	vld [tilespmem:s1+$0x470];
	_ =	sdelay $0x2  }
0x517: {  	v51 =	vshll.u32 v0, $0x10  }
0x518: {  	v0 =	vand.u32 $0xFFFF0000, v0;
	v1 =	vadd.f32 v51, v49  }
0x519: {  	v0 =	vadd.f32 v0, v50  }
0x51a: {  	[tilespmem:s1+$0x10460] =	vst v1  }
0x51b: {  	[tilespmem:s1+$0x10470] =	vst v0  }
0x51c: {  	v0 =	vld [tilespmem:s0+$0x40]  }
0x51d: {  	v52 =	vld [tilespmem:s1+$0x800]  }
0x51e: {  	v53 =	vld [tilespmem:s1+$0x810];
	_ =	sdelay $0x2  }
0x51f: {  	v54 =	vshll.u32 v0, $0x10  }
0x520: {  	v0 =	vand.u32 $0xFFFF0000, v0;
	v1 =	vadd.f32 v54, v52  }
0x521: {  	v0 =	vadd.f32 v0, v53  }
0x522: {  	[tilespmem:s1+$0x10800] =	vst v1  }
0x523: {  	[tilespmem:s1+$0x10810] =	vst v0  }
0x524: {  	v0 =	vld [tilespmem:s0+$0x50]  }
0x525: {  	v55 =	vld [tilespmem:s1+$0x820]  }
0x526: {  	v56 =	vld [tilespmem:s1+$0x830];
	_ =	sdelay $0x2  }
0x527: {  	v57 =	vshll.u32 v0, $0x10  }
0x528: {  	v0 =	vand.u32 $0xFFFF0000, v0;
	v1 =	vadd.f32 v57, v55  }
0x529: {  	v0 =	vadd.f32 v0, v56  }
0x52a: {  	[tilespmem:s1+$0x10820] =	vst v1  }
0x52b: {  	[tilespmem:s1+$0x10830] =	vst v0  }
0x52c: {  	v0 =	vld [tilespmem:s0+$0x60]  }
0x52d: {  	v58 =	vld [tilespmem:s1+$0x840]  }
0x52e: {  	v59 =	vld [tilespmem:s1+$0x850];
	_ =	sdelay $0x2  }
0x52f: {  	v60 =	vshll.u32 v0, $0x10  }
0x530: {  	v0 =	vand.u32 $0xFFFF0000, v0;
	v1 =	vadd.f32 v60, v58  }
0x531: {  	v0 =	vadd.f32 v0, v59  }
0x532: {  	[tilespmem:s1+$0x10840] =	vst v1  }
0x533: {  	[tilespmem:s1+$0x10850] =	vst v0  }
0x534: {  	v0 =	vld [tilespmem:s0+$0x70]  }
0x535: {  	v61 =	vld [tilespmem:s1+$0x860]  }
0x536: {  	v62 =	vld [tilespmem:s1+$0x870];
	_ =	sdelay $0x2  }
0x537: {  	v63 =	vshll.u32 v0, $0x10  }
.Ltmp14:
0x538: {  	v0 =	vand.u32 $0xFFFF0000, v0;
	v1 =	vadd.f32 v63, v61;
	(pc) =	sbr.rel .LBB2_21-.Ltmp14, $4  }
0x539: {  	v0 =	vadd.f32 v0, v62  }
0x53a: {  	s22 =	sshll.u32 s31, $0x10;
	[tilespmem:s1+$0x10860] =	vst v1  }
0x53b: {  	s0 =	sadd.s32 s22, s6;
	[tilespmem:s1+$0x10870] =	vst v0  }
0x53c: {  	[hbm4b:s0+s2] =	stream.linear.scatter [tilespmem:s24], [sflag:$0x6], $0x4000, $0x38;
	[tilespmem:$0x14400] =	vst v63  }
.LBB2_18:
0x53d: {  	[tilespmem:s17], [sflag:$0x3] =	stream.indirect.gather [hbm4b:s3+s13], $0x80, s0, s13, $0xb8;
	[tilespmem:$0x14400] =	vst v63  }
0x53e: {  	_ =	swait.ge [sflag:s26], $0x4000  }
0x53f: {  	[sflag:s26] =	ssyncset.done $0x0  }
0x540: {  	[sflag:s26] =	ssyncadd.s32 $0xFFFFC000  }
0x541: {  	_ =	swait.ge [sflag:s29], $0x2000  }
0x542: {  	s12 =	simm.s32 $0x0;
	s0 =	simm.s32 $0xA480;
	[sflag:s29] =	ssyncset.done $0x0  }
0x543: {  	s1 =	sand.u32 $0x3800, s12;
	s4 =	sand.u32 $0x300, s12;
	[sflag:s29] =	ssyncadd.s32 $0xFFFFE000  }
0x544: {  	s9 =	sor.u32 s4, s1;
	v0 =	vld [tilespmem:s0+$0xFFFFFF80]  }
0x545: {  	v1 =	vld [tilespmem:s9+$0x410]  }
0x546: {  	v2 =	vld [tilespmem:s9+$0x400];
	_ =	sdelay $0x2  }
0x547: {  	v3 =	vand.u32 $0xFFFF0000, v0  }
0x548: {  	v0 =	vshll.u32 v0, $0x10;
	v1 =	vadd.f32 v3, v1  }
0x549: {  	v0 =	vadd.f32 v0, v2  }
0x54a: {  	[tilespmem:s9+$0x10410] =	vst v1  }
0x54b: {  	[tilespmem:s9+$0x10400] =	vst v0  }
0x54c: {  	v0 =	vld [tilespmem:s0+$0xFFFFFF90]  }
0x54d: {  	v1 =	vld [tilespmem:s9+$0x420]  }
0x54e: {  	v2 =	vld [tilespmem:s9+$0x430];
	_ =	sdelay $0x2  }
0x54f: {  	v3 =	vshll.u32 v0, $0x10  }
0x550: {  	v0 =	vand.u32 $0xFFFF0000, v0;
	v1 =	vadd.f32 v3, v1  }
0x551: {  	v0 =	vadd.f32 v0, v2  }
0x552: {  	[tilespmem:s9+$0x10420] =	vst v1  }
0x553: {  	[tilespmem:s9+$0x10430] =	vst v0  }
0x554: {  	v0 =	vld [tilespmem:s0+$0xFFFFFFA0]  }
0x555: {  	v1 =	vld [tilespmem:s9+$0x440]  }
0x556: {  	v2 =	vld [tilespmem:s9+$0x450];
	_ =	sdelay $0x2  }
0x557: {  	v3 =	vshll.u32 v0, $0x10  }
0x558: {  	v0 =	vand.u32 $0xFFFF0000, v0;
	v1 =	vadd.f32 v3, v1  }
0x559: {  	v0 =	vadd.f32 v0, v2  }
0x55a: {  	[tilespmem:s9+$0x10440] =	vst v1  }
0x55b: {  	[tilespmem:s9+$0x10450] =	vst v0  }
0x55c: {  	v0 =	vld [tilespmem:s0+$0xFFFFFFB0]  }
0x55d: {  	v1 =	vld [tilespmem:s9+$0x460]  }
0x55e: {  	v2 =	vld [tilespmem:s9+$0x470];
	_ =	sdelay $0x2  }
0x55f: {  	v3 =	vshll.u32 v0, $0x10  }
0x560: {  	v0 =	vand.u32 $0xFFFF0000, v0;
	v1 =	vadd.f32 v3, v1  }
0x561: {  	v0 =	vadd.f32 v0, v2  }
0x562: {  	[tilespmem:s9+$0x10460] =	vst v1  }
0x563: {  	[tilespmem:s9+$0x10470] =	vst v0  }
0x564: {  	v0 =	vld [tilespmem:s0+$0xFFFFFFC0]  }
0x565: {  	v1 =	vld [tilespmem:s9+$0x800]  }
0x566: {  	v2 =	vld [tilespmem:s9+$0x810];
	_ =	sdelay $0x2  }
0x567: {  	v3 =	vshll.u32 v0, $0x10  }
0x568: {  	v0 =	vand.u32 $0xFFFF0000, v0;
	v1 =	vadd.f32 v3, v1  }
0x569: {  	s18 =	simm.s32 $0x0;
	v0 =	vadd.f32 v0, v2  }
0x56a: {  	s16 =	simm.s32 $0x80;
	s22 =	simm.s32 $0xA580;
	s11 =	simm.s32 $0x0;
	[tilespmem:s9+$0x10800] =	vst v1  }
.LBB2_19:
0x56b: {  	s18 =	sadd.s32 $0x2, s18;
	[tilespmem:s9+$0x10810] =	vst v0;
	v0 =	vld [tilespmem:s9+$0x830];
	s12 =	sadd.s32 $0x200, s12;
	s11 =	sadd.s32 $0x100, s11  }
0x56c: {  	s4 =	sadd.s32 $0x80, s11;
	p0 =	slt.u32 s18, $0x3E;
	v1 =	vld [tilespmem:s0+$0xFFFFFFD0]  }
0x56d: {  	v2 =	vld [tilespmem:s9+$0x820];
	_ =	sdelay $0x3  }
0x56e: {  	v3 =	vshll.u32 v1, $0x10;
	v1 =	vand.u32 $0xFFFF0000, v1  }
0x56f: {  	v2 =	vadd.f32 v3, v2;
	v0 =	vadd.f32 v1, v0;
	_ =	sdelay $0x1  }
0x570: {  	[tilespmem:s9+$0x10820] =	vst v2  }
0x571: {  	[tilespmem:s9+$0x10830] =	vst v0;
	v0 =	vld [tilespmem:s9+$0x850]  }
0x572: {  	v1 =	vld [tilespmem:s0+$0xFFFFFFE0]  }
0x573: {  	v2 =	vld [tilespmem:s9+$0x840];
	_ =	sdelay $0x3  }
0x574: {  	v3 =	vshll.u32 v1, $0x10;
	v1 =	vand.u32 $0xFFFF0000, v1  }
0x575: {  	s5 =	sand.u32 $0x3800, s12;
	s7 =	sand.u32 $0x300, s11;
	v2 =	vadd.f32 v3, v2;
	v0 =	vadd.f32 v1, v0  }
0x576: {  	s7 =	sor.u32 s7, s5  }
0x577: {  	[tilespmem:s9+$0x10840] =	vst v2  }
0x578: {  	[tilespmem:s9+$0x10850] =	vst v0;
	v0 =	vld [tilespmem:s9+$0x870]  }
0x579: {  	v1 =	vld [tilespmem:s0+$0xFFFFFFF0]  }
0x57a: {  	v2 =	vld [tilespmem:s9+$0x860];
	_ =	sdelay $0x3  }
0x57b: {  	v3 =	vshll.u32 v1, $0x10;
	v1 =	vand.u32 $0xFFFF0000, v1  }
0x57c: {  	v2 =	vadd.f32 v3, v2;
	v0 =	vadd.f32 v1, v0;
	_ =	sdelay $0x1  }
0x57d: {  	[tilespmem:s9+$0x10860] =	vst v2  }
0x57e: {  	s8 =	sand.u32 $0x380, s16;
	s16 =	smov.u32 s4;
	[tilespmem:s9+$0x10870] =	vst v0;
	s9 =	smov.u32 s7  }
0x57f: {  	s4 =	sor.u32 s1, s8;
	s1 =	smov.u32 s5;
	v0 =	vld [tilespmem:s0+$0x0]  }
0x580: {  	v1 =	vld [tilespmem:s4+$0x400]  }
0x581: {  	v2 =	vld [tilespmem:s4+$0x420]  }
0x582: {  	v3 =	vld [tilespmem:s4+$0x410]  }
0x583: {  	v4 =	vld [tilespmem:s4+$0x430]  }
0x584: {  	v5 =	vshll.u32 v0, $0x10;
	v0 =	vand.u32 $0xFFFF0000, v0;
	v6 =	vld [tilespmem:s4+$0x440]  }
0x585: {  	v1 =	vadd.f32 v5, v1;
	v5 =	vld [tilespmem:s4+$0x450]  }
0x586: {  	v7 =	vld [tilespmem:s4+$0x460]  }
0x587: {  	[tilespmem:s4+$0x10400] =	vst v1;
	v0 =	vadd.f32 v0, v3;
	v1 =	vld [tilespmem:s4+$0x470]  }
0x588: {  	v3 =	vld [tilespmem:s4+$0x800]  }
0x589: {  	[tilespmem:s4+$0x10410] =	vst v0;
	v0 =	vld [tilespmem:s4+$0x810]  }
0x58a: {  	v8 =	vld [tilespmem:s0+$0x10]  }
0x58b: {  	v9 =	vld [tilespmem:s4+$0x820]  }
0x58c: {  	v10 =	vld [tilespmem:s4+$0x830]  }
0x58d: {  	v11 =	vld [tilespmem:s4+$0x840]  }
0x58e: {  	v12 =	vld [tilespmem:s4+$0x850]  }
0x58f: {  	v13 =	vshll.u32 v8, $0x10;
	v8 =	vand.u32 $0xFFFF0000, v8;
	v14 =	vld [tilespmem:s4+$0x860]  }
0x590: {  	v2 =	vadd.f32 v13, v2;
	v4 =	vadd.f32 v8, v4;
	v8 =	vld [tilespmem:s4+$0x870];
	_ =	sdelay $0x1  }
0x591: {  	[tilespmem:s4+$0x10420] =	vst v2  }
0x592: {  	[tilespmem:s4+$0x10430] =	vst v4  }
0x593: {  	v2 =	vld [tilespmem:s0+$0x20];
	_ =	sdelay $0x4  }
0x594: {  	v4 =	vshll.u32 v2, $0x10;
	v2 =	vand.u32 $0xFFFF0000, v2  }
0x595: {  	v4 =	vadd.f32 v4, v6;
	v2 =	vadd.f32 v2, v5;
	_ =	sdelay $0x1  }
0x596: {  	[tilespmem:s4+$0x10440] =	vst v4  }
0x597: {  	[tilespmem:s4+$0x10450] =	vst v2  }
0x598: {  	v2 =	vld [tilespmem:s0+$0x30];
	_ =	sdelay $0x4  }
0x599: {  	v4 =	vshll.u32 v2, $0x10;
	v2 =	vand.u32 $0xFFFF0000, v2  }
0x59a: {  	v4 =	vadd.f32 v4, v7;
	v1 =	vadd.f32 v2, v1;
	_ =	sdelay $0x1  }
0x59b: {  	[tilespmem:s4+$0x10460] =	vst v4  }
0x59c: {  	[tilespmem:s4+$0x10470] =	vst v1  }
0x59d: {  	v1 =	vld [tilespmem:s0+$0x40];
	_ =	sdelay $0x4  }
0x59e: {  	v2 =	vshll.u32 v1, $0x10;
	v1 =	vand.u32 $0xFFFF0000, v1  }
0x59f: {  	v2 =	vadd.f32 v2, v3;
	v0 =	vadd.f32 v1, v0;
	_ =	sdelay $0x1  }
0x5a0: {  	[tilespmem:s4+$0x10800] =	vst v2  }
0x5a1: {  	[tilespmem:s4+$0x10810] =	vst v0  }
0x5a2: {  	v0 =	vld [tilespmem:s0+$0x50];
	_ =	sdelay $0x4  }
0x5a3: {  	v1 =	vshll.u32 v0, $0x10;
	v0 =	vand.u32 $0xFFFF0000, v0  }
0x5a4: {  	v1 =	vadd.f32 v1, v9;
	v0 =	vadd.f32 v0, v10;
	_ =	sdelay $0x1  }
0x5a5: {  	[tilespmem:s4+$0x10820] =	vst v1  }
0x5a6: {  	[tilespmem:s4+$0x10830] =	vst v0  }
0x5a7: {  	v0 =	vld [tilespmem:s0+$0x60];
	_ =	sdelay $0x4  }
0x5a8: {  	v1 =	vshll.u32 v0, $0x10;
	v0 =	vand.u32 $0xFFFF0000, v0  }
0x5a9: {  	v1 =	vadd.f32 v1, v11;
	v0 =	vadd.f32 v0, v12;
	_ =	sdelay $0x1  }
0x5aa: {  	[tilespmem:s4+$0x10840] =	vst v1  }
0x5ab: {  	[tilespmem:s4+$0x10850] =	vst v0  }
0x5ac: {  	v0 =	vld [tilespmem:s0+$0x70];
	s0 =	smov.u32 s22;
	_ =	sdelay $0x4  }
0x5ad: {  	v1 =	vshll.u32 v0, $0x10;
	v0 =	vand.u32 $0xFFFF0000, v0  }
0x5ae: {  	v1 =	vadd.f32 v1, v14;
	v0 =	vadd.f32 v0, v8;
	_ =	sdelay $0x1  }
0x5af: {  	[tilespmem:s4+$0x10860] =	vst v1  }
0x5b0: {  	[tilespmem:s4+$0x10870] =	vst v0  }
0x5b1: {  	v0 =	vld [tilespmem:s22+$0xFFFFFF80]  }
0x5b2: {  	v1 =	vld [tilespmem:s9+$0x410]  }
0x5b3: {  	v2 =	vld [tilespmem:s9+$0x400];
	_ =	sdelay $0x2  }
0x5b4: {  	v3 =	vshll.u32 v0, $0x10;
	v0 =	vand.u32 $0xFFFF0000, v0  }
0x5b5: {  	v0 =	vadd.f32 v0, v1  }
0x5b6: {  	v1 =	vadd.f32 v3, v2  }
0x5b7: {  	[tilespmem:s9+$0x10410] =	vst v0  }
0x5b8: {  	[tilespmem:s9+$0x10400] =	vst v1;
	v0 =	vld [tilespmem:s9+$0x430]  }
0x5b9: {  	v1 =	vld [tilespmem:s22+$0xFFFFFF90]  }
0x5ba: {  	v2 =	vld [tilespmem:s9+$0x420];
	_ =	sdelay $0x3  }
0x5bb: {  	v3 =	vshll.u32 v1, $0x10;
	v1 =	vand.u32 $0xFFFF0000, v1  }
0x5bc: {  	v2 =	vadd.f32 v3, v2;
	v0 =	vadd.f32 v1, v0;
	_ =	sdelay $0x1  }
0x5bd: {  	[tilespmem:s9+$0x10420] =	vst v2  }
0x5be: {  	[tilespmem:s9+$0x10430] =	vst v0;
	v0 =	vld [tilespmem:s9+$0x450]  }
0x5bf: {  	v1 =	vld [tilespmem:s22+$0xFFFFFFA0]  }
0x5c0: {  	v2 =	vld [tilespmem:s9+$0x440];
	_ =	sdelay $0x3  }
0x5c1: {  	v3 =	vshll.u32 v1, $0x10;
	v1 =	vand.u32 $0xFFFF0000, v1  }
0x5c2: {  	v2 =	vadd.f32 v3, v2;
	v0 =	vadd.f32 v1, v0;
	_ =	sdelay $0x1  }
0x5c3: {  	[tilespmem:s9+$0x10440] =	vst v2  }
0x5c4: {  	[tilespmem:s9+$0x10450] =	vst v0;
	v0 =	vld [tilespmem:s9+$0x470]  }
0x5c5: {  	v1 =	vld [tilespmem:s22+$0xFFFFFFB0]  }
0x5c6: {  	v2 =	vld [tilespmem:s9+$0x460];
	_ =	sdelay $0x3  }
0x5c7: {  	v3 =	vshll.u32 v1, $0x10;
	v1 =	vand.u32 $0xFFFF0000, v1  }
0x5c8: {  	v2 =	vadd.f32 v3, v2;
	v0 =	vadd.f32 v1, v0;
	_ =	sdelay $0x1  }
0x5c9: {  	[tilespmem:s9+$0x10460] =	vst v2  }
0x5ca: {  	[tilespmem:s9+$0x10470] =	vst v0;
	v0 =	vld [tilespmem:s9+$0x810]  }
0x5cb: {  	v1 =	vld [tilespmem:s22+$0xFFFFFFC0]  }
0x5cc: {  	v2 =	vld [tilespmem:s9+$0x800];
	_ =	sdelay $0x2  }
.Ltmp15:
0x5cd: {  	(pc) =	sbr.rel @p0 .LBB2_19-.Ltmp15, $3  }
0x5ce: {  	v3 =	vshll.u32 v1, $0x10;
	v1 =	vand.u32 $0xFFFF0000, v1  }
0x5cf: {  	v2 =	vadd.f32 v3, v2;
	v0 =	vadd.f32 v1, v0;
	_ =	sdelay $0x1  }
0x5d0: {  	s22 =	sadd.s32 $0x100, s22;
	[tilespmem:s9+$0x10800] =	vst v2  }
.Ltmp16:
0x5d1: {  	_ = 	snop;
	(pc) =	sbr.rel .LBB2_20-.Ltmp16, $1  }
0x5d2: {  	_ =	sdelay $0x3  }
.LBB2_23:
0x5d3: {  	_ =	sfence.sel $0x180000  }
0x5d4: {  	[bflag:$0x0] =	sbarrier.arrive $0xFFFF  }
0x5d5: {  	_ =	strace $0x90000047  }
0x5d6: {  	s0 =	stileid.u32;
	[bflag:$0x2] =	sbarrier.arrive $0xFFFF  }
0x5d7: {  	p0 =	sne.s32 s0, $0x0;
	s0 =	rddreg [dreg:$0x1]  }
0x5d8: {  	s0 =	sadd.s32 @!p0 $0x100000, s0  }
0x5d9: {  	[sflag:s0] =	ssyncadd.tile.s32 @!p0 $0x1;
	_ =	shalt  }
.Lfunc_end2:
_tile_overlayer_lowered:
.L_overlay_start_2:
0x5da: {  	(tag) =	ssettag $0x2  }
0x5db: {  	s0 =	rddreg [dreg:$0x0];
	s2 =	stileid.u32  }
0x5dc: {  	s1 =	rddreg [dreg:$0x1];
	p0 =	sne.s32 s2, $0x0  }
0x5dd: {  	s3 =	rddreg [dreg:$0x2];
	[bflag:$0x3] =	sbarrier.arrive $0xFFFF;
	s2 =	simm.s32 @!p0 $0x1C07  }
0x5de: {  	[timem:s3], [sflag:s2] =	dma.local @!p0 [hbm:s0], s1  }
0x5df: {  	s0 =	simm.s32 @!p0 $0x7  }
0x5e0: {  	_ =	swait.ge @!p0 [sflag:s0], s1  }
0x5e1: {  	s1 =	ssub.s32 @!p0 $0x0, s1;
	[sflag:s0] =	ssyncset.done @!p0 $0x0  }
0x5e2: {  	[sflag:s0] =	ssyncadd.s32 @!p0 s1  }
0x5e3: {  	[bflag:$0x3] =	sbarrier.arrive $0xFFFF  }
0x5e4: {  	_ =	shalt  }

</sc_bundles>
